<compile_context>
chip_gen: v7x
topology: tpu7x:2x2x1
jax: 0.10.2.dev20260603
libtpu: 0.0.44.dev20260713+nightly
codegen_flags: <defaults>
</compile_context>

<pallas_src>
import functools

import jax
import jax.numpy as jnp
from jax import lax
from jax.experimental import pallas as pl
from jax.experimental.pallas import tpu as pltpu
from jax.experimental.pallas import tpu_sc as plsc

NC, NS, L = 2, 16, 16
NW = NC * NS
B, S, V, D = 4, 2048, 100000, 768
N = B * S
TPW = N // NW
C = 32
NCH = TPW // C
PR = C // B
NV = D // L
HR = 4
PEW = PR * D
AUX = PEW + C * 2 * L


def _body(idx_hbm, oidx_hbm, aux_hbm, segd_hbm, tok_hbm,
          out_hbm, idx_v, oidx_v, aux_v, segd_v, tok_v, res_v,
          tok_sem, aux_sem, out_sem, misc_sem):
    wid = lax.axis_index("s") * NC + lax.axis_index("c")

    cd_idx = pltpu.async_copy(idx_hbm.at[wid], idx_v, misc_sem)
    cd_oidx = pltpu.async_copy(oidx_hbm.at[wid], oidx_v, misc_sem)
    cd_segd = pltpu.async_copy(segd_hbm, segd_v, misc_sem)
    cd_idx.wait()

    def start_in(g):
        slot = lax.rem(g, 2)
        pltpu.async_copy(
            tok_hbm.at[idx_v.at[g]], tok_v.at[slot], tok_sem.at[slot])
        pltpu.async_copy(
            aux_hbm.at[wid, g], aux_v.at[slot], aux_sem.at[slot])

    def wait_in(g, slot):
        pltpu.make_async_copy(
            tok_hbm.at[idx_v.at[g]], tok_v.at[slot], tok_sem.at[slot]).wait()
        pltpu.make_async_copy(
            aux_hbm.at[wid, g], aux_v.at[slot], aux_sem.at[slot]).wait()

    def start_out(g, slot):
        pltpu.async_copy(
            res_v.at[slot], out_hbm.at[oidx_v.at[g]], out_sem.at[slot])

    def wait_out(g, slot):
        pltpu.make_async_copy(
            res_v.at[slot], out_hbm.at[oidx_v.at[g]], out_sem.at[slot]).wait()

    def compute(slot):
        for h in range(C // HR):
            r0 = h * HR
            was = tuple(
                aux_v[slot, pl.ds(PEW + (r0 + i) * 2 * L, L)]
                for i in range(HR))
            wbs = tuple(
                aux_v[slot, pl.ds(PEW + (r0 + i) * 2 * L + L, L)]
                for i in range(HR))

            def jbody(j, carry):
                was_, wbs_ = carry
                off = j * L
                a1 = segd_v[pl.ds(off, L)]
                a2 = segd_v[pl.ds(D + off, L)]
                for i in range(HR):
                    row = r0 + i
                    t = tok_v[slot, row, pl.ds(off, L)]
                    p = aux_v[slot, pl.ds((row // B) * D + off, L)]
                    res_v[slot, row, pl.ds(off, L)] = (
                        t + p + was_[i] * a1 + wbs_[i] * a2)
                return was_, wbs_

            plsc.parallel_loop(0, NV, 1, unroll=3, carry=(was, wbs))(jbody)

    start_in(0)
    start_in(1)
    cd_oidx.wait()
    cd_segd.wait()

    def gbody(g, carry):
        slot = lax.rem(g, 2)
        wait_in(g, slot)

        @pl.when(g >= 2)
        def _():
            wait_out(g - 2, slot)

        compute(slot)
        start_out(g, slot)

        @pl.when(g + 2 < NCH)
        def _():
            start_in(g + 2)

        return carry

    lax.fori_loop(0, NCH, gbody, 0)
    wait_out(NCH - 2, 0)
    wait_out(NCH - 1, 1)


_sc_call = functools.partial(
    pl.kernel,
    out_type=jax.ShapeDtypeStruct((N, D), jnp.float32),
    mesh=plsc.VectorSubcoreMesh(core_axis_name="c", subcore_axis_name="s"),
    scratch_types=[
        pltpu.VMEM((NCH, C), jnp.int32),
        pltpu.VMEM((NCH, C), jnp.int32),
        pltpu.VMEM((2, AUX), jnp.float32),
        pltpu.VMEM((2 * D,), jnp.float32),
        pltpu.VMEM((2, C, D), jnp.float32),
        pltpu.VMEM((2, C, D), jnp.float32),
        pltpu.SemaphoreType.DMA((2,)),
        pltpu.SemaphoreType.DMA((2,)),
        pltpu.SemaphoreType.DMA((2,)),
        pltpu.SemaphoreType.DMA,
    ],
)(_body)


def kernel(sequence, segment_labels, tok_table, seg_table, pe):
    seq_sm = sequence.T.reshape(NW, NCH, C).astype(jnp.int32)
    lbl_sm = segment_labels.T.reshape(NW, TPW).astype(jnp.int32)
    w = jnp.broadcast_to(
        jnp.stack([(lbl_sm >= 1), (lbl_sm >= 2)], axis=-1)
        .astype(jnp.float32)[..., None],
        (NW, TPW, 2, L)).reshape(NW, NCH, C * 2 * L)
    tp = jnp.arange(N, dtype=jnp.int32)
    oidx = ((tp % B) * S + tp // B).reshape(NW, NCH, C)
    segd = jnp.concatenate(
        [seg_table[1] - seg_table[0], seg_table[2] - seg_table[1]])
    pe5 = (pe.reshape(S, D) + seg_table[0]).reshape(NW, NCH, PEW)
    aux = jnp.concatenate([pe5, w], axis=-1)
    out = _sc_call(seq_sm, oidx, aux, segd, tok_table)
    return out.reshape(B, S, D)

# --- scband reference (transcript-rebuilt; emitter-appended) ---
"""Pipeline reference for scband-bertembedding-54322746359920 (READ-ONLY COPY).

The authoritative reference and input builder live on the scoring server;
editing this copy changes nothing except your own understanding.
"""

import jax, jax.numpy as jnp
import numpy as np
import math

B, S, V, D, MAX_LEN, PAD_ID = 4, 2048, 100000, 768, 2048, 0

def _make_pe(max_len, d):
    position = np.arange(max_len, dtype=np.float32)[:, None]
    div_term = np.exp(np.arange(0, d, 2, dtype=np.float32) * -(math.log(10000.0) / d))
    pe = np.zeros((max_len, d), dtype=np.float32)
    pe[:, 0::2] = np.sin(position * div_term)
    pe[:, 1::2] = np.cos(position * div_term)
    return jnp.asarray(pe[None])  # [1, max_len, d]

def setup_inputs(seed: int = 0) -> dict:
    key = jax.random.key(seed)
    k1, k2, k3, k4 = jax.random.split(key, 4)
    sequence = jax.random.randint(k1, (B, S), 0, V)
    segment_labels = jax.random.randint(k2, (B, S), 0, 3)
    tok_table = jax.random.normal(k3, (V, D), dtype=jnp.float32) * 0.02
    tok_table = tok_table.at[PAD_ID].set(0.0)  # padding_idx row zeroed like nn.Embedding
    seg_table = jax.random.normal(k4, (3, D), dtype=jnp.float32) * 0.02
    pe = _make_pe(MAX_LEN, D)
    return {"sequence": sequence, "segment_labels": segment_labels,
            "tok_table": tok_table, "seg_table": seg_table, "pe": pe}

def reference(sequence, segment_labels, tok_table, seg_table, pe):
    # segment_labels is provided (not None); sequence is 2-D so no ngram combine path
    tok_embeddings = jnp.take(tok_table, sequence, axis=0)          # [B, S, D]
    pos_embeddings = pe[:, :sequence.shape[1]]                       # [1, S, D]
    seg_embeddings = jnp.take(seg_table, segment_labels, axis=0)     # [B, S, D]
    x = tok_embeddings + pos_embeddings + seg_embeddings
    # dropout is identity in eval mode
    return x

if __name__ == "__main__":
    import jax
    _d = setup_inputs()
    print(jax.jit(kernel)(*tuple(_d.values())))

</pallas_src>

<mosaic_0001>
#map = affine_map<(d0, d1) -> (0, 0, 0)>
#map1 = affine_map<(d0, d1) -> (0)>
#map2 = affine_map<(d0, d1) -> (0, 0)>
module attributes {stable_mosaic.version = 14 : i64} {
  func.func @_body(%arg0: i32, %arg1: i32, %arg2: memref<32x8x32xi32, #tpu.memory_space<hbm>>, %arg3: memref<32x8x32xi32, #tpu.memory_space<hbm>>, %arg4: memref<32x8x7168xf32, #tpu.memory_space<hbm>>, %arg5: memref<1536xf32, #tpu.memory_space<hbm>>, %arg6: memref<100000x768xf32, #tpu.memory_space<hbm>>, %arg7: memref<8192x768xf32, #tpu.memory_space<hbm>>, %arg8: memref<8x32xi32, #tpu.memory_space<vmem>>, %arg9: memref<8x32xi32, #tpu.memory_space<vmem>>, %arg10: memref<2x7168xf32, #tpu.memory_space<vmem>>, %arg11: memref<1536xf32, #tpu.memory_space<vmem>>, %arg12: memref<2x32x768xf32, #tpu.memory_space<vmem>>, %arg13: memref<2x32x768xf32, #tpu.memory_space<vmem>>, %arg14: memref<2x!tpu.dma_semaphore, #tpu.memory_space<semaphore_mem>>, %arg15: memref<2x!tpu.dma_semaphore, #tpu.memory_space<semaphore_mem>>, %arg16: memref<2x!tpu.dma_semaphore, #tpu.memory_space<semaphore_mem>>, %arg17: memref<!tpu.dma_semaphore, #tpu.memory_space<semaphore_mem>>) attributes {dimension_semantics = [#tpu.dimension_semantics<core_parallel>, #tpu.dimension_semantics<subcore_parallel>], iteration_bounds = array<i64: 2, 16>, scalar_prefetch = 0 : i64, scratch_operands = 10 : i64, tpu.core_type = #tpu.core_type<sc_vector_subcore>, window_params = [{transform_indices = #map}, {transform_indices = #map}, {transform_indices = #map}, {transform_indices = #map1}, {transform_indices = #map2}, {transform_indices = #map2}]} {
    %mul3A = arith.constant 2 : i32
    %mul3A_0 = arith.muli %arg1, %mul3A : i32
    %add3A = arith.addi %mul3A_0, %arg0 : i32
    %dma_start3A = arith.constant 0 : i32
    %dma_start3A_1 = arith.constant 0 : i32
    %dma_start3A_2 = tpu.memref_slice %arg2[%add3A, %dma_start3A, %dma_start3A_1] : memref<32x8x32xi32, #tpu.memory_space<hbm>> -> memref<1x8x32xi32, #tpu.memory_space<hbm>>
    %dma_start3A_3 = tpu.memref_squeeze %dma_start3A_2 : memref<1x8x32xi32, #tpu.memory_space<hbm>> -> memref<8x32xi32, #tpu.memory_space<hbm>>
    %dma_start3A_4 = arith.constant 0 : i32
    %dma_start3A_5 = arith.constant 0 : i32
    %dma_start3A_6 = tpu.memref_slice %arg2[%add3A, %dma_start3A_4, %dma_start3A_5] : memref<32x8x32xi32, #tpu.memory_space<hbm>> -> memref<1x8x32xi32, #tpu.memory_space<hbm>>
    %dma_start3A_7 = tpu.memref_squeeze %dma_start3A_6 : memref<1x8x32xi32, #tpu.memory_space<hbm>> -> memref<8x32xi32, #tpu.memory_space<hbm>>
    tpu.enqueue_dma source(%dma_start3A_7 : memref<8x32xi32, #tpu.memory_space<hbm>>) target(%arg8 : memref<8x32xi32, #tpu.memory_space<vmem>>) target_semaphore(%arg17 : memref<!tpu.dma_semaphore, #tpu.memory_space<semaphore_mem>>)
    %dma_start3A_8 = arith.constant 0 : i32
    %dma_start3A_9 = arith.constant 0 : i32
    %dma_start3A_10 = tpu.memref_slice %arg3[%add3A, %dma_start3A_8, %dma_start3A_9] : memref<32x8x32xi32, #tpu.memory_space<hbm>> -> memref<1x8x32xi32, #tpu.memory_space<hbm>>
    %dma_start3A_11 = tpu.memref_squeeze %dma_start3A_10 : memref<1x8x32xi32, #tpu.memory_space<hbm>> -> memref<8x32xi32, #tpu.memory_space<hbm>>
    %dma_start3A_12 = arith.constant 0 : i32
    %dma_start3A_13 = arith.constant 0 : i32
    %dma_start3A_14 = tpu.memref_slice %arg3[%add3A, %dma_start3A_12, %dma_start3A_13] : memref<32x8x32xi32, #tpu.memory_space<hbm>> -> memref<1x8x32xi32, #tpu.memory_space<hbm>>
    %dma_start3A_15 = tpu.memref_squeeze %dma_start3A_14 : memref<1x8x32xi32, #tpu.memory_space<hbm>> -> memref<8x32xi32, #tpu.memory_space<hbm>>
    tpu.enqueue_dma source(%dma_start3A_15 : memref<8x32xi32, #tpu.memory_space<hbm>>) target(%arg9 : memref<8x32xi32, #tpu.memory_space<vmem>>) target_semaphore(%arg17 : memref<!tpu.dma_semaphore, #tpu.memory_space<semaphore_mem>>)
    tpu.enqueue_dma source(%arg5 : memref<1536xf32, #tpu.memory_space<hbm>>) target(%arg11 : memref<1536xf32, #tpu.memory_space<vmem>>) target_semaphore(%arg17 : memref<!tpu.dma_semaphore, #tpu.memory_space<semaphore_mem>>)
    %dma_wait3A = arith.constant 0 : i32
    %dma_wait3A_16 = arith.constant 0 : i32
    %dma_wait3A_17 = tpu.memref_slice %arg2[%add3A, %dma_wait3A, %dma_wait3A_16] : memref<32x8x32xi32, #tpu.memory_space<hbm>> -> memref<1x8x32xi32, #tpu.memory_space<hbm>>
    %dma_wait3A_18 = tpu.memref_squeeze %dma_wait3A_17 : memref<1x8x32xi32, #tpu.memory_space<hbm>> -> memref<8x32xi32, #tpu.memory_space<hbm>>
    %dma_wait3A_19 = arith.constant 0 : i32
    %dma_wait3A_20 = arith.constant 0 : i32
    %dma_wait3A_21 = tpu.memref_slice %arg2[%add3A, %dma_wait3A_19, %dma_wait3A_20] : memref<32x8x32xi32, #tpu.memory_space<hbm>> -> memref<1x8x32xi32, #tpu.memory_space<hbm>>
    %dma_wait3A_22 = tpu.memref_squeeze %dma_wait3A_21 : memref<1x8x32xi32, #tpu.memory_space<hbm>> -> memref<8x32xi32, #tpu.memory_space<hbm>>
    tpu.wait_dma2 semaphore(%arg17 : memref<!tpu.dma_semaphore, #tpu.memory_space<semaphore_mem>>) src(%dma_wait3A_22 : memref<8x32xi32, #tpu.memory_space<hbm>>) dst(%arg8 : memref<8x32xi32, #tpu.memory_space<vmem>>)
    %rem3A = arith.constant 0 : i32
    %rem3A_23 = arith.constant 2 : i32
    %rem3A_24 = arith.remsi %rem3A, %rem3A_23 : i32
    %dma_start3A_25 = arith.constant 0 : i32
    %dma_start3A_26 = arith.constant 0 : i32
    %dma_start3A_27 = arith.constant 0 : i32
    %dma_start3A_28 = tpu.memref_slice %arg12[%rem3A_24, %dma_start3A_26, %dma_start3A_27] : memref<2x32x768xf32, #tpu.memory_space<vmem>> -> memref<1x32x768xf32, #tpu.memory_space<vmem>>
    %dma_start3A_29 = tpu.memref_squeeze %dma_start3A_28 : memref<1x32x768xf32, #tpu.memory_space<vmem>> -> memref<32x768xf32, #tpu.memory_space<vmem>>
    %dma_start3A_30 = arith.constant 0 : i32
    %dma_start3A_31 = tpu.memref_slice %arg8[%dma_start3A_25, %dma_start3A_30] : memref<8x32xi32, #tpu.memory_space<vmem>> -> memref<1x32xi32, #tpu.memory_space<vmem>>
    %dma_start3A_32 = tpu.memref_squeeze %dma_start3A_31 : memref<1x32xi32, #tpu.memory_space<vmem>> -> memref<32xi32, #tpu.memory_space<vmem>>
    %dma_start3A_33 = arith.constant 0 : i32
    %dma_start3A_34 = arith.constant 0 : i32
    %dma_start3A_35 = tpu.memref_slice %arg6[%dma_start3A_33, %dma_start3A_34] : memref<100000x768xf32, #tpu.memory_space<hbm>> -> memref<100000x768xf32, #tpu.memory_space<hbm>>
    %dma_start3A_36 = tpu.memref_slice %arg14[%rem3A_24] : memref<2x!tpu.dma_semaphore, #tpu.memory_space<semaphore_mem>> -> memref<1x!tpu.dma_semaphore, #tpu.memory_space<semaphore_mem>>
    %dma_start3A_37 = tpu.memref_squeeze %dma_start3A_36 : memref<1x!tpu.dma_semaphore, #tpu.memory_space<semaphore_mem>> -> memref<!tpu.dma_semaphore, #tpu.memory_space<semaphore_mem>>
    tpu.enqueue_indirect_dma source(%dma_start3A_35 : memref<100000x768xf32, #tpu.memory_space<hbm>>) target(%dma_start3A_29 : memref<32x768xf32, #tpu.memory_space<vmem>>) offsets(%dma_start3A_32 : memref<32xi32, #tpu.memory_space<vmem>>) semaphore(%dma_start3A_37 : memref<!tpu.dma_semaphore, #tpu.memory_space<semaphore_mem>>)
    %dma_start3A_38 = arith.constant 0 : i32
    %dma_start3A_39 = arith.constant 0 : i32
    %dma_start3A_40 = tpu.memref_slice %arg10[%rem3A_24, %dma_start3A_39] : memref<2x7168xf32, #tpu.memory_space<vmem>> -> memref<1x7168xf32, #tpu.memory_space<vmem>>
    %dma_start3A_41 = tpu.memref_squeeze %dma_start3A_40 : memref<1x7168xf32, #tpu.memory_space<vmem>> -> memref<7168xf32, #tpu.memory_space<vmem>>
    %dma_start3A_42 = arith.constant 0 : i32
    %dma_start3A_43 = tpu.memref_slice %arg4[%add3A, %dma_start3A_38, %dma_start3A_42] : memref<32x8x7168xf32, #tpu.memory_space<hbm>> -> memref<1x1x7168xf32, #tpu.memory_space<hbm>>
    %dma_start3A_44 = tpu.memref_squeeze %dma_start3A_43 : memref<1x1x7168xf32, #tpu.memory_space<hbm>> -> memref<7168xf32, #tpu.memory_space<hbm>>
    %dma_start3A_45 = tpu.memref_slice %arg15[%rem3A_24] : memref<2x!tpu.dma_semaphore, #tpu.memory_space<semaphore_mem>> -> memref<1x!tpu.dma_semaphore, #tpu.memory_space<semaphore_mem>>
    %dma_start3A_46 = tpu.memref_squeeze %dma_start3A_45 : memref<1x!tpu.dma_semaphore, #tpu.memory_space<semaphore_mem>> -> memref<!tpu.dma_semaphore, #tpu.memory_space<semaphore_mem>>
    %dma_start3A_47 = arith.constant 0 : i32
    %dma_start3A_48 = tpu.memref_slice %arg10[%rem3A_24, %dma_start3A_47] : memref<2x7168xf32, #tpu.memory_space<vmem>> -> memref<1x7168xf32, #tpu.memory_space<vmem>>
    %dma_start3A_49 = tpu.memref_squeeze %dma_start3A_48 : memref<1x7168xf32, #tpu.memory_space<vmem>> -> memref<7168xf32, #tpu.memory_space<vmem>>
    %dma_start3A_50 = arith.constant 0 : i32
    %dma_start3A_51 = tpu.memref_slice %arg4[%add3A, %dma_start3A_38, %dma_start3A_50] : memref<32x8x7168xf32, #tpu.memory_space<hbm>> -> memref<1x1x7168xf32, #tpu.memory_space<hbm>>
    %dma_start3A_52 = tpu.memref_squeeze %dma_start3A_51 : memref<1x1x7168xf32, #tpu.memory_space<hbm>> -> memref<7168xf32, #tpu.memory_space<hbm>>
    tpu.enqueue_dma source(%dma_start3A_52 : memref<7168xf32, #tpu.memory_space<hbm>>) target(%dma_start3A_49 : memref<7168xf32, #tpu.memory_space<vmem>>) target_semaphore(%dma_start3A_46 : memref<!tpu.dma_semaphore, #tpu.memory_space<semaphore_mem>>)
    %rem3A_53 = arith.constant 1 : i32
    %rem3A_54 = arith.constant 2 : i32
    %rem3A_55 = arith.remsi %rem3A_53, %rem3A_54 : i32
    %dma_start3A_56 = arith.constant 1 : i32
    %dma_start3A_57 = arith.constant 0 : i32
    %dma_start3A_58 = arith.constant 0 : i32
    %dma_start3A_59 = tpu.memref_slice %arg12[%rem3A_55, %dma_start3A_57, %dma_start3A_58] : memref<2x32x768xf32, #tpu.memory_space<vmem>> -> memref<1x32x768xf32, #tpu.memory_space<vmem>>
    %dma_start3A_60 = tpu.memref_squeeze %dma_start3A_59 : memref<1x32x768xf32, #tpu.memory_space<vmem>> -> memref<32x768xf32, #tpu.memory_space<vmem>>
    %dma_start3A_61 = arith.constant 0 : i32
    %dma_start3A_62 = tpu.memref_slice %arg8[%dma_start3A_56, %dma_start3A_61] : memref<8x32xi32, #tpu.memory_space<vmem>> -> memref<1x32xi32, #tpu.memory_space<vmem>>
    %dma_start3A_63 = tpu.memref_squeeze %dma_start3A_62 : memref<1x32xi32, #tpu.memory_space<vmem>> -> memref<32xi32, #tpu.memory_space<vmem>>
    %dma_start3A_64 = arith.constant 0 : i32
    %dma_start3A_65 = arith.constant 0 : i32
    %dma_start3A_66 = tpu.memref_slice %arg6[%dma_start3A_64, %dma_start3A_65] : memref<100000x768xf32, #tpu.memory_space<hbm>> -> memref<100000x768xf32, #tpu.memory_space<hbm>>
    %dma_start3A_67 = tpu.memref_slice %arg14[%rem3A_55] : memref<2x!tpu.dma_semaphore, #tpu.memory_space<semaphore_mem>> -> memref<1x!tpu.dma_semaphore, #tpu.memory_space<semaphore_mem>>
    %dma_start3A_68 = tpu.memref_squeeze %dma_start3A_67 : memref<1x!tpu.dma_semaphore, #tpu.memory_space<semaphore_mem>> -> memref<!tpu.dma_semaphore, #tpu.memory_space<semaphore_mem>>
    tpu.enqueue_indirect_dma source(%dma_start3A_66 : memref<100000x768xf32, #tpu.memory_space<hbm>>) target(%dma_start3A_60 : memref<32x768xf32, #tpu.memory_space<vmem>>) offsets(%dma_start3A_63 : memref<32xi32, #tpu.memory_space<vmem>>) semaphore(%dma_start3A_68 : memref<!tpu.dma_semaphore, #tpu.memory_space<semaphore_mem>>)
    %dma_start3A_69 = arith.constant 1 : i32
    %dma_start3A_70 = arith.constant 0 : i32
    %dma_start3A_71 = tpu.memref_slice %arg10[%rem3A_55, %dma_start3A_70] : memref<2x7168xf32, #tpu.memory_space<vmem>> -> memref<1x7168xf32, #tpu.memory_space<vmem>>
    %dma_start3A_72 = tpu.memref_squeeze %dma_start3A_71 : memref<1x7168xf32, #tpu.memory_space<vmem>> -> memref<7168xf32, #tpu.memory_space<vmem>>
    %dma_start3A_73 = arith.constant 0 : i32
    %dma_start3A_74 = tpu.memref_slice %arg4[%add3A, %dma_start3A_69, %dma_start3A_73] : memref<32x8x7168xf32, #tpu.memory_space<hbm>> -> memref<1x1x7168xf32, #tpu.memory_space<hbm>>
    %dma_start3A_75 = tpu.memref_squeeze %dma_start3A_74 : memref<1x1x7168xf32, #tpu.memory_space<hbm>> -> memref<7168xf32, #tpu.memory_space<hbm>>
    %dma_start3A_76 = tpu.memref_slice %arg15[%rem3A_55] : memref<2x!tpu.dma_semaphore, #tpu.memory_space<semaphore_mem>> -> memref<1x!tpu.dma_semaphore, #tpu.memory_space<semaphore_mem>>
    %dma_start3A_77 = tpu.memref_squeeze %dma_start3A_76 : memref<1x!tpu.dma_semaphore, #tpu.memory_space<semaphore_mem>> -> memref<!tpu.dma_semaphore, #tpu.memory_space<semaphore_mem>>
    %dma_start3A_78 = arith.constant 0 : i32
    %dma_start3A_79 = tpu.memref_slice %arg10[%rem3A_55, %dma_start3A_78] : memref<2x7168xf32, #tpu.memory_space<vmem>> -> memref<1x7168xf32, #tpu.memory_space<vmem>>
    %dma_start3A_80 = tpu.memref_squeeze %dma_start3A_79 : memref<1x7168xf32, #tpu.memory_space<vmem>> -> memref<7168xf32, #tpu.memory_space<vmem>>
    %dma_start3A_81 = arith.constant 0 : i32
    %dma_start3A_82 = tpu.memref_slice %arg4[%add3A, %dma_start3A_69, %dma_start3A_81] : memref<32x8x7168xf32, #tpu.memory_space<hbm>> -> memref<1x1x7168xf32, #tpu.memory_space<hbm>>
    %dma_start3A_83 = tpu.memref_squeeze %dma_start3A_82 : memref<1x1x7168xf32, #tpu.memory_space<hbm>> -> memref<7168xf32, #tpu.memory_space<hbm>>
    tpu.enqueue_dma source(%dma_start3A_83 : memref<7168xf32, #tpu.memory_space<hbm>>) target(%dma_start3A_80 : memref<7168xf32, #tpu.memory_space<vmem>>) target_semaphore(%dma_start3A_77 : memref<!tpu.dma_semaphore, #tpu.memory_space<semaphore_mem>>)
    %dma_wait3A_84 = arith.constant 0 : i32
    %dma_wait3A_85 = arith.constant 0 : i32
    %dma_wait3A_86 = tpu.memref_slice %arg3[%add3A, %dma_wait3A_84, %dma_wait3A_85] : memref<32x8x32xi32, #tpu.memory_space<hbm>> -> memref<1x8x32xi32, #tpu.memory_space<hbm>>
    %dma_wait3A_87 = tpu.memref_squeeze %dma_wait3A_86 : memref<1x8x32xi32, #tpu.memory_space<hbm>> -> memref<8x32xi32, #tpu.memory_space<hbm>>
    %dma_wait3A_88 = arith.constant 0 : i32
    %dma_wait3A_89 = arith.constant 0 : i32
    %dma_wait3A_90 = tpu.memref_slice %arg3[%add3A, %dma_wait3A_88, %dma_wait3A_89] : memref<32x8x32xi32, #tpu.memory_space<hbm>> -> memref<1x8x32xi32, #tpu.memory_space<hbm>>
    %dma_wait3A_91 = tpu.memref_squeeze %dma_wait3A_90 : memref<1x8x32xi32, #tpu.memory_space<hbm>> -> memref<8x32xi32, #tpu.memory_space<hbm>>
    tpu.wait_dma2 semaphore(%arg17 : memref<!tpu.dma_semaphore, #tpu.memory_space<semaphore_mem>>) src(%dma_wait3A_91 : memref<8x32xi32, #tpu.memory_space<hbm>>) dst(%arg9 : memref<8x32xi32, #tpu.memory_space<vmem>>)
    tpu.wait_dma2 semaphore(%arg17 : memref<!tpu.dma_semaphore, #tpu.memory_space<semaphore_mem>>) src(%arg5 : memref<1536xf32, #tpu.memory_space<hbm>>) dst(%arg11 : memref<1536xf32, #tpu.memory_space<vmem>>)
    %scan3A = arith.constant 0 : i32
    %scan3A_92 = arith.constant 0 : i32
    %scan3A_93 = arith.constant 8 : i32
    %scan3A_94 = arith.addi %scan3A_92, %scan3A_93 : i32
    %scan3A_95 = arith.constant 1 : i32
    scf.for %scan3A_127 = %scan3A_92 to %scan3A_94 step %scan3A_95  : i32 {
      %rem3A_128 = arith.constant 2 : i32
      %rem3A_129 = arith.remsi %scan3A_127, %rem3A_128 : i32
      %dma_wait3A_130 = arith.constant 0 : i32
      %dma_wait3A_131 = arith.constant 0 : i32
      %dma_wait3A_132 = tpu.memref_slice %arg12[%rem3A_129, %dma_wait3A_130, %dma_wait3A_131] : memref<2x32x768xf32, #tpu.memory_space<vmem>> -> memref<1x32x768xf32, #tpu.memory_space<vmem>>
      %dma_wait3A_133 = tpu.memref_squeeze %dma_wait3A_132 : memref<1x32x768xf32, #tpu.memory_space<vmem>> -> memref<32x768xf32, #tpu.memory_space<vmem>>
      %dma_wait3A_134 = arith.constant 0 : i32
      %dma_wait3A_135 = tpu.memref_slice %arg8[%scan3A_127, %dma_wait3A_134] : memref<8x32xi32, #tpu.memory_space<vmem>> -> memref<1x32xi32, #tpu.memory_space<vmem>>
      %dma_wait3A_136 = tpu.memref_squeeze %dma_wait3A_135 : memref<1x32xi32, #tpu.memory_space<vmem>> -> memref<32xi32, #tpu.memory_space<vmem>>
      %dma_wait3A_137 = arith.constant 0 : i32
      %dma_wait3A_138 = arith.constant 0 : i32
      %dma_wait3A_139 = tpu.memref_slice %arg6[%dma_wait3A_137, %dma_wait3A_138] : memref<100000x768xf32, #tpu.memory_space<hbm>> -> memref<100000x768xf32, #tpu.memory_space<hbm>>
      %dma_wait3A_140 = tpu.memref_slice %arg14[%rem3A_129] : memref<2x!tpu.dma_semaphore, #tpu.memory_space<semaphore_mem>> -> memref<1x!tpu.dma_semaphore, #tpu.memory_space<semaphore_mem>>
      %dma_wait3A_141 = tpu.memref_squeeze %dma_wait3A_140 : memref<1x!tpu.dma_semaphore, #tpu.memory_space<semaphore_mem>> -> memref<!tpu.dma_semaphore, #tpu.memory_space<semaphore_mem>>
      tpu.wait_indirect_dma semaphore(%dma_wait3A_141 : memref<!tpu.dma_semaphore, #tpu.memory_space<semaphore_mem>>) src(%dma_wait3A_139 : memref<100000x768xf32, #tpu.memory_space<hbm>>) dst(%dma_wait3A_133 : memref<32x768xf32, #tpu.memory_space<vmem>>)
      %dma_wait3A_142 = arith.constant 0 : i32
      %dma_wait3A_143 = tpu.memref_slice %arg10[%rem3A_129, %dma_wait3A_142] : memref<2x7168xf32, #tpu.memory_space<vmem>> -> memref<1x7168xf32, #tpu.memory_space<vmem>>
      %dma_wait3A_144 = tpu.memref_squeeze %dma_wait3A_143 : memref<1x7168xf32, #tpu.memory_space<vmem>> -> memref<7168xf32, #tpu.memory_space<vmem>>
      %dma_wait3A_145 = arith.constant 0 : i32
      %dma_wait3A_146 = tpu.memref_slice %arg4[%add3A, %scan3A_127, %dma_wait3A_145] : memref<32x8x7168xf32, #tpu.memory_space<hbm>> -> memref<1x1x7168xf32, #tpu.memory_space<hbm>>
      %dma_wait3A_147 = tpu.memref_squeeze %dma_wait3A_146 : memref<1x1x7168xf32, #tpu.memory_space<hbm>> -> memref<7168xf32, #tpu.memory_space<hbm>>
      %dma_wait3A_148 = tpu.memref_slice %arg15[%rem3A_129] : memref<2x!tpu.dma_semaphore, #tpu.memory_space<semaphore_mem>> -> memref<1x!tpu.dma_semaphore, #tpu.memory_space<semaphore_mem>>
      %dma_wait3A_149 = tpu.memref_squeeze %dma_wait3A_148 : memref<1x!tpu.dma_semaphore, #tpu.memory_space<semaphore_mem>> -> memref<!tpu.dma_semaphore, #tpu.memory_space<semaphore_mem>>
      %dma_wait3A_150 = arith.constant 0 : i32
      %dma_wait3A_151 = tpu.memref_slice %arg10[%rem3A_129, %dma_wait3A_150] : memref<2x7168xf32, #tpu.memory_space<vmem>> -> memref<1x7168xf32, #tpu.memory_space<vmem>>
      %dma_wait3A_152 = tpu.memref_squeeze %dma_wait3A_151 : memref<1x7168xf32, #tpu.memory_space<vmem>> -> memref<7168xf32, #tpu.memory_space<vmem>>
      %dma_wait3A_153 = arith.constant 0 : i32
      %dma_wait3A_154 = tpu.memref_slice %arg4[%add3A, %scan3A_127, %dma_wait3A_153] : memref<32x8x7168xf32, #tpu.memory_space<hbm>> -> memref<1x1x7168xf32, #tpu.memory_space<hbm>>
      %dma_wait3A_155 = tpu.memref_squeeze %dma_wait3A_154 : memref<1x1x7168xf32, #tpu.memory_space<hbm>> -> memref<7168xf32, #tpu.memory_space<hbm>>
      tpu.wait_dma2 semaphore(%dma_wait3A_149 : memref<!tpu.dma_semaphore, #tpu.memory_space<semaphore_mem>>) src(%dma_wait3A_155 : memref<7168xf32, #tpu.memory_space<hbm>>) dst(%dma_wait3A_152 : memref<7168xf32, #tpu.memory_space<vmem>>)
      %ge3A = arith.constant 2 : i32
      %ge3A_156 = arith.cmpi sge, %scan3A_127, %ge3A : i32
      %convert_element_type3A = arith.extui %ge3A_156 : i1 to i32
      %cond3A = arith.constant 0 : i32
      %cond3A_157 = arith.cmpi ne, %convert_element_type3A, %cond3A : i32
      scf.if %cond3A_157 {
        %sub3A = arith.constant 2 : i32
        %sub3A_462 = arith.subi %scan3A_127, %sub3A : i32
        %dma_wait3A_463 = arith.constant 0 : i32
        %dma_wait3A_464 = arith.constant 0 : i32
        %dma_wait3A_465 = tpu.memref_slice %arg13[%rem3A_129, %dma_wait3A_463, %dma_wait3A_464] : memref<2x32x768xf32, #tpu.memory_space<vmem>> -> memref<1x32x768xf32, #tpu.memory_space<vmem>>
        %dma_wait3A_466 = tpu.memref_squeeze %dma_wait3A_465 : memref<1x32x768xf32, #tpu.memory_space<vmem>> -> memref<32x768xf32, #tpu.memory_space<vmem>>
        %dma_wait3A_467 = arith.constant 0 : i32
        %dma_wait3A_468 = tpu.memref_slice %arg9[%sub3A_462, %dma_wait3A_467] : memref<8x32xi32, #tpu.memory_space<vmem>> -> memref<1x32xi32, #tpu.memory_space<vmem>>
        %dma_wait3A_469 = tpu.memref_squeeze %dma_wait3A_468 : memref<1x32xi32, #tpu.memory_space<vmem>> -> memref<32xi32, #tpu.memory_space<vmem>>
        %dma_wait3A_470 = arith.constant 0 : i32
        %dma_wait3A_471 = arith.constant 0 : i32
        %dma_wait3A_472 = tpu.memref_slice %arg7[%dma_wait3A_470, %dma_wait3A_471] : memref<8192x768xf32, #tpu.memory_space<hbm>> -> memref<8192x768xf32, #tpu.memory_space<hbm>>
        %dma_wait3A_473 = tpu.memref_slice %arg16[%rem3A_129] : memref<2x!tpu.dma_semaphore, #tpu.memory_space<semaphore_mem>> -> memref<1x!tpu.dma_semaphore, #tpu.memory_space<semaphore_mem>>
        %dma_wait3A_474 = tpu.memref_squeeze %dma_wait3A_473 : memref<1x!tpu.dma_semaphore, #tpu.memory_space<semaphore_mem>> -> memref<!tpu.dma_semaphore, #tpu.memory_space<semaphore_mem>>
        tpu.wait_indirect_dma semaphore(%dma_wait3A_474 : memref<!tpu.dma_semaphore, #tpu.memory_space<semaphore_mem>>) src(%dma_wait3A_466 : memref<32x768xf32, #tpu.memory_space<vmem>>) dst(%dma_wait3A_472 : memref<8192x768xf32, #tpu.memory_space<hbm>>)
      } else {
      }
      %get3A = arith.index_cast %rem3A_129 : i32 to index
      %get3A_158 = arith.constant 6144 : index
      %get3A_159 = tpu.vector_load %arg10[%get3A, %get3A_158] {strides = array<i32>} : memref<2x7168xf32, #tpu.memory_space<vmem>>, vector<1x16xf32>,
      %get3A_160 = vector.shape_cast %get3A_159 : vector<1x16xf32> to vector<16xf32>
      %get3A_161 = arith.index_cast %rem3A_129 : i32 to index
      %get3A_162 = arith.constant 6176 : index
      %get3A_163 = tpu.vector_load %arg10[%get3A_161, %get3A_162] {strides = array<i32>} : memref<2x7168xf32, #tpu.memory_space<vmem>>, vector<1x16xf32>,
      %get3A_164 = vector.shape_cast %get3A_163 : vector<1x16xf32> to vector<16xf32>
      %get3A_165 = arith.index_cast %rem3A_129 : i32 to index
      %get3A_166 = arith.constant 6208 : index
      %get3A_167 = tpu.vector_load %arg10[%get3A_165, %get3A_166] {strides = array<i32>} : memref<2x7168xf32, #tpu.memory_space<vmem>>, vector<1x16xf32>,
      %get3A_168 = vector.shape_cast %get3A_167 : vector<1x16xf32> to vector<16xf32>
      %get3A_169 = arith.index_cast %rem3A_129 : i32 to index
      %get3A_170 = arith.constant 6240 : index
      %get3A_171 = tpu.vector_load %arg10[%get3A_169, %get3A_170] {strides = array<i32>} : memref<2x7168xf32, #tpu.memory_space<vmem>>, vector<1x16xf32>,
      %get3A_172 = vector.shape_cast %get3A_171 : vector<1x16xf32> to vector<16xf32>
      %get3A_173 = arith.index_cast %rem3A_129 : i32 to index
      %get3A_174 = arith.constant 6160 : index
      %get3A_175 = tpu.vector_load %arg10[%get3A_173, %get3A_174] {strides = array<i32>} : memref<2x7168xf32, #tpu.memory_space<vmem>>, vector<1x16xf32>,
      %get3A_176 = vector.shape_cast %get3A_175 : vector<1x16xf32> to vector<16xf32>
      %get3A_177 = arith.index_cast %rem3A_129 : i32 to index
      %get3A_178 = arith.constant 6192 : index
      %get3A_179 = tpu.vector_load %arg10[%get3A_177, %get3A_178] {strides = array<i32>} : memref<2x7168xf32, #tpu.memory_space<vmem>>, vector<1x16xf32>,
      %get3A_180 = vector.shape_cast %get3A_179 : vector<1x16xf32> to vector<16xf32>
      %get3A_181 = arith.index_cast %rem3A_129 : i32 to index
      %get3A_182 = arith.constant 6224 : index
      %get3A_183 = tpu.vector_load %arg10[%get3A_181, %get3A_182] {strides = array<i32>} : memref<2x7168xf32, #tpu.memory_space<vmem>>, vector<1x16xf32>,
      %get3A_184 = vector.shape_cast %get3A_183 : vector<1x16xf32> to vector<16xf32>
      %get3A_185 = arith.index_cast %rem3A_129 : i32 to index
      %get3A_186 = arith.constant 6256 : index
      %get3A_187 = tpu.vector_load %arg10[%get3A_185, %get3A_186] {strides = array<i32>} : memref<2x7168xf32, #tpu.memory_space<vmem>>, vector<1x16xf32>,
      %get3A_188 = vector.shape_cast %get3A_187 : vector<1x16xf32> to vector<16xf32>
      %parallel_loop3A = arith.constant 0 : i32
      %parallel_loop3A_189 = arith.constant 48 : i32
      %parallel_loop3A_190 = arith.constant 1 : i32
      %parallel_loop3A_191:8 = scf.for %parallel_loop3A_462 = %parallel_loop3A to %parallel_loop3A_189 step %parallel_loop3A_190 iter_args(%parallel_loop3A_463 = %get3A_160, %parallel_loop3A_464 = %get3A_164, %parallel_loop3A_465 = %get3A_168, %parallel_loop3A_466 = %get3A_172, %parallel_loop3A_467 = %get3A_176, %parallel_loop3A_468 = %get3A_180, %parallel_loop3A_469 = %get3A_184, %parallel_loop3A_470 = %get3A_188) -> (vector<16xf32>, vector<16xf32>, vector<16xf32>, vector<16xf32>, vector<16xf32>, vector<16xf32>, vector<16xf32>, vector<16xf32>)  : i32 {
        %parallel_loop3A_471 = arith.constant 16 : i32
        %parallel_loop3A_472 = arith.muli %parallel_loop3A_462, %parallel_loop3A_471 : i32
        %parallel_loop3A_473 = arith.index_cast %parallel_loop3A_472 : i32 to index
        %parallel_loop3A_474 = tpu.vector_load %arg11[%parallel_loop3A_473] {strides = array<i32>} : memref<1536xf32, #tpu.memory_space<vmem>>, vector<16xf32>,
        %parallel_loop3A_475 = vector.shape_cast %parallel_loop3A_474 : vector<16xf32> to vector<16xf32>
        %parallel_loop3A_476 = arith.constant 768 : i32
        %parallel_loop3A_477 = arith.addi %parallel_loop3A_476, %parallel_loop3A_472 : i32
        %parallel_loop3A_478 = arith.index_cast %parallel_loop3A_477 : i32 to index
        %parallel_loop3A_479 = tpu.vector_load %arg11[%parallel_loop3A_478] {strides = array<i32>} : memref<1536xf32, #tpu.memory_space<vmem>>, vector<16xf32>,
        %parallel_loop3A_480 = vector.shape_cast %parallel_loop3A_479 : vector<16xf32> to vector<16xf32>
        %parallel_loop3A_481 = arith.constant 0 : i32
        %parallel_loop3A_482 = arith.index_cast %rem3A_129 : i32 to index
        %parallel_loop3A_483 = arith.index_cast %parallel_loop3A_481 : i32 to index
        %parallel_loop3A_484 = arith.index_cast %parallel_loop3A_472 : i32 to index
        %parallel_loop3A_485 = tpu.vector_load %arg12[%parallel_loop3A_482, %parallel_loop3A_483, %parallel_loop3A_484] {strides = array<i32>} : memref<2x32x768xf32, #tpu.memory_space<vmem>>, vector<1x1x16xf32>,
        %parallel_loop3A_486 = vector.shape_cast %parallel_loop3A_485 : vector<1x1x16xf32> to vector<16xf32>
        %parallel_loop3A_487 = arith.constant 0 : i32
        %parallel_loop3A_488 = arith.addi %parallel_loop3A_487, %parallel_loop3A_472 : i32
        %parallel_loop3A_489 = arith.index_cast %rem3A_129 : i32 to index
        %parallel_loop3A_490 = arith.index_cast %parallel_loop3A_488 : i32 to index
        %parallel_loop3A_491 = tpu.vector_load %arg10[%parallel_loop3A_489, %parallel_loop3A_490] {strides = array<i32>} : memref<2x7168xf32, #tpu.memory_space<vmem>>, vector<1x16xf32>,
        %parallel_loop3A_492 = vector.shape_cast %parallel_loop3A_491 : vector<1x16xf32> to vector<16xf32>
        %parallel_loop3A_493 = arith.addf %parallel_loop3A_486, %parallel_loop3A_492 : vector<16xf32>
        %parallel_loop3A_494 = arith.mulf %parallel_loop3A_463, %parallel_loop3A_475 : vector<16xf32>
        %parallel_loop3A_495 = arith.addf %parallel_loop3A_493, %parallel_loop3A_494 : vector<16xf32>
        %parallel_loop3A_496 = arith.mulf %parallel_loop3A_467, %parallel_loop3A_480 : vector<16xf32>
        %parallel_loop3A_497 = arith.addf %parallel_loop3A_495, %parallel_loop3A_496 : vector<16xf32>
        %parallel_loop3A_498 = arith.constant 0 : i32
        %parallel_loop3A_499 = arith.index_cast %rem3A_129 : i32 to index
        %parallel_loop3A_500 = arith.index_cast %parallel_loop3A_498 : i32 to index
        %parallel_loop3A_501 = arith.index_cast %parallel_loop3A_472 : i32 to index
        %parallel_loop3A_502 = tpu.vector_load %arg13[%parallel_loop3A_499, %parallel_loop3A_500, %parallel_loop3A_501] {strides = array<i32>} : memref<2x32x768xf32, #tpu.memory_space<vmem>>, vector<1x1x16xf32>,
        %parallel_loop3A_503 = vector.shape_cast %parallel_loop3A_502 : vector<1x1x16xf32> to vector<16xf32>
        %parallel_loop3A_504 = vector.shape_cast %parallel_loop3A_497 : vector<16xf32> to vector<1x1x16xf32>
        tpu.vector_store %arg13[%parallel_loop3A_499, %parallel_loop3A_500, %parallel_loop3A_501], %parallel_loop3A_504 {strides = array<i32>} : memref<2x32x768xf32, #tpu.memory_space<vmem>>, vector<1x1x16xf32>,
        %parallel_loop3A_505 = arith.constant 1 : i32
        %parallel_loop3A_506 = arith.index_cast %rem3A_129 : i32 to index
        %parallel_loop3A_507 = arith.index_cast %parallel_loop3A_505 : i32 to index
        %parallel_loop3A_508 = arith.index_cast %parallel_loop3A_472 : i32 to index
        %parallel_loop3A_509 = tpu.vector_load %arg12[%parallel_loop3A_506, %parallel_loop3A_507, %parallel_loop3A_508] {strides = array<i32>} : memref<2x32x768xf32, #tpu.memory_space<vmem>>, vector<1x1x16xf32>,
        %parallel_loop3A_510 = vector.shape_cast %parallel_loop3A_509 : vector<1x1x16xf32> to vector<16xf32>
        %parallel_loop3A_511 = arith.constant 0 : i32
        %parallel_loop3A_512 = arith.addi %parallel_loop3A_511, %parallel_loop3A_472 : i32
        %parallel_loop3A_513 = arith.index_cast %rem3A_129 : i32 to index
        %parallel_loop3A_514 = arith.index_cast %parallel_loop3A_512 : i32 to index
        %parallel_loop3A_515 = tpu.vector_load %arg10[%parallel_loop3A_513, %parallel_loop3A_514] {strides = array<i32>} : memref<2x7168xf32, #tpu.memory_space<vmem>>, vector<1x16xf32>,
        %parallel_loop3A_516 = vector.shape_cast %parallel_loop3A_515 : vector<1x16xf32> to vector<16xf32>
        %parallel_loop3A_517 = arith.addf %parallel_loop3A_510, %parallel_loop3A_516 : vector<16xf32>
        %parallel_loop3A_518 = arith.mulf %parallel_loop3A_464, %parallel_loop3A_475 : vector<16xf32>
        %parallel_loop3A_519 = arith.addf %parallel_loop3A_517, %parallel_loop3A_518 : vector<16xf32>
        %parallel_loop3A_520 = arith.mulf %parallel_loop3A_468, %parallel_loop3A_480 : vector<16xf32>
        %parallel_loop3A_521 = arith.addf %parallel_loop3A_519, %parallel_loop3A_520 : vector<16xf32>
        %parallel_loop3A_522 = arith.constant 1 : i32
        %parallel_loop3A_523 = arith.index_cast %rem3A_129 : i32 to index
        %parallel_loop3A_524 = arith.index_cast %parallel_loop3A_522 : i32 to index
        %parallel_loop3A_525 = arith.index_cast %parallel_loop3A_472 : i32 to index
        %parallel_loop3A_526 = tpu.vector_load %arg13[%parallel_loop3A_523, %parallel_loop3A_524, %parallel_loop3A_525] {strides = array<i32>} : memref<2x32x768xf32, #tpu.memory_space<vmem>>, vector<1x1x16xf32>,
        %parallel_loop3A_527 = vector.shape_cast %parallel_loop3A_526 : vector<1x1x16xf32> to vector<16xf32>
        %parallel_loop3A_528 = vector.shape_cast %parallel_loop3A_521 : vector<16xf32> to vector<1x1x16xf32>
        tpu.vector_store %arg13[%parallel_loop3A_523, %parallel_loop3A_524, %parallel_loop3A_525], %parallel_loop3A_528 {strides = array<i32>} : memref<2x32x768xf32, #tpu.memory_space<vmem>>, vector<1x1x16xf32>,
        %parallel_loop3A_529 = arith.constant 2 : i32
        %parallel_loop3A_530 = arith.index_cast %rem3A_129 : i32 to index
        %parallel_loop3A_531 = arith.index_cast %parallel_loop3A_529 : i32 to index
        %parallel_loop3A_532 = arith.index_cast %parallel_loop3A_472 : i32 to index
        %parallel_loop3A_533 = tpu.vector_load %arg12[%parallel_loop3A_530, %parallel_loop3A_531, %parallel_loop3A_532] {strides = array<i32>} : memref<2x32x768xf32, #tpu.memory_space<vmem>>, vector<1x1x16xf32>,
        %parallel_loop3A_534 = vector.shape_cast %parallel_loop3A_533 : vector<1x1x16xf32> to vector<16xf32>
        %parallel_loop3A_535 = arith.constant 0 : i32
        %parallel_loop3A_536 = arith.addi %parallel_loop3A_535, %parallel_loop3A_472 : i32
        %parallel_loop3A_537 = arith.index_cast %rem3A_129 : i32 to index
        %parallel_loop3A_538 = arith.index_cast %parallel_loop3A_536 : i32 to index
        %parallel_loop3A_539 = tpu.vector_load %arg10[%parallel_loop3A_537, %parallel_loop3A_538] {strides = array<i32>} : memref<2x7168xf32, #tpu.memory_space<vmem>>, vector<1x16xf32>,
        %parallel_loop3A_540 = vector.shape_cast %parallel_loop3A_539 : vector<1x16xf32> to vector<16xf32>
        %parallel_loop3A_541 = arith.addf %parallel_loop3A_534, %parallel_loop3A_540 : vector<16xf32>
        %parallel_loop3A_542 = arith.mulf %parallel_loop3A_465, %parallel_loop3A_475 : vector<16xf32>
        %parallel_loop3A_543 = arith.addf %parallel_loop3A_541, %parallel_loop3A_542 : vector<16xf32>
        %parallel_loop3A_544 = arith.mulf %parallel_loop3A_469, %parallel_loop3A_480 : vector<16xf32>
        %parallel_loop3A_545 = arith.addf %parallel_loop3A_543, %parallel_loop3A_544 : vector<16xf32>
        %parallel_loop3A_546 = arith.constant 2 : i32
        %parallel_loop3A_547 = arith.index_cast %rem3A_129 : i32 to index
        %parallel_loop3A_548 = arith.index_cast %parallel_loop3A_546 : i32 to index
        %parallel_loop3A_549 = arith.index_cast %parallel_loop3A_472 : i32 to index
        %parallel_loop3A_550 = tpu.vector_load %arg13[%parallel_loop3A_547, %parallel_loop3A_548, %parallel_loop3A_549] {strides = array<i32>} : memref<2x32x768xf32, #tpu.memory_space<vmem>>, vector<1x1x16xf32>,
        %parallel_loop3A_551 = vector.shape_cast %parallel_loop3A_550 : vector<1x1x16xf32> to vector<16xf32>
        %parallel_loop3A_552 = vector.shape_cast %parallel_loop3A_545 : vector<16xf32> to vector<1x1x16xf32>
        tpu.vector_store %arg13[%parallel_loop3A_547, %parallel_loop3A_548, %parallel_loop3A_549], %parallel_loop3A_552 {strides = array<i32>} : memref<2x32x768xf32, #tpu.memory_space<vmem>>, vector<1x1x16xf32>,
        %parallel_loop3A_553 = arith.constant 3 : i32
        %parallel_loop3A_554 = arith.index_cast %rem3A_129 : i32 to index
        %parallel_loop3A_555 = arith.index_cast %parallel_loop3A_553 : i32 to index
        %parallel_loop3A_556 = arith.index_cast %parallel_loop3A_472 : i32 to index
        %parallel_loop3A_557 = tpu.vector_load %arg12[%parallel_loop3A_554, %parallel_loop3A_555, %parallel_loop3A_556] {strides = array<i32>} : memref<2x32x768xf32, #tpu.memory_space<vmem>>, vector<1x1x16xf32>,
        %parallel_loop3A_558 = vector.shape_cast %parallel_loop3A_557 : vector<1x1x16xf32> to vector<16xf32>
        %parallel_loop3A_559 = arith.constant 0 : i32
        %parallel_loop3A_560 = arith.addi %parallel_loop3A_559, %parallel_loop3A_472 : i32
        %parallel_loop3A_561 = arith.index_cast %rem3A_129 : i32 to index
        %parallel_loop3A_562 = arith.index_cast %parallel_loop3A_560 : i32 to index
        %parallel_loop3A_563 = tpu.vector_load %arg10[%parallel_loop3A_561, %parallel_loop3A_562] {strides = array<i32>} : memref<2x7168xf32, #tpu.memory_space<vmem>>, vector<1x16xf32>,
        %parallel_loop3A_564 = vector.shape_cast %parallel_loop3A_563 : vector<1x16xf32> to vector<16xf32>
        %parallel_loop3A_565 = arith.addf %parallel_loop3A_558, %parallel_loop3A_564 : vector<16xf32>
        %parallel_loop3A_566 = arith.mulf %parallel_loop3A_466, %parallel_loop3A_475 : vector<16xf32>
        %parallel_loop3A_567 = arith.addf %parallel_loop3A_565, %parallel_loop3A_566 : vector<16xf32>
        %parallel_loop3A_568 = arith.mulf %parallel_loop3A_470, %parallel_loop3A_480 : vector<16xf32>
        %parallel_loop3A_569 = arith.addf %parallel_loop3A_567, %parallel_loop3A_568 : vector<16xf32>
        %parallel_loop3A_570 = arith.constant 3 : i32
        %parallel_loop3A_571 = arith.index_cast %rem3A_129 : i32 to index
        %parallel_loop3A_572 = arith.index_cast %parallel_loop3A_570 : i32 to index
        %parallel_loop3A_573 = arith.index_cast %parallel_loop3A_472 : i32 to index
        %parallel_loop3A_574 = tpu.vector_load %arg13[%parallel_loop3A_571, %parallel_loop3A_572, %parallel_loop3A_573] {strides = array<i32>} : memref<2x32x768xf32, #tpu.memory_space<vmem>>, vector<1x1x16xf32>,
        %parallel_loop3A_575 = vector.shape_cast %parallel_loop3A_574 : vector<1x1x16xf32> to vector<16xf32>
        %parallel_loop3A_576 = vector.shape_cast %parallel_loop3A_569 : vector<16xf32> to vector<1x1x16xf32>
        tpu.vector_store %arg13[%parallel_loop3A_571, %parallel_loop3A_572, %parallel_loop3A_573], %parallel_loop3A_576 {strides = array<i32>} : memref<2x32x768xf32, #tpu.memory_space<vmem>>, vector<1x1x16xf32>,
        scf.yield %parallel_loop3A_463, %parallel_loop3A_464, %parallel_loop3A_465, %parallel_loop3A_466, %parallel_loop3A_467, %parallel_loop3A_468, %parallel_loop3A_469, %parallel_loop3A_470 : vector<16xf32>, vector<16xf32>, vector<16xf32>, vector<16xf32>, vector<16xf32>, vector<16xf32>, vector<16xf32>, vector<16xf32>
      } {sc.loop_unroll_factor = 3 : i64, sc.parallel_access}
      %get3A_192 = arith.index_cast %rem3A_129 : i32 to index
      %get3A_193 = arith.constant 6272 : index
      %get3A_194 = tpu.vector_load %arg10[%get3A_192, %get3A_193] {strides = array<i32>} : memref<2x7168xf32, #tpu.memory_space<vmem>>, vector<1x16xf32>,
      %get3A_195 = vector.shape_cast %get3A_194 : vector<1x16xf32> to vector<16xf32>
      %get3A_196 = arith.index_cast %rem3A_129 : i32 to index
      %get3A_197 = arith.constant 6304 : index
      %get3A_198 = tpu.vector_load %arg10[%get3A_196, %get3A_197] {strides = array<i32>} : memref<2x7168xf32, #tpu.memory_space<vmem>>, vector<1x16xf32>,
      %get3A_199 = vector.shape_cast %get3A_198 : vector<1x16xf32> to vector<16xf32>
      %get3A_200 = arith.index_cast %rem3A_129 : i32 to index
      %get3A_201 = arith.constant 6336 : index
      %get3A_202 = tpu.vector_load %arg10[%get3A_200, %get3A_201] {strides = array<i32>} : memref<2x7168xf32, #tpu.memory_space<vmem>>, vector<1x16xf32>,
      %get3A_203 = vector.shape_cast %get3A_202 : vector<1x16xf32> to vector<16xf32>
      %get3A_204 = arith.index_cast %rem3A_129 : i32 to index
      %get3A_205 = arith.constant 6368 : index
      %get3A_206 = tpu.vector_load %arg10[%get3A_204, %get3A_205] {strides = array<i32>} : memref<2x7168xf32, #tpu.memory_space<vmem>>, vector<1x16xf32>,
      %get3A_207 = vector.shape_cast %get3A_206 : vector<1x16xf32> to vector<16xf32>
      %get3A_208 = arith.index_cast %rem3A_129 : i32 to index
      %get3A_209 = arith.constant 6288 : index
      %get3A_210 = tpu.vector_load %arg10[%get3A_208, %get3A_209] {strides = array<i32>} : memref<2x7168xf32, #tpu.memory_space<vmem>>, vector<1x16xf32>,
      %get3A_211 = vector.shape_cast %get3A_210 : vector<1x16xf32> to vector<16xf32>
      %get3A_212 = arith.index_cast %rem3A_129 : i32 to index
      %get3A_213 = arith.constant 6320 : index
      %get3A_214 = tpu.vector_load %arg10[%get3A_212, %get3A_213] {strides = array<i32>} : memref<2x7168xf32, #tpu.memory_space<vmem>>, vector<1x16xf32>,
      %get3A_215 = vector.shape_cast %get3A_214 : vector<1x16xf32> to vector<16xf32>
      %get3A_216 = arith.index_cast %rem3A_129 : i32 to index
      %get3A_217 = arith.constant 6352 : index
      %get3A_218 = tpu.vector_load %arg10[%get3A_216, %get3A_217] {strides = array<i32>} : memref<2x7168xf32, #tpu.memory_space<vmem>>, vector<1x16xf32>,
      %get3A_219 = vector.shape_cast %get3A_218 : vector<1x16xf32> to vector<16xf32>
      %get3A_220 = arith.index_cast %rem3A_129 : i32 to index
      %get3A_221 = arith.constant 6384 : index
      %get3A_222 = tpu.vector_load %arg10[%get3A_220, %get3A_221] {strides = array<i32>} : memref<2x7168xf32, #tpu.memory_space<vmem>>, vector<1x16xf32>,
      %get3A_223 = vector.shape_cast %get3A_222 : vector<1x16xf32> to vector<16xf32>
      %parallel_loop3A_224 = arith.constant 0 : i32
      %parallel_loop3A_225 = arith.constant 48 : i32
      %parallel_loop3A_226 = arith.constant 1 : i32
      %parallel_loop3A_227:8 = scf.for %parallel_loop3A_462 = %parallel_loop3A_224 to %parallel_loop3A_225 step %parallel_loop3A_226 iter_args(%parallel_loop3A_463 = %get3A_195, %parallel_loop3A_464 = %get3A_199, %parallel_loop3A_465 = %get3A_203, %parallel_loop3A_466 = %get3A_207, %parallel_loop3A_467 = %get3A_211, %parallel_loop3A_468 = %get3A_215, %parallel_loop3A_469 = %get3A_219, %parallel_loop3A_470 = %get3A_223) -> (vector<16xf32>, vector<16xf32>, vector<16xf32>, vector<16xf32>, vector<16xf32>, vector<16xf32>, vector<16xf32>, vector<16xf32>)  : i32 {
        %parallel_loop3A_471 = arith.constant 16 : i32
        %parallel_loop3A_472 = arith.muli %parallel_loop3A_462, %parallel_loop3A_471 : i32
        %parallel_loop3A_473 = arith.index_cast %parallel_loop3A_472 : i32 to index
        %parallel_loop3A_474 = tpu.vector_load %arg11[%parallel_loop3A_473] {strides = array<i32>} : memref<1536xf32, #tpu.memory_space<vmem>>, vector<16xf32>,
        %parallel_loop3A_475 = vector.shape_cast %parallel_loop3A_474 : vector<16xf32> to vector<16xf32>
        %parallel_loop3A_476 = arith.constant 768 : i32
        %parallel_loop3A_477 = arith.addi %parallel_loop3A_476, %parallel_loop3A_472 : i32
        %parallel_loop3A_478 = arith.index_cast %parallel_loop3A_477 : i32 to index
        %parallel_loop3A_479 = tpu.vector_load %arg11[%parallel_loop3A_478] {strides = array<i32>} : memref<1536xf32, #tpu.memory_space<vmem>>, vector<16xf32>,
        %parallel_loop3A_480 = vector.shape_cast %parallel_loop3A_479 : vector<16xf32> to vector<16xf32>
        %parallel_loop3A_481 = arith.constant 4 : i32
        %parallel_loop3A_482 = arith.index_cast %rem3A_129 : i32 to index
        %parallel_loop3A_483 = arith.index_cast %parallel_loop3A_481 : i32 to index
        %parallel_loop3A_484 = arith.index_cast %parallel_loop3A_472 : i32 to index
        %parallel_loop3A_485 = tpu.vector_load %arg12[%parallel_loop3A_482, %parallel_loop3A_483, %parallel_loop3A_484] {strides = array<i32>} : memref<2x32x768xf32, #tpu.memory_space<vmem>>, vector<1x1x16xf32>,
        %parallel_loop3A_486 = vector.shape_cast %parallel_loop3A_485 : vector<1x1x16xf32> to vector<16xf32>
        %parallel_loop3A_487 = arith.constant 768 : i32
        %parallel_loop3A_488 = arith.addi %parallel_loop3A_487, %parallel_loop3A_472 : i32
        %parallel_loop3A_489 = arith.index_cast %rem3A_129 : i32 to index
        %parallel_loop3A_490 = arith.index_cast %parallel_loop3A_488 : i32 to index
        %parallel_loop3A_491 = tpu.vector_load %arg10[%parallel_loop3A_489, %parallel_loop3A_490] {strides = array<i32>} : memref<2x7168xf32, #tpu.memory_space<vmem>>, vector<1x16xf32>,
        %parallel_loop3A_492 = vector.shape_cast %parallel_loop3A_491 : vector<1x16xf32> to vector<16xf32>
        %parallel_loop3A_493 = arith.addf %parallel_loop3A_486, %parallel_loop3A_492 : vector<16xf32>
        %parallel_loop3A_494 = arith.mulf %parallel_loop3A_463, %parallel_loop3A_475 : vector<16xf32>
        %parallel_loop3A_495 = arith.addf %parallel_loop3A_493, %parallel_loop3A_494 : vector<16xf32>
        %parallel_loop3A_496 = arith.mulf %parallel_loop3A_467, %parallel_loop3A_480 : vector<16xf32>
        %parallel_loop3A_497 = arith.addf %parallel_loop3A_495, %parallel_loop3A_496 : vector<16xf32>
        %parallel_loop3A_498 = arith.constant 4 : i32
        %parallel_loop3A_499 = arith.index_cast %rem3A_129 : i32 to index
        %parallel_loop3A_500 = arith.index_cast %parallel_loop3A_498 : i32 to index
        %parallel_loop3A_501 = arith.index_cast %parallel_loop3A_472 : i32 to index
        %parallel_loop3A_502 = tpu.vector_load %arg13[%parallel_loop3A_499, %parallel_loop3A_500, %parallel_loop3A_501] {strides = array<i32>} : memref<2x32x768xf32, #tpu.memory_space<vmem>>, vector<1x1x16xf32>,
        %parallel_loop3A_503 = vector.shape_cast %parallel_loop3A_502 : vector<1x1x16xf32> to vector<16xf32>
        %parallel_loop3A_504 = vector.shape_cast %parallel_loop3A_497 : vector<16xf32> to vector<1x1x16xf32>
        tpu.vector_store %arg13[%parallel_loop3A_499, %parallel_loop3A_500, %parallel_loop3A_501], %parallel_loop3A_504 {strides = array<i32>} : memref<2x32x768xf32, #tpu.memory_space<vmem>>, vector<1x1x16xf32>,
        %parallel_loop3A_505 = arith.constant 5 : i32
        %parallel_loop3A_506 = arith.index_cast %rem3A_129 : i32 to index
        %parallel_loop3A_507 = arith.index_cast %parallel_loop3A_505 : i32 to index
        %parallel_loop3A_508 = arith.index_cast %parallel_loop3A_472 : i32 to index
        %parallel_loop3A_509 = tpu.vector_load %arg12[%parallel_loop3A_506, %parallel_loop3A_507, %parallel_loop3A_508] {strides = array<i32>} : memref<2x32x768xf32, #tpu.memory_space<vmem>>, vector<1x1x16xf32>,
        %parallel_loop3A_510 = vector.shape_cast %parallel_loop3A_509 : vector<1x1x16xf32> to vector<16xf32>
        %parallel_loop3A_511 = arith.constant 768 : i32
        %parallel_loop3A_512 = arith.addi %parallel_loop3A_511, %parallel_loop3A_472 : i32
        %parallel_loop3A_513 = arith.index_cast %rem3A_129 : i32 to index
        %parallel_loop3A_514 = arith.index_cast %parallel_loop3A_512 : i32 to index
        %parallel_loop3A_515 = tpu.vector_load %arg10[%parallel_loop3A_513, %parallel_loop3A_514] {strides = array<i32>} : memref<2x7168xf32, #tpu.memory_space<vmem>>, vector<1x16xf32>,
        %parallel_loop3A_516 = vector.shape_cast %parallel_loop3A_515 : vector<1x16xf32> to vector<16xf32>
        %parallel_loop3A_517 = arith.addf %parallel_loop3A_510, %parallel_loop3A_516 : vector<16xf32>
        %parallel_loop3A_518 = arith.mulf %parallel_loop3A_464, %parallel_loop3A_475 : vector<16xf32>
        %parallel_loop3A_519 = arith.addf %parallel_loop3A_517, %parallel_loop3A_518 : vector<16xf32>
        %parallel_loop3A_520 = arith.mulf %parallel_loop3A_468, %parallel_loop3A_480 : vector<16xf32>
        %parallel_loop3A_521 = arith.addf %parallel_loop3A_519, %parallel_loop3A_520 : vector<16xf32>
        %parallel_loop3A_522 = arith.constant 5 : i32
        %parallel_loop3A_523 = arith.index_cast %rem3A_129 : i32 to index
        %parallel_loop3A_524 = arith.index_cast %parallel_loop3A_522 : i32 to index
        %parallel_loop3A_525 = arith.index_cast %parallel_loop3A_472 : i32 to index
        %parallel_loop3A_526 = tpu.vector_load %arg13[%parallel_loop3A_523, %parallel_loop3A_524, %parallel_loop3A_525] {strides = array<i32>} : memref<2x32x768xf32, #tpu.memory_space<vmem>>, vector<1x1x16xf32>,
        %parallel_loop3A_527 = vector.shape_cast %parallel_loop3A_526 : vector<1x1x16xf32> to vector<16xf32>
        %parallel_loop3A_528 = vector.shape_cast %parallel_loop3A_521 : vector<16xf32> to vector<1x1x16xf32>
        tpu.vector_store %arg13[%parallel_loop3A_523, %parallel_loop3A_524, %parallel_loop3A_525], %parallel_loop3A_528 {strides = array<i32>} : memref<2x32x768xf32, #tpu.memory_space<vmem>>, vector<1x1x16xf32>,
        %parallel_loop3A_529 = arith.constant 6 : i32
        %parallel_loop3A_530 = arith.index_cast %rem3A_129 : i32 to index
        %parallel_loop3A_531 = arith.index_cast %parallel_loop3A_529 : i32 to index
        %parallel_loop3A_532 = arith.index_cast %parallel_loop3A_472 : i32 to index
        %parallel_loop3A_533 = tpu.vector_load %arg12[%parallel_loop3A_530, %parallel_loop3A_531, %parallel_loop3A_532] {strides = array<i32>} : memref<2x32x768xf32, #tpu.memory_space<vmem>>, vector<1x1x16xf32>,
        %parallel_loop3A_534 = vector.shape_cast %parallel_loop3A_533 : vector<1x1x16xf32> to vector<16xf32>
        %parallel_loop3A_535 = arith.constant 768 : i32
        %parallel_loop3A_536 = arith.addi %parallel_loop3A_535, %parallel_loop3A_472 : i32
        %parallel_loop3A_537 = arith.index_cast %rem3A_129 : i32 to index
        %parallel_loop3A_538 = arith.index_cast %parallel_loop3A_536 : i32 to index
        %parallel_loop3A_539 = tpu.vector_load %arg10[%parallel_loop3A_537, %parallel_loop3A_538] {strides = array<i32>} : memref<2x7168xf32, #tpu.memory_space<vmem>>, vector<1x16xf32>,
        %parallel_loop3A_540 = vector.shape_cast %parallel_loop3A_539 : vector<1x16xf32> to vector<16xf32>
        %parallel_loop3A_541 = arith.addf %parallel_loop3A_534, %parallel_loop3A_540 : vector<16xf32>
        %parallel_loop3A_542 = arith.mulf %parallel_loop3A_465, %parallel_loop3A_475 : vector<16xf32>
        %parallel_loop3A_543 = arith.addf %parallel_loop3A_541, %parallel_loop3A_542 : vector<16xf32>
        %parallel_loop3A_544 = arith.mulf %parallel_loop3A_469, %parallel_loop3A_480 : vector<16xf32>
        %parallel_loop3A_545 = arith.addf %parallel_loop3A_543, %parallel_loop3A_544 : vector<16xf32>
        %parallel_loop3A_546 = arith.constant 6 : i32
        %parallel_loop3A_547 = arith.index_cast %rem3A_129 : i32 to index
        %parallel_loop3A_548 = arith.index_cast %parallel_loop3A_546 : i32 to index
        %parallel_loop3A_549 = arith.index_cast %parallel_loop3A_472 : i32 to index
        %parallel_loop3A_550 = tpu.vector_load %arg13[%parallel_loop3A_547, %parallel_loop3A_548, %parallel_loop3A_549] {strides = array<i32>} : memref<2x32x768xf32, #tpu.memory_space<vmem>>, vector<1x1x16xf32>,
        %parallel_loop3A_551 = vector.shape_cast %parallel_loop3A_550 : vector<1x1x16xf32> to vector<16xf32>
        %parallel_loop3A_552 = vector.shape_cast %parallel_loop3A_545 : vector<16xf32> to vector<1x1x16xf32>
        tpu.vector_store %arg13[%parallel_loop3A_547, %parallel_loop3A_548, %parallel_loop3A_549], %parallel_loop3A_552 {strides = array<i32>} : memref<2x32x768xf32, #tpu.memory_space<vmem>>, vector<1x1x16xf32>,
        %parallel_loop3A_553 = arith.constant 7 : i32
        %parallel_loop3A_554 = arith.index_cast %rem3A_129 : i32 to index
        %parallel_loop3A_555 = arith.index_cast %parallel_loop3A_553 : i32 to index
        %parallel_loop3A_556 = arith.index_cast %parallel_loop3A_472 : i32 to index
        %parallel_loop3A_557 = tpu.vector_load %arg12[%parallel_loop3A_554, %parallel_loop3A_555, %parallel_loop3A_556] {strides = array<i32>} : memref<2x32x768xf32, #tpu.memory_space<vmem>>, vector<1x1x16xf32>,
        %parallel_loop3A_558 = vector.shape_cast %parallel_loop3A_557 : vector<1x1x16xf32> to vector<16xf32>
        %parallel_loop3A_559 = arith.constant 768 : i32
        %parallel_loop3A_560 = arith.addi %parallel_loop3A_559, %parallel_loop3A_472 : i32
        %parallel_loop3A_561 = arith.index_cast %rem3A_129 : i32 to index
        %parallel_loop3A_562 = arith.index_cast %parallel_loop3A_560 : i32 to index
        %parallel_loop3A_563 = tpu.vector_load %arg10[%parallel_loop3A_561, %parallel_loop3A_562] {strides = array<i32>} : memref<2x7168xf32, #tpu.memory_space<vmem>>, vector<1x16xf32>,
        %parallel_loop3A_564 = vector.shape_cast %parallel_loop3A_563 : vector<1x16xf32> to vector<16xf32>
        %parallel_loop3A_565 = arith.addf %parallel_loop3A_558, %parallel_loop3A_564 : vector<16xf32>
        %parallel_loop3A_566 = arith.mulf %parallel_loop3A_466, %parallel_loop3A_475 : vector<16xf32>
        %parallel_loop3A_567 = arith.addf %parallel_loop3A_565, %parallel_loop3A_566 : vector<16xf32>
        %parallel_loop3A_568 = arith.mulf %parallel_loop3A_470, %parallel_loop3A_480 : vector<16xf32>
        %parallel_loop3A_569 = arith.addf %parallel_loop3A_567, %parallel_loop3A_568 : vector<16xf32>
        %parallel_loop3A_570 = arith.constant 7 : i32
        %parallel_loop3A_571 = arith.index_cast %rem3A_129 : i32 to index
        %parallel_loop3A_572 = arith.index_cast %parallel_loop3A_570 : i32 to index
        %parallel_loop3A_573 = arith.index_cast %parallel_loop3A_472 : i32 to index
        %parallel_loop3A_574 = tpu.vector_load %arg13[%parallel_loop3A_571, %parallel_loop3A_572, %parallel_loop3A_573] {strides = array<i32>} : memref<2x32x768xf32, #tpu.memory_space<vmem>>, vector<1x1x16xf32>,
        %parallel_loop3A_575 = vector.shape_cast %parallel_loop3A_574 : vector<1x1x16xf32> to vector<16xf32>
        %parallel_loop3A_576 = vector.shape_cast %parallel_loop3A_569 : vector<16xf32> to vector<1x1x16xf32>
        tpu.vector_store %arg13[%parallel_loop3A_571, %parallel_loop3A_572, %parallel_loop3A_573], %parallel_loop3A_576 {strides = array<i32>} : memref<2x32x768xf32, #tpu.memory_space<vmem>>, vector<1x1x16xf32>,
        scf.yield %parallel_loop3A_463, %parallel_loop3A_464, %parallel_loop3A_465, %parallel_loop3A_466, %parallel_loop3A_467, %parallel_loop3A_468, %parallel_loop3A_469, %parallel_loop3A_470 : vector<16xf32>, vector<16xf32>, vector<16xf32>, vector<16xf32>, vector<16xf32>, vector<16xf32>, vector<16xf32>, vector<16xf32>
      } {sc.loop_unroll_factor = 3 : i64, sc.parallel_access}
      %get3A_228 = arith.index_cast %rem3A_129 : i32 to index
      %get3A_229 = arith.constant 6400 : index
      %get3A_230 = tpu.vector_load %arg10[%get3A_228, %get3A_229] {strides = array<i32>} : memref<2x7168xf32, #tpu.memory_space<vmem>>, vector<1x16xf32>,
      %get3A_231 = vector.shape_cast %get3A_230 : vector<1x16xf32> to vector<16xf32>
      %get3A_232 = arith.index_cast %rem3A_129 : i32 to index
      %get3A_233 = arith.constant 6432 : index
      %get3A_234 = tpu.vector_load %arg10[%get3A_232, %get3A_233] {strides = array<i32>} : memref<2x7168xf32, #tpu.memory_space<vmem>>, vector<1x16xf32>,
      %get3A_235 = vector.shape_cast %get3A_234 : vector<1x16xf32> to vector<16xf32>
      %get3A_236 = arith.index_cast %rem3A_129 : i32 to index
      %get3A_237 = arith.constant 6464 : index
      %get3A_238 = tpu.vector_load %arg10[%get3A_236, %get3A_237] {strides = array<i32>} : memref<2x7168xf32, #tpu.memory_space<vmem>>, vector<1x16xf32>,
      %get3A_239 = vector.shape_cast %get3A_238 : vector<1x16xf32> to vector<16xf32>
      %get3A_240 = arith.index_cast %rem3A_129 : i32 to index
      %get3A_241 = arith.constant 6496 : index
      %get3A_242 = tpu.vector_load %arg10[%get3A_240, %get3A_241] {strides = array<i32>} : memref<2x7168xf32, #tpu.memory_space<vmem>>, vector<1x16xf32>,
      %get3A_243 = vector.shape_cast %get3A_242 : vector<1x16xf32> to vector<16xf32>
      %get3A_244 = arith.index_cast %rem3A_129 : i32 to index
      %get3A_245 = arith.constant 6416 : index
      %get3A_246 = tpu.vector_load %arg10[%get3A_244, %get3A_245] {strides = array<i32>} : memref<2x7168xf32, #tpu.memory_space<vmem>>, vector<1x16xf32>,
      %get3A_247 = vector.shape_cast %get3A_246 : vector<1x16xf32> to vector<16xf32>
      %get3A_248 = arith.index_cast %rem3A_129 : i32 to index
      %get3A_249 = arith.constant 6448 : index
      %get3A_250 = tpu.vector_load %arg10[%get3A_248, %get3A_249] {strides = array<i32>} : memref<2x7168xf32, #tpu.memory_space<vmem>>, vector<1x16xf32>,
      %get3A_251 = vector.shape_cast %get3A_250 : vector<1x16xf32> to vector<16xf32>
      %get3A_252 = arith.index_cast %rem3A_129 : i32 to index
      %get3A_253 = arith.constant 6480 : index
      %get3A_254 = tpu.vector_load %arg10[%get3A_252, %get3A_253] {strides = array<i32>} : memref<2x7168xf32, #tpu.memory_space<vmem>>, vector<1x16xf32>,
      %get3A_255 = vector.shape_cast %get3A_254 : vector<1x16xf32> to vector<16xf32>
      %get3A_256 = arith.index_cast %rem3A_129 : i32 to index
      %get3A_257 = arith.constant 6512 : index
      %get3A_258 = tpu.vector_load %arg10[%get3A_256, %get3A_257] {strides = array<i32>} : memref<2x7168xf32, #tpu.memory_space<vmem>>, vector<1x16xf32>,
      %get3A_259 = vector.shape_cast %get3A_258 : vector<1x16xf32> to vector<16xf32>
      %parallel_loop3A_260 = arith.constant 0 : i32
      %parallel_loop3A_261 = arith.constant 48 : i32
      %parallel_loop3A_262 = arith.constant 1 : i32
      %parallel_loop3A_263:8 = scf.for %parallel_loop3A_462 = %parallel_loop3A_260 to %parallel_loop3A_261 step %parallel_loop3A_262 iter_args(%parallel_loop3A_463 = %get3A_231, %parallel_loop3A_464 = %get3A_235, %parallel_loop3A_465 = %get3A_239, %parallel_loop3A_466 = %get3A_243, %parallel_loop3A_467 = %get3A_247, %parallel_loop3A_468 = %get3A_251, %parallel_loop3A_469 = %get3A_255, %parallel_loop3A_470 = %get3A_259) -> (vector<16xf32>, vector<16xf32>, vector<16xf32>, vector<16xf32>, vector<16xf32>, vector<16xf32>, vector<16xf32>, vector<16xf32>)  : i32 {
        %parallel_loop3A_471 = arith.constant 16 : i32
        %parallel_loop3A_472 = arith.muli %parallel_loop3A_462, %parallel_loop3A_471 : i32
        %parallel_loop3A_473 = arith.index_cast %parallel_loop3A_472 : i32 to index
        %parallel_loop3A_474 = tpu.vector_load %arg11[%parallel_loop3A_473] {strides = array<i32>} : memref<1536xf32, #tpu.memory_space<vmem>>, vector<16xf32>,
        %parallel_loop3A_475 = vector.shape_cast %parallel_loop3A_474 : vector<16xf32> to vector<16xf32>
        %parallel_loop3A_476 = arith.constant 768 : i32
        %parallel_loop3A_477 = arith.addi %parallel_loop3A_476, %parallel_loop3A_472 : i32
        %parallel_loop3A_478 = arith.index_cast %parallel_loop3A_477 : i32 to index
        %parallel_loop3A_479 = tpu.vector_load %arg11[%parallel_loop3A_478] {strides = array<i32>} : memref<1536xf32, #tpu.memory_space<vmem>>, vector<16xf32>,
        %parallel_loop3A_480 = vector.shape_cast %parallel_loop3A_479 : vector<16xf32> to vector<16xf32>
        %parallel_loop3A_481 = arith.constant 8 : i32
        %parallel_loop3A_482 = arith.index_cast %rem3A_129 : i32 to index
        %parallel_loop3A_483 = arith.index_cast %parallel_loop3A_481 : i32 to index
        %parallel_loop3A_484 = arith.index_cast %parallel_loop3A_472 : i32 to index
        %parallel_loop3A_485 = tpu.vector_load %arg12[%parallel_loop3A_482, %parallel_loop3A_483, %parallel_loop3A_484] {strides = array<i32>} : memref<2x32x768xf32, #tpu.memory_space<vmem>>, vector<1x1x16xf32>,
        %parallel_loop3A_486 = vector.shape_cast %parallel_loop3A_485 : vector<1x1x16xf32> to vector<16xf32>
        %parallel_loop3A_487 = arith.constant 1536 : i32
        %parallel_loop3A_488 = arith.addi %parallel_loop3A_487, %parallel_loop3A_472 : i32
        %parallel_loop3A_489 = arith.index_cast %rem3A_129 : i32 to index
        %parallel_loop3A_490 = arith.index_cast %parallel_loop3A_488 : i32 to index
        %parallel_loop3A_491 = tpu.vector_load %arg10[%parallel_loop3A_489, %parallel_loop3A_490] {strides = array<i32>} : memref<2x7168xf32, #tpu.memory_space<vmem>>, vector<1x16xf32>,
        %parallel_loop3A_492 = vector.shape_cast %parallel_loop3A_491 : vector<1x16xf32> to vector<16xf32>
        %parallel_loop3A_493 = arith.addf %parallel_loop3A_486, %parallel_loop3A_492 : vector<16xf32>
        %parallel_loop3A_494 = arith.mulf %parallel_loop3A_463, %parallel_loop3A_475 : vector<16xf32>
        %parallel_loop3A_495 = arith.addf %parallel_loop3A_493, %parallel_loop3A_494 : vector<16xf32>
        %parallel_loop3A_496 = arith.mulf %parallel_loop3A_467, %parallel_loop3A_480 : vector<16xf32>
        %parallel_loop3A_497 = arith.addf %parallel_loop3A_495, %parallel_loop3A_496 : vector<16xf32>
        %parallel_loop3A_498 = arith.constant 8 : i32
        %parallel_loop3A_499 = arith.index_cast %rem3A_129 : i32 to index
        %parallel_loop3A_500 = arith.index_cast %parallel_loop3A_498 : i32 to index
        %parallel_loop3A_501 = arith.index_cast %parallel_loop3A_472 : i32 to index
        %parallel_loop3A_502 = tpu.vector_load %arg13[%parallel_loop3A_499, %parallel_loop3A_500, %parallel_loop3A_501] {strides = array<i32>} : memref<2x32x768xf32, #tpu.memory_space<vmem>>, vector<1x1x16xf32>,
        %parallel_loop3A_503 = vector.shape_cast %parallel_loop3A_502 : vector<1x1x16xf32> to vector<16xf32>
        %parallel_loop3A_504 = vector.shape_cast %parallel_loop3A_497 : vector<16xf32> to vector<1x1x16xf32>
        tpu.vector_store %arg13[%parallel_loop3A_499, %parallel_loop3A_500, %parallel_loop3A_501], %parallel_loop3A_504 {strides = array<i32>} : memref<2x32x768xf32, #tpu.memory_space<vmem>>, vector<1x1x16xf32>,
        %parallel_loop3A_505 = arith.constant 9 : i32
        %parallel_loop3A_506 = arith.index_cast %rem3A_129 : i32 to index
        %parallel_loop3A_507 = arith.index_cast %parallel_loop3A_505 : i32 to index
        %parallel_loop3A_508 = arith.index_cast %parallel_loop3A_472 : i32 to index
        %parallel_loop3A_509 = tpu.vector_load %arg12[%parallel_loop3A_506, %parallel_loop3A_507, %parallel_loop3A_508] {strides = array<i32>} : memref<2x32x768xf32, #tpu.memory_space<vmem>>, vector<1x1x16xf32>,
        %parallel_loop3A_510 = vector.shape_cast %parallel_loop3A_509 : vector<1x1x16xf32> to vector<16xf32>
        %parallel_loop3A_511 = arith.constant 1536 : i32
        %parallel_loop3A_512 = arith.addi %parallel_loop3A_511, %parallel_loop3A_472 : i32
        %parallel_loop3A_513 = arith.index_cast %rem3A_129 : i32 to index
        %parallel_loop3A_514 = arith.index_cast %parallel_loop3A_512 : i32 to index
        %parallel_loop3A_515 = tpu.vector_load %arg10[%parallel_loop3A_513, %parallel_loop3A_514] {strides = array<i32>} : memref<2x7168xf32, #tpu.memory_space<vmem>>, vector<1x16xf32>,
        %parallel_loop3A_516 = vector.shape_cast %parallel_loop3A_515 : vector<1x16xf32> to vector<16xf32>
        %parallel_loop3A_517 = arith.addf %parallel_loop3A_510, %parallel_loop3A_516 : vector<16xf32>
        %parallel_loop3A_518 = arith.mulf %parallel_loop3A_464, %parallel_loop3A_475 : vector<16xf32>
        %parallel_loop3A_519 = arith.addf %parallel_loop3A_517, %parallel_loop3A_518 : vector<16xf32>
        %parallel_loop3A_520 = arith.mulf %parallel_loop3A_468, %parallel_loop3A_480 : vector<16xf32>
        %parallel_loop3A_521 = arith.addf %parallel_loop3A_519, %parallel_loop3A_520 : vector<16xf32>
        %parallel_loop3A_522 = arith.constant 9 : i32
        %parallel_loop3A_523 = arith.index_cast %rem3A_129 : i32 to index
        %parallel_loop3A_524 = arith.index_cast %parallel_loop3A_522 : i32 to index
        %parallel_loop3A_525 = arith.index_cast %parallel_loop3A_472 : i32 to index
        %parallel_loop3A_526 = tpu.vector_load %arg13[%parallel_loop3A_523, %parallel_loop3A_524, %parallel_loop3A_525] {strides = array<i32>} : memref<2x32x768xf32, #tpu.memory_space<vmem>>, vector<1x1x16xf32>,
        %parallel_loop3A_527 = vector.shape_cast %parallel_loop3A_526 : vector<1x1x16xf32> to vector<16xf32>
        %parallel_loop3A_528 = vector.shape_cast %parallel_loop3A_521 : vector<16xf32> to vector<1x1x16xf32>
        tpu.vector_store %arg13[%parallel_loop3A_523, %parallel_loop3A_524, %parallel_loop3A_525], %parallel_loop3A_528 {strides = array<i32>} : memref<2x32x768xf32, #tpu.memory_space<vmem>>, vector<1x1x16xf32>,
        %parallel_loop3A_529 = arith.constant 10 : i32
        %parallel_loop3A_530 = arith.index_cast %rem3A_129 : i32 to index
        %parallel_loop3A_531 = arith.index_cast %parallel_loop3A_529 : i32 to index
        %parallel_loop3A_532 = arith.index_cast %parallel_loop3A_472 : i32 to index
        %parallel_loop3A_533 = tpu.vector_load %arg12[%parallel_loop3A_530, %parallel_loop3A_531, %parallel_loop3A_532] {strides = array<i32>} : memref<2x32x768xf32, #tpu.memory_space<vmem>>, vector<1x1x16xf32>,
        %parallel_loop3A_534 = vector.shape_cast %parallel_loop3A_533 : vector<1x1x16xf32> to vector<16xf32>
        %parallel_loop3A_535 = arith.constant 1536 : i32
        %parallel_loop3A_536 = arith.addi %parallel_loop3A_535, %parallel_loop3A_472 : i32
        %parallel_loop3A_537 = arith.index_cast %rem3A_129 : i32 to index
        %parallel_loop3A_538 = arith.index_cast %parallel_loop3A_536 : i32 to index
        %parallel_loop3A_539 = tpu.vector_load %arg10[%parallel_loop3A_537, %parallel_loop3A_538] {strides = array<i32>} : memref<2x7168xf32, #tpu.memory_space<vmem>>, vector<1x16xf32>,
        %parallel_loop3A_540 = vector.shape_cast %parallel_loop3A_539 : vector<1x16xf32> to vector<16xf32>
        %parallel_loop3A_541 = arith.addf %parallel_loop3A_534, %parallel_loop3A_540 : vector<16xf32>
        %parallel_loop3A_542 = arith.mulf %parallel_loop3A_465, %parallel_loop3A_475 : vector<16xf32>
        %parallel_loop3A_543 = arith.addf %parallel_loop3A_541, %parallel_loop3A_542 : vector<16xf32>
        %parallel_loop3A_544 = arith.mulf %parallel_loop3A_469, %parallel_loop3A_480 : vector<16xf32>
        %parallel_loop3A_545 = arith.addf %parallel_loop3A_543, %parallel_loop3A_544 : vector<16xf32>
        %parallel_loop3A_546 = arith.constant 10 : i32
        %parallel_loop3A_547 = arith.index_cast %rem3A_129 : i32 to index
        %parallel_loop3A_548 = arith.index_cast %parallel_loop3A_546 : i32 to index
        %parallel_loop3A_549 = arith.index_cast %parallel_loop3A_472 : i32 to index
        %parallel_loop3A_550 = tpu.vector_load %arg13[%parallel_loop3A_547, %parallel_loop3A_548, %parallel_loop3A_549] {strides = array<i32>} : memref<2x32x768xf32, #tpu.memory_space<vmem>>, vector<1x1x16xf32>,
        %parallel_loop3A_551 = vector.shape_cast %parallel_loop3A_550 : vector<1x1x16xf32> to vector<16xf32>
        %parallel_loop3A_552 = vector.shape_cast %parallel_loop3A_545 : vector<16xf32> to vector<1x1x16xf32>
        tpu.vector_store %arg13[%parallel_loop3A_547, %parallel_loop3A_548, %parallel_loop3A_549], %parallel_loop3A_552 {strides = array<i32>} : memref<2x32x768xf32, #tpu.memory_space<vmem>>, vector<1x1x16xf32>,
        %parallel_loop3A_553 = arith.constant 11 : i32
        %parallel_loop3A_554 = arith.index_cast %rem3A_129 : i32 to index
        %parallel_loop3A_555 = arith.index_cast %parallel_loop3A_553 : i32 to index
        %parallel_loop3A_556 = arith.index_cast %parallel_loop3A_472 : i32 to index
        %parallel_loop3A_557 = tpu.vector_load %arg12[%parallel_loop3A_554, %parallel_loop3A_555, %parallel_loop3A_556] {strides = array<i32>} : memref<2x32x768xf32, #tpu.memory_space<vmem>>, vector<1x1x16xf32>,
        %parallel_loop3A_558 = vector.shape_cast %parallel_loop3A_557 : vector<1x1x16xf32> to vector<16xf32>
        %parallel_loop3A_559 = arith.constant 1536 : i32
        %parallel_loop3A_560 = arith.addi %parallel_loop3A_559, %parallel_loop3A_472 : i32
        %parallel_loop3A_561 = arith.index_cast %rem3A_129 : i32 to index
        %parallel_loop3A_562 = arith.index_cast %parallel_loop3A_560 : i32 to index
        %parallel_loop3A_563 = tpu.vector_load %arg10[%parallel_loop3A_561, %parallel_loop3A_562] {strides = array<i32>} : memref<2x7168xf32, #tpu.memory_space<vmem>>, vector<1x16xf32>,
        %parallel_loop3A_564 = vector.shape_cast %parallel_loop3A_563 : vector<1x16xf32> to vector<16xf32>
        %parallel_loop3A_565 = arith.addf %parallel_loop3A_558, %parallel_loop3A_564 : vector<16xf32>
        %parallel_loop3A_566 = arith.mulf %parallel_loop3A_466, %parallel_loop3A_475 : vector<16xf32>
        %parallel_loop3A_567 = arith.addf %parallel_loop3A_565, %parallel_loop3A_566 : vector<16xf32>
        %parallel_loop3A_568 = arith.mulf %parallel_loop3A_470, %parallel_loop3A_480 : vector<16xf32>
        %parallel_loop3A_569 = arith.addf %parallel_loop3A_567, %parallel_loop3A_568 : vector<16xf32>
        %parallel_loop3A_570 = arith.constant 11 : i32
        %parallel_loop3A_571 = arith.index_cast %rem3A_129 : i32 to index
        %parallel_loop3A_572 = arith.index_cast %parallel_loop3A_570 : i32 to index
        %parallel_loop3A_573 = arith.index_cast %parallel_loop3A_472 : i32 to index
        %parallel_loop3A_574 = tpu.vector_load %arg13[%parallel_loop3A_571, %parallel_loop3A_572, %parallel_loop3A_573] {strides = array<i32>} : memref<2x32x768xf32, #tpu.memory_space<vmem>>, vector<1x1x16xf32>,
        %parallel_loop3A_575 = vector.shape_cast %parallel_loop3A_574 : vector<1x1x16xf32> to vector<16xf32>
        %parallel_loop3A_576 = vector.shape_cast %parallel_loop3A_569 : vector<16xf32> to vector<1x1x16xf32>
        tpu.vector_store %arg13[%parallel_loop3A_571, %parallel_loop3A_572, %parallel_loop3A_573], %parallel_loop3A_576 {strides = array<i32>} : memref<2x32x768xf32, #tpu.memory_space<vmem>>, vector<1x1x16xf32>,
        scf.yield %parallel_loop3A_463, %parallel_loop3A_464, %parallel_loop3A_465, %parallel_loop3A_466, %parallel_loop3A_467, %parallel_loop3A_468, %parallel_loop3A_469, %parallel_loop3A_470 : vector<16xf32>, vector<16xf32>, vector<16xf32>, vector<16xf32>, vector<16xf32>, vector<16xf32>, vector<16xf32>, vector<16xf32>
      } {sc.loop_unroll_factor = 3 : i64, sc.parallel_access}
      %get3A_264 = arith.index_cast %rem3A_129 : i32 to index
      %get3A_265 = arith.constant 6528 : index
      %get3A_266 = tpu.vector_load %arg10[%get3A_264, %get3A_265] {strides = array<i32>} : memref<2x7168xf32, #tpu.memory_space<vmem>>, vector<1x16xf32>,
      %get3A_267 = vector.shape_cast %get3A_266 : vector<1x16xf32> to vector<16xf32>
      %get3A_268 = arith.index_cast %rem3A_129 : i32 to index
      %get3A_269 = arith.constant 6560 : index
      %get3A_270 = tpu.vector_load %arg10[%get3A_268, %get3A_269] {strides = array<i32>} : memref<2x7168xf32, #tpu.memory_space<vmem>>, vector<1x16xf32>,
      %get3A_271 = vector.shape_cast %get3A_270 : vector<1x16xf32> to vector<16xf32>
      %get3A_272 = arith.index_cast %rem3A_129 : i32 to index
      %get3A_273 = arith.constant 6592 : index
      %get3A_274 = tpu.vector_load %arg10[%get3A_272, %get3A_273] {strides = array<i32>} : memref<2x7168xf32, #tpu.memory_space<vmem>>, vector<1x16xf32>,
      %get3A_275 = vector.shape_cast %get3A_274 : vector<1x16xf32> to vector<16xf32>
      %get3A_276 = arith.index_cast %rem3A_129 : i32 to index
      %get3A_277 = arith.constant 6624 : index
      %get3A_278 = tpu.vector_load %arg10[%get3A_276, %get3A_277] {strides = array<i32>} : memref<2x7168xf32, #tpu.memory_space<vmem>>, vector<1x16xf32>,
      %get3A_279 = vector.shape_cast %get3A_278 : vector<1x16xf32> to vector<16xf32>
      %get3A_280 = arith.index_cast %rem3A_129 : i32 to index
      %get3A_281 = arith.constant 6544 : index
      %get3A_282 = tpu.vector_load %arg10[%get3A_280, %get3A_281] {strides = array<i32>} : memref<2x7168xf32, #tpu.memory_space<vmem>>, vector<1x16xf32>,
      %get3A_283 = vector.shape_cast %get3A_282 : vector<1x16xf32> to vector<16xf32>
      %get3A_284 = arith.index_cast %rem3A_129 : i32 to index
      %get3A_285 = arith.constant 6576 : index
      %get3A_286 = tpu.vector_load %arg10[%get3A_284, %get3A_285] {strides = array<i32>} : memref<2x7168xf32, #tpu.memory_space<vmem>>, vector<1x16xf32>,
      %get3A_287 = vector.shape_cast %get3A_286 : vector<1x16xf32> to vector<16xf32>
      %get3A_288 = arith.index_cast %rem3A_129 : i32 to index
      %get3A_289 = arith.constant 6608 : index
      %get3A_290 = tpu.vector_load %arg10[%get3A_288, %get3A_289] {strides = array<i32>} : memref<2x7168xf32, #tpu.memory_space<vmem>>, vector<1x16xf32>,
      %get3A_291 = vector.shape_cast %get3A_290 : vector<1x16xf32> to vector<16xf32>
      %get3A_292 = arith.index_cast %rem3A_129 : i32 to index
      %get3A_293 = arith.constant 6640 : index
      %get3A_294 = tpu.vector_load %arg10[%get3A_292, %get3A_293] {strides = array<i32>} : memref<2x7168xf32, #tpu.memory_space<vmem>>, vector<1x16xf32>,
      %get3A_295 = vector.shape_cast %get3A_294 : vector<1x16xf32> to vector<16xf32>
      %parallel_loop3A_296 = arith.constant 0 : i32
      %parallel_loop3A_297 = arith.constant 48 : i32
      %parallel_loop3A_298 = arith.constant 1 : i32
      %parallel_loop3A_299:8 = scf.for %parallel_loop3A_462 = %parallel_loop3A_296 to %parallel_loop3A_297 step %parallel_loop3A_298 iter_args(%parallel_loop3A_463 = %get3A_267, %parallel_loop3A_464 = %get3A_271, %parallel_loop3A_465 = %get3A_275, %parallel_loop3A_466 = %get3A_279, %parallel_loop3A_467 = %get3A_283, %parallel_loop3A_468 = %get3A_287, %parallel_loop3A_469 = %get3A_291, %parallel_loop3A_470 = %get3A_295) -> (vector<16xf32>, vector<16xf32>, vector<16xf32>, vector<16xf32>, vector<16xf32>, vector<16xf32>, vector<16xf32>, vector<16xf32>)  : i32 {
        %parallel_loop3A_471 = arith.constant 16 : i32
        %parallel_loop3A_472 = arith.muli %parallel_loop3A_462, %parallel_loop3A_471 : i32
        %parallel_loop3A_473 = arith.index_cast %parallel_loop3A_472 : i32 to index
        %parallel_loop3A_474 = tpu.vector_load %arg11[%parallel_loop3A_473] {strides = array<i32>} : memref<1536xf32, #tpu.memory_space<vmem>>, vector<16xf32>,
        %parallel_loop3A_475 = vector.shape_cast %parallel_loop3A_474 : vector<16xf32> to vector<16xf32>
        %parallel_loop3A_476 = arith.constant 768 : i32
        %parallel_loop3A_477 = arith.addi %parallel_loop3A_476, %parallel_loop3A_472 : i32
        %parallel_loop3A_478 = arith.index_cast %parallel_loop3A_477 : i32 to index
        %parallel_loop3A_479 = tpu.vector_load %arg11[%parallel_loop3A_478] {strides = array<i32>} : memref<1536xf32, #tpu.memory_space<vmem>>, vector<16xf32>,
        %parallel_loop3A_480 = vector.shape_cast %parallel_loop3A_479 : vector<16xf32> to vector<16xf32>
        %parallel_loop3A_481 = arith.constant 12 : i32
        %parallel_loop3A_482 = arith.index_cast %rem3A_129 : i32 to index
        %parallel_loop3A_483 = arith.index_cast %parallel_loop3A_481 : i32 to index
        %parallel_loop3A_484 = arith.index_cast %parallel_loop3A_472 : i32 to index
        %parallel_loop3A_485 = tpu.vector_load %arg12[%parallel_loop3A_482, %parallel_loop3A_483, %parallel_loop3A_484] {strides = array<i32>} : memref<2x32x768xf32, #tpu.memory_space<vmem>>, vector<1x1x16xf32>,
        %parallel_loop3A_486 = vector.shape_cast %parallel_loop3A_485 : vector<1x1x16xf32> to vector<16xf32>
        %parallel_loop3A_487 = arith.constant 2304 : i32
        %parallel_loop3A_488 = arith.addi %parallel_loop3A_487, %parallel_loop3A_472 : i32
        %parallel_loop3A_489 = arith.index_cast %rem3A_129 : i32 to index
        %parallel_loop3A_490 = arith.index_cast %parallel_loop3A_488 : i32 to index
        %parallel_loop3A_491 = tpu.vector_load %arg10[%parallel_loop3A_489, %parallel_loop3A_490] {strides = array<i32>} : memref<2x7168xf32, #tpu.memory_space<vmem>>, vector<1x16xf32>,
        %parallel_loop3A_492 = vector.shape_cast %parallel_loop3A_491 : vector<1x16xf32> to vector<16xf32>
        %parallel_loop3A_493 = arith.addf %parallel_loop3A_486, %parallel_loop3A_492 : vector<16xf32>
        %parallel_loop3A_494 = arith.mulf %parallel_loop3A_463, %parallel_loop3A_475 : vector<16xf32>
        %parallel_loop3A_495 = arith.addf %parallel_loop3A_493, %parallel_loop3A_494 : vector<16xf32>
        %parallel_loop3A_496 = arith.mulf %parallel_loop3A_467, %parallel_loop3A_480 : vector<16xf32>
        %parallel_loop3A_497 = arith.addf %parallel_loop3A_495, %parallel_loop3A_496 : vector<16xf32>
        %parallel_loop3A_498 = arith.constant 12 : i32
        %parallel_loop3A_499 = arith.index_cast %rem3A_129 : i32 to index
        %parallel_loop3A_500 = arith.index_cast %parallel_loop3A_498 : i32 to index
        %parallel_loop3A_501 = arith.index_cast %parallel_loop3A_472 : i32 to index
        %parallel_loop3A_502 = tpu.vector_load %arg13[%parallel_loop3A_499, %parallel_loop3A_500, %parallel_loop3A_501] {strides = array<i32>} : memref<2x32x768xf32, #tpu.memory_space<vmem>>, vector<1x1x16xf32>,
        %parallel_loop3A_503 = vector.shape_cast %parallel_loop3A_502 : vector<1x1x16xf32> to vector<16xf32>
        %parallel_loop3A_504 = vector.shape_cast %parallel_loop3A_497 : vector<16xf32> to vector<1x1x16xf32>
        tpu.vector_store %arg13[%parallel_loop3A_499, %parallel_loop3A_500, %parallel_loop3A_501], %parallel_loop3A_504 {strides = array<i32>} : memref<2x32x768xf32, #tpu.memory_space<vmem>>, vector<1x1x16xf32>,
        %parallel_loop3A_505 = arith.constant 13 : i32
        %parallel_loop3A_506 = arith.index_cast %rem3A_129 : i32 to index
        %parallel_loop3A_507 = arith.index_cast %parallel_loop3A_505 : i32 to index
        %parallel_loop3A_508 = arith.index_cast %parallel_loop3A_472 : i32 to index
        %parallel_loop3A_509 = tpu.vector_load %arg12[%parallel_loop3A_506, %parallel_loop3A_507, %parallel_loop3A_508] {strides = array<i32>} : memref<2x32x768xf32, #tpu.memory_space<vmem>>, vector<1x1x16xf32>,
        %parallel_loop3A_510 = vector.shape_cast %parallel_loop3A_509 : vector<1x1x16xf32> to vector<16xf32>
        %parallel_loop3A_511 = arith.constant 2304 : i32
        %parallel_loop3A_512 = arith.addi %parallel_loop3A_511, %parallel_loop3A_472 : i32
        %parallel_loop3A_513 = arith.index_cast %rem3A_129 : i32 to index
        %parallel_loop3A_514 = arith.index_cast %parallel_loop3A_512 : i32 to index
        %parallel_loop3A_515 = tpu.vector_load %arg10[%parallel_loop3A_513, %parallel_loop3A_514] {strides = array<i32>} : memref<2x7168xf32, #tpu.memory_space<vmem>>, vector<1x16xf32>,
        %parallel_loop3A_516 = vector.shape_cast %parallel_loop3A_515 : vector<1x16xf32> to vector<16xf32>
        %parallel_loop3A_517 = arith.addf %parallel_loop3A_510, %parallel_loop3A_516 : vector<16xf32>
        %parallel_loop3A_518 = arith.mulf %parallel_loop3A_464, %parallel_loop3A_475 : vector<16xf32>
        %parallel_loop3A_519 = arith.addf %parallel_loop3A_517, %parallel_loop3A_518 : vector<16xf32>
        %parallel_loop3A_520 = arith.mulf %parallel_loop3A_468, %parallel_loop3A_480 : vector<16xf32>
        %parallel_loop3A_521 = arith.addf %parallel_loop3A_519, %parallel_loop3A_520 : vector<16xf32>
        %parallel_loop3A_522 = arith.constant 13 : i32
        %parallel_loop3A_523 = arith.index_cast %rem3A_129 : i32 to index
        %parallel_loop3A_524 = arith.index_cast %parallel_loop3A_522 : i32 to index
        %parallel_loop3A_525 = arith.index_cast %parallel_loop3A_472 : i32 to index
        %parallel_loop3A_526 = tpu.vector_load %arg13[%parallel_loop3A_523, %parallel_loop3A_524, %parallel_loop3A_525] {strides = array<i32>} : memref<2x32x768xf32, #tpu.memory_space<vmem>>, vector<1x1x16xf32>,
        %parallel_loop3A_527 = vector.shape_cast %parallel_loop3A_526 : vector<1x1x16xf32> to vector<16xf32>
        %parallel_loop3A_528 = vector.shape_cast %parallel_loop3A_521 : vector<16xf32> to vector<1x1x16xf32>
        tpu.vector_store %arg13[%parallel_loop3A_523, %parallel_loop3A_524, %parallel_loop3A_525], %parallel_loop3A_528 {strides = array<i32>} : memref<2x32x768xf32, #tpu.memory_space<vmem>>, vector<1x1x16xf32>,
        %parallel_loop3A_529 = arith.constant 14 : i32
        %parallel_loop3A_530 = arith.index_cast %rem3A_129 : i32 to index
        %parallel_loop3A_531 = arith.index_cast %parallel_loop3A_529 : i32 to index
        %parallel_loop3A_532 = arith.index_cast %parallel_loop3A_472 : i32 to index
        %parallel_loop3A_533 = tpu.vector_load %arg12[%parallel_loop3A_530, %parallel_loop3A_531, %parallel_loop3A_532] {strides = array<i32>} : memref<2x32x768xf32, #tpu.memory_space<vmem>>, vector<1x1x16xf32>,
        %parallel_loop3A_534 = vector.shape_cast %parallel_loop3A_533 : vector<1x1x16xf32> to vector<16xf32>
        %parallel_loop3A_535 = arith.constant 2304 : i32
        %parallel_loop3A_536 = arith.addi %parallel_loop3A_535, %parallel_loop3A_472 : i32
        %parallel_loop3A_537 = arith.index_cast %rem3A_129 : i32 to index
        %parallel_loop3A_538 = arith.index_cast %parallel_loop3A_536 : i32 to index
        %parallel_loop3A_539 = tpu.vector_load %arg10[%parallel_loop3A_537, %parallel_loop3A_538] {strides = array<i32>} : memref<2x7168xf32, #tpu.memory_space<vmem>>, vector<1x16xf32>,
        %parallel_loop3A_540 = vector.shape_cast %parallel_loop3A_539 : vector<1x16xf32> to vector<16xf32>
        %parallel_loop3A_541 = arith.addf %parallel_loop3A_534, %parallel_loop3A_540 : vector<16xf32>
        %parallel_loop3A_542 = arith.mulf %parallel_loop3A_465, %parallel_loop3A_475 : vector<16xf32>
        %parallel_loop3A_543 = arith.addf %parallel_loop3A_541, %parallel_loop3A_542 : vector<16xf32>
        %parallel_loop3A_544 = arith.mulf %parallel_loop3A_469, %parallel_loop3A_480 : vector<16xf32>
        %parallel_loop3A_545 = arith.addf %parallel_loop3A_543, %parallel_loop3A_544 : vector<16xf32>
        %parallel_loop3A_546 = arith.constant 14 : i32
        %parallel_loop3A_547 = arith.index_cast %rem3A_129 : i32 to index
        %parallel_loop3A_548 = arith.index_cast %parallel_loop3A_546 : i32 to index
        %parallel_loop3A_549 = arith.index_cast %parallel_loop3A_472 : i32 to index
        %parallel_loop3A_550 = tpu.vector_load %arg13[%parallel_loop3A_547, %parallel_loop3A_548, %parallel_loop3A_549] {strides = array<i32>} : memref<2x32x768xf32, #tpu.memory_space<vmem>>, vector<1x1x16xf32>,
        %parallel_loop3A_551 = vector.shape_cast %parallel_loop3A_550 : vector<1x1x16xf32> to vector<16xf32>
        %parallel_loop3A_552 = vector.shape_cast %parallel_loop3A_545 : vector<16xf32> to vector<1x1x16xf32>
        tpu.vector_store %arg13[%parallel_loop3A_547, %parallel_loop3A_548, %parallel_loop3A_549], %parallel_loop3A_552 {strides = array<i32>} : memref<2x32x768xf32, #tpu.memory_space<vmem>>, vector<1x1x16xf32>,
        %parallel_loop3A_553 = arith.constant 15 : i32
        %parallel_loop3A_554 = arith.index_cast %rem3A_129 : i32 to index
        %parallel_loop3A_555 = arith.index_cast %parallel_loop3A_553 : i32 to index
        %parallel_loop3A_556 = arith.index_cast %parallel_loop3A_472 : i32 to index
        %parallel_loop3A_557 = tpu.vector_load %arg12[%parallel_loop3A_554, %parallel_loop3A_555, %parallel_loop3A_556] {strides = array<i32>} : memref<2x32x768xf32, #tpu.memory_space<vmem>>, vector<1x1x16xf32>,
        %parallel_loop3A_558 = vector.shape_cast %parallel_loop3A_557 : vector<1x1x16xf32> to vector<16xf32>
        %parallel_loop3A_559 = arith.constant 2304 : i32
        %parallel_loop3A_560 = arith.addi %parallel_loop3A_559, %parallel_loop3A_472 : i32
        %parallel_loop3A_561 = arith.index_cast %rem3A_129 : i32 to index
        %parallel_loop3A_562 = arith.index_cast %parallel_loop3A_560 : i32 to index
        %parallel_loop3A_563 = tpu.vector_load %arg10[%parallel_loop3A_561, %parallel_loop3A_562] {strides = array<i32>} : memref<2x7168xf32, #tpu.memory_space<vmem>>, vector<1x16xf32>,
        %parallel_loop3A_564 = vector.shape_cast %parallel_loop3A_563 : vector<1x16xf32> to vector<16xf32>
        %parallel_loop3A_565 = arith.addf %parallel_loop3A_558, %parallel_loop3A_564 : vector<16xf32>
        %parallel_loop3A_566 = arith.mulf %parallel_loop3A_466, %parallel_loop3A_475 : vector<16xf32>
        %parallel_loop3A_567 = arith.addf %parallel_loop3A_565, %parallel_loop3A_566 : vector<16xf32>
        %parallel_loop3A_568 = arith.mulf %parallel_loop3A_470, %parallel_loop3A_480 : vector<16xf32>
        %parallel_loop3A_569 = arith.addf %parallel_loop3A_567, %parallel_loop3A_568 : vector<16xf32>
        %parallel_loop3A_570 = arith.constant 15 : i32
        %parallel_loop3A_571 = arith.index_cast %rem3A_129 : i32 to index
        %parallel_loop3A_572 = arith.index_cast %parallel_loop3A_570 : i32 to index
        %parallel_loop3A_573 = arith.index_cast %parallel_loop3A_472 : i32 to index
        %parallel_loop3A_574 = tpu.vector_load %arg13[%parallel_loop3A_571, %parallel_loop3A_572, %parallel_loop3A_573] {strides = array<i32>} : memref<2x32x768xf32, #tpu.memory_space<vmem>>, vector<1x1x16xf32>,
        %parallel_loop3A_575 = vector.shape_cast %parallel_loop3A_574 : vector<1x1x16xf32> to vector<16xf32>
        %parallel_loop3A_576 = vector.shape_cast %parallel_loop3A_569 : vector<16xf32> to vector<1x1x16xf32>
        tpu.vector_store %arg13[%parallel_loop3A_571, %parallel_loop3A_572, %parallel_loop3A_573], %parallel_loop3A_576 {strides = array<i32>} : memref<2x32x768xf32, #tpu.memory_space<vmem>>, vector<1x1x16xf32>,
        scf.yield %parallel_loop3A_463, %parallel_loop3A_464, %parallel_loop3A_465, %parallel_loop3A_466, %parallel_loop3A_467, %parallel_loop3A_468, %parallel_loop3A_469, %parallel_loop3A_470 : vector<16xf32>, vector<16xf32>, vector<16xf32>, vector<16xf32>, vector<16xf32>, vector<16xf32>, vector<16xf32>, vector<16xf32>
      } {sc.loop_unroll_factor = 3 : i64, sc.parallel_access}
      %get3A_300 = arith.index_cast %rem3A_129 : i32 to index
      %get3A_301 = arith.constant 6656 : index
      %get3A_302 = tpu.vector_load %arg10[%get3A_300, %get3A_301] {strides = array<i32>} : memref<2x7168xf32, #tpu.memory_space<vmem>>, vector<1x16xf32>,
      %get3A_303 = vector.shape_cast %get3A_302 : vector<1x16xf32> to vector<16xf32>
      %get3A_304 = arith.index_cast %rem3A_129 : i32 to index
      %get3A_305 = arith.constant 6688 : index
      %get3A_306 = tpu.vector_load %arg10[%get3A_304, %get3A_305] {strides = array<i32>} : memref<2x7168xf32, #tpu.memory_space<vmem>>, vector<1x16xf32>,
      %get3A_307 = vector.shape_cast %get3A_306 : vector<1x16xf32> to vector<16xf32>
      %get3A_308 = arith.index_cast %rem3A_129 : i32 to index
      %get3A_309 = arith.constant 6720 : index
      %get3A_310 = tpu.vector_load %arg10[%get3A_308, %get3A_309] {strides = array<i32>} : memref<2x7168xf32, #tpu.memory_space<vmem>>, vector<1x16xf32>,
      %get3A_311 = vector.shape_cast %get3A_310 : vector<1x16xf32> to vector<16xf32>
      %get3A_312 = arith.index_cast %rem3A_129 : i32 to index
      %get3A_313 = arith.constant 6752 : index
      %get3A_314 = tpu.vector_load %arg10[%get3A_312, %get3A_313] {strides = array<i32>} : memref<2x7168xf32, #tpu.memory_space<vmem>>, vector<1x16xf32>,
      %get3A_315 = vector.shape_cast %get3A_314 : vector<1x16xf32> to vector<16xf32>
      %get3A_316 = arith.index_cast %rem3A_129 : i32 to index
      %get3A_317 = arith.constant 6672 : index
      %get3A_318 = tpu.vector_load %arg10[%get3A_316, %get3A_317] {strides = array<i32>} : memref<2x7168xf32, #tpu.memory_space<vmem>>, vector<1x16xf32>,
      %get3A_319 = vector.shape_cast %get3A_318 : vector<1x16xf32> to vector<16xf32>
      %get3A_320 = arith.index_cast %rem3A_129 : i32 to index
      %get3A_321 = arith.constant 6704 : index
      %get3A_322 = tpu.vector_load %arg10[%get3A_320, %get3A_321] {strides = array<i32>} : memref<2x7168xf32, #tpu.memory_space<vmem>>, vector<1x16xf32>,
      %get3A_323 = vector.shape_cast %get3A_322 : vector<1x16xf32> to vector<16xf32>
      %get3A_324 = arith.index_cast %rem3A_129 : i32 to index
      %get3A_325 = arith.constant 6736 : index
      %get3A_326 = tpu.vector_load %arg10[%get3A_324, %get3A_325] {strides = array<i32>} : memref<2x7168xf32, #tpu.memory_space<vmem>>, vector<1x16xf32>,
      %get3A_327 = vector.shape_cast %get3A_326 : vector<1x16xf32> to vector<16xf32>
      %get3A_328 = arith.index_cast %rem3A_129 : i32 to index
      %get3A_329 = arith.constant 6768 : index
      %get3A_330 = tpu.vector_load %arg10[%get3A_328, %get3A_329] {strides = array<i32>} : memref<2x7168xf32, #tpu.memory_space<vmem>>, vector<1x16xf32>,
      %get3A_331 = vector.shape_cast %get3A_330 : vector<1x16xf32> to vector<16xf32>
      %parallel_loop3A_332 = arith.constant 0 : i32
      %parallel_loop3A_333 = arith.constant 48 : i32
      %parallel_loop3A_334 = arith.constant 1 : i32
      %parallel_loop3A_335:8 = scf.for %parallel_loop3A_462 = %parallel_loop3A_332 to %parallel_loop3A_333 step %parallel_loop3A_334 iter_args(%parallel_loop3A_463 = %get3A_303, %parallel_loop3A_464 = %get3A_307, %parallel_loop3A_465 = %get3A_311, %parallel_loop3A_466 = %get3A_315, %parallel_loop3A_467 = %get3A_319, %parallel_loop3A_468 = %get3A_323, %parallel_loop3A_469 = %get3A_327, %parallel_loop3A_470 = %get3A_331) -> (vector<16xf32>, vector<16xf32>, vector<16xf32>, vector<16xf32>, vector<16xf32>, vector<16xf32>, vector<16xf32>, vector<16xf32>)  : i32 {
        %parallel_loop3A_471 = arith.constant 16 : i32
        %parallel_loop3A_472 = arith.muli %parallel_loop3A_462, %parallel_loop3A_471 : i32
        %parallel_loop3A_473 = arith.index_cast %parallel_loop3A_472 : i32 to index
        %parallel_loop3A_474 = tpu.vector_load %arg11[%parallel_loop3A_473] {strides = array<i32>} : memref<1536xf32, #tpu.memory_space<vmem>>, vector<16xf32>,
        %parallel_loop3A_475 = vector.shape_cast %parallel_loop3A_474 : vector<16xf32> to vector<16xf32>
        %parallel_loop3A_476 = arith.constant 768 : i32
        %parallel_loop3A_477 = arith.addi %parallel_loop3A_476, %parallel_loop3A_472 : i32
        %parallel_loop3A_478 = arith.index_cast %parallel_loop3A_477 : i32 to index
        %parallel_loop3A_479 = tpu.vector_load %arg11[%parallel_loop3A_478] {strides = array<i32>} : memref<1536xf32, #tpu.memory_space<vmem>>, vector<16xf32>,
        %parallel_loop3A_480 = vector.shape_cast %parallel_loop3A_479 : vector<16xf32> to vector<16xf32>
        %parallel_loop3A_481 = arith.constant 16 : i32
        %parallel_loop3A_482 = arith.index_cast %rem3A_129 : i32 to index
        %parallel_loop3A_483 = arith.index_cast %parallel_loop3A_481 : i32 to index
        %parallel_loop3A_484 = arith.index_cast %parallel_loop3A_472 : i32 to index
        %parallel_loop3A_485 = tpu.vector_load %arg12[%parallel_loop3A_482, %parallel_loop3A_483, %parallel_loop3A_484] {strides = array<i32>} : memref<2x32x768xf32, #tpu.memory_space<vmem>>, vector<1x1x16xf32>,
        %parallel_loop3A_486 = vector.shape_cast %parallel_loop3A_485 : vector<1x1x16xf32> to vector<16xf32>
        %parallel_loop3A_487 = arith.constant 3072 : i32
        %parallel_loop3A_488 = arith.addi %parallel_loop3A_487, %parallel_loop3A_472 : i32
        %parallel_loop3A_489 = arith.index_cast %rem3A_129 : i32 to index
        %parallel_loop3A_490 = arith.index_cast %parallel_loop3A_488 : i32 to index
        %parallel_loop3A_491 = tpu.vector_load %arg10[%parallel_loop3A_489, %parallel_loop3A_490] {strides = array<i32>} : memref<2x7168xf32, #tpu.memory_space<vmem>>, vector<1x16xf32>,
        %parallel_loop3A_492 = vector.shape_cast %parallel_loop3A_491 : vector<1x16xf32> to vector<16xf32>
        %parallel_loop3A_493 = arith.addf %parallel_loop3A_486, %parallel_loop3A_492 : vector<16xf32>
        %parallel_loop3A_494 = arith.mulf %parallel_loop3A_463, %parallel_loop3A_475 : vector<16xf32>
        %parallel_loop3A_495 = arith.addf %parallel_loop3A_493, %parallel_loop3A_494 : vector<16xf32>
        %parallel_loop3A_496 = arith.mulf %parallel_loop3A_467, %parallel_loop3A_480 : vector<16xf32>
        %parallel_loop3A_497 = arith.addf %parallel_loop3A_495, %parallel_loop3A_496 : vector<16xf32>
        %parallel_loop3A_498 = arith.constant 16 : i32
        %parallel_loop3A_499 = arith.index_cast %rem3A_129 : i32 to index
        %parallel_loop3A_500 = arith.index_cast %parallel_loop3A_498 : i32 to index
        %parallel_loop3A_501 = arith.index_cast %parallel_loop3A_472 : i32 to index
        %parallel_loop3A_502 = tpu.vector_load %arg13[%parallel_loop3A_499, %parallel_loop3A_500, %parallel_loop3A_501] {strides = array<i32>} : memref<2x32x768xf32, #tpu.memory_space<vmem>>, vector<1x1x16xf32>,
        %parallel_loop3A_503 = vector.shape_cast %parallel_loop3A_502 : vector<1x1x16xf32> to vector<16xf32>
        %parallel_loop3A_504 = vector.shape_cast %parallel_loop3A_497 : vector<16xf32> to vector<1x1x16xf32>
        tpu.vector_store %arg13[%parallel_loop3A_499, %parallel_loop3A_500, %parallel_loop3A_501], %parallel_loop3A_504 {strides = array<i32>} : memref<2x32x768xf32, #tpu.memory_space<vmem>>, vector<1x1x16xf32>,
        %parallel_loop3A_505 = arith.constant 17 : i32
        %parallel_loop3A_506 = arith.index_cast %rem3A_129 : i32 to index
        %parallel_loop3A_507 = arith.index_cast %parallel_loop3A_505 : i32 to index
        %parallel_loop3A_508 = arith.index_cast %parallel_loop3A_472 : i32 to index
        %parallel_loop3A_509 = tpu.vector_load %arg12[%parallel_loop3A_506, %parallel_loop3A_507, %parallel_loop3A_508] {strides = array<i32>} : memref<2x32x768xf32, #tpu.memory_space<vmem>>, vector<1x1x16xf32>,
        %parallel_loop3A_510 = vector.shape_cast %parallel_loop3A_509 : vector<1x1x16xf32> to vector<16xf32>
        %parallel_loop3A_511 = arith.constant 3072 : i32
        %parallel_loop3A_512 = arith.addi %parallel_loop3A_511, %parallel_loop3A_472 : i32
        %parallel_loop3A_513 = arith.index_cast %rem3A_129 : i32 to index
        %parallel_loop3A_514 = arith.index_cast %parallel_loop3A_512 : i32 to index
        %parallel_loop3A_515 = tpu.vector_load %arg10[%parallel_loop3A_513, %parallel_loop3A_514] {strides = array<i32>} : memref<2x7168xf32, #tpu.memory_space<vmem>>, vector<1x16xf32>,
        %parallel_loop3A_516 = vector.shape_cast %parallel_loop3A_515 : vector<1x16xf32> to vector<16xf32>
        %parallel_loop3A_517 = arith.addf %parallel_loop3A_510, %parallel_loop3A_516 : vector<16xf32>
        %parallel_loop3A_518 = arith.mulf %parallel_loop3A_464, %parallel_loop3A_475 : vector<16xf32>
        %parallel_loop3A_519 = arith.addf %parallel_loop3A_517, %parallel_loop3A_518 : vector<16xf32>
        %parallel_loop3A_520 = arith.mulf %parallel_loop3A_468, %parallel_loop3A_480 : vector<16xf32>
        %parallel_loop3A_521 = arith.addf %parallel_loop3A_519, %parallel_loop3A_520 : vector<16xf32>
        %parallel_loop3A_522 = arith.constant 17 : i32
        %parallel_loop3A_523 = arith.index_cast %rem3A_129 : i32 to index
        %parallel_loop3A_524 = arith.index_cast %parallel_loop3A_522 : i32 to index
        %parallel_loop3A_525 = arith.index_cast %parallel_loop3A_472 : i32 to index
        %parallel_loop3A_526 = tpu.vector_load %arg13[%parallel_loop3A_523, %parallel_loop3A_524, %parallel_loop3A_525] {strides = array<i32>} : memref<2x32x768xf32, #tpu.memory_space<vmem>>, vector<1x1x16xf32>,
        %parallel_loop3A_527 = vector.shape_cast %parallel_loop3A_526 : vector<1x1x16xf32> to vector<16xf32>
        %parallel_loop3A_528 = vector.shape_cast %parallel_loop3A_521 : vector<16xf32> to vector<1x1x16xf32>
        tpu.vector_store %arg13[%parallel_loop3A_523, %parallel_loop3A_524, %parallel_loop3A_525], %parallel_loop3A_528 {strides = array<i32>} : memref<2x32x768xf32, #tpu.memory_space<vmem>>, vector<1x1x16xf32>,
        %parallel_loop3A_529 = arith.constant 18 : i32
        %parallel_loop3A_530 = arith.index_cast %rem3A_129 : i32 to index
        %parallel_loop3A_531 = arith.index_cast %parallel_loop3A_529 : i32 to index
        %parallel_loop3A_532 = arith.index_cast %parallel_loop3A_472 : i32 to index
        %parallel_loop3A_533 = tpu.vector_load %arg12[%parallel_loop3A_530, %parallel_loop3A_531, %parallel_loop3A_532] {strides = array<i32>} : memref<2x32x768xf32, #tpu.memory_space<vmem>>, vector<1x1x16xf32>,
        %parallel_loop3A_534 = vector.shape_cast %parallel_loop3A_533 : vector<1x1x16xf32> to vector<16xf32>
        %parallel_loop3A_535 = arith.constant 3072 : i32
        %parallel_loop3A_536 = arith.addi %parallel_loop3A_535, %parallel_loop3A_472 : i32
        %parallel_loop3A_537 = arith.index_cast %rem3A_129 : i32 to index
        %parallel_loop3A_538 = arith.index_cast %parallel_loop3A_536 : i32 to index
        %parallel_loop3A_539 = tpu.vector_load %arg10[%parallel_loop3A_537, %parallel_loop3A_538] {strides = array<i32>} : memref<2x7168xf32, #tpu.memory_space<vmem>>, vector<1x16xf32>,
        %parallel_loop3A_540 = vector.shape_cast %parallel_loop3A_539 : vector<1x16xf32> to vector<16xf32>
        %parallel_loop3A_541 = arith.addf %parallel_loop3A_534, %parallel_loop3A_540 : vector<16xf32>
        %parallel_loop3A_542 = arith.mulf %parallel_loop3A_465, %parallel_loop3A_475 : vector<16xf32>
        %parallel_loop3A_543 = arith.addf %parallel_loop3A_541, %parallel_loop3A_542 : vector<16xf32>
        %parallel_loop3A_544 = arith.mulf %parallel_loop3A_469, %parallel_loop3A_480 : vector<16xf32>
        %parallel_loop3A_545 = arith.addf %parallel_loop3A_543, %parallel_loop3A_544 : vector<16xf32>
        %parallel_loop3A_546 = arith.constant 18 : i32
        %parallel_loop3A_547 = arith.index_cast %rem3A_129 : i32 to index
        %parallel_loop3A_548 = arith.index_cast %parallel_loop3A_546 : i32 to index
        %parallel_loop3A_549 = arith.index_cast %parallel_loop3A_472 : i32 to index
        %parallel_loop3A_550 = tpu.vector_load %arg13[%parallel_loop3A_547, %parallel_loop3A_548, %parallel_loop3A_549] {strides = array<i32>} : memref<2x32x768xf32, #tpu.memory_space<vmem>>, vector<1x1x16xf32>,
        %parallel_loop3A_551 = vector.shape_cast %parallel_loop3A_550 : vector<1x1x16xf32> to vector<16xf32>
        %parallel_loop3A_552 = vector.shape_cast %parallel_loop3A_545 : vector<16xf32> to vector<1x1x16xf32>
        tpu.vector_store %arg13[%parallel_loop3A_547, %parallel_loop3A_548, %parallel_loop3A_549], %parallel_loop3A_552 {strides = array<i32>} : memref<2x32x768xf32, #tpu.memory_space<vmem>>, vector<1x1x16xf32>,
        %parallel_loop3A_553 = arith.constant 19 : i32
        %parallel_loop3A_554 = arith.index_cast %rem3A_129 : i32 to index
        %parallel_loop3A_555 = arith.index_cast %parallel_loop3A_553 : i32 to index
        %parallel_loop3A_556 = arith.index_cast %parallel_loop3A_472 : i32 to index
        %parallel_loop3A_557 = tpu.vector_load %arg12[%parallel_loop3A_554, %parallel_loop3A_555, %parallel_loop3A_556] {strides = array<i32>} : memref<2x32x768xf32, #tpu.memory_space<vmem>>, vector<1x1x16xf32>,
        %parallel_loop3A_558 = vector.shape_cast %parallel_loop3A_557 : vector<1x1x16xf32> to vector<16xf32>
        %parallel_loop3A_559 = arith.constant 3072 : i32
        %parallel_loop3A_560 = arith.addi %parallel_loop3A_559, %parallel_loop3A_472 : i32
        %parallel_loop3A_561 = arith.index_cast %rem3A_129 : i32 to index
        %parallel_loop3A_562 = arith.index_cast %parallel_loop3A_560 : i32 to index
        %parallel_loop3A_563 = tpu.vector_load %arg10[%parallel_loop3A_561, %parallel_loop3A_562] {strides = array<i32>} : memref<2x7168xf32, #tpu.memory_space<vmem>>, vector<1x16xf32>,
        %parallel_loop3A_564 = vector.shape_cast %parallel_loop3A_563 : vector<1x16xf32> to vector<16xf32>
        %parallel_loop3A_565 = arith.addf %parallel_loop3A_558, %parallel_loop3A_564 : vector<16xf32>
        %parallel_loop3A_566 = arith.mulf %parallel_loop3A_466, %parallel_loop3A_475 : vector<16xf32>
        %parallel_loop3A_567 = arith.addf %parallel_loop3A_565, %parallel_loop3A_566 : vector<16xf32>
        %parallel_loop3A_568 = arith.mulf %parallel_loop3A_470, %parallel_loop3A_480 : vector<16xf32>
        %parallel_loop3A_569 = arith.addf %parallel_loop3A_567, %parallel_loop3A_568 : vector<16xf32>
        %parallel_loop3A_570 = arith.constant 19 : i32
        %parallel_loop3A_571 = arith.index_cast %rem3A_129 : i32 to index
        %parallel_loop3A_572 = arith.index_cast %parallel_loop3A_570 : i32 to index
        %parallel_loop3A_573 = arith.index_cast %parallel_loop3A_472 : i32 to index
        %parallel_loop3A_574 = tpu.vector_load %arg13[%parallel_loop3A_571, %parallel_loop3A_572, %parallel_loop3A_573] {strides = array<i32>} : memref<2x32x768xf32, #tpu.memory_space<vmem>>, vector<1x1x16xf32>,
        %parallel_loop3A_575 = vector.shape_cast %parallel_loop3A_574 : vector<1x1x16xf32> to vector<16xf32>
        %parallel_loop3A_576 = vector.shape_cast %parallel_loop3A_569 : vector<16xf32> to vector<1x1x16xf32>
        tpu.vector_store %arg13[%parallel_loop3A_571, %parallel_loop3A_572, %parallel_loop3A_573], %parallel_loop3A_576 {strides = array<i32>} : memref<2x32x768xf32, #tpu.memory_space<vmem>>, vector<1x1x16xf32>,
        scf.yield %parallel_loop3A_463, %parallel_loop3A_464, %parallel_loop3A_465, %parallel_loop3A_466, %parallel_loop3A_467, %parallel_loop3A_468, %parallel_loop3A_469, %parallel_loop3A_470 : vector<16xf32>, vector<16xf32>, vector<16xf32>, vector<16xf32>, vector<16xf32>, vector<16xf32>, vector<16xf32>, vector<16xf32>
      } {sc.loop_unroll_factor = 3 : i64, sc.parallel_access}
      %get3A_336 = arith.index_cast %rem3A_129 : i32 to index
      %get3A_337 = arith.constant 6784 : index
      %get3A_338 = tpu.vector_load %arg10[%get3A_336, %get3A_337] {strides = array<i32>} : memref<2x7168xf32, #tpu.memory_space<vmem>>, vector<1x16xf32>,
      %get3A_339 = vector.shape_cast %get3A_338 : vector<1x16xf32> to vector<16xf32>
      %get3A_340 = arith.index_cast %rem3A_129 : i32 to index
      %get3A_341 = arith.constant 6816 : index
      %get3A_342 = tpu.vector_load %arg10[%get3A_340, %get3A_341] {strides = array<i32>} : memref<2x7168xf32, #tpu.memory_space<vmem>>, vector<1x16xf32>,
      %get3A_343 = vector.shape_cast %get3A_342 : vector<1x16xf32> to vector<16xf32>
      %get3A_344 = arith.index_cast %rem3A_129 : i32 to index
      %get3A_345 = arith.constant 6848 : index
      %get3A_346 = tpu.vector_load %arg10[%get3A_344, %get3A_345] {strides = array<i32>} : memref<2x7168xf32, #tpu.memory_space<vmem>>, vector<1x16xf32>,
      %get3A_347 = vector.shape_cast %get3A_346 : vector<1x16xf32> to vector<16xf32>
      %get3A_348 = arith.index_cast %rem3A_129 : i32 to index
      %get3A_349 = arith.constant 6880 : index
      %get3A_350 = tpu.vector_load %arg10[%get3A_348, %get3A_349] {strides = array<i32>} : memref<2x7168xf32, #tpu.memory_space<vmem>>, vector<1x16xf32>,
      %get3A_351 = vector.shape_cast %get3A_350 : vector<1x16xf32> to vector<16xf32>
      %get3A_352 = arith.index_cast %rem3A_129 : i32 to index
      %get3A_353 = arith.constant 6800 : index
      %get3A_354 = tpu.vector_load %arg10[%get3A_352, %get3A_353] {strides = array<i32>} : memref<2x7168xf32, #tpu.memory_space<vmem>>, vector<1x16xf32>,
      %get3A_355 = vector.shape_cast %get3A_354 : vector<1x16xf32> to vector<16xf32>
      %get3A_356 = arith.index_cast %rem3A_129 : i32 to index
      %get3A_357 = arith.constant 6832 : index
      %get3A_358 = tpu.vector_load %arg10[%get3A_356, %get3A_357] {strides = array<i32>} : memref<2x7168xf32, #tpu.memory_space<vmem>>, vector<1x16xf32>,
      %get3A_359 = vector.shape_cast %get3A_358 : vector<1x16xf32> to vector<16xf32>
      %get3A_360 = arith.index_cast %rem3A_129 : i32 to index
      %get3A_361 = arith.constant 6864 : index
      %get3A_362 = tpu.vector_load %arg10[%get3A_360, %get3A_361] {strides = array<i32>} : memref<2x7168xf32, #tpu.memory_space<vmem>>, vector<1x16xf32>,
      %get3A_363 = vector.shape_cast %get3A_362 : vector<1x16xf32> to vector<16xf32>
      %get3A_364 = arith.index_cast %rem3A_129 : i32 to index
      %get3A_365 = arith.constant 6896 : index
      %get3A_366 = tpu.vector_load %arg10[%get3A_364, %get3A_365] {strides = array<i32>} : memref<2x7168xf32, #tpu.memory_space<vmem>>, vector<1x16xf32>,
      %get3A_367 = vector.shape_cast %get3A_366 : vector<1x16xf32> to vector<16xf32>
      %parallel_loop3A_368 = arith.constant 0 : i32
      %parallel_loop3A_369 = arith.constant 48 : i32
      %parallel_loop3A_370 = arith.constant 1 : i32
      %parallel_loop3A_371:8 = scf.for %parallel_loop3A_462 = %parallel_loop3A_368 to %parallel_loop3A_369 step %parallel_loop3A_370 iter_args(%parallel_loop3A_463 = %get3A_339, %parallel_loop3A_464 = %get3A_343, %parallel_loop3A_465 = %get3A_347, %parallel_loop3A_466 = %get3A_351, %parallel_loop3A_467 = %get3A_355, %parallel_loop3A_468 = %get3A_359, %parallel_loop3A_469 = %get3A_363, %parallel_loop3A_470 = %get3A_367) -> (vector<16xf32>, vector<16xf32>, vector<16xf32>, vector<16xf32>, vector<16xf32>, vector<16xf32>, vector<16xf32>, vector<16xf32>)  : i32 {
        %parallel_loop3A_471 = arith.constant 16 : i32
        %parallel_loop3A_472 = arith.muli %parallel_loop3A_462, %parallel_loop3A_471 : i32
        %parallel_loop3A_473 = arith.index_cast %parallel_loop3A_472 : i32 to index
        %parallel_loop3A_474 = tpu.vector_load %arg11[%parallel_loop3A_473] {strides = array<i32>} : memref<1536xf32, #tpu.memory_space<vmem>>, vector<16xf32>,
        %parallel_loop3A_475 = vector.shape_cast %parallel_loop3A_474 : vector<16xf32> to vector<16xf32>
        %parallel_loop3A_476 = arith.constant 768 : i32
        %parallel_loop3A_477 = arith.addi %parallel_loop3A_476, %parallel_loop3A_472 : i32
        %parallel_loop3A_478 = arith.index_cast %parallel_loop3A_477 : i32 to index
        %parallel_loop3A_479 = tpu.vector_load %arg11[%parallel_loop3A_478] {strides = array<i32>} : memref<1536xf32, #tpu.memory_space<vmem>>, vector<16xf32>,
        %parallel_loop3A_480 = vector.shape_cast %parallel_loop3A_479 : vector<16xf32> to vector<16xf32>
        %parallel_loop3A_481 = arith.constant 20 : i32
        %parallel_loop3A_482 = arith.index_cast %rem3A_129 : i32 to index
        %parallel_loop3A_483 = arith.index_cast %parallel_loop3A_481 : i32 to index
        %parallel_loop3A_484 = arith.index_cast %parallel_loop3A_472 : i32 to index
        %parallel_loop3A_485 = tpu.vector_load %arg12[%parallel_loop3A_482, %parallel_loop3A_483, %parallel_loop3A_484] {strides = array<i32>} : memref<2x32x768xf32, #tpu.memory_space<vmem>>, vector<1x1x16xf32>,
        %parallel_loop3A_486 = vector.shape_cast %parallel_loop3A_485 : vector<1x1x16xf32> to vector<16xf32>
        %parallel_loop3A_487 = arith.constant 3840 : i32
        %parallel_loop3A_488 = arith.addi %parallel_loop3A_487, %parallel_loop3A_472 : i32
        %parallel_loop3A_489 = arith.index_cast %rem3A_129 : i32 to index
        %parallel_loop3A_490 = arith.index_cast %parallel_loop3A_488 : i32 to index
        %parallel_loop3A_491 = tpu.vector_load %arg10[%parallel_loop3A_489, %parallel_loop3A_490] {strides = array<i32>} : memref<2x7168xf32, #tpu.memory_space<vmem>>, vector<1x16xf32>,
        %parallel_loop3A_492 = vector.shape_cast %parallel_loop3A_491 : vector<1x16xf32> to vector<16xf32>
        %parallel_loop3A_493 = arith.addf %parallel_loop3A_486, %parallel_loop3A_492 : vector<16xf32>
        %parallel_loop3A_494 = arith.mulf %parallel_loop3A_463, %parallel_loop3A_475 : vector<16xf32>
        %parallel_loop3A_495 = arith.addf %parallel_loop3A_493, %parallel_loop3A_494 : vector<16xf32>
        %parallel_loop3A_496 = arith.mulf %parallel_loop3A_467, %parallel_loop3A_480 : vector<16xf32>
        %parallel_loop3A_497 = arith.addf %parallel_loop3A_495, %parallel_loop3A_496 : vector<16xf32>
        %parallel_loop3A_498 = arith.constant 20 : i32
        %parallel_loop3A_499 = arith.index_cast %rem3A_129 : i32 to index
        %parallel_loop3A_500 = arith.index_cast %parallel_loop3A_498 : i32 to index
        %parallel_loop3A_501 = arith.index_cast %parallel_loop3A_472 : i32 to index
        %parallel_loop3A_502 = tpu.vector_load %arg13[%parallel_loop3A_499, %parallel_loop3A_500, %parallel_loop3A_501] {strides = array<i32>} : memref<2x32x768xf32, #tpu.memory_space<vmem>>, vector<1x1x16xf32>,
        %parallel_loop3A_503 = vector.shape_cast %parallel_loop3A_502 : vector<1x1x16xf32> to vector<16xf32>
        %parallel_loop3A_504 = vector.shape_cast %parallel_loop3A_497 : vector<16xf32> to vector<1x1x16xf32>
        tpu.vector_store %arg13[%parallel_loop3A_499, %parallel_loop3A_500, %parallel_loop3A_501], %parallel_loop3A_504 {strides = array<i32>} : memref<2x32x768xf32, #tpu.memory_space<vmem>>, vector<1x1x16xf32>,
        %parallel_loop3A_505 = arith.constant 21 : i32
        %parallel_loop3A_506 = arith.index_cast %rem3A_129 : i32 to index
        %parallel_loop3A_507 = arith.index_cast %parallel_loop3A_505 : i32 to index
        %parallel_loop3A_508 = arith.index_cast %parallel_loop3A_472 : i32 to index
        %parallel_loop3A_509 = tpu.vector_load %arg12[%parallel_loop3A_506, %parallel_loop3A_507, %parallel_loop3A_508] {strides = array<i32>} : memref<2x32x768xf32, #tpu.memory_space<vmem>>, vector<1x1x16xf32>,
        %parallel_loop3A_510 = vector.shape_cast %parallel_loop3A_509 : vector<1x1x16xf32> to vector<16xf32>
        %parallel_loop3A_511 = arith.constant 3840 : i32
        %parallel_loop3A_512 = arith.addi %parallel_loop3A_511, %parallel_loop3A_472 : i32
        %parallel_loop3A_513 = arith.index_cast %rem3A_129 : i32 to index
        %parallel_loop3A_514 = arith.index_cast %parallel_loop3A_512 : i32 to index
        %parallel_loop3A_515 = tpu.vector_load %arg10[%parallel_loop3A_513, %parallel_loop3A_514] {strides = array<i32>} : memref<2x7168xf32, #tpu.memory_space<vmem>>, vector<1x16xf32>,
        %parallel_loop3A_516 = vector.shape_cast %parallel_loop3A_515 : vector<1x16xf32> to vector<16xf32>
        %parallel_loop3A_517 = arith.addf %parallel_loop3A_510, %parallel_loop3A_516 : vector<16xf32>
        %parallel_loop3A_518 = arith.mulf %parallel_loop3A_464, %parallel_loop3A_475 : vector<16xf32>
        %parallel_loop3A_519 = arith.addf %parallel_loop3A_517, %parallel_loop3A_518 : vector<16xf32>
        %parallel_loop3A_520 = arith.mulf %parallel_loop3A_468, %parallel_loop3A_480 : vector<16xf32>
        %parallel_loop3A_521 = arith.addf %parallel_loop3A_519, %parallel_loop3A_520 : vector<16xf32>
        %parallel_loop3A_522 = arith.constant 21 : i32
        %parallel_loop3A_523 = arith.index_cast %rem3A_129 : i32 to index
        %parallel_loop3A_524 = arith.index_cast %parallel_loop3A_522 : i32 to index
        %parallel_loop3A_525 = arith.index_cast %parallel_loop3A_472 : i32 to index
        %parallel_loop3A_526 = tpu.vector_load %arg13[%parallel_loop3A_523, %parallel_loop3A_524, %parallel_loop3A_525] {strides = array<i32>} : memref<2x32x768xf32, #tpu.memory_space<vmem>>, vector<1x1x16xf32>,
        %parallel_loop3A_527 = vector.shape_cast %parallel_loop3A_526 : vector<1x1x16xf32> to vector<16xf32>
        %parallel_loop3A_528 = vector.shape_cast %parallel_loop3A_521 : vector<16xf32> to vector<1x1x16xf32>
        tpu.vector_store %arg13[%parallel_loop3A_523, %parallel_loop3A_524, %parallel_loop3A_525], %parallel_loop3A_528 {strides = array<i32>} : memref<2x32x768xf32, #tpu.memory_space<vmem>>, vector<1x1x16xf32>,
        %parallel_loop3A_529 = arith.constant 22 : i32
        %parallel_loop3A_530 = arith.index_cast %rem3A_129 : i32 to index
        %parallel_loop3A_531 = arith.index_cast %parallel_loop3A_529 : i32 to index
        %parallel_loop3A_532 = arith.index_cast %parallel_loop3A_472 : i32 to index
        %parallel_loop3A_533 = tpu.vector_load %arg12[%parallel_loop3A_530, %parallel_loop3A_531, %parallel_loop3A_532] {strides = array<i32>} : memref<2x32x768xf32, #tpu.memory_space<vmem>>, vector<1x1x16xf32>,
        %parallel_loop3A_534 = vector.shape_cast %parallel_loop3A_533 : vector<1x1x16xf32> to vector<16xf32>
        %parallel_loop3A_535 = arith.constant 3840 : i32
        %parallel_loop3A_536 = arith.addi %parallel_loop3A_535, %parallel_loop3A_472 : i32
        %parallel_loop3A_537 = arith.index_cast %rem3A_129 : i32 to index
        %parallel_loop3A_538 = arith.index_cast %parallel_loop3A_536 : i32 to index
        %parallel_loop3A_539 = tpu.vector_load %arg10[%parallel_loop3A_537, %parallel_loop3A_538] {strides = array<i32>} : memref<2x7168xf32, #tpu.memory_space<vmem>>, vector<1x16xf32>,
        %parallel_loop3A_540 = vector.shape_cast %parallel_loop3A_539 : vector<1x16xf32> to vector<16xf32>
        %parallel_loop3A_541 = arith.addf %parallel_loop3A_534, %parallel_loop3A_540 : vector<16xf32>
        %parallel_loop3A_542 = arith.mulf %parallel_loop3A_465, %parallel_loop3A_475 : vector<16xf32>
        %parallel_loop3A_543 = arith.addf %parallel_loop3A_541, %parallel_loop3A_542 : vector<16xf32>
        %parallel_loop3A_544 = arith.mulf %parallel_loop3A_469, %parallel_loop3A_480 : vector<16xf32>
        %parallel_loop3A_545 = arith.addf %parallel_loop3A_543, %parallel_loop3A_544 : vector<16xf32>
        %parallel_loop3A_546 = arith.constant 22 : i32
        %parallel_loop3A_547 = arith.index_cast %rem3A_129 : i32 to index
        %parallel_loop3A_548 = arith.index_cast %parallel_loop3A_546 : i32 to index
        %parallel_loop3A_549 = arith.index_cast %parallel_loop3A_472 : i32 to index
        %parallel_loop3A_550 = tpu.vector_load %arg13[%parallel_loop3A_547, %parallel_loop3A_548, %parallel_loop3A_549] {strides = array<i32>} : memref<2x32x768xf32, #tpu.memory_space<vmem>>, vector<1x1x16xf32>,
        %parallel_loop3A_551 = vector.shape_cast %parallel_loop3A_550 : vector<1x1x16xf32> to vector<16xf32>
        %parallel_loop3A_552 = vector.shape_cast %parallel_loop3A_545 : vector<16xf32> to vector<1x1x16xf32>
        tpu.vector_store %arg13[%parallel_loop3A_547, %parallel_loop3A_548, %parallel_loop3A_549], %parallel_loop3A_552 {strides = array<i32>} : memref<2x32x768xf32, #tpu.memory_space<vmem>>, vector<1x1x16xf32>,
        %parallel_loop3A_553 = arith.constant 23 : i32
        %parallel_loop3A_554 = arith.index_cast %rem3A_129 : i32 to index
        %parallel_loop3A_555 = arith.index_cast %parallel_loop3A_553 : i32 to index
        %parallel_loop3A_556 = arith.index_cast %parallel_loop3A_472 : i32 to index
        %parallel_loop3A_557 = tpu.vector_load %arg12[%parallel_loop3A_554, %parallel_loop3A_555, %parallel_loop3A_556] {strides = array<i32>} : memref<2x32x768xf32, #tpu.memory_space<vmem>>, vector<1x1x16xf32>,
        %parallel_loop3A_558 = vector.shape_cast %parallel_loop3A_557 : vector<1x1x16xf32> to vector<16xf32>
        %parallel_loop3A_559 = arith.constant 3840 : i32
        %parallel_loop3A_560 = arith.addi %parallel_loop3A_559, %parallel_loop3A_472 : i32
        %parallel_loop3A_561 = arith.index_cast %rem3A_129 : i32 to index
        %parallel_loop3A_562 = arith.index_cast %parallel_loop3A_560 : i32 to index
        %parallel_loop3A_563 = tpu.vector_load %arg10[%parallel_loop3A_561, %parallel_loop3A_562] {strides = array<i32>} : memref<2x7168xf32, #tpu.memory_space<vmem>>, vector<1x16xf32>,
        %parallel_loop3A_564 = vector.shape_cast %parallel_loop3A_563 : vector<1x16xf32> to vector<16xf32>
        %parallel_loop3A_565 = arith.addf %parallel_loop3A_558, %parallel_loop3A_564 : vector<16xf32>
        %parallel_loop3A_566 = arith.mulf %parallel_loop3A_466, %parallel_loop3A_475 : vector<16xf32>
        %parallel_loop3A_567 = arith.addf %parallel_loop3A_565, %parallel_loop3A_566 : vector<16xf32>
        %parallel_loop3A_568 = arith.mulf %parallel_loop3A_470, %parallel_loop3A_480 : vector<16xf32>
        %parallel_loop3A_569 = arith.addf %parallel_loop3A_567, %parallel_loop3A_568 : vector<16xf32>
        %parallel_loop3A_570 = arith.constant 23 : i32
        %parallel_loop3A_571 = arith.index_cast %rem3A_129 : i32 to index
        %parallel_loop3A_572 = arith.index_cast %parallel_loop3A_570 : i32 to index
        %parallel_loop3A_573 = arith.index_cast %parallel_loop3A_472 : i32 to index
        %parallel_loop3A_574 = tpu.vector_load %arg13[%parallel_loop3A_571, %parallel_loop3A_572, %parallel_loop3A_573] {strides = array<i32>} : memref<2x32x768xf32, #tpu.memory_space<vmem>>, vector<1x1x16xf32>,
        %parallel_loop3A_575 = vector.shape_cast %parallel_loop3A_574 : vector<1x1x16xf32> to vector<16xf32>
        %parallel_loop3A_576 = vector.shape_cast %parallel_loop3A_569 : vector<16xf32> to vector<1x1x16xf32>
        tpu.vector_store %arg13[%parallel_loop3A_571, %parallel_loop3A_572, %parallel_loop3A_573], %parallel_loop3A_576 {strides = array<i32>} : memref<2x32x768xf32, #tpu.memory_space<vmem>>, vector<1x1x16xf32>,
        scf.yield %parallel_loop3A_463, %parallel_loop3A_464, %parallel_loop3A_465, %parallel_loop3A_466, %parallel_loop3A_467, %parallel_loop3A_468, %parallel_loop3A_469, %parallel_loop3A_470 : vector<16xf32>, vector<16xf32>, vector<16xf32>, vector<16xf32>, vector<16xf32>, vector<16xf32>, vector<16xf32>, vector<16xf32>
      } {sc.loop_unroll_factor = 3 : i64, sc.parallel_access}
      %get3A_372 = arith.index_cast %rem3A_129 : i32 to index
      %get3A_373 = arith.constant 6912 : index
      %get3A_374 = tpu.vector_load %arg10[%get3A_372, %get3A_373] {strides = array<i32>} : memref<2x7168xf32, #tpu.memory_space<vmem>>, vector<1x16xf32>,
      %get3A_375 = vector.shape_cast %get3A_374 : vector<1x16xf32> to vector<16xf32>
      %get3A_376 = arith.index_cast %rem3A_129 : i32 to index
      %get3A_377 = arith.constant 6944 : index
      %get3A_378 = tpu.vector_load %arg10[%get3A_376, %get3A_377] {strides = array<i32>} : memref<2x7168xf32, #tpu.memory_space<vmem>>, vector<1x16xf32>,
      %get3A_379 = vector.shape_cast %get3A_378 : vector<1x16xf32> to vector<16xf32>
      %get3A_380 = arith.index_cast %rem3A_129 : i32 to index
      %get3A_381 = arith.constant 6976 : index
      %get3A_382 = tpu.vector_load %arg10[%get3A_380, %get3A_381] {strides = array<i32>} : memref<2x7168xf32, #tpu.memory_space<vmem>>, vector<1x16xf32>,
      %get3A_383 = vector.shape_cast %get3A_382 : vector<1x16xf32> to vector<16xf32>
      %get3A_384 = arith.index_cast %rem3A_129 : i32 to index
      %get3A_385 = arith.constant 7008 : index
      %get3A_386 = tpu.vector_load %arg10[%get3A_384, %get3A_385] {strides = array<i32>} : memref<2x7168xf32, #tpu.memory_space<vmem>>, vector<1x16xf32>,
      %get3A_387 = vector.shape_cast %get3A_386 : vector<1x16xf32> to vector<16xf32>
      %get3A_388 = arith.index_cast %rem3A_129 : i32 to index
      %get3A_389 = arith.constant 6928 : index
      %get3A_390 = tpu.vector_load %arg10[%get3A_388, %get3A_389] {strides = array<i32>} : memref<2x7168xf32, #tpu.memory_space<vmem>>, vector<1x16xf32>,
      %get3A_391 = vector.shape_cast %get3A_390 : vector<1x16xf32> to vector<16xf32>
      %get3A_392 = arith.index_cast %rem3A_129 : i32 to index
      %get3A_393 = arith.constant 6960 : index
      %get3A_394 = tpu.vector_load %arg10[%get3A_392, %get3A_393] {strides = array<i32>} : memref<2x7168xf32, #tpu.memory_space<vmem>>, vector<1x16xf32>,
      %get3A_395 = vector.shape_cast %get3A_394 : vector<1x16xf32> to vector<16xf32>
      %get3A_396 = arith.index_cast %rem3A_129 : i32 to index
      %get3A_397 = arith.constant 6992 : index
      %get3A_398 = tpu.vector_load %arg10[%get3A_396, %get3A_397] {strides = array<i32>} : memref<2x7168xf32, #tpu.memory_space<vmem>>, vector<1x16xf32>,
      %get3A_399 = vector.shape_cast %get3A_398 : vector<1x16xf32> to vector<16xf32>
      %get3A_400 = arith.index_cast %rem3A_129 : i32 to index
      %get3A_401 = arith.constant 7024 : index
      %get3A_402 = tpu.vector_load %arg10[%get3A_400, %get3A_401] {strides = array<i32>} : memref<2x7168xf32, #tpu.memory_space<vmem>>, vector<1x16xf32>,
      %get3A_403 = vector.shape_cast %get3A_402 : vector<1x16xf32> to vector<16xf32>
      %parallel_loop3A_404 = arith.constant 0 : i32
      %parallel_loop3A_405 = arith.constant 48 : i32
      %parallel_loop3A_406 = arith.constant 1 : i32
      %parallel_loop3A_407:8 = scf.for %parallel_loop3A_462 = %parallel_loop3A_404 to %parallel_loop3A_405 step %parallel_loop3A_406 iter_args(%parallel_loop3A_463 = %get3A_375, %parallel_loop3A_464 = %get3A_379, %parallel_loop3A_465 = %get3A_383, %parallel_loop3A_466 = %get3A_387, %parallel_loop3A_467 = %get3A_391, %parallel_loop3A_468 = %get3A_395, %parallel_loop3A_469 = %get3A_399, %parallel_loop3A_470 = %get3A_403) -> (vector<16xf32>, vector<16xf32>, vector<16xf32>, vector<16xf32>, vector<16xf32>, vector<16xf32>, vector<16xf32>, vector<16xf32>)  : i32 {
        %parallel_loop3A_471 = arith.constant 16 : i32
        %parallel_loop3A_472 = arith.muli %parallel_loop3A_462, %parallel_loop3A_471 : i32
        %parallel_loop3A_473 = arith.index_cast %parallel_loop3A_472 : i32 to index
        %parallel_loop3A_474 = tpu.vector_load %arg11[%parallel_loop3A_473] {strides = array<i32>} : memref<1536xf32, #tpu.memory_space<vmem>>, vector<16xf32>,
        %parallel_loop3A_475 = vector.shape_cast %parallel_loop3A_474 : vector<16xf32> to vector<16xf32>
        %parallel_loop3A_476 = arith.constant 768 : i32
        %parallel_loop3A_477 = arith.addi %parallel_loop3A_476, %parallel_loop3A_472 : i32
        %parallel_loop3A_478 = arith.index_cast %parallel_loop3A_477 : i32 to index
        %parallel_loop3A_479 = tpu.vector_load %arg11[%parallel_loop3A_478] {strides = array<i32>} : memref<1536xf32, #tpu.memory_space<vmem>>, vector<16xf32>,
        %parallel_loop3A_480 = vector.shape_cast %parallel_loop3A_479 : vector<16xf32> to vector<16xf32>
        %parallel_loop3A_481 = arith.constant 24 : i32
        %parallel_loop3A_482 = arith.index_cast %rem3A_129 : i32 to index
        %parallel_loop3A_483 = arith.index_cast %parallel_loop3A_481 : i32 to index
        %parallel_loop3A_484 = arith.index_cast %parallel_loop3A_472 : i32 to index
        %parallel_loop3A_485 = tpu.vector_load %arg12[%parallel_loop3A_482, %parallel_loop3A_483, %parallel_loop3A_484] {strides = array<i32>} : memref<2x32x768xf32, #tpu.memory_space<vmem>>, vector<1x1x16xf32>,
        %parallel_loop3A_486 = vector.shape_cast %parallel_loop3A_485 : vector<1x1x16xf32> to vector<16xf32>
        %parallel_loop3A_487 = arith.constant 4608 : i32
        %parallel_loop3A_488 = arith.addi %parallel_loop3A_487, %parallel_loop3A_472 : i32
        %parallel_loop3A_489 = arith.index_cast %rem3A_129 : i32 to index
        %parallel_loop3A_490 = arith.index_cast %parallel_loop3A_488 : i32 to index
        %parallel_loop3A_491 = tpu.vector_load %arg10[%parallel_loop3A_489, %parallel_loop3A_490] {strides = array<i32>} : memref<2x7168xf32, #tpu.memory_space<vmem>>, vector<1x16xf32>,
        %parallel_loop3A_492 = vector.shape_cast %parallel_loop3A_491 : vector<1x16xf32> to vector<16xf32>
        %parallel_loop3A_493 = arith.addf %parallel_loop3A_486, %parallel_loop3A_492 : vector<16xf32>
        %parallel_loop3A_494 = arith.mulf %parallel_loop3A_463, %parallel_loop3A_475 : vector<16xf32>
        %parallel_loop3A_495 = arith.addf %parallel_loop3A_493, %parallel_loop3A_494 : vector<16xf32>
        %parallel_loop3A_496 = arith.mulf %parallel_loop3A_467, %parallel_loop3A_480 : vector<16xf32>
        %parallel_loop3A_497 = arith.addf %parallel_loop3A_495, %parallel_loop3A_496 : vector<16xf32>
        %parallel_loop3A_498 = arith.constant 24 : i32
        %parallel_loop3A_499 = arith.index_cast %rem3A_129 : i32 to index
        %parallel_loop3A_500 = arith.index_cast %parallel_loop3A_498 : i32 to index
        %parallel_loop3A_501 = arith.index_cast %parallel_loop3A_472 : i32 to index
        %parallel_loop3A_502 = tpu.vector_load %arg13[%parallel_loop3A_499, %parallel_loop3A_500, %parallel_loop3A_501] {strides = array<i32>} : memref<2x32x768xf32, #tpu.memory_space<vmem>>, vector<1x1x16xf32>,
        %parallel_loop3A_503 = vector.shape_cast %parallel_loop3A_502 : vector<1x1x16xf32> to vector<16xf32>
        %parallel_loop3A_504 = vector.shape_cast %parallel_loop3A_497 : vector<16xf32> to vector<1x1x16xf32>
        tpu.vector_store %arg13[%parallel_loop3A_499, %parallel_loop3A_500, %parallel_loop3A_501], %parallel_loop3A_504 {strides = array<i32>} : memref<2x32x768xf32, #tpu.memory_space<vmem>>, vector<1x1x16xf32>,
        %parallel_loop3A_505 = arith.constant 25 : i32
        %parallel_loop3A_506 = arith.index_cast %rem3A_129 : i32 to index
        %parallel_loop3A_507 = arith.index_cast %parallel_loop3A_505 : i32 to index
        %parallel_loop3A_508 = arith.index_cast %parallel_loop3A_472 : i32 to index
        %parallel_loop3A_509 = tpu.vector_load %arg12[%parallel_loop3A_506, %parallel_loop3A_507, %parallel_loop3A_508] {strides = array<i32>} : memref<2x32x768xf32, #tpu.memory_space<vmem>>, vector<1x1x16xf32>,
        %parallel_loop3A_510 = vector.shape_cast %parallel_loop3A_509 : vector<1x1x16xf32> to vector<16xf32>
        %parallel_loop3A_511 = arith.constant 4608 : i32
        %parallel_loop3A_512 = arith.addi %parallel_loop3A_511, %parallel_loop3A_472 : i32
        %parallel_loop3A_513 = arith.index_cast %rem3A_129 : i32 to index
        %parallel_loop3A_514 = arith.index_cast %parallel_loop3A_512 : i32 to index
        %parallel_loop3A_515 = tpu.vector_load %arg10[%parallel_loop3A_513, %parallel_loop3A_514] {strides = array<i32>} : memref<2x7168xf32, #tpu.memory_space<vmem>>, vector<1x16xf32>,
        %parallel_loop3A_516 = vector.shape_cast %parallel_loop3A_515 : vector<1x16xf32> to vector<16xf32>
        %parallel_loop3A_517 = arith.addf %parallel_loop3A_510, %parallel_loop3A_516 : vector<16xf32>
        %parallel_loop3A_518 = arith.mulf %parallel_loop3A_464, %parallel_loop3A_475 : vector<16xf32>
        %parallel_loop3A_519 = arith.addf %parallel_loop3A_517, %parallel_loop3A_518 : vector<16xf32>
        %parallel_loop3A_520 = arith.mulf %parallel_loop3A_468, %parallel_loop3A_480 : vector<16xf32>
        %parallel_loop3A_521 = arith.addf %parallel_loop3A_519, %parallel_loop3A_520 : vector<16xf32>
        %parallel_loop3A_522 = arith.constant 25 : i32
        %parallel_loop3A_523 = arith.index_cast %rem3A_129 : i32 to index
        %parallel_loop3A_524 = arith.index_cast %parallel_loop3A_522 : i32 to index
        %parallel_loop3A_525 = arith.index_cast %parallel_loop3A_472 : i32 to index
        %parallel_loop3A_526 = tpu.vector_load %arg13[%parallel_loop3A_523, %parallel_loop3A_524, %parallel_loop3A_525] {strides = array<i32>} : memref<2x32x768xf32, #tpu.memory_space<vmem>>, vector<1x1x16xf32>,
        %parallel_loop3A_527 = vector.shape_cast %parallel_loop3A_526 : vector<1x1x16xf32> to vector<16xf32>
        %parallel_loop3A_528 = vector.shape_cast %parallel_loop3A_521 : vector<16xf32> to vector<1x1x16xf32>
        tpu.vector_store %arg13[%parallel_loop3A_523, %parallel_loop3A_524, %parallel_loop3A_525], %parallel_loop3A_528 {strides = array<i32>} : memref<2x32x768xf32, #tpu.memory_space<vmem>>, vector<1x1x16xf32>,
        %parallel_loop3A_529 = arith.constant 26 : i32
        %parallel_loop3A_530 = arith.index_cast %rem3A_129 : i32 to index
        %parallel_loop3A_531 = arith.index_cast %parallel_loop3A_529 : i32 to index
        %parallel_loop3A_532 = arith.index_cast %parallel_loop3A_472 : i32 to index
        %parallel_loop3A_533 = tpu.vector_load %arg12[%parallel_loop3A_530, %parallel_loop3A_531, %parallel_loop3A_532] {strides = array<i32>} : memref<2x32x768xf32, #tpu.memory_space<vmem>>, vector<1x1x16xf32>,
        %parallel_loop3A_534 = vector.shape_cast %parallel_loop3A_533 : vector<1x1x16xf32> to vector<16xf32>
        %parallel_loop3A_535 = arith.constant 4608 : i32
        %parallel_loop3A_536 = arith.addi %parallel_loop3A_535, %parallel_loop3A_472 : i32
        %parallel_loop3A_537 = arith.index_cast %rem3A_129 : i32 to index
        %parallel_loop3A_538 = arith.index_cast %parallel_loop3A_536 : i32 to index
        %parallel_loop3A_539 = tpu.vector_load %arg10[%parallel_loop3A_537, %parallel_loop3A_538] {strides = array<i32>} : memref<2x7168xf32, #tpu.memory_space<vmem>>, vector<1x16xf32>,
        %parallel_loop3A_540 = vector.shape_cast %parallel_loop3A_539 : vector<1x16xf32> to vector<16xf32>
        %parallel_loop3A_541 = arith.addf %parallel_loop3A_534, %parallel_loop3A_540 : vector<16xf32>
        %parallel_loop3A_542 = arith.mulf %parallel_loop3A_465, %parallel_loop3A_475 : vector<16xf32>
        %parallel_loop3A_543 = arith.addf %parallel_loop3A_541, %parallel_loop3A_542 : vector<16xf32>
        %parallel_loop3A_544 = arith.mulf %parallel_loop3A_469, %parallel_loop3A_480 : vector<16xf32>
        %parallel_loop3A_545 = arith.addf %parallel_loop3A_543, %parallel_loop3A_544 : vector<16xf32>
        %parallel_loop3A_546 = arith.constant 26 : i32
        %parallel_loop3A_547 = arith.index_cast %rem3A_129 : i32 to index
        %parallel_loop3A_548 = arith.index_cast %parallel_loop3A_546 : i32 to index
        %parallel_loop3A_549 = arith.index_cast %parallel_loop3A_472 : i32 to index
        %parallel_loop3A_550 = tpu.vector_load %arg13[%parallel_loop3A_547, %parallel_loop3A_548, %parallel_loop3A_549] {strides = array<i32>} : memref<2x32x768xf32, #tpu.memory_space<vmem>>, vector<1x1x16xf32>,
        %parallel_loop3A_551 = vector.shape_cast %parallel_loop3A_550 : vector<1x1x16xf32> to vector<16xf32>
        %parallel_loop3A_552 = vector.shape_cast %parallel_loop3A_545 : vector<16xf32> to vector<1x1x16xf32>
        tpu.vector_store %arg13[%parallel_loop3A_547, %parallel_loop3A_548, %parallel_loop3A_549], %parallel_loop3A_552 {strides = array<i32>} : memref<2x32x768xf32, #tpu.memory_space<vmem>>, vector<1x1x16xf32>,
        %parallel_loop3A_553 = arith.constant 27 : i32
        %parallel_loop3A_554 = arith.index_cast %rem3A_129 : i32 to index
        %parallel_loop3A_555 = arith.index_cast %parallel_loop3A_553 : i32 to index
        %parallel_loop3A_556 = arith.index_cast %parallel_loop3A_472 : i32 to index
        %parallel_loop3A_557 = tpu.vector_load %arg12[%parallel_loop3A_554, %parallel_loop3A_555, %parallel_loop3A_556] {strides = array<i32>} : memref<2x32x768xf32, #tpu.memory_space<vmem>>, vector<1x1x16xf32>,
        %parallel_loop3A_558 = vector.shape_cast %parallel_loop3A_557 : vector<1x1x16xf32> to vector<16xf32>
        %parallel_loop3A_559 = arith.constant 4608 : i32
        %parallel_loop3A_560 = arith.addi %parallel_loop3A_559, %parallel_loop3A_472 : i32
        %parallel_loop3A_561 = arith.index_cast %rem3A_129 : i32 to index
        %parallel_loop3A_562 = arith.index_cast %parallel_loop3A_560 : i32 to index
        %parallel_loop3A_563 = tpu.vector_load %arg10[%parallel_loop3A_561, %parallel_loop3A_562] {strides = array<i32>} : memref<2x7168xf32, #tpu.memory_space<vmem>>, vector<1x16xf32>,
        %parallel_loop3A_564 = vector.shape_cast %parallel_loop3A_563 : vector<1x16xf32> to vector<16xf32>
        %parallel_loop3A_565 = arith.addf %parallel_loop3A_558, %parallel_loop3A_564 : vector<16xf32>
        %parallel_loop3A_566 = arith.mulf %parallel_loop3A_466, %parallel_loop3A_475 : vector<16xf32>
        %parallel_loop3A_567 = arith.addf %parallel_loop3A_565, %parallel_loop3A_566 : vector<16xf32>
        %parallel_loop3A_568 = arith.mulf %parallel_loop3A_470, %parallel_loop3A_480 : vector<16xf32>
        %parallel_loop3A_569 = arith.addf %parallel_loop3A_567, %parallel_loop3A_568 : vector<16xf32>
        %parallel_loop3A_570 = arith.constant 27 : i32
        %parallel_loop3A_571 = arith.index_cast %rem3A_129 : i32 to index
        %parallel_loop3A_572 = arith.index_cast %parallel_loop3A_570 : i32 to index
        %parallel_loop3A_573 = arith.index_cast %parallel_loop3A_472 : i32 to index
        %parallel_loop3A_574 = tpu.vector_load %arg13[%parallel_loop3A_571, %parallel_loop3A_572, %parallel_loop3A_573] {strides = array<i32>} : memref<2x32x768xf32, #tpu.memory_space<vmem>>, vector<1x1x16xf32>,
        %parallel_loop3A_575 = vector.shape_cast %parallel_loop3A_574 : vector<1x1x16xf32> to vector<16xf32>
        %parallel_loop3A_576 = vector.shape_cast %parallel_loop3A_569 : vector<16xf32> to vector<1x1x16xf32>
        tpu.vector_store %arg13[%parallel_loop3A_571, %parallel_loop3A_572, %parallel_loop3A_573], %parallel_loop3A_576 {strides = array<i32>} : memref<2x32x768xf32, #tpu.memory_space<vmem>>, vector<1x1x16xf32>,
        scf.yield %parallel_loop3A_463, %parallel_loop3A_464, %parallel_loop3A_465, %parallel_loop3A_466, %parallel_loop3A_467, %parallel_loop3A_468, %parallel_loop3A_469, %parallel_loop3A_470 : vector<16xf32>, vector<16xf32>, vector<16xf32>, vector<16xf32>, vector<16xf32>, vector<16xf32>, vector<16xf32>, vector<16xf32>
      } {sc.loop_unroll_factor = 3 : i64, sc.parallel_access}
      %get3A_408 = arith.index_cast %rem3A_129 : i32 to index
      %get3A_409 = arith.constant 7040 : index
      %get3A_410 = tpu.vector_load %arg10[%get3A_408, %get3A_409] {strides = array<i32>} : memref<2x7168xf32, #tpu.memory_space<vmem>>, vector<1x16xf32>,
      %get3A_411 = vector.shape_cast %get3A_410 : vector<1x16xf32> to vector<16xf32>
      %get3A_412 = arith.index_cast %rem3A_129 : i32 to index
      %get3A_413 = arith.constant 7072 : index
      %get3A_414 = tpu.vector_load %arg10[%get3A_412, %get3A_413] {strides = array<i32>} : memref<2x7168xf32, #tpu.memory_space<vmem>>, vector<1x16xf32>,
      %get3A_415 = vector.shape_cast %get3A_414 : vector<1x16xf32> to vector<16xf32>
      %get3A_416 = arith.index_cast %rem3A_129 : i32 to index
      %get3A_417 = arith.constant 7104 : index
      %get3A_418 = tpu.vector_load %arg10[%get3A_416, %get3A_417] {strides = array<i32>} : memref<2x7168xf32, #tpu.memory_space<vmem>>, vector<1x16xf32>,
      %get3A_419 = vector.shape_cast %get3A_418 : vector<1x16xf32> to vector<16xf32>
      %get3A_420 = arith.index_cast %rem3A_129 : i32 to index
      %get3A_421 = arith.constant 7136 : index
      %get3A_422 = tpu.vector_load %arg10[%get3A_420, %get3A_421] {strides = array<i32>} : memref<2x7168xf32, #tpu.memory_space<vmem>>, vector<1x16xf32>,
      %get3A_423 = vector.shape_cast %get3A_422 : vector<1x16xf32> to vector<16xf32>
      %get3A_424 = arith.index_cast %rem3A_129 : i32 to index
      %get3A_425 = arith.constant 7056 : index
      %get3A_426 = tpu.vector_load %arg10[%get3A_424, %get3A_425] {strides = array<i32>} : memref<2x7168xf32, #tpu.memory_space<vmem>>, vector<1x16xf32>,
      %get3A_427 = vector.shape_cast %get3A_426 : vector<1x16xf32> to vector<16xf32>
      %get3A_428 = arith.index_cast %rem3A_129 : i32 to index
      %get3A_429 = arith.constant 7088 : index
      %get3A_430 = tpu.vector_load %arg10[%get3A_428, %get3A_429] {strides = array<i32>} : memref<2x7168xf32, #tpu.memory_space<vmem>>, vector<1x16xf32>,
      %get3A_431 = vector.shape_cast %get3A_430 : vector<1x16xf32> to vector<16xf32>
      %get3A_432 = arith.index_cast %rem3A_129 : i32 to index
      %get3A_433 = arith.constant 7120 : index
      %get3A_434 = tpu.vector_load %arg10[%get3A_432, %get3A_433] {strides = array<i32>} : memref<2x7168xf32, #tpu.memory_space<vmem>>, vector<1x16xf32>,
      %get3A_435 = vector.shape_cast %get3A_434 : vector<1x16xf32> to vector<16xf32>
      %get3A_436 = arith.index_cast %rem3A_129 : i32 to index
      %get3A_437 = arith.constant 7152 : index
      %get3A_438 = tpu.vector_load %arg10[%get3A_436, %get3A_437] {strides = array<i32>} : memref<2x7168xf32, #tpu.memory_space<vmem>>, vector<1x16xf32>,
      %get3A_439 = vector.shape_cast %get3A_438 : vector<1x16xf32> to vector<16xf32>
      %parallel_loop3A_440 = arith.constant 0 : i32
      %parallel_loop3A_441 = arith.constant 48 : i32
      %parallel_loop3A_442 = arith.constant 1 : i32
      %parallel_loop3A_443:8 = scf.for %parallel_loop3A_462 = %parallel_loop3A_440 to %parallel_loop3A_441 step %parallel_loop3A_442 iter_args(%parallel_loop3A_463 = %get3A_411, %parallel_loop3A_464 = %get3A_415, %parallel_loop3A_465 = %get3A_419, %parallel_loop3A_466 = %get3A_423, %parallel_loop3A_467 = %get3A_427, %parallel_loop3A_468 = %get3A_431, %parallel_loop3A_469 = %get3A_435, %parallel_loop3A_470 = %get3A_439) -> (vector<16xf32>, vector<16xf32>, vector<16xf32>, vector<16xf32>, vector<16xf32>, vector<16xf32>, vector<16xf32>, vector<16xf32>)  : i32 {
        %parallel_loop3A_471 = arith.constant 16 : i32
        %parallel_loop3A_472 = arith.muli %parallel_loop3A_462, %parallel_loop3A_471 : i32
        %parallel_loop3A_473 = arith.index_cast %parallel_loop3A_472 : i32 to index
        %parallel_loop3A_474 = tpu.vector_load %arg11[%parallel_loop3A_473] {strides = array<i32>} : memref<1536xf32, #tpu.memory_space<vmem>>, vector<16xf32>,
        %parallel_loop3A_475 = vector.shape_cast %parallel_loop3A_474 : vector<16xf32> to vector<16xf32>
        %parallel_loop3A_476 = arith.constant 768 : i32
        %parallel_loop3A_477 = arith.addi %parallel_loop3A_476, %parallel_loop3A_472 : i32
        %parallel_loop3A_478 = arith.index_cast %parallel_loop3A_477 : i32 to index
        %parallel_loop3A_479 = tpu.vector_load %arg11[%parallel_loop3A_478] {strides = array<i32>} : memref<1536xf32, #tpu.memory_space<vmem>>, vector<16xf32>,
        %parallel_loop3A_480 = vector.shape_cast %parallel_loop3A_479 : vector<16xf32> to vector<16xf32>
        %parallel_loop3A_481 = arith.constant 28 : i32
        %parallel_loop3A_482 = arith.index_cast %rem3A_129 : i32 to index
        %parallel_loop3A_483 = arith.index_cast %parallel_loop3A_481 : i32 to index
        %parallel_loop3A_484 = arith.index_cast %parallel_loop3A_472 : i32 to index
        %parallel_loop3A_485 = tpu.vector_load %arg12[%parallel_loop3A_482, %parallel_loop3A_483, %parallel_loop3A_484] {strides = array<i32>} : memref<2x32x768xf32, #tpu.memory_space<vmem>>, vector<1x1x16xf32>,
        %parallel_loop3A_486 = vector.shape_cast %parallel_loop3A_485 : vector<1x1x16xf32> to vector<16xf32>
        %parallel_loop3A_487 = arith.constant 5376 : i32
        %parallel_loop3A_488 = arith.addi %parallel_loop3A_487, %parallel_loop3A_472 : i32
        %parallel_loop3A_489 = arith.index_cast %rem3A_129 : i32 to index
        %parallel_loop3A_490 = arith.index_cast %parallel_loop3A_488 : i32 to index
        %parallel_loop3A_491 = tpu.vector_load %arg10[%parallel_loop3A_489, %parallel_loop3A_490] {strides = array<i32>} : memref<2x7168xf32, #tpu.memory_space<vmem>>, vector<1x16xf32>,
        %parallel_loop3A_492 = vector.shape_cast %parallel_loop3A_491 : vector<1x16xf32> to vector<16xf32>
        %parallel_loop3A_493 = arith.addf %parallel_loop3A_486, %parallel_loop3A_492 : vector<16xf32>
        %parallel_loop3A_494 = arith.mulf %parallel_loop3A_463, %parallel_loop3A_475 : vector<16xf32>
        %parallel_loop3A_495 = arith.addf %parallel_loop3A_493, %parallel_loop3A_494 : vector<16xf32>
        %parallel_loop3A_496 = arith.mulf %parallel_loop3A_467, %parallel_loop3A_480 : vector<16xf32>
        %parallel_loop3A_497 = arith.addf %parallel_loop3A_495, %parallel_loop3A_496 : vector<16xf32>
        %parallel_loop3A_498 = arith.constant 28 : i32
        %parallel_loop3A_499 = arith.index_cast %rem3A_129 : i32 to index
        %parallel_loop3A_500 = arith.index_cast %parallel_loop3A_498 : i32 to index
        %parallel_loop3A_501 = arith.index_cast %parallel_loop3A_472 : i32 to index
        %parallel_loop3A_502 = tpu.vector_load %arg13[%parallel_loop3A_499, %parallel_loop3A_500, %parallel_loop3A_501] {strides = array<i32>} : memref<2x32x768xf32, #tpu.memory_space<vmem>>, vector<1x1x16xf32>,
        %parallel_loop3A_503 = vector.shape_cast %parallel_loop3A_502 : vector<1x1x16xf32> to vector<16xf32>
        %parallel_loop3A_504 = vector.shape_cast %parallel_loop3A_497 : vector<16xf32> to vector<1x1x16xf32>
        tpu.vector_store %arg13[%parallel_loop3A_499, %parallel_loop3A_500, %parallel_loop3A_501], %parallel_loop3A_504 {strides = array<i32>} : memref<2x32x768xf32, #tpu.memory_space<vmem>>, vector<1x1x16xf32>,
        %parallel_loop3A_505 = arith.constant 29 : i32
        %parallel_loop3A_506 = arith.index_cast %rem3A_129 : i32 to index
        %parallel_loop3A_507 = arith.index_cast %parallel_loop3A_505 : i32 to index
        %parallel_loop3A_508 = arith.index_cast %parallel_loop3A_472 : i32 to index
        %parallel_loop3A_509 = tpu.vector_load %arg12[%parallel_loop3A_506, %parallel_loop3A_507, %parallel_loop3A_508] {strides = array<i32>} : memref<2x32x768xf32, #tpu.memory_space<vmem>>, vector<1x1x16xf32>,
        %parallel_loop3A_510 = vector.shape_cast %parallel_loop3A_509 : vector<1x1x16xf32> to vector<16xf32>
        %parallel_loop3A_511 = arith.constant 5376 : i32
        %parallel_loop3A_512 = arith.addi %parallel_loop3A_511, %parallel_loop3A_472 : i32
        %parallel_loop3A_513 = arith.index_cast %rem3A_129 : i32 to index
        %parallel_loop3A_514 = arith.index_cast %parallel_loop3A_512 : i32 to index
        %parallel_loop3A_515 = tpu.vector_load %arg10[%parallel_loop3A_513, %parallel_loop3A_514] {strides = array<i32>} : memref<2x7168xf32, #tpu.memory_space<vmem>>, vector<1x16xf32>,
        %parallel_loop3A_516 = vector.shape_cast %parallel_loop3A_515 : vector<1x16xf32> to vector<16xf32>
        %parallel_loop3A_517 = arith.addf %parallel_loop3A_510, %parallel_loop3A_516 : vector<16xf32>
        %parallel_loop3A_518 = arith.mulf %parallel_loop3A_464, %parallel_loop3A_475 : vector<16xf32>
        %parallel_loop3A_519 = arith.addf %parallel_loop3A_517, %parallel_loop3A_518 : vector<16xf32>
        %parallel_loop3A_520 = arith.mulf %parallel_loop3A_468, %parallel_loop3A_480 : vector<16xf32>
        %parallel_loop3A_521 = arith.addf %parallel_loop3A_519, %parallel_loop3A_520 : vector<16xf32>
        %parallel_loop3A_522 = arith.constant 29 : i32
        %parallel_loop3A_523 = arith.index_cast %rem3A_129 : i32 to index
        %parallel_loop3A_524 = arith.index_cast %parallel_loop3A_522 : i32 to index
        %parallel_loop3A_525 = arith.index_cast %parallel_loop3A_472 : i32 to index
        %parallel_loop3A_526 = tpu.vector_load %arg13[%parallel_loop3A_523, %parallel_loop3A_524, %parallel_loop3A_525] {strides = array<i32>} : memref<2x32x768xf32, #tpu.memory_space<vmem>>, vector<1x1x16xf32>,
        %parallel_loop3A_527 = vector.shape_cast %parallel_loop3A_526 : vector<1x1x16xf32> to vector<16xf32>
        %parallel_loop3A_528 = vector.shape_cast %parallel_loop3A_521 : vector<16xf32> to vector<1x1x16xf32>
        tpu.vector_store %arg13[%parallel_loop3A_523, %parallel_loop3A_524, %parallel_loop3A_525], %parallel_loop3A_528 {strides = array<i32>} : memref<2x32x768xf32, #tpu.memory_space<vmem>>, vector<1x1x16xf32>,
        %parallel_loop3A_529 = arith.constant 30 : i32
        %parallel_loop3A_530 = arith.index_cast %rem3A_129 : i32 to index
        %parallel_loop3A_531 = arith.index_cast %parallel_loop3A_529 : i32 to index
        %parallel_loop3A_532 = arith.index_cast %parallel_loop3A_472 : i32 to index
        %parallel_loop3A_533 = tpu.vector_load %arg12[%parallel_loop3A_530, %parallel_loop3A_531, %parallel_loop3A_532] {strides = array<i32>} : memref<2x32x768xf32, #tpu.memory_space<vmem>>, vector<1x1x16xf32>,
        %parallel_loop3A_534 = vector.shape_cast %parallel_loop3A_533 : vector<1x1x16xf32> to vector<16xf32>
        %parallel_loop3A_535 = arith.constant 5376 : i32
        %parallel_loop3A_536 = arith.addi %parallel_loop3A_535, %parallel_loop3A_472 : i32
        %parallel_loop3A_537 = arith.index_cast %rem3A_129 : i32 to index
        %parallel_loop3A_538 = arith.index_cast %parallel_loop3A_536 : i32 to index
        %parallel_loop3A_539 = tpu.vector_load %arg10[%parallel_loop3A_537, %parallel_loop3A_538] {strides = array<i32>} : memref<2x7168xf32, #tpu.memory_space<vmem>>, vector<1x16xf32>,
        %parallel_loop3A_540 = vector.shape_cast %parallel_loop3A_539 : vector<1x16xf32> to vector<16xf32>
        %parallel_loop3A_541 = arith.addf %parallel_loop3A_534, %parallel_loop3A_540 : vector<16xf32>
        %parallel_loop3A_542 = arith.mulf %parallel_loop3A_465, %parallel_loop3A_475 : vector<16xf32>
        %parallel_loop3A_543 = arith.addf %parallel_loop3A_541, %parallel_loop3A_542 : vector<16xf32>
        %parallel_loop3A_544 = arith.mulf %parallel_loop3A_469, %parallel_loop3A_480 : vector<16xf32>
        %parallel_loop3A_545 = arith.addf %parallel_loop3A_543, %parallel_loop3A_544 : vector<16xf32>
        %parallel_loop3A_546 = arith.constant 30 : i32
        %parallel_loop3A_547 = arith.index_cast %rem3A_129 : i32 to index
        %parallel_loop3A_548 = arith.index_cast %parallel_loop3A_546 : i32 to index
        %parallel_loop3A_549 = arith.index_cast %parallel_loop3A_472 : i32 to index
        %parallel_loop3A_550 = tpu.vector_load %arg13[%parallel_loop3A_547, %parallel_loop3A_548, %parallel_loop3A_549] {strides = array<i32>} : memref<2x32x768xf32, #tpu.memory_space<vmem>>, vector<1x1x16xf32>,
        %parallel_loop3A_551 = vector.shape_cast %parallel_loop3A_550 : vector<1x1x16xf32> to vector<16xf32>
        %parallel_loop3A_552 = vector.shape_cast %parallel_loop3A_545 : vector<16xf32> to vector<1x1x16xf32>
        tpu.vector_store %arg13[%parallel_loop3A_547, %parallel_loop3A_548, %parallel_loop3A_549], %parallel_loop3A_552 {strides = array<i32>} : memref<2x32x768xf32, #tpu.memory_space<vmem>>, vector<1x1x16xf32>,
        %parallel_loop3A_553 = arith.constant 31 : i32
        %parallel_loop3A_554 = arith.index_cast %rem3A_129 : i32 to index
        %parallel_loop3A_555 = arith.index_cast %parallel_loop3A_553 : i32 to index
        %parallel_loop3A_556 = arith.index_cast %parallel_loop3A_472 : i32 to index
        %parallel_loop3A_557 = tpu.vector_load %arg12[%parallel_loop3A_554, %parallel_loop3A_555, %parallel_loop3A_556] {strides = array<i32>} : memref<2x32x768xf32, #tpu.memory_space<vmem>>, vector<1x1x16xf32>,
        %parallel_loop3A_558 = vector.shape_cast %parallel_loop3A_557 : vector<1x1x16xf32> to vector<16xf32>
        %parallel_loop3A_559 = arith.constant 5376 : i32
        %parallel_loop3A_560 = arith.addi %parallel_loop3A_559, %parallel_loop3A_472 : i32
        %parallel_loop3A_561 = arith.index_cast %rem3A_129 : i32 to index
        %parallel_loop3A_562 = arith.index_cast %parallel_loop3A_560 : i32 to index
        %parallel_loop3A_563 = tpu.vector_load %arg10[%parallel_loop3A_561, %parallel_loop3A_562] {strides = array<i32>} : memref<2x7168xf32, #tpu.memory_space<vmem>>, vector<1x16xf32>,
        %parallel_loop3A_564 = vector.shape_cast %parallel_loop3A_563 : vector<1x16xf32> to vector<16xf32>
        %parallel_loop3A_565 = arith.addf %parallel_loop3A_558, %parallel_loop3A_564 : vector<16xf32>
        %parallel_loop3A_566 = arith.mulf %parallel_loop3A_466, %parallel_loop3A_475 : vector<16xf32>
        %parallel_loop3A_567 = arith.addf %parallel_loop3A_565, %parallel_loop3A_566 : vector<16xf32>
        %parallel_loop3A_568 = arith.mulf %parallel_loop3A_470, %parallel_loop3A_480 : vector<16xf32>
        %parallel_loop3A_569 = arith.addf %parallel_loop3A_567, %parallel_loop3A_568 : vector<16xf32>
        %parallel_loop3A_570 = arith.constant 31 : i32
        %parallel_loop3A_571 = arith.index_cast %rem3A_129 : i32 to index
        %parallel_loop3A_572 = arith.index_cast %parallel_loop3A_570 : i32 to index
        %parallel_loop3A_573 = arith.index_cast %parallel_loop3A_472 : i32 to index
        %parallel_loop3A_574 = tpu.vector_load %arg13[%parallel_loop3A_571, %parallel_loop3A_572, %parallel_loop3A_573] {strides = array<i32>} : memref<2x32x768xf32, #tpu.memory_space<vmem>>, vector<1x1x16xf32>,
        %parallel_loop3A_575 = vector.shape_cast %parallel_loop3A_574 : vector<1x1x16xf32> to vector<16xf32>
        %parallel_loop3A_576 = vector.shape_cast %parallel_loop3A_569 : vector<16xf32> to vector<1x1x16xf32>
        tpu.vector_store %arg13[%parallel_loop3A_571, %parallel_loop3A_572, %parallel_loop3A_573], %parallel_loop3A_576 {strides = array<i32>} : memref<2x32x768xf32, #tpu.memory_space<vmem>>, vector<1x1x16xf32>,
        scf.yield %parallel_loop3A_463, %parallel_loop3A_464, %parallel_loop3A_465, %parallel_loop3A_466, %parallel_loop3A_467, %parallel_loop3A_468, %parallel_loop3A_469, %parallel_loop3A_470 : vector<16xf32>, vector<16xf32>, vector<16xf32>, vector<16xf32>, vector<16xf32>, vector<16xf32>, vector<16xf32>, vector<16xf32>
      } {sc.loop_unroll_factor = 3 : i64, sc.parallel_access}
      %dma_start3A_444 = arith.constant 0 : i32
      %dma_start3A_445 = arith.constant 0 : i32
      %dma_start3A_446 = tpu.memref_slice %arg13[%rem3A_129, %dma_start3A_444, %dma_start3A_445] : memref<2x32x768xf32, #tpu.memory_space<vmem>> -> memref<1x32x768xf32, #tpu.memory_space<vmem>>
      %dma_start3A_447 = tpu.memref_squeeze %dma_start3A_446 : memref<1x32x768xf32, #tpu.memory_space<vmem>> -> memref<32x768xf32, #tpu.memory_space<vmem>>
      %dma_start3A_448 = arith.constant 0 : i32
      %dma_start3A_449 = tpu.memref_slice %arg9[%scan3A_127, %dma_start3A_448] : memref<8x32xi32, #tpu.memory_space<vmem>> -> memref<1x32xi32, #tpu.memory_space<vmem>>
      %dma_start3A_450 = tpu.memref_squeeze %dma_start3A_449 : memref<1x32xi32, #tpu.memory_space<vmem>> -> memref<32xi32, #tpu.memory_space<vmem>>
      %dma_start3A_451 = arith.constant 0 : i32
      %dma_start3A_452 = arith.constant 0 : i32
      %dma_start3A_453 = tpu.memref_slice %arg7[%dma_start3A_451, %dma_start3A_452] : memref<8192x768xf32, #tpu.memory_space<hbm>> -> memref<8192x768xf32, #tpu.memory_space<hbm>>
      %dma_start3A_454 = tpu.memref_slice %arg16[%rem3A_129] : memref<2x!tpu.dma_semaphore, #tpu.memory_space<semaphore_mem>> -> memref<1x!tpu.dma_semaphore, #tpu.memory_space<semaphore_mem>>
      %dma_start3A_455 = tpu.memref_squeeze %dma_start3A_454 : memref<1x!tpu.dma_semaphore, #tpu.memory_space<semaphore_mem>> -> memref<!tpu.dma_semaphore, #tpu.memory_space<semaphore_mem>>
      tpu.enqueue_indirect_dma source(%dma_start3A_447 : memref<32x768xf32, #tpu.memory_space<vmem>>) target(%dma_start3A_453 : memref<8192x768xf32, #tpu.memory_space<hbm>>) offsets(%dma_start3A_450 : memref<32xi32, #tpu.memory_space<vmem>>) semaphore(%dma_start3A_455 : memref<!tpu.dma_semaphore, #tpu.memory_space<semaphore_mem>>)
      %add3A_456 = arith.constant 2 : i32
      %add3A_457 = arith.addi %scan3A_127, %add3A_456 : i32
      %lt3A = arith.constant 8 : i32
      %lt3A_458 = arith.cmpi slt, %add3A_457, %lt3A : i32
      %convert_element_type3A_459 = arith.extui %lt3A_458 : i1 to i32
      %cond3A_460 = arith.constant 0 : i32
      %cond3A_461 = arith.cmpi ne, %convert_element_type3A_459, %cond3A_460 : i32
      scf.if %cond3A_461 {
        %add3A_462 = arith.constant 2 : i32
        %add3A_463 = arith.addi %scan3A_127, %add3A_462 : i32
        %rem3A_464 = arith.constant 2 : i32
        %rem3A_465 = arith.remsi %add3A_463, %rem3A_464 : i32
        %dma_start3A_466 = arith.constant 0 : i32
        %dma_start3A_467 = arith.constant 0 : i32
        %dma_start3A_468 = tpu.memref_slice %arg12[%rem3A_465, %dma_start3A_466, %dma_start3A_467] : memref<2x32x768xf32, #tpu.memory_space<vmem>> -> memref<1x32x768xf32, #tpu.memory_space<vmem>>
        %dma_start3A_469 = tpu.memref_squeeze %dma_start3A_468 : memref<1x32x768xf32, #tpu.memory_space<vmem>> -> memref<32x768xf32, #tpu.memory_space<vmem>>
        %dma_start3A_470 = arith.constant 0 : i32
        %dma_start3A_471 = tpu.memref_slice %arg8[%add3A_463, %dma_start3A_470] : memref<8x32xi32, #tpu.memory_space<vmem>> -> memref<1x32xi32, #tpu.memory_space<vmem>>
        %dma_start3A_472 = tpu.memref_squeeze %dma_start3A_471 : memref<1x32xi32, #tpu.memory_space<vmem>> -> memref<32xi32, #tpu.memory_space<vmem>>
        %dma_start3A_473 = arith.constant 0 : i32
        %dma_start3A_474 = arith.constant 0 : i32
        %dma_start3A_475 = tpu.memref_slice %arg6[%dma_start3A_473, %dma_start3A_474] : memref<100000x768xf32, #tpu.memory_space<hbm>> -> memref<100000x768xf32, #tpu.memory_space<hbm>>
        %dma_start3A_476 = tpu.memref_slice %arg14[%rem3A_465] : memref<2x!tpu.dma_semaphore, #tpu.memory_space<semaphore_mem>> -> memref<1x!tpu.dma_semaphore, #tpu.memory_space<semaphore_mem>>
        %dma_start3A_477 = tpu.memref_squeeze %dma_start3A_476 : memref<1x!tpu.dma_semaphore, #tpu.memory_space<semaphore_mem>> -> memref<!tpu.dma_semaphore, #tpu.memory_space<semaphore_mem>>
        tpu.enqueue_indirect_dma source(%dma_start3A_475 : memref<100000x768xf32, #tpu.memory_space<hbm>>) target(%dma_start3A_469 : memref<32x768xf32, #tpu.memory_space<vmem>>) offsets(%dma_start3A_472 : memref<32xi32, #tpu.memory_space<vmem>>) semaphore(%dma_start3A_477 : memref<!tpu.dma_semaphore, #tpu.memory_space<semaphore_mem>>)
        %dma_start3A_478 = arith.constant 0 : i32
        %dma_start3A_479 = tpu.memref_slice %arg10[%rem3A_465, %dma_start3A_478] : memref<2x7168xf32, #tpu.memory_space<vmem>> -> memref<1x7168xf32, #tpu.memory_space<vmem>>
        %dma_start3A_480 = tpu.memref_squeeze %dma_start3A_479 : memref<1x7168xf32, #tpu.memory_space<vmem>> -> memref<7168xf32, #tpu.memory_space<vmem>>
        %dma_start3A_481 = arith.constant 0 : i32
        %dma_start3A_482 = tpu.memref_slice %arg4[%add3A, %add3A_463, %dma_start3A_481] : memref<32x8x7168xf32, #tpu.memory_space<hbm>> -> memref<1x1x7168xf32, #tpu.memory_space<hbm>>
        %dma_start3A_483 = tpu.memref_squeeze %dma_start3A_482 : memref<1x1x7168xf32, #tpu.memory_space<hbm>> -> memref<7168xf32, #tpu.memory_space<hbm>>
        %dma_start3A_484 = tpu.memref_slice %arg15[%rem3A_465] : memref<2x!tpu.dma_semaphore, #tpu.memory_space<semaphore_mem>> -> memref<1x!tpu.dma_semaphore, #tpu.memory_space<semaphore_mem>>
        %dma_start3A_485 = tpu.memref_squeeze %dma_start3A_484 : memref<1x!tpu.dma_semaphore, #tpu.memory_space<semaphore_mem>> -> memref<!tpu.dma_semaphore, #tpu.memory_space<semaphore_mem>>
        %dma_start3A_486 = arith.constant 0 : i32
        %dma_start3A_487 = tpu.memref_slice %arg10[%rem3A_465, %dma_start3A_486] : memref<2x7168xf32, #tpu.memory_space<vmem>> -> memref<1x7168xf32, #tpu.memory_space<vmem>>
        %dma_start3A_488 = tpu.memref_squeeze %dma_start3A_487 : memref<1x7168xf32, #tpu.memory_space<vmem>> -> memref<7168xf32, #tpu.memory_space<vmem>>
        %dma_start3A_489 = arith.constant 0 : i32
        %dma_start3A_490 = tpu.memref_slice %arg4[%add3A, %add3A_463, %dma_start3A_489] : memref<32x8x7168xf32, #tpu.memory_space<hbm>> -> memref<1x1x7168xf32, #tpu.memory_space<hbm>>
        %dma_start3A_491 = tpu.memref_squeeze %dma_start3A_490 : memref<1x1x7168xf32, #tpu.memory_space<hbm>> -> memref<7168xf32, #tpu.memory_space<hbm>>
        tpu.enqueue_dma source(%dma_start3A_491 : memref<7168xf32, #tpu.memory_space<hbm>>) target(%dma_start3A_488 : memref<7168xf32, #tpu.memory_space<vmem>>) target_semaphore(%dma_start3A_485 : memref<!tpu.dma_semaphore, #tpu.memory_space<semaphore_mem>>)
      } else {
      }
    }
    %scan3A_96 = arith.constant 8 : i32
    %dma_wait3A_97 = arith.constant 0 : i32
    %dma_wait3A_98 = arith.constant 6 : i32
    %dma_wait3A_99 = arith.constant 0 : i32
    %dma_wait3A_100 = arith.constant 0 : i32
    %dma_wait3A_101 = arith.constant 0 : i32
    %dma_wait3A_102 = tpu.memref_slice %arg13[%dma_wait3A_97, %dma_wait3A_100, %dma_wait3A_101] : memref<2x32x768xf32, #tpu.memory_space<vmem>> -> memref<1x32x768xf32, #tpu.memory_space<vmem>>
    %dma_wait3A_103 = tpu.memref_squeeze %dma_wait3A_102 : memref<1x32x768xf32, #tpu.memory_space<vmem>> -> memref<32x768xf32, #tpu.memory_space<vmem>>
    %dma_wait3A_104 = arith.constant 0 : i32
    %dma_wait3A_105 = tpu.memref_slice %arg9[%dma_wait3A_98, %dma_wait3A_104] : memref<8x32xi32, #tpu.memory_space<vmem>> -> memref<1x32xi32, #tpu.memory_space<vmem>>
    %dma_wait3A_106 = tpu.memref_squeeze %dma_wait3A_105 : memref<1x32xi32, #tpu.memory_space<vmem>> -> memref<32xi32, #tpu.memory_space<vmem>>
    %dma_wait3A_107 = arith.constant 0 : i32
    %dma_wait3A_108 = arith.constant 0 : i32
    %dma_wait3A_109 = tpu.memref_slice %arg7[%dma_wait3A_107, %dma_wait3A_108] : memref<8192x768xf32, #tpu.memory_space<hbm>> -> memref<8192x768xf32, #tpu.memory_space<hbm>>
    %dma_wait3A_110 = tpu.memref_slice %arg16[%dma_wait3A_99] : memref<2x!tpu.dma_semaphore, #tpu.memory_space<semaphore_mem>> -> memref<1x!tpu.dma_semaphore, #tpu.memory_space<semaphore_mem>>
    %dma_wait3A_111 = tpu.memref_squeeze %dma_wait3A_110 : memref<1x!tpu.dma_semaphore, #tpu.memory_space<semaphore_mem>> -> memref<!tpu.dma_semaphore, #tpu.memory_space<semaphore_mem>>
    tpu.wait_indirect_dma semaphore(%dma_wait3A_111 : memref<!tpu.dma_semaphore, #tpu.memory_space<semaphore_mem>>) src(%dma_wait3A_103 : memref<32x768xf32, #tpu.memory_space<vmem>>) dst(%dma_wait3A_109 : memref<8192x768xf32, #tpu.memory_space<hbm>>)
    %dma_wait3A_112 = arith.constant 1 : i32
    %dma_wait3A_113 = arith.constant 7 : i32
    %dma_wait3A_114 = arith.constant 1 : i32
    %dma_wait3A_115 = arith.constant 0 : i32
    %dma_wait3A_116 = arith.constant 0 : i32
    %dma_wait3A_117 = tpu.memref_slice %arg13[%dma_wait3A_112, %dma_wait3A_115, %dma_wait3A_116] : memref<2x32x768xf32, #tpu.memory_space<vmem>> -> memref<1x32x768xf32, #tpu.memory_space<vmem>>
    %dma_wait3A_118 = tpu.memref_squeeze %dma_wait3A_117 : memref<1x32x768xf32, #tpu.memory_space<vmem>> -> memref<32x768xf32, #tpu.memory_space<vmem>>
    %dma_wait3A_119 = arith.constant 0 : i32
    %dma_wait3A_120 = tpu.memref_slice %arg9[%dma_wait3A_113, %dma_wait3A_119] : memref<8x32xi32, #tpu.memory_space<vmem>> -> memref<1x32xi32, #tpu.memory_space<vmem>>
    %dma_wait3A_121 = tpu.memref_squeeze %dma_wait3A_120 : memref<1x32xi32, #tpu.memory_space<vmem>> -> memref<32xi32, #tpu.memory_space<vmem>>
    %dma_wait3A_122 = arith.constant 0 : i32
    %dma_wait3A_123 = arith.constant 0 : i32
    %dma_wait3A_124 = tpu.memref_slice %arg7[%dma_wait3A_122, %dma_wait3A_123] : memref<8192x768xf32, #tpu.memory_space<hbm>> -> memref<8192x768xf32, #tpu.memory_space<hbm>>
    %dma_wait3A_125 = tpu.memref_slice %arg16[%dma_wait3A_114] : memref<2x!tpu.dma_semaphore, #tpu.memory_space<semaphore_mem>> -> memref<1x!tpu.dma_semaphore, #tpu.memory_space<semaphore_mem>>
    %dma_wait3A_126 = tpu.memref_squeeze %dma_wait3A_125 : memref<1x!tpu.dma_semaphore, #tpu.memory_space<semaphore_mem>> -> memref<!tpu.dma_semaphore, #tpu.memory_space<semaphore_mem>>
    tpu.wait_indirect_dma semaphore(%dma_wait3A_126 : memref<!tpu.dma_semaphore, #tpu.memory_space<semaphore_mem>>) src(%dma_wait3A_118 : memref<32x768xf32, #tpu.memory_space<vmem>>) dst(%dma_wait3A_124 : memref<8192x768xf32, #tpu.memory_space<hbm>>)
    return
  }
}

</mosaic_0001>

<sc_bundles>
// kernel: kernel.3.cloned.1.call-start
scs
__scs_entry_jumppad:
0x0: {  	(pc) =	sbr.rel $0x88, $3  }
0x1: {  	(tag) =	ssettag $0x0;
	lr =	simm.s32 $0x1  }
0x2: {  	[smem:$0x3F9C] =	sst lr;
	_ =	strace $0xD0000000  }
0x3: {  	_ = 	snop  }
0x4: {  	_ = 	snop  }
0x5: {  	_ = 	snop  }
0x6: {  	_ = 	snop  }
0x7: {  	_ = 	snop  }
__scs_overlays_trampoline_lowered:
0x8: {  	[smem:$0x3FAB] =	sst s0  }
0x9: {  	[smem:$0x3FAC] =	sst s1  }
0xa: {  	[smem:$0x3FAD] =	sst s2  }
0xb: {  	[smem:$0x3FAE] =	sst s3  }
0xc: {  	[smem:$0x3FAF] =	sst s4  }
0xd: {  	[smem:$0x3FB0] =	sst s5  }
0xe: {  	[smem:$0x3FB1] =	sst s6  }
0xf: {  	[smem:$0x3FB2] =	sst s7  }
0x10: {  	[smem:$0x3FB3] =	sst s8  }
0x11: {  	[smem:$0x3FB4] =	sst s9;
	s0 =	simm.s32 @!p0 $0x0  }
0x12: {  	s1 =	sld [smem:$0x3F9A];
	s0 =	simm.s32 @p0 $0x1  }
0x13: {  	[smem:$0x3FB5] =	sst s0;
	s0 =	simm.s32 @!p1 $0x0  }
0x14: {  	s2 =	sld [smem:$0x3F99];
	s0 =	simm.s32 @p1 $0x1  }
0x15: {  	[smem:$0x3FB6] =	sst s0;
	s0 =	simm.s32 @!p2 $0x0  }
0x16: {  	s3 =	sld [smem:$0x3FDB];
	s0 =	simm.s32 @p2 $0x1  }
0x17: {  	s4 =	simm.s32 $0x1BF5;
	[smem:$0x3FB8] =	sst s0  }
0x18: {  	s0 =	sld [smem:$0x3F9B];
	_ =	swait.ge [sflag:s4], $0x0  }
0x19: {  	s7 =	sld [smem:$0x3F9C]  }
0x1a: {  	s8 =	sadd.s32 $0xFFFFE003, lr  }
0x1b: {  	s9 =	sadd.s32 $0xFFFFFEF7, lr;
	s5 =	simm.s32 $0xFFFFFFFF;
	p2 =	slt.u32 s8, $0xFFFFF086  }
0x1c: {  	p1 =	slt.u32 s9, $0xF7A;
	s5 =	simm.s32 @!p2 $0x0  }
0x1d: {  	s5 =	simm.s32 @p1 $0x1;
	p0 =	seq.s32 s7, s2  }
0x1e: {  	s7 =	smul.u32 @!p0 $0xF7A, s2;
	p2 =	seq.s32 @!p0 s5, $0x0  }
0x1f: {  	s9 =	smul.u32 $0xF7A, s1;
	s8 =	simm.s32 @!p0 $0x1BF5;
	p2 =	por !p2, p0  }
0x20: {  	[sflag:s8] =	ssyncset.s32 @!p0 $0xFFFFF086;
	s6 =	sadd.s32 @!p0 s3, s7;
	s7 =	simm.s32 @!p0 $0x108  }
0x21: {  	s3 =	sadd.s32 s3, s9;
	s6 =	sadd.s32 @!p0 $0x88, s6;
	s7 =	simm.s32 @p2 $0x1082  }
0x22: {  	[simem:s7], [sflag:s8] =	dma.local @!p0 [hbm:s6], $0xF7A  }
0x23: {  	s9 =	sor.u32 $0xD0000000, s2;
	s6 =	simm.s32 $0x108;
	_ =	swait.ge @!p0 [sflag:s8], $0x0  }
0x24: {  	s3 =	sadd.s32 $0x88, s3;
	s6 =	simm.s32 @!p1 $0x1082;
	[sflag:s4] =	ssyncset.s32 $0xFFFFF086  }
0x25: {  	[simem:s6], [sflag:s4] =	dma.local [hbm:s3], $0xF7A  }
0x26: {  	[smem:$0x3F9C] =	sst s1;
	(tag) =	ssettag s2;
	_ =	strace s9  }
0x27: {  	s1 =	sld [smem:$0x3FAC]  }
0x28: {  	s2 =	sld [smem:$0x3FAD]  }
0x29: {  	s4 =	sld [smem:$0x3FAF]  }
0x2a: {  	p0 =	seq.s32 s5, $0x0;
	s5 =	sld [smem:$0x3FB0]  }
0x2b: {  	s6 =	sld [smem:$0x3FB1]  }
0x2c: {  	s7 =	sld [smem:$0x3FB2]  }
0x2d: {  	s3 =	simm.s32 $0x108;
	s8 =	sld [smem:$0x3FB3]  }
0x2e: {  	s3 =	simm.s32 @!p0 $0x1082;
	s9 =	sld [smem:$0x3FB4]  }
0x2f: {  	lr =	sadd.s32 s0, s3;
	s0 =	sld [smem:$0x3FAB]  }
0x30: {  	s3 =	sld [smem:$0x3FAE]  }
0x31: {  	[smem:$0x3FB7] =	sst s10  }
0x32: {  	s10 =	sld [smem:$0x3FB5];
	_ =	sdelay $0x3  }
0x33: {  	p0 =	seq.s32 s10, $0x1;
	s10 =	sld [smem:$0x3FB7];
	_ =	sdelay $0x3  }
0x34: {  	[smem:$0x3FB7] =	sst s10  }
0x35: {  	s10 =	sld [smem:$0x3FB6];
	_ =	sdelay $0x3  }
0x36: {  	p1 =	seq.s32 s10, $0x1;
	s10 =	sld [smem:$0x3FB7];
	_ =	sdelay $0x3  }
0x37: {  	[smem:$0x3FB7] =	sst s10  }
0x38: {  	s10 =	sld [smem:$0x3FB8]  }
0x39: {  	_ = 	snop;
	(pc) =	sbr.ind lr, $3  }
0x3a: {  	_ = 	snop  }
0x3b: {  	_ = 	snop  }
0x3c: {  	p2 =	seq.s32 s10, $0x1;
	s10 =	sld [smem:$0x3FB7]  }
0x3d: {  	_ =	shalt  }
0x3e: {  	_ =	shalt  }
0x3f: {  	_ =	shalt  }
0x40: {  	_ =	shalt  }
0x41: {  	_ =	shalt  }
0x42: {  	_ =	shalt  }
0x43: {  	_ =	shalt  }
0x44: {  	_ =	shalt  }
0x45: {  	_ =	shalt  }
0x46: {  	_ =	shalt  }
0x47: {  	_ =	shalt  }
0x48: {  	_ =	shalt  }
0x49: {  	_ =	shalt  }
0x4a: {  	_ =	shalt  }
0x4b: {  	_ =	shalt  }
0x4c: {  	_ =	shalt  }
0x4d: {  	_ =	shalt  }
0x4e: {  	_ =	shalt  }
0x4f: {  	_ =	shalt  }
0x50: {  	_ =	shalt  }
0x51: {  	_ =	shalt  }
0x52: {  	_ =	shalt  }
0x53: {  	_ =	shalt  }
0x54: {  	_ =	shalt  }
0x55: {  	_ =	shalt  }
0x56: {  	_ =	shalt  }
0x57: {  	_ =	shalt  }
0x58: {  	_ =	shalt  }
0x59: {  	_ =	shalt  }
0x5a: {  	_ =	shalt  }
0x5b: {  	_ =	shalt  }
0x5c: {  	_ =	shalt  }
0x5d: {  	_ =	shalt  }
0x5e: {  	_ =	shalt  }
0x5f: {  	_ =	shalt  }
0x60: {  	_ =	shalt  }
0x61: {  	_ =	shalt  }
0x62: {  	_ =	shalt  }
0x63: {  	_ =	shalt  }
0x64: {  	_ =	shalt  }
0x65: {  	_ =	shalt  }
0x66: {  	_ =	shalt  }
0x67: {  	_ =	shalt  }
0x68: {  	_ =	shalt  }
0x69: {  	_ =	shalt  }
0x6a: {  	_ =	shalt  }
0x6b: {  	_ =	shalt  }
0x6c: {  	_ =	shalt  }
0x6d: {  	_ =	shalt  }
0x6e: {  	_ =	shalt  }
0x6f: {  	_ =	shalt  }
0x70: {  	_ =	shalt  }
0x71: {  	_ =	shalt  }
0x72: {  	_ =	shalt  }
0x73: {  	_ =	shalt  }
0x74: {  	_ =	shalt  }
0x75: {  	_ =	shalt  }
0x76: {  	_ =	shalt  }
0x77: {  	_ =	shalt  }
0x78: {  	_ =	shalt  }
0x79: {  	_ =	shalt  }
0x7a: {  	_ =	shalt  }
0x7b: {  	_ =	shalt  }
0x7c: {  	_ =	shalt  }
0x7d: {  	_ =	shalt  }
0x7e: {  	_ =	shalt  }
0x7f: {  	_ =	shalt  }
0x80: {  	_ =	shalt  }
0x81: {  	_ =	shalt  }
0x82: {  	_ =	shalt  }
0x83: {  	_ =	shalt  }
0x84: {  	_ =	shalt  }
0x85: {  	_ =	shalt  }
0x86: {  	_ =	shalt  }
0x87: {  	_ =	shalt  }
.Lfunc_end0:
.L_simem_size_0:
called_computation_lowered:
.L_overlay_start_0:
0x88: {  	s2 =	sld [smem:$0x3FD9]  }
0x89: {  	s3 =	sld [smem:$0x3FFE];
	_ =	sdelay $0x1  }
0x8a: {  	s1 =	srdreg.scid  }
0x8b: {  	s0 =	sand.u32 $0x1, s1  }
0x8c: {  	s17 =	sshll.u32 s0, $0xA;
	s2 =	sadd.s32 s3, s2  }
0x8d: {  	s2 =	sadd.s32 s2, s17  }
0x8e: {  	[smem:$0x3FC3] =	sst s2  }
0x8f: {  	_ = 	snop  }
0x90: {  	s2 =	sld [smem:$0x3FC7]  }
0x91: {  	s18 =	sld [smem:$0x3FD0];
	(tm) =	ssettm $0x1  }
0x92: {  	s4 =	sld [smem:$0x3FFB];
	_ =	sdelay $0x3  }
0x93: {  	_ =	strace s4  }
0x94: {  	s4 =	sld [smem:$0x3FFC];
	_ =	sdelay $0x3  }
0x95: {  	_ =	strace s4  }
0x96: {  	s4 =	sld [smem:$0x3FFD];
	_ =	sdelay $0x3  }
0x97: {  	_ =	strace s4  }
0x98: {  	_ =	strace $0x8FFFFFFF  }
0x99: {  	s19 =	sld [smem:$0x3FDB];
	_ =	sdelay $0x1  }
0x9a: {  	s5 =	simm.s32 $_scs_section_size  }
0x9b: {  	s6 =	simm.s32 $_size__tile_overlayer_lowered;
	s7 =	simm.s32 $_tile_overlayer_lowered  }
0x9c: {  	s22 =	simm.s32 $0x1BFF;
	s21 =	sshll.u32 s7, $0x1;
	s4 =	sadd.s32 s5, s19  }
0x9d: {  	s8 =	simm.s32 $0x0;
	s20 =	sshll.u32 s6, $0x1;
	s6 =	sadd.s32 s21, s4  }
0x9e: {  	[timem:s8], [sflag:s22] =	dma.local [hbm:s6], s20  }
0x9f: {  	_ =	swait.ge [sflag:s22], s20  }
0xa0: {  	s5 =	ssub.s32 $0x0, s20;
	[sflag:s22] =	ssyncset.done $0x0  }
0xa1: {  	[sflag:s22] =	ssyncadd.s32 s5;
	_ =	sdelay $0x1  }
0xa2: {  	s23 =	simm.s32 $0x1B8B  }
0xa3: {  	_ =	swait.ge [sflag:s23], $0x1  }
0xa4: {  	[sflag:s23] =	ssyncset.done $0x0  }
0xa5: {  	s25 =	simm.s32 $0x1B8E;
	s24 =	sld [smem:$0x3FFE];
	[sflag:s23] =	ssyncadd.s32 $0xFFFFFFFF  }
0xa6: {  	s26 =	simm.s32 $execute0_lowered;
	[smem:$0x3FD2] =	sst s25  }
0xa7: {  	s6 =	sshll.u32 s26, $0x1;
	_ =	strace $0x80000046;
	[dreg:$0x1] =	wrdreg $0xFFFFFFFF  }
0xa8: {  	s28 =	simm.s32 $_size_execute0_lowered;
	s4 =	sadd.s32 s4, s6;
	[dreg:$0x0] =	wrdreg $0x0  }
0xa9: {  	s6 =	sshll.u32 s28, $0x1;
	[dreg:$0x2] =	wrdreg s4  }
0xaa: {  	[dreg:$0x3] =	wrdreg s6  }
0xab: {  	[dreg:$0x4] =	wrdreg $0xC0  }
0xac: {  	_ =	task [dreg:s8], $0x5FFFF  }
0xad: {  	[dreg:$0x1] =	wrdreg $0xFFFFFFFF  }
0xae: {  	[dreg:$0x0] =	wrdreg $0x60  }
0xaf: {  	[dreg:$0x2] =	wrdreg s24  }
0xb0: {  	[dreg:$0x3] =	wrdreg s2  }
0xb1: {  	[dreg:$0x4] =	wrdreg s18  }
0xb2: {  	[dreg:$0x5] =	wrdreg $0x9  }
0xb3: {  	_ =	task.clear_ibuf [dreg:s8], $0x6FFFF;
	_ =	strace $0x90000046  }
0xb4: {  	s29 =	simm.s32 $0x9;
	_ =	strace $0x80000048  }
0xb5: {  	_ =	swait.ge [sflag:s29], $0x1  }
0xb6: {  	[sflag:s29] =	ssyncadd.s32 $0xFFFFFFFF  }
0xb7: {  	_ =	strace $0x90000048  }
0xb8: {  	_ =	sfence  }
0xb9: {  	s30 =	sld [smem:$0x0];
	_ =	sdelay $0x2  }
0xba: {  	s31 =	sshll.u32 s1, $0xD;
	s1 =	sshrl.u32 s1, $0x2  }
0xbb: {  	s3 =	sand.u32 $0x4000, s31;
	s1 =	sadd.s32 s1, s30  }
0xbc: {  	s0 =	sor.u32 s3, s0;
	s1 =	sshll.u32 s1, $0x11  }
0xbd: {  	s0 =	sor.u32 s1, s0  }
0xbe: {  	s0 =	sadd.s32 $0x8F2B, s0  }
0xbf: {  	[sflag:s0] =	ssyncadd.remote.s32 $0x1  }
0xc0: {  	_ =	sfence.sel $0xFFFF  }
0xc1: {  	[dreg:$0x0] =	wrdreg $0xFFFFFFFF;
	(pc) =	sbr.abs _section_cstart, $3  }
0xc2: {  	[dreg:$0x1] =	wrdreg $0xFFFFFFFF  }
0xc3: {  	_ =	task.clear_ibuf [dreg:s8], $0x2FFFF;
	_ =	strace $0x9FFFFFFF  }
0xc4: {  	(tm) =	ssettm $0x7FFFFFFF  }
0xc5: {  	_ =	shalt  }
tec
execute0_lowered:
.L_overlay_start_1:
0x0: {  	(tag) =	ssettag $0x1  }
0x1: {  	s0 =	rddreg [dreg:$0x0]  }
0x2: {  	s4 =	rddreg [dreg:$0x1]  }
0x3: {  	s1 =	srdreg.scid;
	s7 =	rddreg [dreg:$0x2];
	s8 =	simm.s32 $0x0  }
0x4: {  	s2 =	stileid.u32;
	[smem:$0x7FF] =	sst s8;
	s26 =	sadd.s32 $0x100, s4  }
0x5: {  	s9 =	sadd.s32 $0x2400, s0;
	_ =	strace $0x80000047;
	[dreg:$0x8] =	wrdreg s26  }
0x6: {  	s1 =	sand.u32 $0x1, s1;
	s28 =	sadd.s32 $0x200, s4;
	[dreg:$0x4] =	wrdreg s9  }
0x7: {  	s2 =	sshll.u32 s2, $0x1;
	s29 =	sadd.s32 $0x100, s7;
	[dreg:$0xa] =	wrdreg s28  }
0x8: {  	s30 =	sadd.s32 $0x200, s7;
	s2 =	sor.u32 s1, s2;
	[dreg:$0xc] =	wrdreg s29  }
0x9: {  	s1 =	ssub.s32 $0x2, s1;
	[dreg:$0xd] =	wrdreg s30;
	s3 =	sshll.u32 s2, $0x7  }
0xa: {  	s31 =	smul.u32 $0xE000, s2;
	s3 =	sadd.s32 s3, s0;
	s0 =	sadd.s32 $0x2200, s0  }
0xb: {  	s5 =	sshrl.u32 s1, $0x1;
	s6 =	smul.u32 $0x1C00, s2;
	[dreg:$0x5] =	wrdreg s0  }
0xc: {  	s23 =	ssub.s32 s1, s5;
	s24 =	sadd.s32 $0x1200, s3;
	[dreg:$0xf] =	wrdreg s31  }
.Ltmp0:
0xd: {  	s25 =	sadd.s32 $0x200, s3;
	[dreg:$0x6] =	wrdreg s24;
	(pc) =	sbr.rel .LBB2_1-.Ltmp0, $4  }
0xe: {  	s0 =	smax.u32 s23, $0x1;
	[dreg:$0x7] =	wrdreg s25  }
0xf: {  	v2 =	vlaneseq.u32;
	s5 =	sadd.s32 s9, s6;
	[dreg:$0xe] =	wrdreg s0  }
0x10: {  	vm0 =	vmmov $0xffff;
	v1 =	vshrl.u32 v2, $0x3;
	s4 =	sadd.s32 $0x10, s5;
	[dreg:$0x9] =	wrdreg s5  }
0x11: {  	v0 =	vand.u32 $0x7, v2;
	v2 =	vor.u32 $0x8, v2;
	v1 =	vmul.u32 $0x8, v1;
	s2 =	simm.s32 $0x0;
	s6 =	simm.s32 $0x7;
	[dreg:$0xb] =	wrdreg s4  }
.LBB2_27:
0x12: {  	s0 =	simm.s32 $0x5  }
0x13: {  	_ =	swait.ge [sflag:s0], $0x6000  }
0x14: {  	[sflag:s0] =	ssyncset.done $0x0  }
0x15: {  	s1 =	simm.s32 $0x6;
	[sflag:s0] =	ssyncadd.s32 $0xFFFFA000  }
0x16: {  	_ =	swait.ge [sflag:s1], $0x6000  }
0x17: {  	s2 =	rddreg [dreg:$0x10]  }
0x18: {  	s31 =	rddreg [dreg:$0xe];
	s2 =	sadd.s32 $0x1, s2  }
0x19: {  	p0 =	sne.s32 s2, s31  }
.Ltmp1:
0x1a: {  	_ = 	snop;
	(pc) =	sbr.rel @!p0 .LBB2_28-.Ltmp1, $3  }
0x1b: {  	_ =	sdelay $0x1  }
0x1c: {  	[sflag:s1] =	ssyncset.done $0x0;
	s5 =	rddreg [dreg:$0x9]  }
0x1d: {  	s6 =	simm.s32 $0x7;
	s4 =	rddreg [dreg:$0xb];
	[sflag:s1] =	ssyncadd.s32 $0xFFFFA000  }
.LBB2_1:
0x1e: {  	[dreg:$0x10] =	wrdreg s2  }
0x1f: {  	s0 =	rddreg [dreg:$0x6]  }
0x20: {  	[tilespmem:s8], [sflag:$0x7] =	stream.linear.gather [hbm4b:s0+s8], $0x400, $0x38;
	[tilespmem:$0x1C600] =	vst v63  }
0x21: {  	s14 =	rddreg [dreg:$0x7];
	s1 =	simm.s32 $0x400  }
0x22: {  	[tilespmem:s1], [sflag:$0x7] =	stream.linear.gather [hbm4b:s14+s8], $0x400, $0x38;
	[tilespmem:$0x1C600] =	vst v63  }
0x23: {  	s15 =	rddreg [dreg:$0x5];
	s16 =	simm.s32 $0x4000  }
0x24: {  	[tilespmem:s16], [sflag:$0x7] =	stream.linear.gather [hbm4b:s15+s8], $0x600, $0x38;
	[tilespmem:$0x1C600] =	vst v63  }
0x25: {  	_ =	swait.ge [sflag:s6], $0x400  }
0x26: {  	[sflag:s6] =	ssyncset.done $0x0  }
0x27: {  	[sflag:s6] =	ssyncadd.s32 $0xFFFFFC00  }
0x28: {  	v3 =	vld [tilespmem:$0x0];
	_ =	sdelay $0x4  }
0x29: {  	v4 =	vshrl.u32 v3, $0x3  }
0x2a: {  	v4 =	vmul.u32 $0x30, v4  }
0x2b: {  	v3 =	vand.u32 $0x7, v3  }
0x2c: {  	v3 =	vor.u32 v3, v4  }
0x2d: {  	v4 =	vperm.xlane v3, v0;
	_ =	sdelay $0x1  }
0x2e: {  	v4 =	vadd.s32 v1, v4;
	_ =	sdelay $0x3  }
0x2f: {  	s18 =	simm.s32 $0x4600;
	s17 =	rddreg [dreg:$0x1];
	v3 =	vperm.xlane v3, v2  }
0x30: {  	[tilespmem:s18], [sflag:$0x1] =	stream.indirect_vreg.gather [hbm4b:s17+s8], $0x80, v4, vm0, $0xb8;
	[tilespmem:$0x1C600] =	vst v63  }
0x31: {  	s20 =	simm.s32 $0x4E00;
	s19 =	rddreg [dreg:$0x8];
	v3 =	vadd.s32 v1, v3  }
0x32: {  	[tilespmem:s20], [sflag:$0x1] =	stream.indirect_vreg.gather [hbm4b:s19+s8], $0x80, v4, vm0, $0xb8;
	[tilespmem:$0x1C600] =	vst v63  }
0x33: {  	s3 =	simm.s32 $0x5600;
	s21 =	rddreg [dreg:$0xa]  }
0x34: {  	[tilespmem:s3], [sflag:$0x1] =	stream.indirect_vreg.gather [hbm4b:s21+s8], $0x80, v4, vm0, $0xb8;
	[tilespmem:$0x1C600] =	vst v63  }
0x35: {  	s22 =	simm.s32 $0x5E00  }
0x36: {  	[tilespmem:s22], [sflag:$0x1] =	stream.indirect_vreg.gather [hbm4b:s17+s8], $0x80, v3, vm0, $0xb8;
	[tilespmem:$0x1C600] =	vst v63  }
0x37: {  	s23 =	simm.s32 $0x6600  }
0x38: {  	[tilespmem:s23], [sflag:$0x1] =	stream.indirect_vreg.gather [hbm4b:s19+s8], $0x80, v3, vm0, $0xb8;
	[tilespmem:$0x1C600] =	vst v63  }
0x39: {  	s24 =	simm.s32 $0x6E00  }
0x3a: {  	[tilespmem:s24], [sflag:$0x1] =	stream.indirect_vreg.gather [hbm4b:s21+s8], $0x80, v3, vm0, $0xb8;
	[tilespmem:$0x1C600] =	vst v63  }
0x3b: {  	v3 =	vld [tilespmem:$0x10];
	_ =	sdelay $0x4  }
0x3c: {  	v63 =	vshrl.u32 v3, $0x3  }
0x3d: {  	v4 =	vmul.u32 $0x30, v63  }
0x3e: {  	v3 =	vand.u32 $0x7, v3  }
0x3f: {  	v3 =	vor.u32 v3, v4  }
0x40: {  	v4 =	vperm.xlane v3, v0;
	_ =	sdelay $0x1  }
0x41: {  	v4 =	vadd.s32 v1, v4;
	_ =	sdelay $0x3  }
0x42: {  	s25 =	simm.s32 $0x7600;
	v3 =	vperm.xlane v3, v2  }
0x43: {  	[tilespmem:s25], [sflag:$0x1] =	stream.indirect_vreg.gather [hbm4b:s17+s8], $0x80, v4, vm0, $0xb8;
	[tilespmem:$0x1C600] =	vst v63  }
0x44: {  	s26 =	simm.s32 $0x7E00;
	v3 =	vadd.s32 v1, v3  }
0x45: {  	[tilespmem:s26], [sflag:$0x1] =	stream.indirect_vreg.gather [hbm4b:s19+s8], $0x80, v4, vm0, $0xb8;
	[tilespmem:$0x1C600] =	vst v63  }
0x46: {  	s28 =	simm.s32 $0x8600  }
0x47: {  	[tilespmem:s28], [sflag:$0x1] =	stream.indirect_vreg.gather [hbm4b:s21+s8], $0x80, v4, vm0, $0xb8;
	[tilespmem:$0x1C600] =	vst v63  }
0x48: {  	s29 =	simm.s32 $0x8E00  }
0x49: {  	[tilespmem:s29], [sflag:$0x1] =	stream.indirect_vreg.gather [hbm4b:s17+s8], $0x80, v3, vm0, $0xb8;
	[tilespmem:$0x1C600] =	vst v63  }
0x4a: {  	s30 =	simm.s32 $0x9600;
	s31 =	simm.s32 $0x9E00;
	s2 =	simm.s32 $0x900  }
0x4b: {  	[tilespmem:s30], [sflag:$0x1] =	stream.indirect_vreg.gather [hbm4b:s19+s8], $0x80, v3, vm0, $0xb8;
	[tilespmem:$0x1C600] =	vst v63  }
0x4c: {  	s0 =	simm.s32 $0x800;
	s1 =	simm.s32 $0x80;
	s3 =	sadd.s32 $0x0, s5  }
0x4d: {  	[tilespmem:s31], [sflag:$0x1] =	stream.indirect_vreg.gather [hbm4b:s21+s8], $0x80, v3, vm0, $0xb8;
	[tilespmem:$0x1C600] =	vst v63  }
.LBB2_2:
0x4e: {  	[tilespmem:s0], [sflag:$0x3] =	stream.linear.gather [hbm4b:s3+s8], $0x80, $0x38;
	[tilespmem:$0x1C600] =	vst v63  }
0x4f: {  	s3 =	smov.u32 s1;
	s0 =	smov.u32 s2;
	p0 =	sne.s32 s1, $0x1B80  }
.Ltmp2:
0x50: {  	s1 =	sadd.s32 $0x80, s1;
	(pc) =	sbr.rel @p0 .LBB2_2-.Ltmp2, $2  }
0x51: {  	_ =	sdelay $0x2  }
0x52: {  	s2 =	sadd.s32 $0x100, s2;
	s3 =	sadd.s32 s3, s5  }
0x53: {  	[tilespmem:s0], [sflag:$0x3] =	stream.linear.gather [hbm4b:s3+s8], $0x80, $0x38;
	[tilespmem:$0x1C600] =	vst v63  }
0x54: {  	v3 =	vld [tilespmem:$0x80];
	_ =	sdelay $0x4  }
0x55: {  	v4 =	vshrl.u32 v3, $0x3  }
0x56: {  	v4 =	vmul.u32 $0x30, v4  }
0x57: {  	v3 =	vand.u32 $0x7, v3  }
0x58: {  	v3 =	vor.u32 v3, v4  }
0x59: {  	v4 =	vperm.xlane v3, v0;
	_ =	sdelay $0x1  }
0x5a: {  	v4 =	vadd.s32 v1, v4;
	_ =	sdelay $0x3  }
0x5b: {  	s18 =	simm.s32 $0x0;
	s1 =	rddreg [dreg:$0x1];
	s2 =	simm.s32 $0xA600;
	v3 =	vperm.xlane v3, v2  }
0x5c: {  	[tilespmem:s2], [sflag:$0x2] =	stream.indirect_vreg.gather [hbm4b:s1+s18], $0x80, v4, vm0, $0xb8;
	[tilespmem:$0x1C600] =	vst v63  }
0x5d: {  	s19 =	rddreg [dreg:$0x8];
	s20 =	simm.s32 $0xAE00;
	v3 =	vadd.s32 v1, v3  }
0x5e: {  	[tilespmem:s20], [sflag:$0x2] =	stream.indirect_vreg.gather [hbm4b:s19+s18], $0x80, v4, vm0, $0xb8;
	[tilespmem:$0x1C600] =	vst v63  }
0x5f: {  	s21 =	rddreg [dreg:$0xa];
	s5 =	simm.s32 $0xB600  }
0x60: {  	[tilespmem:s5], [sflag:$0x2] =	stream.indirect_vreg.gather [hbm4b:s21+s18], $0x80, v4, vm0, $0xb8;
	[tilespmem:$0x1C600] =	vst v63  }
0x61: {  	s22 =	simm.s32 $0xBE00  }
0x62: {  	[tilespmem:s22], [sflag:$0x2] =	stream.indirect_vreg.gather [hbm4b:s1+s18], $0x80, v3, vm0, $0xb8;
	[tilespmem:$0x1C600] =	vst v63  }
0x63: {  	s23 =	simm.s32 $0xC600  }
0x64: {  	[tilespmem:s23], [sflag:$0x2] =	stream.indirect_vreg.gather [hbm4b:s19+s18], $0x80, v3, vm0, $0xb8;
	[tilespmem:$0x1C600] =	vst v63  }
0x65: {  	s24 =	simm.s32 $0xCE00  }
0x66: {  	[tilespmem:s24], [sflag:$0x2] =	stream.indirect_vreg.gather [hbm4b:s21+s18], $0x80, v3, vm0, $0xb8;
	[tilespmem:$0x1C600] =	vst v63  }
0x67: {  	v3 =	vld [tilespmem:$0x90];
	_ =	sdelay $0x4  }
0x68: {  	v63 =	vshrl.u32 v3, $0x3  }
0x69: {  	v4 =	vmul.u32 $0x30, v63  }
0x6a: {  	v3 =	vand.u32 $0x7, v3  }
0x6b: {  	v3 =	vor.u32 v3, v4  }
0x6c: {  	v4 =	vperm.xlane v3, v0;
	_ =	sdelay $0x1  }
0x6d: {  	v4 =	vadd.s32 v1, v4;
	_ =	sdelay $0x3  }
0x6e: {  	s25 =	simm.s32 $0xD600;
	v3 =	vperm.xlane v3, v2  }
0x6f: {  	[tilespmem:s25], [sflag:$0x2] =	stream.indirect_vreg.gather [hbm4b:s1+s18], $0x80, v4, vm0, $0xb8;
	[tilespmem:$0x1C600] =	vst v63  }
0x70: {  	s26 =	simm.s32 $0xDE00;
	v3 =	vadd.s32 v1, v3  }
0x71: {  	[tilespmem:s26], [sflag:$0x2] =	stream.indirect_vreg.gather [hbm4b:s19+s18], $0x80, v4, vm0, $0xb8;
	[tilespmem:$0x1C600] =	vst v63  }
0x72: {  	s28 =	simm.s32 $0xE600  }
0x73: {  	[tilespmem:s28], [sflag:$0x2] =	stream.indirect_vreg.gather [hbm4b:s21+s18], $0x80, v4, vm0, $0xb8;
	[tilespmem:$0x1C600] =	vst v63  }
0x74: {  	s29 =	simm.s32 $0xEE00  }
0x75: {  	[tilespmem:s29], [sflag:$0x2] =	stream.indirect_vreg.gather [hbm4b:s1+s18], $0x80, v3, vm0, $0xb8;
	[tilespmem:$0x1C600] =	vst v63  }
0x76: {  	s30 =	simm.s32 $0xF600;
	s31 =	simm.s32 $0xFE00;
	s0 =	simm.s32 $0x880  }
0x77: {  	[tilespmem:s30], [sflag:$0x2] =	stream.indirect_vreg.gather [hbm4b:s19+s18], $0x80, v3, vm0, $0xb8;
	[tilespmem:$0x1C600] =	vst v63  }
0x78: {  	s3 =	sadd.s32 $0x0, s4;
	s2 =	simm.s32 $0x980;
	s1 =	simm.s32 $0x80  }
0x79: {  	[tilespmem:s31], [sflag:$0x2] =	stream.indirect_vreg.gather [hbm4b:s21+s18], $0x80, v3, vm0, $0xb8;
	[tilespmem:$0x1C600] =	vst v63  }
.LBB2_4:
0x7a: {  	[tilespmem:s0], [sflag:$0x4] =	stream.linear.gather [hbm4b:s3+s8], $0x80, $0x38;
	[tilespmem:$0x1C600] =	vst v63  }
0x7b: {  	s3 =	smov.u32 s1;
	s0 =	smov.u32 s2;
	p0 =	sne.s32 s1, $0x1B80  }
.Ltmp3:
0x7c: {  	s1 =	sadd.s32 $0x80, s1;
	(pc) =	sbr.rel @p0 .LBB2_4-.Ltmp3, $2  }
0x7d: {  	_ =	sdelay $0x2  }
0x7e: {  	s2 =	sadd.s32 $0x100, s2;
	s3 =	sadd.s32 s3, s4  }
0x7f: {  	[tilespmem:s0], [sflag:$0x4] =	stream.linear.gather [hbm4b:s3+s8], $0x80, $0x38;
	[tilespmem:$0x1C600] =	vst v63  }
0x80: {  	_ =	swait.ge [sflag:s6], $0x400  }
.Ltmp4:
0x81: {  	[sflag:s6] =	ssyncset.done $0x0;
	(pc) =	sbr.rel .LBB2_6-.Ltmp4, $4  }
0x82: {  	[sflag:s6] =	ssyncadd.s32 $0xFFFFFC00  }
0x83: {  	_ =	swait.ge [sflag:s6], $0x600  }
0x84: {  	[sflag:s6] =	ssyncset.done $0x0  }
0x85: {  	s9 =	simm.s32 $0x0;
	p0 =	por $0x0, $0x0;
	[sflag:s6] =	ssyncadd.s32 $0xFFFFFA00  }
.LBB2_26:
0x86: {  	s9 =	sadd.s32 $0x1, s9  }
0x87: {  	p1 =	sne.s32 s9, $0x8  }
.Ltmp5:
0x88: {  	_ = 	snop;
	(pc) =	sbr.rel @!p1 .LBB2_27-.Ltmp5, $2  }
0x89: {  	_ =	sdelay $0x2  }
0x8a: {  	p0 =	por !p0, !p0  }
.LBB2_6:
0x8b: {  	s1 =	sand.u32 $0x1, s9  }
0x8c: {  	s0 =	sadd.s32 $0x1, s1  }
0x8d: {  	_ =	swait.ge [sflag:s0], $0x6000  }
0x8e: {  	[sflag:s0] =	ssyncset.done $0x0  }
0x8f: {  	s4 =	sadd.s32 $0x3, s1;
	[dreg:$0x13] =	wrdreg s0;
	[sflag:s0] =	ssyncadd.s32 $0xFFFFA000  }
0x90: {  	_ =	swait.ge [sflag:s4], $0x1C00  }
0x91: {  	p1 =	slt.u32 s9, $0x2;
	[sflag:s4] =	ssyncset.done $0x0  }
0x92: {  	s0 =	sadd.s32 @!p1 $0x5, s1;
	[sflag:s4] =	ssyncadd.s32 $0xFFFFE400  }
0x93: {  	_ =	swait.ge @!p1 [sflag:s0], $0x6000  }
0x94: {  	s12 =	sshll.u32 s9, $0x7;
	[sflag:s0] =	ssyncset.done @!p1 $0x0  }
0x95: {  	s17 =	sand.u32 $0x80, s12;
	[sflag:s0] =	ssyncadd.s32 @!p1 $0xFFFFA000  }
0x96: {  	v7 =	vld [tilespmem:s17+$0x3800]  }
0x97: {  	v8 =	vld [tilespmem:s17+$0x3820]  }
0x98: {  	v5 =	vld [tilespmem:s17+$0x3840]  }
0x99: {  	v3 =	vld [tilespmem:s17+$0x3860]  }
0x9a: {  	v9 =	vld [tilespmem:s17+$0x3810]  }
0x9b: {  	[dreg:$0x11] =	wrdreg s9;
	v10 =	vld [tilespmem:s17+$0x3830]  }
0x9c: {  	s2 =	simm.s32 $0x4000;
	[dreg:$0x15] =	wrdreg s1;
	v6 =	vld [tilespmem:s17+$0x3850]  }
0x9d: {  	s16 =	simm.s32 $0x80;
	s24 =	smul.u32 $0x6000, s1;
	v17 =	vld [tilespmem:s2+$0x10]  }
0x9e: {  	s18 =	simm.s32 $0x10;
	s0 =	sand.u32 $0x3C00, s16;
	v4 =	vld [tilespmem:s17+$0x3870]  }
0x9f: {  	s19 =	simm.s32 $0x0;
	s1 =	sand.u32 $0x70, s18;
	s3 =	sadd.s32 s24, s0;
	v18 =	vld [tilespmem:s2+$0x310]  }
0xa0: {  	s21 =	simm.s32 $0x0;
	s20 =	sand.u32 $0x1C00, s19;
	v12 =	vld [tilespmem:s2+$0x0];
	s22 =	sor.u32 s1, s3  }
0xa1: {  	s25 =	sor.u32 $0x800, s17;
	s0 =	sshrl.u32 s0, $0x2;
	s3 =	sand.u32 $0x3F0, s21;
	v11 =	vld [tilespmem:s22+$0x4600]  }
0xa2: {  	s23 =	sshrl.u32 s20, $0x2;
	s0 =	sadd.s32 s0, s25;
	v15 =	vld [tilespmem:s3+$0x4300]  }
0xa3: {  	s5 =	sand.u32 $0x70, s21;
	s7 =	sadd.s32 s1, s0;
	s1 =	sadd.s32 s23, s25;
	v40 =	vld [tilespmem:s22+$0x4780]  }
0xa4: {  	s0 =	sor.u32 s24, s20;
	v13 =	vld [tilespmem:s7+$0x0];
	s1 =	sadd.s32 s5, s1  }
0xa5: {  	s31 =	sor.u32 s5, s0;
	v16 =	vld [tilespmem:s1+$0x0]  }
0xa6: {  	s6 =	simm.s32 $0x100;
	v19 =	vld [tilespmem:s31+$0x4600]  }
0xa7: {  	s8 =	simm.s32 $0x20;
	s26 =	sand.u32 $0x3C00, s6;
	v24 =	vld [tilespmem:s31+$0x4680]  }
0xa8: {  	s5 =	sand.u32 $0x70, s8;
	s0 =	sadd.s32 s24, s26;
	s8 =	simm.s32 $0x4030;
	v26 =	vld [tilespmem:s31+$0x4700]  }
0xa9: {  	s6 =	sshrl.u32 s26, $0x2;
	s26 =	sor.u32 s5, s0;
	v58 =	vld [tilespmem:s8+$0x20]  }
0xaa: {  	s9 =	simm.s32 $0x200;
	v22 =	vld [tilespmem:s26+$0x4600]  }
0xab: {  	s10 =	simm.s32 $0x40;
	s0 =	sand.u32 $0x3C00, s9;
	v14 =	vmul.f32 v17, v7;
	v25 =	vld [tilespmem:s26+$0x4680];
	v11 =	vadd.f32 v13, v11  }
0xac: {  	s6 =	sadd.s32 s6, s25;
	s13 =	sadd.s32 s24, s0;
	s0 =	sshrl.u32 s0, $0x2;
	v13 =	vld [tilespmem:s2+$0x20]  }
0xad: {  	s11 =	sand.u32 $0x70, s10;
	s0 =	sadd.s32 s0, s25;
	v11 =	vadd.f32 v11, v14;
	v14 =	vld [tilespmem:s2+$0x320];
	s2 =	sadd.s32 s5, s6  }
0xae: {  	s15 =	simm.s32 $0x30;
	v20 =	vmul.f32 v18, v9;
	s3 =	sor.u32 s11, s13;
	s5 =	sadd.s32 s11, s0;
	v21 =	vld [tilespmem:s2+$0x0]  }
0xaf: {  	s11 =	sand.u32 $0x70, s15;
	s0 =	sand.u32 $0x3F0, s15;
	s15 =	simm.s32 $0x4060;
	v29 =	vld [tilespmem:s5+$0x0]  }
0xb0: {  	v16 =	vadd.f32 v16, v19;
	v42 =	vld [tilespmem:s15+$0x0];
	v11 =	vadd.f32 v11, v20;
	v20 =	vmul.f32 v12, v7  }
0xb1: {  	s14 =	simm.s32 $0x180;
	v43 =	vld [tilespmem:s15+$0x20]  }
0xb2: {  	v19 =	vmul.f32 v15, v9;
	s6 =	sand.u32 $0x1C00, s14;
	v47 =	vld [tilespmem:s15+$0x320];
	v16 =	vadd.f32 v16, v20  }
0xb3: {  	s16 =	sshrl.u32 s6, $0x2;
	s6 =	sor.u32 s24, s6;
	[tilespmem:s22+$0x10600] =	vst v11;
	v11 =	vld [tilespmem:s22+$0x4680]  }
0xb4: {  	s6 =	sor.u32 s11, s6;
	v23 =	vld [tilespmem:s7+$0x0];
	v16 =	vadd.f32 v16, v19  }
0xb5: {  	v31 =	vld [tilespmem:s6+$0x4600]  }
0xb6: {  	v20 =	vadd.f32 v21, v22;
	v21 =	vld [tilespmem:s8+$0x10];
	[tilespmem:s31+$0x10600] =	vst v16;
	v16 =	vmul.f32 v13, v7  }
0xb7: {  	v22 =	vld [tilespmem:s3+$0x4600]  }
0xb8: {  	s9 =	sadd.s32 s16, s25;
	v28 =	vmul.f32 v14, v9;
	v20 =	vadd.f32 v20, v16;
	v16 =	vld [tilespmem:s8+$0x0]  }
0xb9: {  	v30 =	vmul.f32 v17, v8;
	s9 =	sadd.s32 s11, s9;
	v11 =	vadd.f32 v23, v11;
	v23 =	vld [tilespmem:s8+$0x310]  }
0xba: {  	v20 =	vadd.f32 v20, v28;
	v28 =	vld [tilespmem:s9+$0x0]  }
0xbb: {  	v27 =	vld [tilespmem:s1+$0x0];
	v11 =	vadd.f32 v11, v30;
	v30 =	vmul.f32 v18, v10  }
0xbc: {  	v29 =	vadd.f32 v29, v22;
	v33 =	vmul.f32 v21, v7;
	[tilespmem:s26+$0x10600] =	vst v20;
	v20 =	vld [tilespmem:s0+$0x4300]  }
0xbd: {  	v35 =	vld [tilespmem:s6+$0x4680];
	v11 =	vadd.f32 v11, v30  }
0xbe: {  	v19 =	vld [tilespmem:s26+$0x4700];
	v29 =	vadd.f32 v29, v33;
	v30 =	vmul.f32 v23, v9  }
0xbf: {  	v34 =	vmul.f32 v16, v7;
	[tilespmem:s22+$0x10680] =	vst v11;
	v11 =	vld [tilespmem:s22+$0x4700];
	v28 =	vadd.f32 v28, v31  }
0xc0: {  	v27 =	vadd.f32 v27, v24;
	v56 =	vld [tilespmem:s7+$0x0];
	v29 =	vadd.f32 v29, v30;
	v30 =	vmul.f32 v12, v8  }
0xc1: {  	v22 =	vld [tilespmem:s31+$0x4780];
	v28 =	vadd.f32 v28, v34;
	v31 =	vmul.f32 v20, v9  }
0xc2: {  	v57 =	vmul.f32 v15, v10;
	v33 =	vld [tilespmem:s6+$0x4780];
	v27 =	vadd.f32 v27, v30  }
0xc3: {  	s18 =	simm.s32 $0x280;
	[tilespmem:s3+$0x10600] =	vst v29;
	v29 =	vld [tilespmem:s3+$0x4680];
	v28 =	vadd.f32 v28, v31  }
0xc4: {  	s0 =	sand.u32 $0x3C00, s18;
	v30 =	vld [tilespmem:s5+$0x0];
	v27 =	vadd.f32 v27, v57  }
0xc5: {  	s19 =	simm.s32 $0x50;
	v59 =	vmul.f32 v17, v5;
	v32 =	vld [tilespmem:s2+$0x0];
	s13 =	sshrl.u32 s0, $0x2;
	v11 =	vadd.f32 v56, v11;
	[tilespmem:s6+$0x10600] =	vst v28  }
0xc6: {  	s11 =	sand.u32 $0x70, s19;
	s13 =	sadd.s32 s13, s25;
	[tilespmem:s31+$0x10680] =	vst v27;
	v27 =	vld [tilespmem:s9+$0x0]  }
0xc7: {  	s0 =	sadd.s32 s24, s0;
	s29 =	sadd.s32 s11, s13;
	v28 =	vmul.f32 v18, v6;
	v11 =	vadd.f32 v11, v59;
	v60 =	vld [tilespmem:s1+$0x0]  }
0xc8: {  	v36 =	vmul.f32 v12, v5;
	s28 =	sor.u32 s11, s0;
	v37 =	vld [tilespmem:s29+$0x0]  }
0xc9: {  	v29 =	vadd.f32 v30, v29;
	v30 =	vmul.f32 v21, v8;
	v11 =	vadd.f32 v11, v28;
	v28 =	vld [tilespmem:s28+$0x4600]  }
0xca: {  	s10 =	simm.s32 $0x60;
	v38 =	vmul.f32 v13, v8;
	v24 =	vld [tilespmem:s26+$0x4780];
	v39 =	vmul.f32 v16, v8;
	v25 =	vadd.f32 v32, v25  }
0xcb: {  	v62 =	vld [tilespmem:s28+$0x4680];
	s13 =	sand.u32 $0x3F0, s10;
	[tilespmem:s22+$0x10700] =	vst v11;
	v11 =	vadd.f32 v29, v30;
	v29 =	vmul.f32 v23, v10;
	v27 =	vadd.f32 v27, v35  }
0xcc: {  	v45 =	vld [tilespmem:s13+$0x4300];
	v25 =	vadd.f32 v25, v38;
	v30 =	vmul.f32 v14, v10;
	v26 =	vadd.f32 v60, v26  }
0xcd: {  	v41 =	vmul.f32 v20, v10;
	v32 =	vld [tilespmem:s8+$0x320];
	v11 =	vadd.f32 v11, v29;
	v27 =	vadd.f32 v27, v39  }
0xce: {  	v31 =	vld [tilespmem:s6+$0x4700];
	v25 =	vadd.f32 v25, v30;
	v29 =	vmul.f32 v58, v7;
	v28 =	vadd.f32 v37, v28  }
0xcf: {  	v30 =	vmul.f32 v15, v6;
	v26 =	vadd.f32 v26, v36;
	[tilespmem:s3+$0x10680] =	vst v11;
	v11 =	vld [tilespmem:s3+$0x4700];
	v27 =	vadd.f32 v27, v41  }
0xd0: {  	v28 =	vadd.f32 v28, v29;
	v29 =	vld [tilespmem:s5+$0x0]  }
0xd1: {  	v61 =	vld [tilespmem:s7+$0x0];
	v26 =	vadd.f32 v26, v30;
	[tilespmem:s6+$0x10680] =	vst v27  }
0xd2: {  	s20 =	simm.s32 $0x380;
	[tilespmem:s26+$0x10680] =	vst v25;
	v27 =	vld [tilespmem:s9+$0x0]  }
0xd3: {  	s21 =	simm.s32 $0x70;
	s0 =	sand.u32 $0x3C00, s20;
	v25 =	vmul.f32 v32, v9;
	v63 =	vld [tilespmem:s2+$0x0];
	[tilespmem:s31+$0x10700] =	vst v26  }
0xd4: {  	v17 =	vmul.f32 v17, v3;
	v44 =	vmul.f32 v15, v4;
	s23 =	sadd.s32 s24, s0;
	s0 =	sshrl.u32 s0, $0x2;
	v26 =	vld [tilespmem:s1+$0x0];
	s1 =	sand.u32 $0x70, s21  }
0xd5: {  	s0 =	sadd.s32 s0, s25;
	v25 =	vadd.f32 v28, v25;
	s7 =	sor.u32 s1, s23;
	v28 =	vadd.f32 v29, v11;
	v29 =	vmul.f32 v21, v5;
	v11 =	vld [tilespmem:s15+$0x10]  }
0xd6: {  	v55 =	vmul.f32 v13, v5;
	v49 =	vmul.f32 v43, v7;
	s8 =	sadd.s32 s1, s0;
	v53 =	vld [tilespmem:s7+$0x4600]  }
0xd7: {  	[tilespmem:s28+$0x10600] =	vst v25;
	v28 =	vadd.f32 v28, v29;
	v29 =	vmul.f32 v23, v6;
	v27 =	vadd.f32 v27, v31;
	v31 =	vld [tilespmem:s8+$0x0]  }
0xd8: {  	v13 =	vmul.f32 v13, v3;
	v52 =	vmul.f32 v16, v5;
	s1 =	simm.s32 $0x300;
	v25 =	vld [tilespmem:s29+$0x0]  }
0xd9: {  	v16 =	vmul.f32 v16, v3;
	s0 =	sand.u32 $0x1C00, s1;
	v28 =	vadd.f32 v28, v29;
	v29 =	vmul.f32 v12, v3;
	v12 =	vld [tilespmem:s15+$0x310]  }
0xda: {  	s14 =	simm.s32 $0x400;
	s16 =	simm.s32 $0x80;
	v54 =	vmul.f32 v20, v6;
	v18 =	vmul.f32 v18, v4;
	v30 =	vld [tilespmem:s28+$0x4700];
	s18 =	sshrl.u32 s0, $0x2;
	v27 =	vadd.f32 v27, v52  }
0xdb: {  	v39 =	vmul.f32 v58, v5;
	v56 =	vadd.f32 v61, v40;
	s21 =	sand.u32 $0x70, s16;
	s1 =	sand.u32 $0x70, s10;
	v19 =	vadd.f32 v63, v19;
	v63 =	vld [tilespmem:s3+$0x4780];
	s11 =	sadd.s32 s18, s25;
	[tilespmem:s3+$0x10700] =	vst v28  }
0xdc: {  	s0 =	sor.u32 s24, s0;
	s30 =	sadd.s32 s1, s11;
	v27 =	vadd.f32 v27, v54;
	v41 =	vld [tilespmem:s5+$0x0];
	s5 =	sand.u32 $0x3C00, s14;
	v15 =	vadd.f32 v31, v53;
	v31 =	vmul.f32 v11, v7  }
0xdd: {  	v34 =	vadd.f32 v56, v17;
	v17 =	vmul.f32 v32, v4;
	s1 =	sor.u32 s1, s0;
	v57 =	vld [tilespmem:s30+$0x0];
	v25 =	vadd.f32 v25, v62;
	s19 =	sshrl.u32 s5, $0x2;
	s23 =	sadd.s32 s24, s5  }
0xde: {  	v59 =	vld [tilespmem:s1+$0x4600];
	[tilespmem:s6+$0x10700] =	vst v27;
	v27 =	vmul.f32 v58, v8;
	v48 =	vmul.f32 v12, v9;
	s20 =	sadd.s32 s19, s25;
	s19 =	sor.u32 s21, s23;
	v31 =	vadd.f32 v15, v31  }
0xdf: {  	v19 =	vadd.f32 v19, v55;
	v28 =	vmul.f32 v14, v6;
	v15 =	vmul.f32 v58, v3;
	s5 =	sadd.s32 s21, s20;
	v61 =	vld [tilespmem:s19+$0x4600]  }
0xe0: {  	v58 =	vmul.f32 v32, v10;
	v60 =	vld [tilespmem:s5+$0x0];
	v25 =	vadd.f32 v25, v27;
	v31 =	vadd.f32 v31, v48  }
0xe1: {  	v55 =	vmul.f32 v45, v9;
	v22 =	vadd.f32 v26, v22;
	v35 =	vld [tilespmem:s1+$0x4680];
	v51 =	vmul.f32 v11, v8  }
0xe2: {  	v14 =	vmul.f32 v14, v4;
	v62 =	vadd.f32 v19, v28;
	v27 =	vld [tilespmem:s7+$0x4680];
	v26 =	vadd.f32 v25, v58;
	[tilespmem:s7+$0x10600] =	vst v31  }
0xe3: {  	v54 =	vmul.f32 v47, v9;
	v31 =	vadd.f32 v34, v18;
	v34 =	vadd.f32 v22, v29;
	v22 =	vld [tilespmem:s8+$0x0]  }
0xe4: {  	v38 =	vld [tilespmem:s1+$0x4780];
	v28 =	vmul.f32 v43, v8;
	v36 =	vadd.f32 v57, v59;
	v29 =	vmul.f32 v42, v7  }
0xe5: {  	v19 =	vld [tilespmem:s28+$0x4780];
	v57 =	vmul.f32 v21, v3;
	v21 =	vmul.f32 v43, v5;
	[tilespmem:s28+$0x10680] =	vst v26;
	v37 =	vadd.f32 v60, v61  }
0xe6: {  	v40 =	vadd.f32 v41, v63;
	v25 =	vmul.f32 v42, v8;
	v29 =	vadd.f32 v36, v29;
	v50 =	vld [tilespmem:s29+$0x0]  }
0xe7: {  	v46 =	vld [tilespmem:s9+$0x0];
	v18 =	vmul.f32 v20, v4;
	v20 =	vmul.f32 v42, v5;
	v37 =	vadd.f32 v37, v49  }
0xe8: {  	[tilespmem:s26+$0x10700] =	vst v62;
	v26 =	vmul.f32 v42, v3;
	v36 =	vld [tilespmem:s19+$0x4680];
	v42 =	vadd.f32 v29, v55;
	v56 =	vadd.f32 v22, v27  }
0xe9: {  	v62 =	vmul.f32 v23, v4;
	v23 =	vmul.f32 v47, v6;
	v61 =	vld [tilespmem:s2+$0x0];
	v58 =	vadd.f32 v37, v54  }
0xea: {  	v40 =	vadd.f32 v40, v57;
	v60 =	vmul.f32 v12, v10;
	v27 =	vld [tilespmem:s1+$0x4700];
	[tilespmem:s1+$0x10600] =	vst v42;
	v59 =	vadd.f32 v56, v51  }
0xeb: {  	v48 =	vmul.f32 v32, v6;
	v34 =	vadd.f32 v34, v44;
	v41 =	vld [tilespmem:s30+$0x0];
	v30 =	vadd.f32 v50, v30;
	[tilespmem:s19+$0x10600] =	vst v58  }
0xec: {  	s0 =	simm.s32 $0x1;
	v32 =	vmul.f32 v47, v10;
	v33 =	vadd.f32 v46, v33;
	[tilespmem:s22+$0x10780] =	vst v31;
	v42 =	vld [tilespmem:s5+$0x0];
	v37 =	vadd.f32 v59, v60  }
0xed: {  	s0 =	simm.s32 @!p0 $0x0;
	v31 =	vmul.f32 v47, v4;
	v40 =	vadd.f32 v40, v62;
	[tilespmem:s31+$0x10780] =	vst v34;
	v22 =	vld [tilespmem:s19+$0x4700];
	v63 =	vadd.f32 v30, v39  }
0xee: {  	s0 =	sshll.u32 s0, $0x7;
	s9 =	simm.s32 $0xB0;
	v29 =	vmul.f32 v43, v3;
	v34 =	vmul.f32 v45, v4;
	v43 =	vadd.f32 v61, v24;
	v39 =	vld [tilespmem:s7+$0x4700];
	[tilespmem:s7+$0x10680] =	vst v37  }
0xef: {  	s22 =	sor.u32 $0x800, s0;
	s2 =	simm.s32 $0x6;
	[tilespmem:s3+$0x10780] =	vst v40;
	s3 =	simm.s32 $0x580;
	v30 =	vmul.f32 v45, v6;
	v44 =	vadd.f32 v63, v48;
	v37 =	vmul.f32 v45, v10;
	v40 =	vld [tilespmem:s8+$0x0]  }
.LBB2_7:
0xf0: {  	s0 =	sadd.s32 $0xFFFFFF80, s3;
	s2 =	sadd.s32 $0x3, s2;
	v35 =	vadd.f32 v41, v35;
	v24 =	vld [tilespmem:s19+$0x4780];
	s15 =	sadd.s32 $0x30, s15;
	v45 =	vadd.f32 v33, v16;
	v16 =	vmov v26  }
0xf1: {  	s11 =	sadd.s32 $0xFFFFFFF0, s9;
	v26 =	vld [tilespmem:s15+$0x0];
	s0 =	sand.u32 $0x3C00, s0;
	p1 =	slt.u32 s2, $0x2D;
	v36 =	vadd.f32 v42, v36;
	[tilespmem:s28+$0x10700] =	vst v44;
	v41 =	vadd.f32 v43, v13;
	v13 =	vmovc v15;
	v15 =	vmov v29  }
0xf2: {  	s13 =	sand.u32 $0x70, s11;
	s11 =	sadd.s32 s24, s0;
	s0 =	sshrl.u32 s0, $0x2;
	v29 =	vld [tilespmem:s15+$0x20];
	v25 =	vadd.f32 v35, v25;
	v35 =	vadd.f32 v45, v18;
	v18 =	vmovc v34;
	v33 =	vmov v38  }
0xf3: {  	s14 =	sadd.s32 $0xFFFFFF00, s3;
	v34 =	vld [tilespmem:s15+$0x10];
	s11 =	sor.u32 s13, s11;
	s0 =	sadd.s32 s0, s25;
	v28 =	vadd.f32 v36, v28;
	v36 =	vadd.f32 v41, v14;
	v14 =	vmovc v17;
	v17 =	vmov v31  }
0xf4: {  	s14 =	sand.u32 $0x1C00, s14;
	v38 =	vmul.f32 v11, v5;
	v31 =	vld [tilespmem:s11+$0x4600];
	s16 =	sadd.s32 s13, s0;
	s0 =	sand.u32 $0x3C00, s3;
	v25 =	vadd.f32 v25, v37;
	v37 =	vadd.f32 v40, v39;
	[tilespmem:s6+$0x10780] =	vst v35  }
0xf5: {  	s6 =	sadd.s32 $0xFFFFFFE0, s9;
	s13 =	sshrl.u32 s14, $0x2;
	v35 =	vld [tilespmem:s16+$0x0];
	s18 =	sshrl.u32 s0, $0x2;
	v28 =	vadd.f32 v28, v32;
	[tilespmem:s26+$0x10780] =	vst v36  }
0xf6: {  	s14 =	sor.u32 s24, s14;
	s13 =	sadd.s32 s13, s25;
	v36 =	vmul.f32 v26, v7;
	v39 =	vld [tilespmem:s15+$0x320];
	s18 =	sadd.s32 s18, s25;
	[tilespmem:s1+$0x10680] =	vst v25;
	v32 =	vadd.f32 v37, v38;
	v37 =	vmul.f32 v12, v6  }
0xf7: {  	s21 =	sand.u32 $0x70, s9;
	s20 =	sand.u32 $0x70, s6;
	s26 =	sadd.s32 s24, s0;
	v25 =	vmul.f32 v26, v8;
	v38 =	vld [tilespmem:s15+$0x310];
	v40 =	vmul.f32 v29, v7;
	[tilespmem:s19+$0x10680] =	vst v28  }
0xf8: {  	s14 =	sor.u32 s20, s14;
	s0 =	sadd.s32 s20, s13;
	v41 =	vmul.f32 v26, v5;
	s13 =	sadd.s32 s21, s18;
	v28 =	vmul.f32 v29, v8;
	v42 =	vld [tilespmem:s30+$0x0];
	v32 =	vadd.f32 v32, v37  }
0xf9: {  	v26 =	vmul.f32 v26, v3;
	s20 =	sor.u32 s21, s26;
	s18 =	sand.u32 $0x3F0, s6;
	v43 =	vmul.f32 v29, v5;
	s6 =	smov.u32 s1;
	v37 =	vld [tilespmem:s0+$0x0]  }
0xfa: {  	s26 =	smov.u32 s28;
	s28 =	smov.u32 s19;
	v29 =	vmul.f32 v29, v3;
	s1 =	smov.u32 s14;
	v31 =	vadd.f32 v35, v31;
	v35 =	vmul.f32 v34, v7;
	[tilespmem:s7+$0x10700] =	vst v32;
	v44 =	vld [tilespmem:s7+$0x4780]  }
0xfb: {  	s19 =	smov.u32 s20;
	v45 =	vmul.f32 v39, v9;
	v32 =	vmul.f32 v39, v10;
	v46 =	vld [tilespmem:s8+$0x0];
	s8 =	smov.u32 s16  }
0xfc: {  	v49 =	vmul.f32 v39, v6;
	v47 =	vld [tilespmem:s1+$0x4600];
	v35 =	vadd.f32 v31, v35;
	v48 =	vmul.f32 v38, v9  }
0xfd: {  	v31 =	vmul.f32 v39, v4;
	v50 =	vld [tilespmem:s13+$0x0];
	v27 =	vadd.f32 v42, v27  }
0xfe: {  	v35 =	vadd.f32 v35, v48;
	v39 =	vld [tilespmem:s19+$0x4600]  }
0xff: {  	v42 =	vld [tilespmem:s18+$0x4300];
	v27 =	vadd.f32 v27, v20;
	v20 =	vmov v41  }
0x100: {  	[tilespmem:s11+$0x10600] =	vst v35;
	v41 =	vld [tilespmem:s11+$0x4680];
	v44 =	vadd.f32 v46, v44;
	v46 =	vmul.f32 v11, v3;
	v11 =	vmov v34  }
0x101: {  	v34 =	vadd.f32 v37, v47;
	v47 =	vld [tilespmem:s8+$0x0];
	v27 =	vadd.f32 v27, v30  }
0x102: {  	v35 =	vld [tilespmem:s1+$0x4680];
	v30 =	vadd.f32 v44, v46;
	v44 =	vmul.f32 v12, v4;
	v12 =	vmov v38  }
0x103: {  	v38 =	vadd.f32 v34, v36;
	v39 =	vadd.f32 v50, v39;
	v36 =	vld [tilespmem:s19+$0x4680];
	[tilespmem:s6+$0x10700] =	vst v27  }
0x104: {  	v46 =	vmul.f32 v42, v9;
	v37 =	vmul.f32 v42, v10;
	v44 =	vadd.f32 v30, v44;
	v48 =	vld [tilespmem:s5+$0x0]  }
0x105: {  	v30 =	vmul.f32 v42, v6;
	v34 =	vmul.f32 v42, v4;
	v27 =	vld [tilespmem:s1+$0x4700];
	v39 =	vadd.f32 v39, v40  }
0x106: {  	v38 =	vadd.f32 v38, v46;
	v40 =	vadd.f32 v47, v41;
	v41 =	vmul.f32 v11, v8;
	v46 =	vld [tilespmem:s19+$0x4700];
	[tilespmem:s7+$0x10780] =	vst v44;
	s7 =	smov.u32 s11  }
0x107: {  	v39 =	vadd.f32 v39, v45;
	v44 =	vld [tilespmem:s30+$0x0];
	s30 =	smov.u32 s0  }
0x108: {  	[tilespmem:s1+$0x10600] =	vst v38;
	v38 =	vadd.f32 v40, v41;
	v40 =	vmul.f32 v12, v10;
	v45 =	vld [tilespmem:s29+$0x0];
	s29 =	smov.u32 s5;
	s5 =	smov.u32 s13  }
.Ltmp6:
0x109: {  	v41 =	vld [tilespmem:s30+$0x0];
	[tilespmem:s19+$0x10600] =	vst v39;
	v48 =	vadd.f32 v48, v22;
	(pc) =	sbr.rel @p1 .LBB2_7-.Ltmp6, $4  }
0x10a: {  	v39 =	vadd.f32 v38, v40;
	v42 =	vld [tilespmem:s5+$0x0]  }
0x10b: {  	v38 =	vld [tilespmem:s1+$0x4780];
	v47 =	vadd.f32 v48, v21;
	v21 =	vmov v43;
	v22 =	vmov v46  }
0x10c: {  	[tilespmem:s7+$0x10680] =	vst v39;
	v39 =	vld [tilespmem:s7+$0x4700];
	v33 =	vadd.f32 v44, v33  }
0x10d: {  	s3 =	sadd.s32 $0x180, s3;
	s9 =	sadd.s32 $0x30, s9;
	v40 =	vld [tilespmem:s8+$0x0];
	v44 =	vadd.f32 v47, v23;
	v43 =	vadd.f32 v45, v19;
	v19 =	vmovc v24;
	v23 =	vmov v49  }
0x10e: {  	v7 =	vadd.f32 v41, v35;
	_ =	sdelay $0x1  }
0x10f: {  	v8 =	vadd.f32 v42, v36;
	v7 =	vadd.f32 v7, v25;
	_ =	sdelay $0x1  }
0x110: {  	v8 =	vadd.f32 v8, v28;
	v7 =	vadd.f32 v7, v37;
	_ =	sdelay $0x1  }
0x111: {  	v8 =	vadd.f32 v8, v32;
	[tilespmem:s1+$0x10680] =	vst v7  }
0x112: {  	v7 =	vld [tilespmem:s30+$0x0]  }
0x113: {  	v5 =	vmul.f32 v11, v5;
	[tilespmem:s19+$0x10680] =	vst v8;
	v8 =	vadd.f32 v40, v39  }
0x114: {  	v10 =	vld [tilespmem:s5+$0x0]  }
0x115: {  	v6 =	vmul.f32 v12, v6;
	v5 =	vadd.f32 v8, v5;
	_ =	sdelay $0x1  }
0x116: {  	v5 =	vadd.f32 v5, v6;
	v7 =	vadd.f32 v7, v27;
	_ =	sdelay $0x1  }
0x117: {  	[tilespmem:s7+$0x10700] =	vst v5;
	v6 =	vadd.f32 v7, v20;
	v7 =	vadd.f32 v10, v22  }
0x118: {  	v8 =	vld [tilespmem:s8+$0x0]  }
0x119: {  	v5 =	vadd.f32 v6, v30;
	v6 =	vadd.f32 v7, v21;
	v7 =	vld [tilespmem:s7+$0x4780]  }
0x11a: {  	[tilespmem:s28+$0x10700] =	vst v44  }
0x11b: {  	v10 =	vld [tilespmem:s29+$0x0];
	[tilespmem:s1+$0x10700] =	vst v5;
	v5 =	vadd.f32 v6, v23  }
0x11c: {  	v6 =	vld [tilespmem:s30+$0x0]  }
0x11d: {  	v9 =	vld [tilespmem:s19+$0x4780];
	[tilespmem:s19+$0x10700] =	vst v5  }
0x11e: {  	v3 =	vmul.f32 v11, v3;
	v5 =	vadd.f32 v33, v16;
	v16 =	vld [tilespmem:s5+$0x0];
	v7 =	vadd.f32 v8, v7  }
0x11f: {  	v13 =	vadd.f32 v43, v13  }
0x120: {  	v4 =	vmul.f32 v12, v4;
	v3 =	vadd.f32 v7, v3;
	v7 =	vadd.f32 v10, v19  }
0x121: {  	v5 =	vadd.f32 v5, v18;
	v6 =	vadd.f32 v6, v38  }
0x122: {  	v3 =	vadd.f32 v3, v4;
	v4 =	vadd.f32 v7, v15  }
0x123: {  	v6 =	vadd.f32 v6, v26;
	v9 =	vadd.f32 v16, v9  }
0x124: {  	v8 =	vadd.f32 v13, v14;
	[tilespmem:s7+$0x10780] =	vst v3;
	v3 =	vadd.f32 v4, v17  }
0x125: {  	[tilespmem:s6+$0x10780] =	vst v5;
	v5 =	vadd.f32 v6, v34;
	v6 =	vadd.f32 v9, v29  }
0x126: {  	[tilespmem:s26+$0x10780] =	vst v8  }
0x127: {  	[tilespmem:s28+$0x10780] =	vst v3;
	v4 =	vadd.f32 v6, v31  }
0x128: {  	[tilespmem:s1+$0x10780] =	vst v5  }
0x129: {  	[tilespmem:s19+$0x10780] =	vst v4  }
0x12a: {  	s0 =	simm.s32 $0x640;
	v7 =	vld [tilespmem:s17+$0x3900]  }
0x12b: {  	s2 =	simm.s32 $0x20;
	s3 =	simm.s32 $0x320;
	s30 =	simm.s32 $0x100;
	v8 =	vld [tilespmem:s17+$0x3920]  }
0x12c: {  	s0 =	sand.u32 $0xF00, s0;
	s3 =	sand.u32 $0x70, s3;
	s5 =	sand.u32 $0x3C00, s30;
	v5 =	vld [tilespmem:s17+$0x3940]  }
0x12d: {  	s2 =	sand.u32 $0x70, s2;
	s5 =	sadd.s32 s24, s5;
	s26 =	simm.s32 $0x4000;
	v4 =	vld [tilespmem:s17+$0x3960]  }
0x12e: {  	s8 =	sor.u32 s3, s0;
	s3 =	simm.s32 $0x80;
	s16 =	sor.u32 s2, s5;
	v16 =	vld [tilespmem:s26+$0x20]  }
0x12f: {  	s0 =	sand.u32 $0x3C00, s3;
	v3 =	vmov s17;
	v10 =	vld [tilespmem:s16+$0x4800]  }
0x130: {  	s9 =	simm.s32 $0x600;
	s0 =	sadd.s32 s24, s0;
	s6 =	simm.s32 $0x10;
	v9 =	vld [tilespmem:s17+$0x3910]  }
0x131: {  	s5 =	simm.s32 $0x310;
	s3 =	sand.u32 $0x70, s6;
	s7 =	simm.s32 $0x620;
	v20 =	vld [tilespmem:s26+$0x320]  }
0x132: {  	s2 =	sand.u32 $0x70, s5;
	s30 =	sor.u32 s3, s0;
	s5 =	sand.u32 $0xF00, s7;
	v11 =	vld [tilespmem:s17+$0x3930]  }
0x133: {  	s0 =	sand.u32 $0xF00, s9;
	s7 =	sor.u32 s2, s5;
	s2 =	simm.s32 $0x0;
	v12 =	vld [tilespmem:s26+$0x10]  }
0x134: {  	s0 =	sadd.s32 s0, s25;
	s10 =	sand.u32 $0x70, s2;
	v6 =	vld.idx.msk [tilespmem:v3+s8+$0x800 ss:$0x1], $0xffff  }
0x135: {  	s13 =	sand.u32 $0x1C00, s2;
	s5 =	sadd.s32 s10, s0;
	v15 =	vld [tilespmem:s30+$0x4800]  }
0x136: {  	s3 =	sor.u32 s24, s13;
	v21 =	vld [tilespmem:s5+$0x0]  }
0x137: {  	s11 =	sor.u32 s10, s3;
	v22 =	vld [tilespmem:s16+$0x4880]  }
0x138: {  	v23 =	vld [tilespmem:s11+$0x4800]  }
0x139: {  	s14 =	simm.s32 $0x300;
	s18 =	simm.s32 $0x50;
	s9 =	simm.s32 $0x280;
	v26 =	vld [tilespmem:s11+$0x4880];
	v13 =	vmul.f32 v16, v7;
	v6 =	vadd.f32 v6, v10  }
0x13a: {  	s9 =	sand.u32 $0x3C00, s9;
	s0 =	sand.u32 $0x780, s14;
	s14 =	simm.s32 $0x4030;
	v17 =	vld.idx.msk [tilespmem:v3+s7+$0x800 ss:$0x1], $0xffff  }
0x13b: {  	s9 =	sadd.s32 s24, s9;
	s13 =	sand.u32 $0x70, s18;
	v25 =	vld [tilespmem:s14+$0x20];
	v18 =	vmul.f32 v20, v9;
	v14 =	vadd.f32 v6, v13  }
0x13c: {  	s9 =	sor.u32 s13, s9;
	v13 =	vld [tilespmem:s26+$0x310]  }
0x13d: {  	v27 =	vld [tilespmem:s9+$0x4800];
	v18 =	vadd.f32 v14, v18  }
0x13e: {  	v10 =	vld [tilespmem:s17+$0x3950]  }
0x13f: {  	v19 =	vmul.f32 v12, v7;
	v15 =	vadd.f32 v17, v15;
	v6 =	vld [tilespmem:s17+$0x3970];
	[tilespmem:s16+$0x10800] =	vst v18  }
0x140: {  	v17 =	vld.idx.msk [tilespmem:v3+s8+$0x800 ss:$0x1], $0xffff  }
0x141: {  	v19 =	vadd.f32 v15, v19;
	v14 =	vld [tilespmem:s26+$0x0];
	v18 =	vmul.f32 v13, v9  }
0x142: {  	s0 =	sor.u32 s10, s0;
	v30 =	vld [tilespmem:s30+$0x4900]  }
0x143: {  	v15 =	vld [tilespmem:s0+$0x4000];
	v18 =	vadd.f32 v19, v18  }
0x144: {  	s15 =	simm.s32 $0x6A0;
	s19 =	simm.s32 $0x350;
	v50 =	vld [tilespmem:s14+$0x10]  }
0x145: {  	s6 =	sand.u32 $0x70, s19;
	v36 =	vld [tilespmem:s16+$0x4980];
	s0 =	sand.u32 $0xF00, s15;
	[tilespmem:s30+$0x10800] =	vst v18;
	v18 =	vmul.f32 v16, v8;
	v17 =	vadd.f32 v17, v22  }
0x146: {  	s20 =	simm.s32 $0x660;
	v59 =	vld [tilespmem:s9+$0x4900];
	v21 =	vadd.f32 v21, v23;
	s1 =	sor.u32 s6, s0;
	v24 =	vmul.f32 v14, v7  }
0x147: {  	s23 =	simm.s32 $0x680;
	s18 =	simm.s32 $0x340;
	s15 =	simm.s32 $0x200;
	v23 =	vld.idx.msk [tilespmem:v3+s1+$0x800 ss:$0x1], $0xffff;
	v17 =	vadd.f32 v17, v18;
	v18 =	vmul.f32 v20, v11  }
0x148: {  	s18 =	sand.u32 $0x70, s18;
	s21 =	sand.u32 $0x3C00, s15;
	s15 =	sand.u32 $0xF00, s23;
	v28 =	vmul.f32 v15, v9;
	v19 =	vld [tilespmem:s30+$0x4880];
	v29 =	vadd.f32 v21, v24  }
0x149: {  	s6 =	sand.u32 $0xF00, s20;
	s20 =	sor.u32 s18, s15;
	s15 =	simm.s32 $0x4060;
	v22 =	vld.idx.msk [tilespmem:v3+s7+$0x800 ss:$0x1], $0xffff;
	v17 =	vadd.f32 v17, v18  }
0x14a: {  	v41 =	vld [tilespmem:s15+$0x10];
	v18 =	vadd.f32 v29, v28  }
0x14b: {  	v24 =	vld [tilespmem:s14+$0x320];
	[tilespmem:s16+$0x10880] =	vst v17  }
0x14c: {  	[tilespmem:s11+$0x10800] =	vst v18;
	v18 =	vld [tilespmem:s16+$0x4900]  }
0x14d: {  	v23 =	vadd.f32 v23, v27;
	v28 =	vld.idx.msk [tilespmem:v3+s8+$0x800 ss:$0x1], $0xffff  }
0x14e: {  	v44 =	vld [tilespmem:s15+$0x0];
	v27 =	vmul.f32 v25, v7;
	v19 =	vadd.f32 v22, v19;
	v17 =	vmul.f32 v12, v8  }
0x14f: {  	v21 =	vld [tilespmem:s11+$0x4900]  }
0x150: {  	v31 =	vld [tilespmem:s5+$0x0];
	v17 =	vadd.f32 v19, v17;
	v19 =	vadd.f32 v23, v27;
	v27 =	vmul.f32 v24, v9  }
0x151: {  	s26 =	simm.s32 $0x40;
	v29 =	vmul.f32 v13, v11;
	v23 =	vld [tilespmem:s14+$0x0]  }
0x152: {  	s13 =	simm.s32 $0x30;
	s19 =	sand.u32 $0x70, s26;
	v27 =	vadd.f32 v19, v27;
	v19 =	vld [tilespmem:s14+$0x310];
	s14 =	sadd.s32 s24, s21;
	v18 =	vadd.f32 v28, v18;
	v28 =	vmul.f32 v16, v5  }
0x153: {  	s10 =	sand.u32 $0x70, s13;
	s6 =	sadd.s32 s6, s25;
	v17 =	vadd.f32 v17, v29;
	v29 =	vld [tilespmem:s9+$0x4880];
	s26 =	sor.u32 s19, s14  }
0x154: {  	s6 =	sadd.s32 s10, s6;
	[tilespmem:s9+$0x10800] =	vst v27;
	v27 =	vmul.f32 v20, v10;
	v51 =	vld [tilespmem:s26+$0x4800];
	v18 =	vadd.f32 v18, v28  }
0x155: {  	s0 =	simm.s32 $0x180;
	v26 =	vadd.f32 v31, v26;
	v31 =	vld [tilespmem:s6+$0x0]  }
0x156: {  	s0 =	sand.u32 $0x1C00, s0;
	v52 =	vmul.f32 v14, v8;
	v28 =	vld.idx.msk [tilespmem:v3+s1+$0x800 ss:$0x1], $0xffff;
	v18 =	vadd.f32 v18, v27  }
0x157: {  	s14 =	sor.u32 s24, s0;
	[tilespmem:s30+$0x10880] =	vst v17;
	v27 =	vld.idx.msk [tilespmem:v3+s20+$0x800 ss:$0x1], $0xffff  }
0x158: {  	s29 =	sor.u32 s10, s14;
	v17 =	vld.idx.msk [tilespmem:v3+s7+$0x800 ss:$0x1], $0xffff;
	v26 =	vadd.f32 v26, v52;
	[tilespmem:s16+$0x10900] =	vst v18;
	v18 =	vmul.f32 v15, v11  }
0x159: {  	s18 =	simm.s32 $0x330;
	v53 =	vld [tilespmem:s29+$0x4800]  }
0x15a: {  	v55 =	vmul.f32 v13, v10;
	v42 =	vmul.f32 v13, v6;
	v13 =	vld [tilespmem:s15+$0x20];
	s0 =	sand.u32 $0x780, s18;
	v18 =	vadd.f32 v26, v18  }
0x15b: {  	v22 =	vld [tilespmem:s30+$0x4980];
	s0 =	sor.u32 s10, s0;
	v28 =	vadd.f32 v28, v29;
	v29 =	vmul.f32 v25, v8  }
0x15c: {  	v54 =	vmul.f32 v12, v5;
	v56 =	vmul.f32 v50, v7;
	v26 =	vld [tilespmem:s0+$0x4000];
	[tilespmem:s11+$0x10880] =	vst v18;
	v18 =	vadd.f32 v27, v51  }
0x15d: {  	v37 =	vld [tilespmem:s26+$0x4900];
	v17 =	vadd.f32 v17, v30;
	v28 =	vadd.f32 v28, v29;
	v29 =	vmul.f32 v24, v11  }
0x15e: {  	v57 =	vmul.f32 v19, v9;
	v30 =	vld [tilespmem:s26+$0x4880];
	v31 =	vadd.f32 v31, v53;
	v18 =	vadd.f32 v18, v56  }
0x15f: {  	v35 =	vld.idx.msk [tilespmem:v3+s8+$0x800 ss:$0x1], $0xffff;
	v17 =	vadd.f32 v17, v54;
	v28 =	vadd.f32 v28, v29;
	v29 =	vmul.f32 v23, v7  }
0x160: {  	v27 =	vld [tilespmem:s29+$0x4880];
	v18 =	vadd.f32 v18, v57  }
0x161: {  	v17 =	vadd.f32 v17, v55;
	v33 =	vld [tilespmem:s5+$0x0];
	[tilespmem:s9+$0x10880] =	vst v28;
	v28 =	vmul.f32 v26, v9;
	v29 =	vadd.f32 v31, v29  }
0x162: {  	v58 =	vld.idx.msk [tilespmem:v3+s1+$0x800 ss:$0x1], $0xffff;
	[tilespmem:s26+$0x10800] =	vst v18  }
0x163: {  	v61 =	vmul.f32 v12, v4;
	s10 =	simm.s32 $0x400;
	[tilespmem:s30+$0x10900] =	vst v17;
	v17 =	vadd.f32 v29, v28;
	v29 =	vld.idx.msk [tilespmem:v3+s20+$0x800 ss:$0x1], $0xffff  }
0x164: {  	v62 =	vmul.f32 v25, v5;
	v45 =	vmul.f32 v50, v5;
	s23 =	simm.s32 $0x380;
	s21 =	simm.s32 $0x80;
	s18 =	sand.u32 $0x3C00, s10;
	v31 =	vld [tilespmem:s29+$0x4900]  }
0x165: {  	v63 =	vmul.f32 v14, v5;
	v12 =	vmul.f32 v14, v4;
	s19 =	simm.s32 $0x700;
	s18 =	sadd.s32 s24, s18;
	v28 =	vld.idx.msk [tilespmem:v3+s7+$0x800 ss:$0x1], $0xffff;
	s7 =	sand.u32 $0x70, s21  }
0x166: {  	v20 =	vmul.f32 v20, v6;
	v47 =	vmul.f32 v23, v8;
	s8 =	sand.u32 $0x70, s23;
	s23 =	simm.s32 $0x380;
	v18 =	vld [tilespmem:s26+$0x4980];
	s7 =	sor.u32 s7, s18  }
0x167: {  	v48 =	vmul.f32 v23, v5;
	v52 =	vmul.f32 v24, v10;
	s0 =	sand.u32 $0xF00, s19;
	s19 =	simm.s32 $0x360;
	s21 =	simm.s32 $0x60;
	[tilespmem:s29+$0x10800] =	vst v17;
	v46 =	vld [tilespmem:s7+$0x4800];
	v17 =	vadd.f32 v58, v59  }
0x168: {  	v53 =	vmul.f32 v15, v10;
	v54 =	vmul.f32 v50, v8;
	s8 =	sor.u32 s8, s0;
	s31 =	sand.u32 $0x70, s21;
	s18 =	sand.u32 $0x780, s19;
	v60 =	vld [tilespmem:s6+$0x0];
	v29 =	vadd.f32 v29, v30  }
0x169: {  	s28 =	simm.s32 $0x70;
	v25 =	vmul.f32 v25, v4;
	v55 =	vmul.f32 v19, v11;
	s19 =	sand.u32 $0x3C00, s23;
	s18 =	sor.u32 s31, s18;
	v14 =	vadd.f32 v17, v62;
	v30 =	vld.idx.msk [tilespmem:v3+s8+$0x800 ss:$0x1], $0xffff  }
0x16a: {  	s28 =	sand.u32 $0x70, s28;
	v56 =	vadd.f32 v35, v36;
	v57 =	vmul.f32 v16, v4;
	s19 =	sadd.s32 s24, s19;
	v49 =	vld [tilespmem:s18+$0x4000];
	v29 =	vadd.f32 v29, v54  }
0x16b: {  	v21 =	vadd.f32 v33, v21;
	s28 =	sor.u32 s28, s19;
	v17 =	vmul.f32 v15, v6;
	v15 =	vld [tilespmem:s15+$0x320];
	v34 =	vadd.f32 v14, v52  }
0x16c: {  	v36 =	vmul.f32 v19, v10;
	v19 =	vmul.f32 v19, v6;
	s23 =	simm.s32 $0x6E0;
	s18 =	simm.s32 $0x370;
	v58 =	vld [tilespmem:s28+$0x4800];
	v29 =	vadd.f32 v29, v55  }
0x16d: {  	s10 =	simm.s32 $0x6C0;
	v16 =	vmul.f32 v23, v4;
	v23 =	vadd.f32 v56, v57;
	s19 =	sand.u32 $0xF00, s23;
	s18 =	sand.u32 $0x70, s18;
	v59 =	vadd.f32 v21, v63;
	v52 =	vld [tilespmem:s9+$0x4980];
	[tilespmem:s9+$0x10900] =	vst v34  }
0x16e: {  	s10 =	sand.u32 $0xF00, s10;
	s0 =	simm.s32 $0x300;
	v32 =	vld.idx.msk [tilespmem:v3+s1+$0x800 ss:$0x1], $0xffff;
	s1 =	sor.u32 s18, s19;
	[tilespmem:s26+$0x10880] =	vst v29;
	v29 =	vadd.f32 v30, v46;
	v30 =	vmul.f32 v13, v7  }
0x16f: {  	s10 =	sadd.s32 s10, s25;
	s0 =	sand.u32 $0x1C00, s0;
	v63 =	vadd.f32 v23, v20;
	v21 =	vmul.f32 v26, v10;
	v27 =	vadd.f32 v60, v27;
	v60 =	vld.idx.msk [tilespmem:v3+s1+$0x800 ss:$0x1], $0xffff  }
0x170: {  	s0 =	sor.u32 s24, s0;
	v22 =	vadd.f32 v28, v22;
	s19 =	sadd.s32 s31, s10;
	v28 =	vld.idx.msk [tilespmem:v3+s20+$0x800 ss:$0x1], $0xffff;
	v29 =	vadd.f32 v29, v30;
	v30 =	vmul.f32 v15, v9  }
0x171: {  	v20 =	vmul.f32 v26, v6;
	v23 =	vmul.f32 v41, v4;
	v43 =	vadd.f32 v59, v53;
	s31 =	sor.u32 s31, s0;
	v62 =	vld [tilespmem:s19+$0x0]  }
0x172: {  	v22 =	vadd.f32 v22, v61;
	v61 =	vmul.f32 v26, v11;
	v51 =	vld [tilespmem:s31+$0x4800];
	v29 =	vadd.f32 v29, v30  }
0x173: {  	[tilespmem:s16+$0x10980] =	vst v63;
	v14 =	vmul.f32 v50, v4;
	v50 =	vld [tilespmem:s15+$0x310];
	v59 =	vmul.f32 v49, v9;
	v27 =	vadd.f32 v27, v47  }
0x174: {  	v26 =	vadd.f32 v22, v42;
	v22 =	vmul.f32 v41, v5;
	v54 =	vld [tilespmem:s7+$0x4880];
	v55 =	vmul.f32 v44, v7;
	[tilespmem:s7+$0x10800] =	vst v29  }
0x175: {  	v63 =	vmul.f32 v15, v11;
	v38 =	vadd.f32 v27, v61;
	v28 =	vadd.f32 v28, v37;
	v53 =	vld.idx.msk [tilespmem:v3+s8+$0x800 ss:$0x1], $0xffff  }
0x176: {  	v34 =	vld [tilespmem:s28+$0x4880];
	v32 =	vadd.f32 v32, v52;
	v33 =	vadd.f32 v60, v58;
	v29 =	vmul.f32 v41, v7  }
0x177: {  	v27 =	vmul.f32 v41, v8;
	v35 =	vld [tilespmem:s31+$0x4880];
	[tilespmem:s29+$0x10880] =	vst v38;
	v57 =	vadd.f32 v62, v51;
	v28 =	vadd.f32 v28, v45  }
0x178: {  	s2 =	sor.u32 s3, s2;
	v56 =	vmul.f32 v50, v9;
	v58 =	vld [tilespmem:s6+$0x0];
	v32 =	vadd.f32 v32, v25;
	v29 =	vadd.f32 v33, v29  }
0x179: {  	[tilespmem:s11+$0x10900] =	vst v43;
	s11 =	sor.u32 $0x380, s2;
	v61 =	vmul.f32 v13, v8;
	v25 =	vld [tilespmem:s31+$0x4900];
	v33 =	vadd.f32 v57, v55;
	v36 =	vadd.f32 v28, v36  }
0x17a: {  	[tilespmem:s30+$0x10980] =	vst v26;
	v26 =	vmul.f32 v50, v10;
	v37 =	vld [tilespmem:s11+$0x4600];
	v29 =	vadd.f32 v29, v56;
	v60 =	vadd.f32 v53, v54  }
0x17b: {  	v30 =	vmul.f32 v44, v8;
	v62 =	vmul.f32 v24, v6;
	v28 =	vld [tilespmem:s28+$0x4900];
	v40 =	vadd.f32 v33, v59;
	[tilespmem:s26+$0x10900] =	vst v36  }
0x17c: {  	v24 =	vmul.f32 v44, v5;
	[tilespmem:s28+$0x10800] =	vst v29;
	v38 =	vld.idx.msk [tilespmem:v3+s20+$0x800 ss:$0x1], $0xffff;
	v36 =	vadd.f32 v60, v61  }
0x17d: {  	v32 =	vadd.f32 v32, v62;
	v39 =	vadd.f32 v58, v31;
	[tilespmem:s31+$0x10800] =	vst v40;
	v42 =	vld.idx.msk [tilespmem:v3+s1+$0x800 ss:$0x1], $0xffff  }
0x17e: {  	s23 =	sor.u32 s14, s13;
	s13 =	simm.s32 $0x6;
	v41 =	vmul.f32 v49, v10;
	v31 =	vmul.f32 v50, v6;
	v43 =	vld [tilespmem:s19+$0x0];
	v45 =	vadd.f32 v36, v63  }
0x17f: {  	s14 =	simm.s32 $0x760;
	s2 =	sor.u32 $0x380, s23;
	s0 =	sor.u32 s0, s21;
	[tilespmem:s9+$0x10980] =	vst v32;
	v32 =	vmul.f32 v49, v6;
	v29 =	vmul.f32 v44, v4;
	v40 =	vld [tilespmem:s5+$0x0];
	v44 =	vadd.f32 v39, v48  }
0x180: {  	s3 =	sor.u32 $0x380, s0;
	s9 =	simm.s32 $0x90;
	v33 =	vmul.f32 v50, v11;
	v39 =	vld [tilespmem:s28+$0x4980];
	s5 =	simm.s32 $0x480;
	v36 =	vmul.f32 v49, v11;
	[tilespmem:s7+$0x10880] =	vst v45  }
.LBB2_9:
0x181: {  	s0 =	sadd.s32 $0x20, s9;
	s10 =	sand.u32 $0xF00, s14;
	v45 =	vld.idx.msk [tilespmem:v3+s8+$0x800 ss:$0x1], $0xffff;
	s15 =	sadd.s32 $0x30, s15;
	v44 =	vadd.f32 v44, v21;
	v18 =	vadd.f32 v38, v18;
	v21 =	vmov v41  }
0x182: {  	s16 =	sadd.s32 $0x320, s9;
	s18 =	sadd.s32 $0x100, s5;
	s13 =	sadd.s32 $0x3, s13;
	v34 =	vadd.f32 v42, v34;
	v38 =	vld [tilespmem:s7+$0x4900]  }
0x183: {  	s16 =	sand.u32 $0x70, s16;
	s18 =	sand.u32 $0x3C00, s18;
	p1 =	slt.u32 s13, $0x2D;
	v41 =	vld [tilespmem:s15+$0x10];
	v35 =	vadd.f32 v43, v35;
	[tilespmem:s29+$0x10900] =	vst v44;
	v43 =	vadd.f32 v18, v14;
	v14 =	vmov v23  }
0x184: {  	s20 =	sand.u32 $0x70, s0;
	s18 =	sadd.s32 s24, s18;
	s0 =	sor.u32 s16, s10;
	v23 =	vadd.f32 v34, v27;
	v42 =	vld [tilespmem:s15+$0x20];
	v27 =	vadd.f32 v40, v37  }
0x185: {  	s21 =	sadd.s32 $0x80, s5;
	s10 =	sadd.s32 $0xFFFFFFC0, s14;
	s16 =	sor.u32 s20, s18;
	v34 =	vld.idx.msk [tilespmem:v3+s0+$0x800 ss:$0x1], $0xffff;
	v30 =	vadd.f32 v35, v30;
	v35 =	vadd.f32 v43, v19;
	v19 =	vmovc v31;
	v18 =	vmov v39  }
0x186: {  	s18 =	sadd.s32 $0x310, s9;
	s20 =	sand.u32 $0x3C00, s21;
	s21 =	sadd.s32 $0xFFFFFFE0, s14;
	v23 =	vadd.f32 v23, v33;
	v31 =	vld [tilespmem:s16+$0x4800];
	v33 =	vadd.f32 v27, v12;
	v12 =	vmovc v16;
	v16 =	vmov v29  }
0x187: {  	s30 =	sadd.s32 $0x10, s9;
	s29 =	sand.u32 $0x1C00, s5;
	s10 =	sand.u32 $0xF00, s10;
	v37 =	vmul.f32 v13, v5;
	v29 =	vld [tilespmem:s15+$0x0];
	v30 =	vadd.f32 v30, v36;
	v36 =	vadd.f32 v45, v38;
	[tilespmem:s26+$0x10980] =	vst v35  }
0x188: {  	s18 =	sand.u32 $0x70, s18;
	s20 =	sadd.s32 s24, s20;
	s21 =	sand.u32 $0xF00, s21;
	v35 =	vmul.f32 v41, v7;
	v27 =	vmul.f32 v41, v8;
	v38 =	vld [tilespmem:s15+$0x320];
	[tilespmem:s28+$0x10880] =	vst v23;
	v43 =	vadd.f32 v33, v17  }
0x189: {  	s10 =	sadd.s32 s10, s25;
	s26 =	sor.u32 s24, s29;
	s29 =	sand.u32 $0x70, s30;
	v40 =	vmul.f32 v41, v5;
	v33 =	vmul.f32 v15, v10;
	v39 =	vld [tilespmem:s15+$0x310];
	[tilespmem:s31+$0x10880] =	vst v30;
	v30 =	vadd.f32 v36, v37  }
0x18a: {  	s30 =	sand.u32 $0x70, s9;
	s29 =	sor.u32 s29, s20;
	s20 =	sor.u32 s18, s21;
	v23 =	vmul.f32 v41, v4;
	v17 =	vmov v20;
	v20 =	vmov v32;
	v36 =	vld.idx.msk [tilespmem:v3+s1+$0x800 ss:$0x1], $0xffff;
	[tilespmem:s11+$0x10600] =	vst v43  }
0x18b: {  	s21 =	sor.u32 s30, s26;
	s18 =	sadd.s32 s30, s10;
	s11 =	sadd.s32 $0x300, s9;
	v32 =	vld [tilespmem:s29+$0x4800];
	v31 =	vadd.f32 v34, v31;
	v34 =	vmul.f32 v42, v7;
	v33 =	vadd.f32 v30, v33  }
0x18c: {  	s10 =	sand.u32 $0x780, s11;
	s11 =	sor.u32 s26, s9;
	s26 =	smov.u32 s28;
	v37 =	vmul.f32 v29, v7;
	v30 =	vmul.f32 v29, v8;
	v41 =	vld.idx.msk [tilespmem:v3+s20+$0x800 ss:$0x1], $0xffff  }
0x18d: {  	s28 =	smov.u32 s29;
	s10 =	sor.u32 s30, s10;
	v45 =	vmul.f32 v29, v5;
	s30 =	sor.u32 $0x380, s11;
	v43 =	vld [tilespmem:s18+$0x0];
	v31 =	vadd.f32 v31, v34;
	v34 =	vmul.f32 v38, v9;
	[tilespmem:s7+$0x10900] =	vst v33  }
0x18e: {  	s29 =	smov.u32 s31;
	s31 =	smov.u32 s21;
	v44 =	vmul.f32 v39, v9;
	v33 =	vmul.f32 v39, v11;
	v46 =	vld.idx.msk [tilespmem:v3+s8+$0x800 ss:$0x1], $0xffff;
	s8 =	smov.u32 s0  }
0x18f: {  	v29 =	vmul.f32 v29, v4;
	s11 =	smov.u32 s2;
	s2 =	smov.u32 s3;
	s3 =	smov.u32 s30;
	v47 =	vmul.f32 v39, v10;
	v34 =	vadd.f32 v31, v34;
	v48 =	vld [tilespmem:s7+$0x4980]  }
0x190: {  	v31 =	vmul.f32 v39, v6;
	v28 =	vadd.f32 v36, v28;
	v49 =	vld [tilespmem:s31+$0x4800]  }
0x191: {  	v39 =	vld [tilespmem:s10+$0x4000];
	[tilespmem:s16+$0x10800] =	vst v34  }
0x192: {  	v32 =	vadd.f32 v41, v32;
	v28 =	vadd.f32 v28, v22;
	v22 =	vmov v40;
	v41 =	vld.idx.msk [tilespmem:v3+s8+$0x800 ss:$0x1], $0xffff  }
0x193: {  	v40 =	vld [tilespmem:s16+$0x4880]  }
0x194: {  	v32 =	vadd.f32 v32, v35;
	v34 =	vld [tilespmem:s28+$0x4880];
	v36 =	vadd.f32 v46, v48;
	v46 =	vmul.f32 v13, v4;
	v13 =	vmovc v42  }
0x195: {  	v42 =	vadd.f32 v43, v49;
	v35 =	vld [tilespmem:s31+$0x4880];
	v43 =	vadd.f32 v28, v26;
	v26 =	vmov v47  }
0x196: {  	v49 =	vmul.f32 v15, v6;
	v15 =	vmovc v38;
	v47 =	vmul.f32 v39, v9;
	v48 =	vld [tilespmem:s19+$0x0];
	v46 =	vadd.f32 v36, v46  }
0x197: {  	v32 =	vadd.f32 v32, v44;
	v36 =	vmul.f32 v39, v11;
	v37 =	vadd.f32 v42, v37;
	v28 =	vld [tilespmem:s28+$0x4900];
	[tilespmem:s26+$0x10900] =	vst v43  }
0x198: {  	v43 =	vmul.f32 v13, v8;
	v50 =	vld [tilespmem:s31+$0x4900];
	v40 =	vadd.f32 v41, v40;
	v44 =	vadd.f32 v46, v49  }
0x199: {  	v41 =	vmul.f32 v39, v10;
	v37 =	vadd.f32 v37, v47;
	[tilespmem:s28+$0x10800] =	vst v32;
	v38 =	vld.idx.msk [tilespmem:v3+s1+$0x800 ss:$0x1], $0xffff;
	s1 =	smov.u32 s20  }
.Ltmp7:
0x19a: {  	v46 =	vmul.f32 v15, v11;
	v42 =	vld.idx.msk [tilespmem:v3+s1+$0x800 ss:$0x1], $0xffff;
	v40 =	vadd.f32 v40, v43;
	[tilespmem:s7+$0x10980] =	vst v44;
	s7 =	smov.u32 s16;
	(pc) =	sbr.rel @p1 .LBB2_9-.Ltmp7, $4  }
0x19b: {  	v32 =	vmul.f32 v39, v6;
	[tilespmem:s31+$0x10800] =	vst v37;
	v39 =	vadd.f32 v48, v25;
	v37 =	vld [tilespmem:s11+$0x4600]  }
0x19c: {  	v43 =	vld [tilespmem:s18+$0x0];
	v46 =	vadd.f32 v40, v46  }
0x19d: {  	v44 =	vadd.f32 v39, v24;
	v40 =	vld [tilespmem:s6+$0x0];
	v24 =	vmov v45;
	v25 =	vmov v50;
	s6 =	smov.u32 s19;
	s19 =	smov.u32 s18  }
0x19e: {  	s5 =	sadd.s32 $0x180, s5;
	s14 =	sadd.s32 $0x60, s14;
	s9 =	sadd.s32 $0x30, s9;
	v39 =	vld [tilespmem:s28+$0x4980];
	[tilespmem:s7+$0x10880] =	vst v46  }
0x19f: {  	v7 =	vadd.f32 v42, v34;
	_ =	sdelay $0x1  }
0x1a0: {  	v7 =	vadd.f32 v7, v27  }
0x1a1: {  	[dreg:$0x12] =	wrdreg s4;
	v8 =	vadd.f32 v43, v35  }
0x1a2: {  	v9 =	vld.idx.msk [tilespmem:v3+s8+$0x800 ss:$0x1], $0xffff;
	v7 =	vadd.f32 v7, v33  }
0x1a3: {  	v11 =	vld [tilespmem:s7+$0x4900];
	v8 =	vadd.f32 v8, v30  }
0x1a4: {  	[tilespmem:s28+$0x10880] =	vst v7  }
0x1a5: {  	v7 =	vadd.f32 v8, v36;
	v8 =	vld.idx.msk [tilespmem:v3+s1+$0x800 ss:$0x1], $0xffff;
	_ =	sdelay $0x1  }
0x1a6: {  	[tilespmem:s31+$0x10880] =	vst v7  }
0x1a7: {  	v5 =	vmul.f32 v13, v5;
	v7 =	vadd.f32 v9, v11;
	v9 =	vld [tilespmem:s19+$0x0];
	_ =	sdelay $0x1  }
0x1a8: {  	v5 =	vadd.f32 v7, v5;
	v7 =	vmul.f32 v15, v10;
	v8 =	vadd.f32 v8, v28;
	_ =	sdelay $0x1  }
0x1a9: {  	v5 =	vadd.f32 v5, v7;
	v7 =	vadd.f32 v8, v22  }
0x1aa: {  	v8 =	vadd.f32 v9, v25  }
0x1ab: {  	[tilespmem:s7+$0x10900] =	vst v5;
	v5 =	vadd.f32 v7, v26  }
0x1ac: {  	v10 =	vld [tilespmem:s7+$0x4980];
	v7 =	vadd.f32 v44, v21;
	v8 =	vadd.f32 v8, v24  }
0x1ad: {  	v9 =	vld.idx.msk [tilespmem:v3+s8+$0x800 ss:$0x1], $0xffff;
	[tilespmem:s28+$0x10900] =	vst v5  }
0x1ae: {  	[tilespmem:s29+$0x10900] =	vst v7;
	v7 =	vadd.f32 v8, v41;
	v5 =	vld.idx.msk [tilespmem:v3+s1+$0x800 ss:$0x1], $0xffff  }
0x1af: {  	v8 =	vld [tilespmem:s2+$0x4600]  }
0x1b0: {  	v11 =	vadd.f32 v38, v18;
	v18 =	vld [tilespmem:s6+$0x0];
	[tilespmem:s31+$0x10900] =	vst v7  }
0x1b1: {  	v21 =	vld [tilespmem:s3+$0x4600]  }
0x1b2: {  	v11 =	vadd.f32 v11, v14;
	v7 =	vadd.f32 v40, v37;
	v14 =	vld [tilespmem:s19+$0x0]  }
0x1b3: {  	v4 =	vmul.f32 v13, v4;
	v9 =	vadd.f32 v9, v10  }
0x1b4: {  	v11 =	vadd.f32 v11, v19;
	v7 =	vadd.f32 v7, v12  }
0x1b5: {  	v4 =	vadd.f32 v9, v4;
	v5 =	vadd.f32 v5, v39  }
0x1b6: {  	v6 =	vmul.f32 v15, v6;
	v7 =	vadd.f32 v7, v17;
	v8 =	vadd.f32 v18, v8  }
0x1b7: {  	v5 =	vadd.f32 v5, v23;
	v9 =	vadd.f32 v14, v21  }
0x1b8: {  	[tilespmem:s26+$0x10980] =	vst v11;
	v4 =	vadd.f32 v4, v6;
	v6 =	vadd.f32 v8, v16  }
0x1b9: {  	[tilespmem:s11+$0x10600] =	vst v7;
	v5 =	vadd.f32 v5, v31;
	v7 =	vadd.f32 v9, v29  }
0x1ba: {  	[tilespmem:s7+$0x10980] =	vst v4;
	v4 =	vadd.f32 v6, v20  }
0x1bb: {  	[tilespmem:s28+$0x10980] =	vst v5;
	v5 =	vadd.f32 v7, v32  }
0x1bc: {  	[tilespmem:s2+$0x10600] =	vst v4  }
0x1bd: {  	[tilespmem:s3+$0x10600] =	vst v5  }
0x1be: {  	v7 =	vld [tilespmem:s17+$0x3A00]  }
0x1bf: {  	v8 =	vld [tilespmem:s17+$0x3A20]  }
0x1c0: {  	v6 =	vld [tilespmem:s17+$0x3A40]  }
0x1c1: {  	v4 =	vld [tilespmem:s17+$0x3A60]  }
0x1c2: {  	s14 =	simm.s32 $0x620;
	s5 =	simm.s32 $0xC40;
	v10 =	vld [tilespmem:s17+$0x3A10]  }
0x1c3: {  	s0 =	simm.s32 $0x4000;
	s5 =	sand.u32 $0x1F00, s5;
	s1 =	sand.u32 $0x70, s14;
	v11 =	vld [tilespmem:s17+$0x3A30]  }
0x1c4: {  	s7 =	sor.u32 s1, s5;
	v20 =	vld [tilespmem:s0+$0x20]  }
0x1c5: {  	s16 =	simm.s32 $0x100;
	v12 =	vld.idx.msk [tilespmem:v3+s7+$0x800 ss:$0x1], $0xffff  }
0x1c6: {  	s25 =	sor.u32 $0x1800, s24;
	s15 =	simm.s32 $0x20;
	s3 =	sand.u32 $0x3C00, s16;
	v9 =	vld [tilespmem:s17+$0x3A50]  }
0x1c7: {  	s2 =	sand.u32 $0x70, s15;
	s3 =	sadd.s32 s25, s3;
	v19 =	vld [tilespmem:s0+$0x320]  }
0x1c8: {  	s18 =	simm.s32 $0x0;
	v5 =	vld [tilespmem:s17+$0x3A70];
	s5 =	sor.u32 s2, s3  }
0x1c9: {  	s20 =	simm.s32 $0x610;
	s21 =	simm.s32 $0x0;
	v14 =	vld [tilespmem:s5+$0x4600];
	[dreg:$0x16] =	wrdreg s17  }
0x1ca: {  	s23 =	simm.s32 $0xC20;
	s9 =	sand.u32 $0x70, s21;
	s19 =	simm.s32 $0x80;
	v13 =	vld [tilespmem:s0+$0x0]  }
0x1cb: {  	s4 =	sand.u32 $0x70, s20;
	s1 =	sand.u32 $0x700, s18;
	s2 =	sand.u32 $0x3C00, s19;
	v15 =	vld [tilespmem:s0+$0x10]  }
0x1cc: {  	s8 =	sand.u32 $0x1F00, s23;
	s13 =	sadd.s32 s25, s2;
	s2 =	sor.u32 s9, s1;
	v16 =	vld [tilespmem:s0+$0x310]  }
0x1cd: {  	s1 =	sor.u32 s4, s8;
	v18 =	vld.idx.msk [tilespmem:v3+s2+$0x1400 ss:$0x1], $0xffff  }
0x1ce: {  	s14 =	sand.u32 $0x3F0, s21;
	v22 =	vld.idx.msk [tilespmem:v3+s1+$0x800 ss:$0x1], $0xffff  }
0x1cf: {  	v17 =	vld [tilespmem:s14+$0x4300]  }
0x1d0: {  	s26 =	simm.s32 $0x10;
	s19 =	simm.s32 $0x4030;
	v23 =	vld [tilespmem:s5+$0x4680]  }
0x1d1: {  	s11 =	sand.u32 $0x70, s26;
	v28 =	vld [tilespmem:s19+$0x20];
	v12 =	vadd.f32 v12, v14;
	v14 =	vmul.f32 v20, v7  }
0x1d2: {  	s10 =	sand.u32 $0x1C00, s18;
	s3 =	sor.u32 s11, s13;
	v32 =	vld [tilespmem:s19+$0x0]  }
0x1d3: {  	s13 =	sadd.s32 s25, s10;
	v21 =	vld [tilespmem:s3+$0x4600];
	v12 =	vadd.f32 v12, v14;
	v14 =	vmul.f32 v19, v10  }
0x1d4: {  	v63 =	vld [tilespmem:s5+$0x4780];
	s26 =	sor.u32 s9, s13  }
0x1d5: {  	s18 =	simm.s32 $0xCA0;
	s16 =	simm.s32 $0x50;
	s17 =	simm.s32 $0x280;
	v12 =	vadd.f32 v12, v14;
	v14 =	vld [tilespmem:s26+$0x4600]  }
0x1d6: {  	s15 =	simm.s32 $0x650;
	s6 =	sand.u32 $0x70, s16;
	s8 =	sand.u32 $0x3C00, s17;
	v27 =	vld [tilespmem:s3+$0x4700]  }
0x1d7: {  	s0 =	sand.u32 $0x70, s15;
	s9 =	sand.u32 $0x1F00, s18;
	s8 =	sadd.s32 s25, s8;
	v26 =	vld [tilespmem:s26+$0x4680];
	[tilespmem:s5+$0x10600] =	vst v12  }
0x1d8: {  	s13 =	sor.u32 s0, s9;
	s9 =	sor.u32 s6, s8;
	v24 =	vmul.f32 v15, v7;
	v21 =	vadd.f32 v22, v21;
	v12 =	vld.idx.msk [tilespmem:v3+s7+$0x800 ss:$0x1], $0xffff  }
0x1d9: {  	s20 =	simm.s32 $0x60;
	s15 =	simm.s32 $0xC80;
	v31 =	vld [tilespmem:s9+$0x4600]  }
0x1da: {  	s0 =	sand.u32 $0x700, s20;
	s20 =	sand.u32 $0x1F00, s15;
	s15 =	simm.s32 $0x4060;
	v61 =	vld [tilespmem:s9+$0x4680];
	v21 =	vadd.f32 v21, v24;
	v14 =	vadd.f32 v18, v14;
	v18 =	vmul.f32 v16, v10  }
0x1db: {  	v33 =	vld [tilespmem:s15+$0x0]  }
0x1dc: {  	s23 =	simm.s32 $0x200;
	v40 =	vld [tilespmem:s15+$0x10];
	v18 =	vadd.f32 v21, v18  }
0x1dd: {  	s21 =	simm.s32 $0x180;
	s14 =	simm.s32 $0x30;
	s18 =	simm.s32 $0x40;
	v51 =	vld [tilespmem:s15+$0x310];
	v21 =	vmul.f32 v20, v8;
	v12 =	vadd.f32 v12, v23  }
0x1de: {  	s16 =	sand.u32 $0x70, s14;
	s6 =	sand.u32 $0x3C00, s23;
	s18 =	sand.u32 $0x70, s18;
	v24 =	vld [tilespmem:s3+$0x4680];
	[tilespmem:s3+$0x10600] =	vst v18  }
0x1df: {  	s8 =	sand.u32 $0x1C00, s21;
	s17 =	sadd.s32 s25, s6;
	s6 =	sor.u32 s16, s0;
	v22 =	vmul.f32 v13, v7;
	v18 =	vmul.f32 v19, v11;
	v12 =	vadd.f32 v12, v21;
	v23 =	vld.idx.msk [tilespmem:v3+s1+$0x800 ss:$0x1], $0xffff  }
0x1e0: {  	s21 =	sadd.s32 s25, s8;
	s29 =	sor.u32 s18, s17;
	v57 =	vld.idx.msk [tilespmem:v3+s6+$0x1400 ss:$0x1], $0xffff  }
0x1e1: {  	s28 =	sor.u32 s16, s21;
	v25 =	vmul.f32 v17, v10;
	v52 =	vld [tilespmem:s29+$0x4680];
	v14 =	vadd.f32 v14, v22;
	v18 =	vadd.f32 v12, v18  }
0x1e2: {  	v37 =	vld [tilespmem:s28+$0x4680]  }
0x1e3: {  	v14 =	vadd.f32 v14, v25;
	v25 =	vld [tilespmem:s5+$0x4700];
	[tilespmem:s5+$0x10680] =	vst v18  }
0x1e4: {  	v29 =	vmul.f32 v15, v8;
	v18 =	vld.idx.msk [tilespmem:v3+s7+$0x800 ss:$0x1], $0xffff;
	v23 =	vadd.f32 v23, v24  }
0x1e5: {  	v24 =	vld.idx.msk [tilespmem:v3+s13+$0x800 ss:$0x1], $0xffff  }
0x1e6: {  	v30 =	vmul.f32 v16, v11;
	v34 =	vld [tilespmem:s29+$0x4700];
	[tilespmem:s26+$0x10600] =	vst v14;
	v23 =	vadd.f32 v23, v29  }
0x1e7: {  	v14 =	vld.idx.msk [tilespmem:v3+s2+$0x1400 ss:$0x1], $0xffff  }
0x1e8: {  	v29 =	vld [tilespmem:s19+$0x320];
	v23 =	vadd.f32 v23, v30  }
0x1e9: {  	s4 =	simm.s32 $0x640;
	v30 =	vmul.f32 v20, v6;
	v18 =	vadd.f32 v18, v25;
	v25 =	vld [tilespmem:s19+$0x10]  }
0x1ea: {  	v53 =	vmul.f32 v16, v9;
	v43 =	vmul.f32 v16, v5;
	v24 =	vadd.f32 v24, v31;
	[tilespmem:s3+$0x10680] =	vst v23;
	v23 =	vld [tilespmem:s19+$0x310];
	s19 =	sand.u32 $0x70, s4  }
0x1eb: {  	v16 =	vld [tilespmem:s15+$0x20];
	v31 =	vmul.f32 v28, v7;
	v18 =	vadd.f32 v18, v30;
	v30 =	vmul.f32 v19, v9;
	s11 =	sor.u32 s19, s20  }
0x1ec: {  	v58 =	vld.idx.msk [tilespmem:v3+s11+$0x800 ss:$0x1], $0xffff  }
0x1ed: {  	v24 =	vadd.f32 v24, v31;
	v31 =	vmul.f32 v29, v10;
	v18 =	vadd.f32 v18, v30;
	v30 =	vld [tilespmem:s29+$0x4600]  }
0x1ee: {  	v56 =	vld.idx.msk [tilespmem:v3+s1+$0x800 ss:$0x1], $0xffff  }
0x1ef: {  	v14 =	vadd.f32 v14, v26;
	v26 =	vld [tilespmem:s28+$0x4600];
	[tilespmem:s5+$0x10700] =	vst v18;
	v18 =	vadd.f32 v24, v31;
	v31 =	vmul.f32 v13, v8  }
0x1f0: {  	s23 =	sand.u32 $0x3F0, s14;
	v22 =	vld [tilespmem:s26+$0x4700]  }
0x1f1: {  	v24 =	vld [tilespmem:s23+$0x4300];
	[tilespmem:s9+$0x10600] =	vst v18;
	v18 =	vmul.f32 v17, v11;
	v14 =	vadd.f32 v14, v31  }
0x1f2: {  	v59 =	vmul.f32 v15, v6;
	v60 =	vmul.f32 v25, v7;
	v31 =	vld.idx.msk [tilespmem:v3+s13+$0x800 ss:$0x1], $0xffff;
	v30 =	vadd.f32 v58, v30  }
0x1f3: {  	v62 =	vmul.f32 v32, v7;
	v21 =	vld [tilespmem:s3+$0x4780];
	v14 =	vadd.f32 v14, v18;
	v18 =	vadd.f32 v56, v27  }
0x1f4: {  	v12 =	vld [tilespmem:s26+$0x4780];
	v26 =	vadd.f32 v57, v26;
	v27 =	vmul.f32 v23, v10;
	v30 =	vadd.f32 v30, v60  }
0x1f5: {  	v49 =	vmul.f32 v19, v5;
	v19 =	vld [tilespmem:s15+$0x320];
	[tilespmem:s26+$0x10680] =	vst v14;
	v14 =	vadd.f32 v18, v59  }
0x1f6: {  	v26 =	vadd.f32 v26, v62;
	v36 =	vld.idx.msk [tilespmem:v3+s7+$0x800 ss:$0x1], $0xffff;
	v18 =	vmul.f32 v24, v10;
	v27 =	vadd.f32 v30, v27  }
0x1f7: {  	v55 =	vmul.f32 v28, v8;
	v58 =	vld [tilespmem:s9+$0x4700];
	v14 =	vadd.f32 v14, v53;
	v31 =	vadd.f32 v31, v61  }
0x1f8: {  	v42 =	vmul.f32 v15, v4;
	v54 =	vld.idx.msk [tilespmem:v3+s2+$0x1400 ss:$0x1], $0xffff;
	v18 =	vadd.f32 v26, v18;
	[tilespmem:s29+$0x10600] =	vst v27  }
0x1f9: {  	v27 =	vmul.f32 v29, v11;
	[tilespmem:s3+$0x10700] =	vst v14;
	v26 =	vld.idx.msk [tilespmem:v3+s11+$0x800 ss:$0x1], $0xffff;
	v14 =	vadd.f32 v31, v55  }
0x1fa: {  	s10 =	simm.s32 $0x400;
	s14 =	simm.s32 $0xD00;
	v45 =	vmul.f32 v17, v9;
	v15 =	vmul.f32 v17, v5;
	v31 =	vld.idx.msk [tilespmem:v3+s1+$0x800 ss:$0x1], $0xffff;
	s1 =	simm.s32 $0x680  }
0x1fb: {  	s8 =	sand.u32 $0x1F00, s14;
	s14 =	simm.s32 $0x60;
	v47 =	vmul.f32 v32, v8;
	v35 =	vmul.f32 v32, v6;
	v30 =	vld [tilespmem:s28+$0x4700];
	[tilespmem:s28+$0x10600] =	vst v18;
	v27 =	vadd.f32 v14, v27;
	s0 =	sand.u32 $0x70, s1  }
0x1fc: {  	v20 =	vmul.f32 v20, v4;
	s4 =	simm.s32 $0x80;
	v62 =	vmul.f32 v28, v6;
	s7 =	sand.u32 $0x3C00, s10;
	v56 =	vld.idx.msk [tilespmem:v3+s6+$0x1400 ss:$0x1], $0xffff;
	s8 =	sor.u32 s0, s8  }
0x1fd: {  	s16 =	simm.s32 $0xC0;
	v28 =	vmul.f32 v28, v4;
	v46 =	vmul.f32 v25, v8;
	s7 =	sadd.s32 s25, s7;
	s1 =	sand.u32 $0x70, s4;
	[tilespmem:s9+$0x10680] =	vst v27;
	v59 =	vld.idx.msk [tilespmem:v3+s8+$0x800 ss:$0x1], $0xffff  }
0x1fe: {  	s17 =	simm.s32 $0x380;
	s18 =	simm.s32 $0x670;
	v48 =	vmul.f32 v23, v11;
	v50 =	vmul.f32 v23, v9;
	v60 =	vadd.f32 v36, v63;
	s7 =	sor.u32 s1, s7;
	v57 =	vld.idx.msk [tilespmem:v3+s13+$0x800 ss:$0x1], $0xffff  }
0x1ff: {  	s21 =	simm.s32 $0xCE0;
	s23 =	sand.u32 $0x70, s14;
	s10 =	sand.u32 $0x70, s18;
	v17 =	vmul.f32 v32, v4;
	v63 =	vmul.f32 v29, v9;
	v61 =	vld [tilespmem:s7+$0x4600];
	v26 =	vadd.f32 v26, v52  }
0x200: {  	v32 =	vadd.f32 v60, v20;
	v20 =	vmul.f32 v25, v4;
	v60 =	vld [tilespmem:s9+$0x4780];
	s4 =	simm.s32 $0x70;
	s1 =	sand.u32 $0x3C00, s17;
	s0 =	sand.u32 $0x700, s16;
	v27 =	vmul.f32 v13, v6  }
0x201: {  	v18 =	vld [tilespmem:s28+$0x4780];
	s19 =	sand.u32 $0x70, s4;
	v13 =	vmul.f32 v13, v4;
	s20 =	sadd.s32 s25, s1;
	s1 =	sor.u32 s23, s0;
	v52 =	vadd.f32 v54, v22;
	v26 =	vadd.f32 v26, v46  }
0x202: {  	s17 =	sand.u32 $0x1F00, s21;
	s30 =	sor.u32 s19, s20;
	v44 =	vld.idx.msk [tilespmem:v3+s1+$0x1400 ss:$0x1], $0xffff;
	v54 =	vmul.f32 v16, v7;
	s20 =	simm.s32 $0x300;
	v21 =	vadd.f32 v31, v21;
	v31 =	vadd.f32 v56, v37  }
0x203: {  	s31 =	sor.u32 s10, s17;
	v22 =	vmul.f32 v23, v5;
	v55 =	vld [tilespmem:s30+$0x4600];
	s21 =	sand.u32 $0x1C00, s20;
	v26 =	vadd.f32 v26, v48;
	v41 =	vadd.f32 v57, v58  }
0x204: {  	v23 =	vmul.f32 v24, v9;
	v56 =	vld.idx.msk [tilespmem:v3+s31+$0x800 ss:$0x1], $0xffff;
	v27 =	vadd.f32 v52, v27;
	s0 =	sadd.s32 s25, s21;
	v36 =	vadd.f32 v59, v61  }
0x205: {  	v14 =	vld [tilespmem:s29+$0x4780];
	s19 =	sor.u32 s23, s0;
	v48 =	vmul.f32 v25, v6;
	v25 =	vadd.f32 v32, v49;
	[tilespmem:s29+$0x10680] =	vst v26;
	v26 =	vadd.f32 v41, v62  }
0x206: {  	v45 =	vadd.f32 v27, v45;
	v61 =	vld [tilespmem:s19+$0x4600];
	v57 =	vmul.f32 v19, v10;
	v36 =	vadd.f32 v36, v54  }
0x207: {  	v31 =	vadd.f32 v31, v47;
	s23 =	sand.u32 $0x3F0, s14;
	[tilespmem:s5+$0x10780] =	vst v25;
	v53 =	vld.idx.msk [tilespmem:v3+s11+$0x800 ss:$0x1], $0xffff;
	v26 =	vadd.f32 v26, v63  }
0x208: {  	v27 =	vmul.f32 v33, v8;
	v49 =	vld [tilespmem:s23+$0x4300];
	v58 =	vadd.f32 v21, v42;
	[tilespmem:s26+$0x10700] =	vst v45;
	v36 =	vadd.f32 v36, v57  }
0x209: {  	v52 =	vld [tilespmem:s7+$0x4680];
	v21 =	vmul.f32 v24, v5;
	v37 =	vadd.f32 v56, v55;
	[tilespmem:s9+$0x10700] =	vst v26;
	v26 =	vmul.f32 v24, v11  }
0x20a: {  	v25 =	vmul.f32 v40, v6;
	v63 =	vmul.f32 v40, v7;
	[tilespmem:s7+$0x10600] =	vst v36;
	v59 =	vld.idx.msk [tilespmem:v3+s13+$0x800 ss:$0x1], $0xffff  }
0x20b: {  	v43 =	vadd.f32 v58, v43;
	v62 =	vmul.f32 v33, v7;
	v36 =	vld.idx.msk [tilespmem:v3+s8+$0x800 ss:$0x1], $0xffff;
	v31 =	vadd.f32 v31, v26  }
0x20c: {  	v42 =	vld.idx.msk [tilespmem:v3+s2+$0x1400 ss:$0x1], $0xffff;
	v37 =	vadd.f32 v37, v63;
	v34 =	vadd.f32 v53, v34;
	v53 =	vmul.f32 v51, v10  }
0x20d: {  	v39 =	vld [tilespmem:s30+$0x4680];
	v57 =	vmul.f32 v49, v10;
	v24 =	vmul.f32 v33, v6;
	[tilespmem:s28+$0x10680] =	vst v31;
	v31 =	vadd.f32 v44, v61  }
0x20e: {  	v38 =	vld [tilespmem:s19+$0x4680];
	[tilespmem:s3+$0x10780] =	vst v43;
	v26 =	vmul.f32 v33, v4;
	v34 =	vadd.f32 v34, v48;
	v37 =	vadd.f32 v37, v53  }
0x20f: {  	v33 =	vmul.f32 v40, v8;
	v56 =	vld.idx.msk [tilespmem:v3+s6+$0x1400 ss:$0x1], $0xffff;
	v41 =	vadd.f32 v59, v60;
	v58 =	vadd.f32 v31, v62  }
0x210: {  	v34 =	vadd.f32 v34, v50;
	v36 =	vadd.f32 v36, v52;
	[tilespmem:s30+$0x10600] =	vst v37;
	v31 =	vld [tilespmem:s30+$0x4700];
	v59 =	vmul.f32 v16, v8  }
0x211: {  	v60 =	vmul.f32 v29, v5;
	v45 =	vld.idx.msk [tilespmem:v3+s31+$0x800 ss:$0x1], $0xffff;
	v41 =	vadd.f32 v41, v28;
	v47 =	vadd.f32 v58, v57  }
0x212: {  	v61 =	vmul.f32 v19, v11;
	[tilespmem:s29+$0x10700] =	vst v34;
	v34 =	vmul.f32 v40, v4;
	v40 =	vld [tilespmem:s19+$0x4780];
	v36 =	vadd.f32 v36, v59  }
0x213: {  	v32 =	vmul.f32 v51, v11;
	v43 =	vld.idx.msk [tilespmem:v3+s11+$0x800 ss:$0x1], $0xffff;
	v41 =	vadd.f32 v41, v60;
	[tilespmem:s19+$0x10600] =	vst v47  }
0x214: {  	v44 =	vmul.f32 v49, v9;
	v62 =	vadd.f32 v36, v61;
	v63 =	vadd.f32 v56, v30;
	v46 =	vld.idx.msk [tilespmem:v3+s1+$0x1400 ss:$0x1], $0xffff  }
0x215: {  	s5 =	simm.s32 $0x480;
	v37 =	vmul.f32 v49, v11;
	v29 =	vmul.f32 v51, v9;
	[tilespmem:s9+$0x10780] =	vst v41;
	v41 =	vld [tilespmem:s30+$0x4780]  }
0x216: {  	s2 =	simm.s32 $0x6;
	s3 =	simm.s32 $0x120;
	v28 =	vld [tilespmem:s19+$0x4700];
	v30 =	vmul.f32 v51, v5;
	v36 =	vmul.f32 v49, v5;
	[tilespmem:s7+$0x10680] =	vst v62;
	s9 =	simm.s32 $0x6B0;
	v35 =	vadd.f32 v63, v35  }
.LBB2_11:
0x217: {  	s0 =	sadd.s32 $0xFFFFFA00, s9;
	s10 =	sand.u32 $0x70, s9;
	v47 =	vld.idx.msk [tilespmem:v3+s8+$0x800 ss:$0x1], $0xffff;
	s15 =	sadd.s32 $0x30, s15;
	v42 =	vadd.f32 v42, v12;
	v12 =	vmov v18  }
0x218: {  	s11 =	sadd.s32 $0x100, s5;
	s13 =	sadd.s32 $0xC40, s3;
	s2 =	sadd.s32 $0x3, s2;
	v18 =	vadd.f32 v45, v39;
	v39 =	vld [tilespmem:s7+$0x4700];
	v35 =	vadd.f32 v35, v23;
	v23 =	vmov v44  }
0x219: {  	s11 =	sand.u32 $0x3C00, s11;
	s13 =	sand.u32 $0x1F00, s13;
	p1 =	slt.u32 s2, $0x2D;
	v43 =	vadd.f32 v43, v14;
	v44 =	vld [tilespmem:s15+$0x0];
	v42 =	vadd.f32 v42, v13;
	v13 =	vmovc v17;
	v17 =	vmov v26  }
0x21a: {  	s14 =	sand.u32 $0x70, s0;
	s11 =	sadd.s32 s25, s11;
	s0 =	sor.u32 s10, s13;
	v26 =	vadd.f32 v46, v38;
	v46 =	vadd.f32 v18, v33;
	v45 =	vld [tilespmem:s15+$0x20];
	[tilespmem:s28+$0x10700] =	vst v35;
	v14 =	vmov v41  }
0x21b: {  	s10 =	sadd.s32 $0x80, s5;
	s13 =	sadd.s32 $0xFFFFFFF0, s9;
	s11 =	sor.u32 s14, s11;
	v35 =	vadd.f32 v43, v20;
	v20 =	vmovc v34;
	v33 =	vld.idx.msk [tilespmem:v3+s0+$0x800 ss:$0x1], $0xffff;
	v38 =	vadd.f32 v42, v15;
	v15 =	vmov v21  }
0x21c: {  	s16 =	sadd.s32 $0xFFFFF9E0, s9;
	s10 =	sand.u32 $0x3C00, s10;
	s14 =	sadd.s32 $0xC20, s3;
	v26 =	vadd.f32 v26, v27;
	v32 =	vadd.f32 v46, v32;
	v21 =	vmovc v36;
	v18 =	vmov v40;
	v34 =	vld [tilespmem:s11+$0x4600]  }
0x21d: {  	s20 =	sand.u32 $0x1C00, s5;
	s21 =	sadd.s32 $0xFFFFF9F0, s9;
	s18 =	sand.u32 $0x70, s16;
	v40 =	vmul.f32 v16, v6;
	v42 =	vadd.f32 v35, v22;
	v36 =	vld [tilespmem:s15+$0x10];
	v39 =	vadd.f32 v47, v39;
	[tilespmem:s26+$0x10780] =	vst v38  }
0x21e: {  	s13 =	sand.u32 $0x70, s13;
	s10 =	sadd.s32 s25, s10;
	s26 =	sand.u32 $0x1F00, s14;
	v37 =	vadd.f32 v26, v37;
	v35 =	vmul.f32 v44, v7;
	v27 =	vmul.f32 v44, v8;
	v41 =	vld [tilespmem:s15+$0x320];
	[tilespmem:s30+$0x10680] =	vst v32  }
0x21f: {  	s20 =	sadd.s32 s25, s20;
	s21 =	sand.u32 $0x70, s21;
	s14 =	sand.u32 $0x700, s3;
	v47 =	vmul.f32 v44, v6;
	v38 =	vld [tilespmem:s15+$0x310];
	v32 =	vadd.f32 v39, v40;
	v39 =	vmul.f32 v19, v9;
	[tilespmem:s29+$0x10780] =	vst v42  }
0x220: {  	s10 =	sor.u32 s21, s10;
	v22 =	vmov v30;
	s14 =	sor.u32 s18, s14;
	v26 =	vmul.f32 v44, v4;
	s13 =	sor.u32 s13, s26;
	[tilespmem:s19+$0x10680] =	vst v37;
	v37 =	vld.idx.msk [tilespmem:v3+s31+$0x800 ss:$0x1], $0xffff  }
0x221: {  	s16 =	sand.u32 $0x3F0, s16;
	s18 =	sor.u32 s18, s20;
	s29 =	smov.u32 s30;
	v40 =	vld.idx.msk [tilespmem:v3+s14+$0x1400 ss:$0x1], $0xffff;
	v30 =	vadd.f32 v33, v34;
	v34 =	vmul.f32 v45, v7;
	v32 =	vadd.f32 v32, v39  }
0x222: {  	s26 =	smov.u32 s28;
	s28 =	smov.u32 s19;
	s30 =	smov.u32 s10;
	v39 =	vld [tilespmem:s10+$0x4600];
	v42 =	vmul.f32 v36, v7;
	v33 =	vmul.f32 v36, v8  }
0x223: {  	s19 =	smov.u32 s18;
	v43 =	vld.idx.msk [tilespmem:v3+s13+$0x800 ss:$0x1], $0xffff;
	v30 =	vadd.f32 v30, v34;
	v34 =	vmul.f32 v41, v10;
	[tilespmem:s7+$0x10700] =	vst v32  }
0x224: {  	v44 =	vmul.f32 v38, v10;
	v32 =	vmul.f32 v38, v11;
	v46 =	vld.idx.msk [tilespmem:v3+s8+$0x800 ss:$0x1], $0xffff;
	s8 =	smov.u32 s0  }
0x225: {  	v48 =	vmul.f32 v36, v6;
	v49 =	vmul.f32 v38, v9;
	v50 =	vadd.f32 v30, v34;
	v51 =	vld [tilespmem:s7+$0x4780]  }
0x226: {  	v34 =	vmul.f32 v36, v4;
	v30 =	vmul.f32 v38, v5;
	v31 =	vadd.f32 v37, v31;
	v52 =	vld [tilespmem:s19+$0x4600]  }
0x227: {  	v36 =	vld [tilespmem:s16+$0x4300];
	[tilespmem:s11+$0x10600] =	vst v50  }
0x228: {  	v31 =	vadd.f32 v31, v25;
	v25 =	vmov v48;
	v50 =	vld.idx.msk [tilespmem:v3+s8+$0x800 ss:$0x1], $0xffff  }
0x229: {  	v37 =	vadd.f32 v43, v39;
	v43 =	vld [tilespmem:s11+$0x4680]  }
0x22a: {  	v48 =	vadd.f32 v31, v29;
	v39 =	vld [tilespmem:s30+$0x4680];
	v31 =	vadd.f32 v46, v51;
	v46 =	vmul.f32 v16, v4;
	v16 =	vmovc v45  }
0x22b: {  	v29 =	vmov v49;
	v42 =	vadd.f32 v37, v42;
	v40 =	vadd.f32 v40, v52;
	v38 =	vld [tilespmem:s19+$0x4680]  }
0x22c: {  	v51 =	vmul.f32 v19, v5;
	v45 =	vmul.f32 v36, v10;
	v49 =	vld.idx.msk [tilespmem:v3+s1+$0x1400 ss:$0x1], $0xffff;
	v46 =	vadd.f32 v31, v46  }
0x22d: {  	v37 =	vmul.f32 v36, v11;
	v35 =	vadd.f32 v40, v35;
	v40 =	vadd.f32 v42, v44;
	v31 =	vld [tilespmem:s30+$0x4700];
	[tilespmem:s29+$0x10700] =	vst v48  }
0x22e: {  	v19 =	vmovc v41;
	v48 =	vld [tilespmem:s19+$0x4700];
	v43 =	vadd.f32 v50, v43;
	v50 =	vmul.f32 v16, v8;
	v46 =	vadd.f32 v46, v51  }
0x22f: {  	v44 =	vmul.f32 v36, v9;
	v35 =	vadd.f32 v35, v45;
	[tilespmem:s30+$0x10600] =	vst v40;
	v42 =	vld.idx.msk [tilespmem:v3+s6+$0x1400 ss:$0x1], $0xffff;
	s6 =	smov.u32 s1;
	s1 =	smov.u32 s14  }
.Ltmp8:
0x230: {  	v41 =	vmul.f32 v19, v11;
	v45 =	vld.idx.msk [tilespmem:v3+s13+$0x800 ss:$0x1], $0xffff;
	v40 =	vadd.f32 v43, v50;
	[tilespmem:s7+$0x10780] =	vst v46;
	s7 =	smov.u32 s11;
	(pc) =	sbr.rel @p1 .LBB2_11-.Ltmp8, $4  }
0x231: {  	v36 =	vmul.f32 v36, v5;
	[tilespmem:s19+$0x10600] =	vst v35;
	v43 =	vld.idx.msk [tilespmem:v3+s31+$0x800 ss:$0x1], $0xffff;
	s31 =	smov.u32 s13  }
0x232: {  	v49 =	vadd.f32 v49, v28;
	v46 =	vld.idx.msk [tilespmem:v3+s1+$0x1400 ss:$0x1], $0xffff;
	v35 =	vadd.f32 v40, v41  }
0x233: {  	v41 =	vld [tilespmem:s30+$0x4780];
	v28 =	vmov v48  }
0x234: {  	s5 =	sadd.s32 $0x180, s5;
	s9 =	sadd.s32 $0x30, s9;
	s3 =	sadd.s32 $0x60, s3;
	v40 =	vld [tilespmem:s19+$0x4780];
	[tilespmem:s7+$0x10680] =	vst v35;
	v35 =	vadd.f32 v49, v24;
	v24 =	vmov v47  }
0x235: {  	_ = 	snop  }
0x236: {  	v7 =	vadd.f32 v45, v39  }
0x237: {  	v8 =	vadd.f32 v46, v38  }
0x238: {  	v7 =	vadd.f32 v7, v33  }
0x239: {  	v10 =	vld.idx.msk [tilespmem:v3+s8+$0x800 ss:$0x1], $0xffff;
	v8 =	vadd.f32 v8, v27  }
0x23a: {  	v11 =	vld [tilespmem:s7+$0x4700];
	v7 =	vadd.f32 v7, v32  }
0x23b: {  	v8 =	vadd.f32 v8, v37  }
0x23c: {  	[tilespmem:s30+$0x10680] =	vst v7  }
0x23d: {  	v7 =	vld.idx.msk [tilespmem:v3+s31+$0x800 ss:$0x1], $0xffff;
	[tilespmem:s19+$0x10680] =	vst v8  }
0x23e: {  	v8 =	vld.idx.msk [tilespmem:v3+s1+$0x1400 ss:$0x1], $0xffff  }
0x23f: {  	v6 =	vmul.f32 v16, v6;
	v10 =	vadd.f32 v10, v11;
	_ =	sdelay $0x1  }
0x240: {  	v9 =	vmul.f32 v19, v9;
	v6 =	vadd.f32 v10, v6  }
0x241: {  	v7 =	vadd.f32 v7, v31  }
0x242: {  	v6 =	vadd.f32 v6, v9;
	v8 =	vadd.f32 v8, v28  }
0x243: {  	v9 =	vadd.f32 v35, v23;
	v7 =	vadd.f32 v7, v25  }
0x244: {  	[tilespmem:s7+$0x10700] =	vst v6;
	v6 =	vadd.f32 v8, v24  }
0x245: {  	[tilespmem:s28+$0x10700] =	vst v9;
	v9 =	vld [tilespmem:s7+$0x4780];
	v7 =	vadd.f32 v7, v29  }
0x246: {  	v8 =	vld.idx.msk [tilespmem:v3+s8+$0x800 ss:$0x1], $0xffff;
	v6 =	vadd.f32 v6, v44  }
0x247: {  	v11 =	vadd.f32 v43, v14;
	v10 =	vadd.f32 v42, v12;
	[tilespmem:s30+$0x10700] =	vst v7;
	v7 =	vld.idx.msk [tilespmem:v3+s6+$0x1400 ss:$0x1], $0xffff  }
0x248: {  	v12 =	vld.idx.msk [tilespmem:v3+s31+$0x800 ss:$0x1], $0xffff;
	[tilespmem:s19+$0x10700] =	vst v6  }
0x249: {  	v11 =	vadd.f32 v11, v20;
	v6 =	vadd.f32 v10, v13;
	v10 =	vld.idx.msk [tilespmem:v3+s1+$0x1400 ss:$0x1], $0xffff;
	_ =	sdelay $0x1  }
0x24a: {  	v4 =	vmul.f32 v16, v4;
	v8 =	vadd.f32 v8, v9;
	v9 =	vadd.f32 v11, v22  }
0x24b: {  	v6 =	vadd.f32 v6, v15;
	v7 =	vadd.f32 v7, v18  }
0x24c: {  	v5 =	vmul.f32 v19, v5;
	v4 =	vadd.f32 v8, v4;
	v8 =	vadd.f32 v12, v41  }
0x24d: {  	v7 =	vadd.f32 v7, v17;
	v10 =	vadd.f32 v10, v40  }
0x24e: {  	[tilespmem:s29+$0x10780] =	vst v9;
	v4 =	vadd.f32 v4, v5;
	v5 =	vadd.f32 v8, v34  }
0x24f: {  	[tilespmem:s26+$0x10780] =	vst v6;
	v6 =	vadd.f32 v7, v21;
	v7 =	vadd.f32 v10, v26  }
0x250: {  	[tilespmem:s7+$0x10780] =	vst v4;
	v4 =	vadd.f32 v5, v30  }
0x251: {  	[tilespmem:s28+$0x10780] =	vst v6;
	v5 =	vadd.f32 v7, v36  }
0x252: {  	[tilespmem:s30+$0x10780] =	vst v4  }
0x253: {  	s0 =	sor.u32 $0x3300, s12;
	[tilespmem:s19+$0x10780] =	vst v5  }
0x254: {  	v6 =	vld [tilespmem:s0+$0x800]  }
0x255: {  	v7 =	vld [tilespmem:s0+$0x820]  }
0x256: {  	v5 =	vld [tilespmem:s0+$0x840]  }
0x257: {  	v4 =	vld [tilespmem:s0+$0x860]  }
0x258: {  	s2 =	simm.s32 $0x4000;
	s4 =	simm.s32 $0x20;
	s3 =	simm.s32 $0x100;
	v9 =	vld [tilespmem:s0+$0x810]  }
0x259: {  	s5 =	simm.s32 $0x920;
	s3 =	sand.u32 $0x3C00, s3;
	s7 =	simm.s32 $0x1240;
	v11 =	vld [tilespmem:s0+$0x830]  }
0x25a: {  	s5 =	sand.u32 $0x70, s5;
	s6 =	sand.u32 $0x1F00, s7;
	[dreg:$0x14] =	wrdreg s12;
	v8 =	vld [tilespmem:s0+$0x850]  }
0x25b: {  	s3 =	sadd.s32 s25, s3;
	s8 =	sand.u32 $0x70, s4;
	s1 =	sor.u32 s5, s6;
	v16 =	vld [tilespmem:s2+$0x20]  }
0x25c: {  	s11 =	sor.u32 s8, s3;
	v10 =	vld.idx.msk [tilespmem:v3+s1+$0x800 ss:$0x1], $0xffff  }
0x25d: {  	s9 =	simm.s32 $0x80;
	v12 =	vld [tilespmem:s11+$0x4800]  }
0x25e: {  	s13 =	simm.s32 $0x10;
	s3 =	sand.u32 $0x3C00, s9;
	v19 =	vld [tilespmem:s2+$0x320]  }
0x25f: {  	s8 =	sand.u32 $0x70, s13;
	s3 =	sadd.s32 s25, s3;
	s5 =	simm.s32 $0x0;
	v13 =	vld [tilespmem:s2+$0x0]  }
0x260: {  	s10 =	simm.s32 $0x910;
	s26 =	sor.u32 s8, s3;
	s14 =	sand.u32 $0x1C00, s5;
	v14 =	vld [tilespmem:s2+$0x10]  }
0x261: {  	s15 =	sand.u32 $0x70, s5;
	s3 =	sadd.s32 s25, s14;
	s12 =	simm.s32 $0x1220;
	v20 =	vld [tilespmem:s26+$0x4800]  }
0x262: {  	s6 =	sand.u32 $0x70, s10;
	s9 =	sor.u32 s15, s3;
	s7 =	sand.u32 $0x1F00, s12;
	v17 =	vld [tilespmem:s2+$0x310]  }
0x263: {  	v21 =	vld [tilespmem:s9+$0x4800];
	s16 =	sor.u32 s6, s7  }
0x264: {  	s18 =	sand.u32 $0x3F0, s5;
	v15 =	vld.idx.msk [tilespmem:v3+s16+$0x800 ss:$0x1], $0xffff  }
0x265: {  	v18 =	vld [tilespmem:s18+$0x4300];
	v10 =	vadd.f32 v10, v12;
	v12 =	vmul.f32 v16, v6  }
0x266: {  	s17 =	sand.u32 $0x700, s5;
	s19 =	simm.s32 $0x4030;
	v27 =	vld [tilespmem:s9+$0x4880]  }
0x267: {  	s2 =	sor.u32 s15, s17;
	v28 =	vld [tilespmem:s19+$0x20];
	v10 =	vadd.f32 v10, v12;
	v12 =	vmul.f32 v19, v9  }
0x268: {  	v22 =	vld.idx.msk [tilespmem:v3+s2+$0x1A00 ss:$0x1], $0xffff  }
0x269: {  	v30 =	vld [tilespmem:s19+$0x320];
	v23 =	vmul.f32 v14, v6;
	v15 =	vadd.f32 v15, v20;
	v12 =	vadd.f32 v10, v12  }
0x26a: {  	s20 =	simm.s32 $0x50;
	v10 =	vld [tilespmem:s0+$0x870]  }
0x26b: {  	s21 =	simm.s32 $0x280;
	s23 =	simm.s32 $0x950;
	s10 =	simm.s32 $0x12A0;
	v15 =	vadd.f32 v15, v23;
	v23 =	vld [tilespmem:s11+$0x4880];
	[tilespmem:s11+$0x10800] =	vst v12  }
0x26c: {  	s8 =	sand.u32 $0x70, s23;
	s10 =	sand.u32 $0x1F00, s10;
	s12 =	simm.s32 $0x940;
	v12 =	vld.idx.msk [tilespmem:v3+s1+$0x800 ss:$0x1], $0xffff  }
0x26d: {  	v31 =	vld [tilespmem:s11+$0x4900];
	s15 =	simm.s32 $0x1280;
	s7 =	sand.u32 $0x3C00, s21;
	s6 =	sand.u32 $0x70, s20;
	v24 =	vmul.f32 v13, v6;
	v21 =	vadd.f32 v22, v21;
	v20 =	vmul.f32 v17, v9  }
0x26e: {  	v32 =	vld [tilespmem:s19+$0x0];
	s21 =	sor.u32 s8, s10;
	s8 =	simm.s32 $0x180;
	s7 =	sadd.s32 s25, s7  }
0x26f: {  	v26 =	vld [tilespmem:s19+$0x10];
	s10 =	simm.s32 $0x200;
	s15 =	sand.u32 $0x1F00, s15;
	s13 =	sor.u32 s6, s7;
	v15 =	vadd.f32 v15, v20;
	v20 =	vadd.f32 v21, v24;
	v21 =	vmul.f32 v18, v9  }
0x270: {  	v25 =	vld [tilespmem:s19+$0x310];
	s7 =	sand.u32 $0x1C00, s8;
	s8 =	sand.u32 $0x3C00, s10;
	s10 =	sand.u32 $0x70, s12  }
0x271: {  	s18 =	simm.s32 $0x40;
	s29 =	sor.u32 s10, s15;
	v56 =	vld [tilespmem:s13+$0x4880];
	v24 =	vmul.f32 v16, v7;
	[tilespmem:s26+$0x10800] =	vst v15;
	v15 =	vadd.f32 v20, v21;
	v12 =	vadd.f32 v12, v23  }
0x272: {  	s18 =	sand.u32 $0x70, s18;
	s8 =	sadd.s32 s25, s8;
	v49 =	vld.idx.msk [tilespmem:v3+s29+$0x800 ss:$0x1], $0xffff  }
0x273: {  	s28 =	sor.u32 s18, s8;
	v22 =	vld [tilespmem:s26+$0x4880];
	[tilespmem:s9+$0x10800] =	vst v15;
	v15 =	vmul.f32 v19, v11;
	v12 =	vadd.f32 v12, v24  }
0x274: {  	v50 =	vld [tilespmem:s28+$0x4800]  }
0x275: {  	s4 =	simm.s32 $0x60;
	s14 =	simm.s32 $0x30;
	v21 =	vld.idx.msk [tilespmem:v3+s16+$0x800 ss:$0x1], $0xffff;
	v12 =	vadd.f32 v12, v15  }
0x276: {  	s6 =	sand.u32 $0x700, s4;
	s15 =	sand.u32 $0x70, s14;
	v15 =	vld.idx.msk [tilespmem:v3+s21+$0x800 ss:$0x1], $0xffff  }
0x277: {  	s6 =	sor.u32 s15, s6;
	[tilespmem:s11+$0x10880] =	vst v12;
	v12 =	vld [tilespmem:s13+$0x4800]  }
0x278: {  	v52 =	vld.idx.msk [tilespmem:v3+s6+$0x1A00 ss:$0x1], $0xffff  }
0x279: {  	s23 =	simm.s32 $0x980;
	s4 =	simm.s32 $0x1300;
	s20 =	sadd.s32 s25, s7;
	v36 =	vld [tilespmem:s28+$0x4880]  }
0x27a: {  	s10 =	sand.u32 $0x70, s23;
	s8 =	sor.u32 s15, s20;
	v51 =	vmul.f32 v14, v7;
	s15 =	sand.u32 $0x1F00, s4;
	v38 =	vld [tilespmem:s28+$0x4900];
	v21 =	vadd.f32 v21, v22  }
0x27b: {  	v54 =	vmul.f32 v17, v11;
	s15 =	sor.u32 s10, s15;
	v24 =	vld.idx.msk [tilespmem:v3+s1+$0x800 ss:$0x1], $0xffff  }
0x27c: {  	v63 =	vld.idx.msk [tilespmem:v3+s15+$0x800 ss:$0x1], $0xffff;
	s0 =	simm.s32 $0x4060;
	v21 =	vadd.f32 v21, v51;
	v12 =	vadd.f32 v15, v12;
	v15 =	vmul.f32 v28, v6  }
0x27d: {  	v44 =	vld [tilespmem:s0+$0x0]  }
0x27e: {  	v29 =	vld.idx.msk [tilespmem:v3+s2+$0x1A00 ss:$0x1], $0xffff;
	v21 =	vadd.f32 v21, v54;
	v12 =	vadd.f32 v12, v15;
	v15 =	vmul.f32 v30, v9  }
0x27f: {  	v20 =	vld [tilespmem:s26+$0x4900]  }
0x280: {  	v22 =	vld [tilespmem:s8+$0x4800];
	[tilespmem:s26+$0x10880] =	vst v21;
	v24 =	vadd.f32 v24, v31;
	v31 =	vmul.f32 v16, v5;
	v12 =	vadd.f32 v12, v15  }
0x281: {  	s17 =	sand.u32 $0x3F0, s14;
	v60 =	vld.idx.msk [tilespmem:v3+s16+$0x800 ss:$0x1], $0xffff  }
0x282: {  	v15 =	vadd.f32 v24, v31;
	v31 =	vmul.f32 v19, v8;
	v24 =	vld [tilespmem:s17+$0x4300];
	[tilespmem:s13+$0x10800] =	vst v12  }
0x283: {  	v53 =	vmul.f32 v13, v7;
	v27 =	vadd.f32 v29, v27;
	v29 =	vld.idx.msk [tilespmem:v3+s21+$0x800 ss:$0x1], $0xffff  }
0x284: {  	s31 =	simm.s32 $0x12E0;
	s30 =	simm.s32 $0x970;
	v55 =	vmul.f32 v26, v6;
	v33 =	vadd.f32 v49, v50;
	v49 =	vld [tilespmem:s0+$0x10];
	v15 =	vadd.f32 v15, v31  }
0x285: {  	s31 =	sand.u32 $0x1F00, s31;
	s30 =	sand.u32 $0x70, s30;
	v57 =	vmul.f32 v32, v6;
	v59 =	vmul.f32 v28, v7;
	v23 =	vld [tilespmem:s9+$0x4900];
	v22 =	vadd.f32 v52, v22  }
0x286: {  	s31 =	sor.u32 s30, s31;
	v33 =	vadd.f32 v33, v55;
	v27 =	vadd.f32 v27, v53;
	v53 =	vld [tilespmem:s0+$0x310];
	[tilespmem:s11+$0x10900] =	vst v15;
	v15 =	vmul.f32 v25, v9  }
0x287: {  	v21 =	vadd.f32 v22, v57;
	v57 =	vadd.f32 v60, v20;
	v60 =	vld.idx.msk [tilespmem:v3+s31+$0x800 ss:$0x1], $0xffff;
	v31 =	vmul.f32 v18, v11  }
0x288: {  	v12 =	vld [tilespmem:s26+$0x4980];
	v22 =	vmul.f32 v24, v9;
	v15 =	vadd.f32 v33, v15;
	v29 =	vadd.f32 v29, v56  }
0x289: {  	s19 =	simm.s32 $0x400;
	v41 =	vmul.f32 v13, v5;
	v27 =	vadd.f32 v27, v31;
	v58 =	vld.idx.msk [tilespmem:v3+s1+$0x800 ss:$0x1], $0xffff  }
0x28a: {  	s7 =	sand.u32 $0x3C00, s19;
	s18 =	simm.s32 $0x80;
	v31 =	vld [tilespmem:s11+$0x4980];
	[tilespmem:s28+$0x10800] =	vst v15;
	v15 =	vadd.f32 v21, v22;
	v22 =	vmul.f32 v30, v11;
	v21 =	vadd.f32 v29, v59  }
0x28b: {  	v13 =	vmul.f32 v13, v4;
	v42 =	vmul.f32 v14, v5;
	s7 =	sadd.s32 s25, s7;
	s1 =	sand.u32 $0x70, s18;
	[tilespmem:s9+$0x10880] =	vst v27;
	v27 =	vld [tilespmem:s8+$0x4880]  }
0x28c: {  	v43 =	vmul.f32 v17, v8;
	s7 =	sor.u32 s1, s7;
	v61 =	vld.idx.msk [tilespmem:v3+s2+$0x1A00 ss:$0x1], $0xffff;
	[tilespmem:s8+$0x10800] =	vst v15;
	v15 =	vadd.f32 v21, v22  }
0x28d: {  	v45 =	vmul.f32 v18, v8;
	v62 =	vmul.f32 v16, v4;
	v48 =	vld [tilespmem:s7+$0x4800]  }
0x28e: {  	v47 =	vmul.f32 v32, v7;
	v39 =	vmul.f32 v32, v5;
	v22 =	vld [tilespmem:s13+$0x4900];
	[tilespmem:s13+$0x10880] =	vst v15  }
0x28f: {  	s12 =	simm.s32 $0x300;
	v37 =	vmul.f32 v26, v7;
	v50 =	vmul.f32 v28, v5;
	s17 =	simm.s32 $0x380;
	v21 =	vld.idx.msk [tilespmem:v3+s21+$0x800 ss:$0x1], $0xffff  }
0x290: {  	s23 =	simm.s32 $0x70;
	s10 =	sand.u32 $0x1C00, s12;
	v51 =	vmul.f32 v25, v11;
	v52 =	vmul.f32 v26, v5;
	s19 =	sand.u32 $0x3C00, s17;
	v40 =	vld.idx.msk [tilespmem:v3+s6+$0x1A00 ss:$0x1], $0xffff  }
0x291: {  	s4 =	sadd.s32 s25, s10;
	v16 =	vmul.f32 v32, v4;
	s19 =	sadd.s32 s25, s19;
	s18 =	simm.s32 $0x60;
	v56 =	vmul.f32 v19, v10;
	v19 =	vld [tilespmem:s0+$0x320];
	v31 =	vadd.f32 v58, v31  }
0x292: {  	s1 =	simm.s32 $0xC0;
	s17 =	sand.u32 $0x70, s18;
	v15 =	vmul.f32 v14, v4;
	v14 =	vmul.f32 v17, v10;
	v17 =	vld [tilespmem:s0+$0x20];
	s0 =	sand.u32 $0x70, s23  }
0x293: {  	v20 =	vmul.f32 v26, v4;
	v29 =	vld.idx.msk [tilespmem:v3+s29+$0x800 ss:$0x1], $0xffff;
	v31 =	vadd.f32 v31, v62;
	v26 =	vadd.f32 v61, v23;
	s30 =	sor.u32 s0, s19;
	s19 =	sand.u32 $0x700, s1;
	s1 =	sor.u32 s17, s4  }
0x294: {  	v18 =	vmul.f32 v18, v10;
	v46 =	vadd.f32 v63, v48;
	s19 =	sor.u32 s17, s19;
	v32 =	vld [tilespmem:s1+$0x4800];
	v22 =	vadd.f32 v21, v22  }
0x295: {  	v59 =	vmul.f32 v30, v8;
	v31 =	vadd.f32 v31, v56;
	v27 =	vadd.f32 v40, v27;
	v63 =	vld.idx.msk [tilespmem:v3+s19+$0x1A00 ss:$0x1], $0xffff  }
0x296: {  	v33 =	vld [tilespmem:s8+$0x4900];
	v30 =	vmul.f32 v30, v10;
	v26 =	vadd.f32 v26, v41;
	v58 =	vadd.f32 v22, v50  }
0x297: {  	v56 =	vmul.f32 v24, v11;
	v61 =	vld [tilespmem:s30+$0x4800];
	v27 =	vadd.f32 v27, v47;
	v62 =	vmul.f32 v17, v6  }
0x298: {  	v23 =	vmul.f32 v25, v10;
	v45 =	vadd.f32 v26, v45;
	v40 =	vld [tilespmem:s1+$0x4880];
	v34 =	vadd.f32 v58, v59  }
0x299: {  	v55 =	vmul.f32 v19, v9;
	[tilespmem:s11+$0x10980] =	vst v31;
	v47 =	vld [tilespmem:s30+$0x4880];
	v26 =	vadd.f32 v27, v56;
	v54 =	vadd.f32 v46, v62  }
0x29a: {  	v22 =	vmul.f32 v25, v8;
	v25 =	vadd.f32 v29, v36;
	v32 =	vadd.f32 v63, v32;
	v63 =	vld [tilespmem:s7+$0x4880];
	[tilespmem:s13+$0x10900] =	vst v34  }
0x29b: {  	v31 =	vmul.f32 v49, v6;
	v29 =	vadd.f32 v57, v42;
	v58 =	vadd.f32 v54, v55;
	v57 =	vld.idx.msk [tilespmem:v3+s21+$0x800 ss:$0x1], $0xffff;
	s21 =	sand.u32 $0x3F0, s18  }
0x29c: {  	[tilespmem:s9+$0x10900] =	vst v45;
	v27 =	vmul.f32 v44, v5;
	v35 =	vadd.f32 v60, v61;
	v37 =	vadd.f32 v25, v37;
	v50 =	vld [tilespmem:s21+$0x4300]  }
0x29d: {  	s3 =	sor.u32 s3, s5;
	v60 =	vmul.f32 v44, v6;
	v61 =	vmul.f32 v53, v9;
	v29 =	vadd.f32 v29, v43;
	v59 =	vld [tilespmem:s13+$0x4980];
	[tilespmem:s7+$0x10800] =	vst v58  }
0x29e: {  	s5 =	sor.u32 $0x380, s3;
	[tilespmem:s8+$0x10880] =	vst v26;
	v31 =	vadd.f32 v35, v31;
	v37 =	vadd.f32 v37, v51;
	v62 =	vld.idx.msk [tilespmem:v3+s15+$0x800 ss:$0x1], $0xffff  }
0x29f: {  	v45 =	vld [tilespmem:s5+$0x4600];
	v26 =	vmul.f32 v44, v4;
	v36 =	vmul.f32 v49, v7;
	[tilespmem:s26+$0x10900] =	vst v29  }
0x2a0: {  	v21 =	vld [tilespmem:s28+$0x4980];
	v35 =	vmul.f32 v53, v11;
	v25 =	vmul.f32 v24, v8;
	v29 =	vadd.f32 v31, v61;
	[tilespmem:s28+$0x10880] =	vst v37  }
0x2a1: {  	v31 =	vadd.f32 v32, v60;
	v32 =	vmul.f32 v44, v7;
	v55 =	vld.idx.msk [tilespmem:v3+s29+$0x800 ss:$0x1], $0xffff;
	v54 =	vmul.f32 v50, v9  }
0x2a2: {  	v44 =	vld.idx.msk [tilespmem:v3+s6+$0x1A00 ss:$0x1], $0xffff;
	[tilespmem:s30+$0x10800] =	vst v29;
	v56 =	vadd.f32 v57, v59;
	v57 =	vmul.f32 v28, v4  }
0x2a3: {  	v58 =	vld.idx.msk [tilespmem:v3+s31+$0x800 ss:$0x1], $0xffff;
	v34 =	vadd.f32 v62, v63;
	v59 =	vmul.f32 v17, v7;
	v31 =	vadd.f32 v31, v54  }
0x2a4: {  	v24 =	vmul.f32 v24, v10;
	v61 =	vmul.f32 v19, v11;
	v42 =	vld.idx.msk [tilespmem:v3+s16+$0x800 ss:$0x1], $0xffff;
	v41 =	vadd.f32 v56, v57  }
0x2a5: {  	v29 =	vld [tilespmem:s30+$0x4900];
	v37 =	vmul.f32 v53, v8;
	v28 =	vmul.f32 v49, v5;
	v60 =	vadd.f32 v34, v59;
	[tilespmem:s1+$0x10800] =	vst v31  }
0x2a6: {  	s23 =	sor.u32 s20, s14;
	v43 =	vmul.f32 v50, v8;
	v62 =	vadd.f32 v55, v38;
	v41 =	vadd.f32 v41, v30;
	v46 =	vld.idx.msk [tilespmem:v3+s19+$0x1A00 ss:$0x1], $0xffff  }
0x2a7: {  	s14 =	simm.s32 $0x90;
	s3 =	sor.u32 $0x380, s23;
	v34 =	vmul.f32 v49, v4;
	v54 =	vadd.f32 v44, v33;
	v44 =	vld.idx.msk [tilespmem:v3+s2+$0x1A00 ss:$0x1], $0xffff;
	v63 =	vadd.f32 v60, v61  }
0x2a8: {  	s0 =	sor.u32 s4, s18;
	s11 =	simm.s32 $0x120;
	s9 =	simm.s32 $0x6;
	v38 =	vmul.f32 v50, v11;
	v48 =	vadd.f32 v58, v47;
	v47 =	vadd.f32 v62, v52;
	v31 =	vld [tilespmem:s1+$0x4900];
	[tilespmem:s13+$0x10980] =	vst v41  }
0x2a9: {  	s16 =	simm.s32 $0x4090;
	s2 =	sor.u32 $0x380, s0;
	v33 =	vmul.f32 v50, v10;
	v30 =	vmul.f32 v53, v10;
	v39 =	vadd.f32 v54, v39;
	v41 =	vld [tilespmem:s30+$0x4980];
	[tilespmem:s7+$0x10880] =	vst v63;
	s13 =	simm.s32 $0x480  }
.LBB2_13:
0x2aa: {  	s0 =	sadd.s32 $0x20, s14;
	s10 =	sadd.s32 $0x100, s13;
	s12 =	sadd.s32 $0x920, s14;
	v36 =	vadd.f32 v48, v36;
	v48 =	vld.idx.msk [tilespmem:v3+s15+$0x800 ss:$0x1], $0xffff;
	v47 =	vadd.f32 v47, v22;
	v22 =	vmov v37  }
0x2ab: {  	s18 =	sadd.s32 $0x1240, s11;
	s9 =	sadd.s32 $0x3, s9;
	v37 =	vadd.f32 v46, v40;
	s10 =	sand.u32 $0x3C00, s10;
	v40 =	vld [tilespmem:s7+$0x4900];
	v39 =	vadd.f32 v39, v25;
	v25 =	vmov v43  }
0x2ac: {  	s12 =	sand.u32 $0x70, s12;
	s18 =	sand.u32 $0x1F00, s18;
	p1 =	slt.u32 s9, $0x2D;
	v43 =	vld [tilespmem:s16+$0x0];
	v35 =	vadd.f32 v36, v35;
	[tilespmem:s28+$0x10900] =	vst v47;
	v36 =	vadd.f32 v42, v12;
	v12 =	vmov v21  }
0x2ad: {  	s20 =	sand.u32 $0x70, s0;
	s10 =	sadd.s32 s25, s10;
	s0 =	sor.u32 s12, s18;
	v32 =	vadd.f32 v37, v32;
	v42 =	vld [tilespmem:s16+$0x20];
	[tilespmem:s8+$0x10900] =	vst v39;
	v37 =	vadd.f32 v44, v45  }
0x2ae: {  	s12 =	sadd.s32 $0x910, s14;
	s8 =	sadd.s32 $0x80, s13;
	s20 =	sor.u32 s20, s10;
	v39 =	vld.idx.msk [tilespmem:v3+s0+$0x800 ss:$0x1], $0xffff;
	[tilespmem:s30+$0x10880] =	vst v35;
	v35 =	vadd.f32 v36, v15;
	v15 =	vmovc v20;
	v20 =	vmov v34;
	v21 =	vmov v41  }
0x2af: {  	s18 =	sadd.s32 $0x1220, s11;
	s10 =	sand.u32 $0x1C00, s13;
	s8 =	sand.u32 $0x3C00, s8;
	v36 =	vadd.f32 v32, v38;
	v34 =	vld [tilespmem:s20+$0x4800];
	v37 =	vadd.f32 v37, v13;
	v13 =	vmovc v16;
	v16 =	vmov v26  }
0x2b0: {  	s21 =	sadd.s32 $0x10, s14;
	s12 =	sand.u32 $0x70, s12;
	s8 =	sadd.s32 s25, s8;
	v38 =	vld [tilespmem:s16+$0x10];
	v26 =	vadd.f32 v48, v40;
	v40 =	vmul.f32 v17, v5;
	v35 =	vadd.f32 v35, v14;
	v14 =	vmovc v23  }
0x2b1: {  	s23 =	sand.u32 $0x700, s11;
	s18 =	sand.u32 $0x1F00, s18;
	s10 =	sadd.s32 s25, s10;
	v41 =	vmul.f32 v43, v6;
	v32 =	vmul.f32 v43, v7;
	v44 =	vld [tilespmem:s16+$0x320];
	[tilespmem:s1+$0x10880] =	vst v36;
	v46 =	vadd.f32 v37, v18  }
0x2b2: {  	s4 =	sand.u32 $0x70, s14;
	s17 =	sand.u32 $0x70, s21;
	s21 =	sor.u32 s12, s18;
	v49 =	vmul.f32 v43, v5;
	v37 =	vmul.f32 v19, v8;
	v45 =	vld [tilespmem:s16+$0x310];
	v36 =	vadd.f32 v26, v40;
	[tilespmem:s26+$0x10980] =	vst v35  }
0x2b3: {  	s18 =	sor.u32 s4, s23;
	s12 =	sor.u32 s4, s10;
	s4 =	sor.u32 s17, s8;
	v23 =	vmovc v30;
	v18 =	vmov v24;
	v24 =	vmov v33;
	v26 =	vmul.f32 v43, v4;
	v40 =	vld.idx.msk [tilespmem:v3+s21+$0x800 ss:$0x1], $0xffff;
	[tilespmem:s5+$0x10600] =	vst v46  }
0x2b4: {  	s17 =	sand.u32 $0x3F0, s14;
	s8 =	smov.u32 s1;
	s5 =	sor.u32 s10, s14;
	v30 =	vld [tilespmem:s4+$0x4800];
	v33 =	vadd.f32 v39, v34;
	v34 =	vmul.f32 v42, v6;
	v35 =	vadd.f32 v36, v37  }
0x2b5: {  	s1 =	smov.u32 s12;
	s26 =	smov.u32 s28;
	s10 =	sor.u32 $0x380, s5;
	v39 =	vld [tilespmem:s12+$0x4800];
	v43 =	vmul.f32 v38, v6;
	v36 =	vmul.f32 v38, v7  }
0x2b6: {  	s28 =	smov.u32 s30;
	s30 =	smov.u32 s4;
	s5 =	smov.u32 s3;
	v46 =	vld.idx.msk [tilespmem:v3+s18+$0x1A00 ss:$0x1], $0xffff;
	v33 =	vadd.f32 v33, v34;
	v34 =	vmul.f32 v44, v9;
	[tilespmem:s7+$0x10900] =	vst v35  }
0x2b7: {  	s3 =	smov.u32 s2;
	s2 =	smov.u32 s10;
	v47 =	vmul.f32 v45, v9;
	v35 =	vmul.f32 v45, v11;
	v48 =	vld.idx.msk [tilespmem:v3+s15+$0x800 ss:$0x1], $0xffff;
	s15 =	smov.u32 s0  }
0x2b8: {  	v50 =	vmul.f32 v38, v5;
	v37 =	vmul.f32 v45, v8;
	v33 =	vadd.f32 v33, v34;
	v51 =	vld [tilespmem:s7+$0x4980]  }
0x2b9: {  	v34 =	vmul.f32 v38, v4;
	v52 =	vld [tilespmem:s17+$0x4300];
	v40 =	vadd.f32 v40, v30;
	v30 =	vmul.f32 v45, v10  }
0x2ba: {  	v45 =	vld [tilespmem:s30+$0x4880];
	[tilespmem:s20+$0x10800] =	vst v33  }
0x2bb: {  	v33 =	vadd.f32 v40, v43;
	v53 =	vld.idx.msk [tilespmem:v3+s15+$0x800 ss:$0x1], $0xffff  }
0x2bc: {  	v38 =	vadd.f32 v46, v39;
	v39 =	vld [tilespmem:s20+$0x4880]  }
0x2bd: {  	v46 =	vmul.f32 v17, v4;
	v17 =	vmovc v42;
	v40 =	vld [tilespmem:s1+$0x4880];
	v33 =	vadd.f32 v33, v47;
	v43 =	vadd.f32 v48, v51  }
0x2be: {  	v41 =	vadd.f32 v38, v41;
	v42 =	vmul.f32 v52, v9;
	v38 =	vmul.f32 v52, v11;
	v47 =	vld.idx.msk [tilespmem:v3+s31+$0x800 ss:$0x1], $0xffff  }
0x2bf: {  	v51 =	vmul.f32 v19, v10;
	v19 =	vmov v44;
	[tilespmem:s30+$0x10800] =	vst v33;
	v48 =	vld.idx.msk [tilespmem:v3+s19+$0x1A00 ss:$0x1], $0xffff;
	v46 =	vadd.f32 v43, v46  }
0x2c0: {  	v43 =	vmul.f32 v52, v8;
	v33 =	vmul.f32 v52, v10;
	v41 =	vadd.f32 v41, v42;
	v52 =	vld.idx.msk [tilespmem:v3+s21+$0x800 ss:$0x1], $0xffff  }
0x2c1: {  	v42 =	vmul.f32 v17, v7;
	v54 =	vld [tilespmem:s30+$0x4900];
	v39 =	vadd.f32 v53, v39;
	v44 =	vadd.f32 v46, v51  }
0x2c2: {  	[tilespmem:s1+$0x10800] =	vst v41;
	v51 =	vld [tilespmem:s1+$0x4900]  }
.Ltmp9:
0x2c3: {  	v41 =	vmul.f32 v19, v11;
	v46 =	vld.idx.msk [tilespmem:v3+s18+$0x1A00 ss:$0x1], $0xffff;
	v39 =	vadd.f32 v39, v42;
	[tilespmem:s7+$0x10980] =	vst v44;
	s7 =	smov.u32 s20;
	(pc) =	sbr.rel @p1 .LBB2_13-.Ltmp9, $4  }
0x2c4: {  	v53 =	vadd.f32 v47, v29;
	v42 =	vld.idx.msk [tilespmem:v3+s29+$0x800 ss:$0x1], $0xffff;
	s29 =	smov.u32 s31;
	s31 =	smov.u32 s21  }
0x2c5: {  	v55 =	vadd.f32 v48, v31;
	v39 =	vadd.f32 v39, v41;
	v44 =	vld.idx.msk [tilespmem:v3+s6+$0x1A00 ss:$0x1], $0xffff;
	s6 =	smov.u32 s19;
	s19 =	smov.u32 s18  }
0x2c6: {  	s11 =	sadd.s32 $0x60, s11;
	v48 =	vadd.f32 v52, v45;
	v47 =	vadd.f32 v53, v28;
	v28 =	vmovc v50;
	v45 =	vld [tilespmem:s5+$0x4600];
	v29 =	vmov v54  }
0x2c7: {  	s13 =	sadd.s32 $0x180, s13;
	s16 =	sadd.s32 $0x30, s16;
	s14 =	sadd.s32 $0x30, s14;
	v41 =	vld [tilespmem:s30+$0x4980];
	[tilespmem:s7+$0x10880] =	vst v39;
	v39 =	vadd.f32 v55, v27;
	v27 =	vmov v49;
	v31 =	vmov v51  }
0x2c8: {  	_ =	sdelay $0x3  }
0x2c9: {  	v6 =	vld.idx.msk [tilespmem:v3+s15+$0x800 ss:$0x1], $0xffff;
	v7 =	vadd.f32 v46, v40  }
0x2ca: {  	v9 =	vadd.f32 v48, v36;
	v11 =	vld [tilespmem:s7+$0x4900]  }
0x2cb: {  	v7 =	vadd.f32 v7, v32  }
0x2cc: {  	v9 =	vadd.f32 v9, v35  }
0x2cd: {  	v7 =	vadd.f32 v7, v38  }
0x2ce: {  	[tilespmem:s30+$0x10880] =	vst v9  }
0x2cf: {  	v5 =	vmul.f32 v17, v5;
	v6 =	vadd.f32 v6, v11;
	[tilespmem:s1+$0x10880] =	vst v7;
	v7 =	vld.idx.msk [tilespmem:v3+s31+$0x800 ss:$0x1], $0xffff  }
0x2d0: {  	v9 =	vld.idx.msk [tilespmem:v3+s19+$0x1A00 ss:$0x1], $0xffff  }
0x2d1: {  	v5 =	vadd.f32 v6, v5;
	v6 =	vmul.f32 v19, v8;
	_ =	sdelay $0x1  }
0x2d2: {  	v5 =	vadd.f32 v5, v6  }
0x2d3: {  	v8 =	vadd.f32 v39, v25;
	v6 =	vadd.f32 v7, v29  }
0x2d4: {  	v7 =	vadd.f32 v47, v22;
	[tilespmem:s7+$0x10900] =	vst v5;
	v5 =	vadd.f32 v9, v31  }
0x2d5: {  	[tilespmem:s8+$0x10900] =	vst v8;
	v9 =	vld.idx.msk [tilespmem:v3+s15+$0x800 ss:$0x1], $0xffff;
	v6 =	vadd.f32 v6, v28  }
0x2d6: {  	[tilespmem:s28+$0x10900] =	vst v7;
	v7 =	vld [tilespmem:s7+$0x4980];
	v5 =	vadd.f32 v5, v27  }
0x2d7: {  	v11 =	vld.idx.msk [tilespmem:v3+s6+$0x1A00 ss:$0x1], $0xffff;
	v6 =	vadd.f32 v6, v37  }
0x2d8: {  	v22 =	vld [tilespmem:s3+$0x4600];
	v5 =	vadd.f32 v5, v43  }
0x2d9: {  	v12 =	vadd.f32 v42, v12;
	v8 =	vld.idx.msk [tilespmem:v3+s29+$0x800 ss:$0x1], $0xffff;
	[tilespmem:s30+$0x10900] =	vst v6  }
0x2da: {  	v6 =	vadd.f32 v44, v45;
	[tilespmem:s1+$0x10900] =	vst v5;
	v5 =	vld.idx.msk [tilespmem:v3+s31+$0x800 ss:$0x1], $0xffff  }
0x2db: {  	v4 =	vmul.f32 v17, v4;
	v12 =	vadd.f32 v12, v15;
	v7 =	vadd.f32 v9, v7;
	v9 =	vld.idx.msk [tilespmem:v3+s19+$0x1A00 ss:$0x1], $0xffff  }
0x2dc: {  	v6 =	vadd.f32 v6, v13;
	v13 =	vld [tilespmem:s2+$0x4600]  }
0x2dd: {  	v12 =	vadd.f32 v12, v14;
	v4 =	vadd.f32 v7, v4;
	v7 =	vmul.f32 v19, v10  }
0x2de: {  	v8 =	vadd.f32 v8, v21;
	v6 =	vadd.f32 v6, v18  }
0x2df: {  	v4 =	vadd.f32 v4, v7;
	v7 =	vadd.f32 v11, v22  }
0x2e0: {  	v8 =	vadd.f32 v8, v20;
	v5 =	vadd.f32 v5, v41  }
0x2e1: {  	[tilespmem:s26+$0x10980] =	vst v12;
	v7 =	vadd.f32 v7, v16;
	v9 =	vadd.f32 v9, v13  }
0x2e2: {  	[tilespmem:s5+$0x10600] =	vst v6;
	v6 =	vadd.f32 v8, v23;
	v5 =	vadd.f32 v5, v34  }
0x2e3: {  	[tilespmem:s7+$0x10980] =	vst v4;
	v4 =	vadd.f32 v7, v24;
	v7 =	vadd.f32 v9, v26  }
0x2e4: {  	[tilespmem:s28+$0x10980] =	vst v6;
	v5 =	vadd.f32 v5, v30  }
0x2e5: {  	[tilespmem:s3+$0x10600] =	vst v4;
	v4 =	vadd.f32 v7, v33  }
0x2e6: {  	s4 =	simm.s32 $0x1840;
	s15 =	simm.s32 $0xC20;
	[tilespmem:s30+$0x10980] =	vst v5  }
0x2e7: {  	s0 =	simm.s32 $0x4000;
	s4 =	sand.u32 $0x3F00, s4;
	s1 =	sand.u32 $0x70, s15;
	[tilespmem:s2+$0x10600] =	vst v4  }
0x2e8: {  	s7 =	sor.u32 s1, s4;
	v20 =	vld [tilespmem:s0+$0x20]  }
0x2e9: {  	v12 =	vld.idx.msk [tilespmem:v3+s7+$0x800 ss:$0x1], $0xffff  }
0x2ea: {  	v19 =	vld [tilespmem:s0+$0x320]  }
0x2eb: {  	s25 =	sadd.s32 $0x3000, s24;
	s18 =	simm.s32 $0x0;
	s23 =	simm.s32 $0x0;
	v13 =	vld [tilespmem:s0+$0x0]  }
0x2ec: {  	s16 =	simm.s32 $0x20;
	s12 =	sand.u32 $0x70, s23;
	s9 =	sand.u32 $0x1C00, s18;
	v15 =	vld [tilespmem:s0+$0x10]  }
0x2ed: {  	s15 =	sadd.s32 s25, s9;
	s2 =	sand.u32 $0x70, s16;
	s16 =	sand.u32 $0x3F0, s23;
	v16 =	vld [tilespmem:s0+$0x310]  }
0x2ee: {  	s26 =	sor.u32 s12, s15;
	v17 =	vld [tilespmem:s16+$0x4300]  }
0x2ef: {  	s23 =	simm.s32 $0x4030;
	v26 =	vld [tilespmem:s26+$0x4680]  }
0x2f0: {  	v28 =	vld [tilespmem:s23+$0x20]  }
0x2f1: {  	s21 =	rddreg [dreg:$0x16];
	v32 =	vld [tilespmem:s23+$0x0]  }
0x2f2: {  	s17 =	simm.s32 $0x100;
	v7 =	vld [tilespmem:s21+$0x3C00]  }
0x2f3: {  	s3 =	sand.u32 $0x3C00, s17;
	v8 =	vld [tilespmem:s21+$0x3C20]  }
0x2f4: {  	s3 =	sadd.s32 s25, s3;
	v6 =	vld [tilespmem:s21+$0x3C40]  }
0x2f5: {  	s5 =	sor.u32 s2, s3;
	v4 =	vld [tilespmem:s21+$0x3C60]  }
0x2f6: {  	v14 =	vld [tilespmem:s5+$0x4600]  }
0x2f7: {  	s10 =	simm.s32 $0x10;
	v10 =	vld [tilespmem:s21+$0x3C10]  }
0x2f8: {  	s20 =	simm.s32 $0xC10;
	s10 =	sand.u32 $0x70, s10;
	v11 =	vld [tilespmem:s21+$0x3C30]  }
0x2f9: {  	s13 =	sand.u32 $0x70, s20;
	s8 =	simm.s32 $0x1820;
	s19 =	simm.s32 $0x80;
	v9 =	vld [tilespmem:s21+$0x3C50]  }
0x2fa: {  	s14 =	sand.u32 $0x3F00, s8;
	s1 =	sand.u32 $0x700, s18;
	s2 =	sand.u32 $0x3C00, s19;
	v5 =	vld [tilespmem:s21+$0x3C70]  }
0x2fb: {  	s11 =	sadd.s32 s25, s2;
	s2 =	sor.u32 s12, s1;
	s1 =	sor.u32 s13, s14;
	v23 =	vld [tilespmem:s5+$0x4680];
	v12 =	vadd.f32 v12, v14;
	v14 =	vmul.f32 v20, v7  }
0x2fc: {  	s3 =	sor.u32 s10, s11;
	v22 =	vld.idx.msk [tilespmem:v3+s1+$0x800 ss:$0x1], $0xffff  }
0x2fd: {  	s20 =	simm.s32 $0x18A0;
	v21 =	vld [tilespmem:s3+$0x4600];
	v12 =	vadd.f32 v12, v14;
	v14 =	vmul.f32 v19, v10  }
0x2fe: {  	s8 =	sand.u32 $0x3F00, s20;
	s15 =	simm.s32 $0x200;
	v18 =	vld.idx.msk [tilespmem:v3+s2+$0x2000 ss:$0x1], $0xffff  }
0x2ff: {  	s18 =	simm.s32 $0x50;
	s17 =	simm.s32 $0xC50;
	s19 =	simm.s32 $0x280;
	v12 =	vadd.f32 v12, v14;
	v14 =	vld [tilespmem:s26+$0x4600]  }
0x300: {  	s4 =	sand.u32 $0x70, s18;
	s0 =	sand.u32 $0x70, s17;
	s6 =	sand.u32 $0x3C00, s19;
	v63 =	vld [tilespmem:s5+$0x4780]  }
0x301: {  	s18 =	simm.s32 $0x40;
	s13 =	sor.u32 s0, s8;
	s6 =	sadd.s32 s25, s6;
	v27 =	vld [tilespmem:s3+$0x4700];
	[tilespmem:s5+$0x10600] =	vst v12  }
0x302: {  	s12 =	simm.s32 $0x30;
	s11 =	simm.s32 $0x60;
	s9 =	sor.u32 s4, s6;
	v24 =	vmul.f32 v15, v7;
	v21 =	vadd.f32 v22, v21;
	v12 =	vld.idx.msk [tilespmem:v3+s7+$0x800 ss:$0x1], $0xffff  }
0x303: {  	s14 =	sand.u32 $0x70, s12;
	s6 =	sand.u32 $0x3C00, s15;
	s0 =	sand.u32 $0x700, s11;
	v31 =	vld [tilespmem:s9+$0x4600]  }
0x304: {  	s15 =	sand.u32 $0x70, s18;
	s19 =	sadd.s32 s25, s6;
	s6 =	sor.u32 s14, s0;
	v61 =	vld [tilespmem:s9+$0x4680];
	v21 =	vadd.f32 v21, v24;
	v14 =	vadd.f32 v18, v14;
	v18 =	vmul.f32 v16, v10  }
0x305: {  	s29 =	sor.u32 s15, s19;
	v57 =	vld.idx.msk [tilespmem:v3+s6+$0x2000 ss:$0x1], $0xffff  }
0x306: {  	v52 =	vld [tilespmem:s29+$0x4680];
	v18 =	vadd.f32 v21, v18  }
0x307: {  	v34 =	vld [tilespmem:s29+$0x4700];
	v21 =	vmul.f32 v20, v8;
	v12 =	vadd.f32 v12, v23  }
0x308: {  	v24 =	vld [tilespmem:s3+$0x4680];
	[tilespmem:s3+$0x10600] =	vst v18  }
0x309: {  	s15 =	simm.s32 $0x4060;
	v22 =	vmul.f32 v13, v7;
	v18 =	vmul.f32 v19, v11;
	v12 =	vadd.f32 v12, v21;
	v23 =	vld.idx.msk [tilespmem:v3+s1+$0x800 ss:$0x1], $0xffff  }
0x30a: {  	v33 =	vld [tilespmem:s15+$0x0]  }
0x30b: {  	v25 =	vmul.f32 v17, v10;
	v40 =	vld [tilespmem:s15+$0x10];
	v14 =	vadd.f32 v14, v22;
	v18 =	vadd.f32 v12, v18  }
0x30c: {  	s4 =	simm.s32 $0x180;
	v51 =	vld [tilespmem:s15+$0x310]  }
0x30d: {  	s4 =	sand.u32 $0x1C00, s4;
	v14 =	vadd.f32 v14, v25;
	v25 =	vld [tilespmem:s5+$0x4700];
	[tilespmem:s5+$0x10680] =	vst v18  }
0x30e: {  	s4 =	sadd.s32 s25, s4;
	v29 =	vmul.f32 v15, v8;
	v18 =	vld.idx.msk [tilespmem:v3+s7+$0x800 ss:$0x1], $0xffff;
	v23 =	vadd.f32 v23, v24  }
0x30f: {  	s28 =	sor.u32 s14, s4;
	v24 =	vld.idx.msk [tilespmem:v3+s13+$0x800 ss:$0x1], $0xffff  }
0x310: {  	v30 =	vmul.f32 v16, v11;
	v37 =	vld [tilespmem:s28+$0x4680];
	[tilespmem:s26+$0x10600] =	vst v14;
	v23 =	vadd.f32 v23, v29  }
0x311: {  	v14 =	vld.idx.msk [tilespmem:v3+s2+$0x2000 ss:$0x1], $0xffff  }
0x312: {  	v29 =	vld [tilespmem:s23+$0x320];
	v23 =	vadd.f32 v23, v30  }
0x313: {  	s16 =	simm.s32 $0xC40;
	s17 =	simm.s32 $0x1880;
	v30 =	vmul.f32 v20, v6;
	v18 =	vadd.f32 v18, v25;
	v25 =	vld [tilespmem:s23+$0x10]  }
0x314: {  	s20 =	sand.u32 $0x70, s16;
	v53 =	vmul.f32 v16, v9;
	v43 =	vmul.f32 v16, v5;
	v24 =	vadd.f32 v24, v31;
	[tilespmem:s3+$0x10680] =	vst v23;
	v23 =	vld [tilespmem:s23+$0x310];
	s23 =	sand.u32 $0x3F00, s17  }
0x315: {  	v16 =	vld [tilespmem:s15+$0x20];
	v31 =	vmul.f32 v28, v7;
	v18 =	vadd.f32 v18, v30;
	v30 =	vmul.f32 v19, v9;
	s11 =	sor.u32 s20, s23  }
0x316: {  	v58 =	vld.idx.msk [tilespmem:v3+s11+$0x800 ss:$0x1], $0xffff  }
0x317: {  	v24 =	vadd.f32 v24, v31;
	v31 =	vmul.f32 v29, v10;
	v18 =	vadd.f32 v18, v30;
	v30 =	vld [tilespmem:s29+$0x4600]  }
0x318: {  	v56 =	vld.idx.msk [tilespmem:v3+s1+$0x800 ss:$0x1], $0xffff  }
0x319: {  	v22 =	vld [tilespmem:s26+$0x4700];
	v14 =	vadd.f32 v14, v26;
	[tilespmem:s5+$0x10700] =	vst v18;
	v18 =	vadd.f32 v24, v31;
	v31 =	vmul.f32 v13, v8  }
0x31a: {  	v21 =	vld [tilespmem:s3+$0x4780]  }
0x31b: {  	v26 =	vld [tilespmem:s28+$0x4600];
	[tilespmem:s9+$0x10600] =	vst v18;
	v18 =	vmul.f32 v17, v11;
	v14 =	vadd.f32 v14, v31  }
0x31c: {  	s8 =	sand.u32 $0x3F0, s12;
	v60 =	vmul.f32 v25, v7;
	v31 =	vld.idx.msk [tilespmem:v3+s13+$0x800 ss:$0x1], $0xffff;
	v30 =	vadd.f32 v58, v30  }
0x31d: {  	v59 =	vmul.f32 v15, v6;
	v24 =	vld [tilespmem:s8+$0x4300];
	v14 =	vadd.f32 v14, v18;
	v18 =	vadd.f32 v56, v27  }
0x31e: {  	v62 =	vmul.f32 v32, v7;
	v12 =	vld [tilespmem:s26+$0x4780];
	v27 =	vmul.f32 v23, v10;
	v30 =	vadd.f32 v30, v60  }
0x31f: {  	s16 =	simm.s32 $0x1900;
	s10 =	simm.s32 $0xC80;
	v54 =	vmul.f32 v28, v8;
	v49 =	vmul.f32 v19, v5;
	v19 =	vld [tilespmem:s15+$0x320];
	[tilespmem:s26+$0x10680] =	vst v14;
	v14 =	vadd.f32 v18, v59  }
0x320: {  	s0 =	sand.u32 $0x70, s10;
	v42 =	vmul.f32 v15, v4;
	v26 =	vadd.f32 v57, v26;
	v36 =	vld.idx.msk [tilespmem:v3+s7+$0x800 ss:$0x1], $0xffff;
	s7 =	sand.u32 $0x3F00, s16;
	v27 =	vadd.f32 v30, v27  }
0x321: {  	v45 =	vmul.f32 v17, v9;
	s8 =	sor.u32 s0, s7;
	v56 =	vld [tilespmem:s9+$0x4700];
	v14 =	vadd.f32 v14, v53;
	v31 =	vadd.f32 v31, v61  }
0x322: {  	v26 =	vadd.f32 v26, v62;
	v18 =	vmul.f32 v24, v10;
	v59 =	vld.idx.msk [tilespmem:v3+s8+$0x800 ss:$0x1], $0xffff;
	[tilespmem:s29+$0x10600] =	vst v27  }
0x323: {  	v38 =	vld.idx.msk [tilespmem:v3+s2+$0x2000 ss:$0x1], $0xffff;
	v27 =	vmul.f32 v29, v11;
	[tilespmem:s3+$0x10700] =	vst v14;
	v14 =	vadd.f32 v31, v54  }
0x324: {  	v15 =	vmul.f32 v17, v5;
	v47 =	vmul.f32 v32, v8;
	v18 =	vadd.f32 v26, v18;
	v26 =	vld.idx.msk [tilespmem:v3+s11+$0x800 ss:$0x1], $0xffff  }
0x325: {  	s14 =	simm.s32 $0x400;
	v35 =	vmul.f32 v32, v6;
	v20 =	vmul.f32 v20, v4;
	v30 =	vld [tilespmem:s28+$0x4700];
	v27 =	vadd.f32 v14, v27  }
0x326: {  	s12 =	simm.s32 $0x80;
	s4 =	sand.u32 $0x3C00, s14;
	v62 =	vmul.f32 v28, v6;
	v60 =	vadd.f32 v36, v63;
	[tilespmem:s28+$0x10600] =	vst v18;
	v31 =	vld.idx.msk [tilespmem:v3+s1+$0x800 ss:$0x1], $0xffff  }
0x327: {  	s4 =	sadd.s32 s25, s4;
	v28 =	vmul.f32 v28, v4;
	v57 =	vmul.f32 v25, v8;
	v39 =	vld.idx.msk [tilespmem:v3+s6+$0x2000 ss:$0x1], $0xffff;
	s1 =	sand.u32 $0x70, s12;
	[tilespmem:s9+$0x10680] =	vst v27  }
0x328: {  	s18 =	simm.s32 $0x380;
	s10 =	simm.s32 $0x60;
	v48 =	vmul.f32 v25, v6;
	v17 =	vmul.f32 v32, v4;
	v32 =	vadd.f32 v60, v20;
	s7 =	sor.u32 s1, s4;
	v55 =	vld.idx.msk [tilespmem:v3+s13+$0x800 ss:$0x1], $0xffff  }
0x329: {  	s19 =	simm.s32 $0xC70;
	s17 =	simm.s32 $0xC0;
	s20 =	simm.s32 $0x18E0;
	v50 =	vmul.f32 v23, v9;
	v58 =	vmul.f32 v23, v11;
	v61 =	vld [tilespmem:s7+$0x4600];
	v26 =	vadd.f32 v26, v52  }
0x32a: {  	s23 =	sand.u32 $0x70, s10;
	s16 =	simm.s32 $0x70;
	s0 =	sand.u32 $0x700, s17;
	v63 =	vmul.f32 v29, v9;
	v20 =	vmul.f32 v25, v4;
	v60 =	vld [tilespmem:s9+$0x4780];
	v25 =	vadd.f32 v32, v49  }
0x32b: {  	s16 =	sand.u32 $0x70, s16;
	v18 =	vld [tilespmem:s28+$0x4780];
	v54 =	vmul.f32 v16, v7;
	v32 =	vmul.f32 v51, v11;
	s1 =	sand.u32 $0x3C00, s18;
	s4 =	sand.u32 $0x70, s19;
	v26 =	vadd.f32 v26, v57  }
0x32c: {  	v14 =	vld [tilespmem:s29+$0x4780];
	s19 =	simm.s32 $0x300;
	[tilespmem:s5+$0x10780] =	vst v25;
	v25 =	vmul.f32 v40, v6;
	s17 =	sadd.s32 s25, s1;
	s1 =	sor.u32 s23, s0;
	v52 =	vadd.f32 v38, v22;
	v21 =	vadd.f32 v31, v21  }
0x32d: {  	s18 =	sand.u32 $0x3F00, s20;
	s20 =	sand.u32 $0x1C00, s19;
	v27 =	vmul.f32 v13, v6;
	s30 =	sor.u32 s16, s17;
	v44 =	vld.idx.msk [tilespmem:v3+s1+$0x2000 ss:$0x1], $0xffff;
	v26 =	vadd.f32 v26, v58;
	v41 =	vadd.f32 v55, v56  }
0x32e: {  	s31 =	sor.u32 s4, s18;
	s0 =	sadd.s32 s25, s20;
	v22 =	vmul.f32 v23, v5;
	v31 =	vadd.f32 v39, v37;
	v36 =	vadd.f32 v59, v61;
	v55 =	vld [tilespmem:s30+$0x4600]  }
0x32f: {  	s19 =	sor.u32 s23, s0;
	s23 =	sand.u32 $0x3F0, s10;
	v27 =	vadd.f32 v52, v27;
	v56 =	vld.idx.msk [tilespmem:v3+s31+$0x800 ss:$0x1], $0xffff;
	[tilespmem:s29+$0x10680] =	vst v26;
	v26 =	vadd.f32 v41, v62  }
0x330: {  	v49 =	vld [tilespmem:s23+$0x4300];
	v57 =	vmul.f32 v19, v10;
	v31 =	vadd.f32 v31, v47;
	v36 =	vadd.f32 v36, v54  }
0x331: {  	v23 =	vmul.f32 v24, v9;
	v58 =	vadd.f32 v21, v42;
	v53 =	vld.idx.msk [tilespmem:v3+s11+$0x800 ss:$0x1], $0xffff;
	v26 =	vadd.f32 v26, v63  }
0x332: {  	v61 =	vld [tilespmem:s19+$0x4600];
	v21 =	vmul.f32 v24, v5;
	v45 =	vadd.f32 v27, v45;
	v36 =	vadd.f32 v36, v57  }
0x333: {  	v52 =	vld [tilespmem:s7+$0x4680];
	v27 =	vmul.f32 v33, v8;
	v43 =	vadd.f32 v58, v43;
	[tilespmem:s9+$0x10700] =	vst v26;
	v26 =	vmul.f32 v24, v11  }
0x334: {  	[tilespmem:s7+$0x10600] =	vst v36;
	v63 =	vmul.f32 v40, v7;
	v37 =	vadd.f32 v56, v55;
	v59 =	vld.idx.msk [tilespmem:v3+s13+$0x800 ss:$0x1], $0xffff  }
0x335: {  	v62 =	vmul.f32 v33, v7;
	v57 =	vmul.f32 v49, v10;
	v36 =	vld.idx.msk [tilespmem:v3+s8+$0x800 ss:$0x1], $0xffff;
	v31 =	vadd.f32 v31, v26  }
0x336: {  	v39 =	vld [tilespmem:s30+$0x4680];
	[tilespmem:s26+$0x10700] =	vst v45;
	v34 =	vadd.f32 v53, v34;
	v53 =	vmul.f32 v51, v10;
	v37 =	vadd.f32 v37, v63  }
0x337: {  	v42 =	vld.idx.msk [tilespmem:v3+s2+$0x2000 ss:$0x1], $0xffff;
	v24 =	vmul.f32 v33, v6;
	[tilespmem:s28+$0x10680] =	vst v31;
	v31 =	vadd.f32 v44, v61  }
0x338: {  	v38 =	vld [tilespmem:s19+$0x4680];
	[tilespmem:s3+$0x10780] =	vst v43;
	v26 =	vmul.f32 v33, v4;
	v34 =	vadd.f32 v34, v48;
	v37 =	vadd.f32 v37, v53  }
0x339: {  	v33 =	vmul.f32 v40, v8;
	v56 =	vld.idx.msk [tilespmem:v3+s6+$0x2000 ss:$0x1], $0xffff;
	v41 =	vadd.f32 v59, v60;
	v58 =	vadd.f32 v31, v62  }
0x33a: {  	v36 =	vadd.f32 v36, v52;
	v34 =	vadd.f32 v34, v50;
	[tilespmem:s30+$0x10600] =	vst v37;
	v31 =	vld [tilespmem:s30+$0x4700];
	v59 =	vmul.f32 v16, v8  }
0x33b: {  	v60 =	vmul.f32 v29, v5;
	v45 =	vld.idx.msk [tilespmem:v3+s31+$0x800 ss:$0x1], $0xffff;
	v41 =	vadd.f32 v41, v28;
	v47 =	vadd.f32 v58, v57  }
0x33c: {  	v61 =	vmul.f32 v19, v11;
	[tilespmem:s29+$0x10700] =	vst v34;
	v34 =	vmul.f32 v40, v4;
	v40 =	vld [tilespmem:s19+$0x4780];
	v36 =	vadd.f32 v36, v59  }
0x33d: {  	v13 =	vmul.f32 v13, v4;
	v43 =	vld.idx.msk [tilespmem:v3+s11+$0x800 ss:$0x1], $0xffff;
	v41 =	vadd.f32 v41, v60;
	[tilespmem:s19+$0x10600] =	vst v47  }
0x33e: {  	v44 =	vmul.f32 v49, v9;
	v62 =	vadd.f32 v36, v61;
	v63 =	vadd.f32 v56, v30;
	v46 =	vld.idx.msk [tilespmem:v3+s1+$0x2000 ss:$0x1], $0xffff  }
0x33f: {  	s5 =	simm.s32 $0x480;
	v37 =	vmul.f32 v49, v11;
	v29 =	vmul.f32 v51, v9;
	[tilespmem:s9+$0x10780] =	vst v41;
	v41 =	vld [tilespmem:s30+$0x4780]  }
0x340: {  	s2 =	simm.s32 $0x6;
	s3 =	simm.s32 $0x120;
	v28 =	vld [tilespmem:s19+$0x4700];
	v30 =	vmul.f32 v51, v5;
	v36 =	vmul.f32 v49, v5;
	[tilespmem:s7+$0x10680] =	vst v62;
	s9 =	simm.s32 $0xCB0;
	v35 =	vadd.f32 v63, v35  }
.LBB2_15:
0x341: {  	s0 =	sadd.s32 $0xFFFFF400, s9;
	s4 =	sand.u32 $0x70, s9;
	v47 =	vld.idx.msk [tilespmem:v3+s8+$0x800 ss:$0x1], $0xffff;
	s15 =	sadd.s32 $0x30, s15;
	v42 =	vadd.f32 v42, v12;
	v12 =	vmov v18  }
0x342: {  	s10 =	sadd.s32 $0x100, s5;
	s11 =	sadd.s32 $0x1840, s3;
	s2 =	sadd.s32 $0x3, s2;
	v18 =	vadd.f32 v45, v39;
	v39 =	vld [tilespmem:s7+$0x4700];
	v35 =	vadd.f32 v35, v23;
	v23 =	vmov v44  }
0x343: {  	s10 =	sand.u32 $0x3C00, s10;
	s11 =	sand.u32 $0x3F00, s11;
	p1 =	slt.u32 s2, $0x2D;
	v43 =	vadd.f32 v43, v14;
	v44 =	vld [tilespmem:s15+$0x0];
	v42 =	vadd.f32 v42, v13;
	v13 =	vmovc v17;
	v17 =	vmov v26  }
0x344: {  	s0 =	sand.u32 $0x70, s0;
	s10 =	sadd.s32 s25, s10;
	s14 =	sor.u32 s4, s11;
	v26 =	vadd.f32 v46, v38;
	v46 =	vadd.f32 v18, v33;
	v45 =	vld [tilespmem:s15+$0x20];
	[tilespmem:s28+$0x10700] =	vst v35;
	v14 =	vmov v41  }
0x345: {  	s12 =	sadd.s32 $0xFFFFFFF0, s9;
	s4 =	sadd.s32 $0x80, s5;
	s11 =	sor.u32 s0, s10;
	v35 =	vadd.f32 v43, v20;
	v20 =	vmovc v34;
	v33 =	vld.idx.msk [tilespmem:v3+s14+$0x800 ss:$0x1], $0xffff;
	v38 =	vadd.f32 v42, v15;
	v15 =	vmov v21  }
0x346: {  	s10 =	sadd.s32 $0xFFFFF3E0, s9;
	s0 =	sand.u32 $0x3C00, s4;
	s4 =	sadd.s32 $0x1820, s3;
	v26 =	vadd.f32 v26, v27;
	v32 =	vadd.f32 v46, v32;
	v21 =	vmovc v36;
	v18 =	vmov v40;
	v34 =	vld [tilespmem:s11+$0x4600]  }
0x347: {  	s13 =	sand.u32 $0x1C00, s5;
	s17 =	sadd.s32 $0xFFFFF3F0, s9;
	s16 =	sand.u32 $0x70, s10;
	v40 =	vmul.f32 v16, v6;
	v42 =	vadd.f32 v35, v22;
	v36 =	vld [tilespmem:s15+$0x10];
	v39 =	vadd.f32 v47, v39;
	[tilespmem:s26+$0x10780] =	vst v38  }
0x348: {  	s12 =	sand.u32 $0x70, s12;
	s18 =	sadd.s32 s25, s0;
	s4 =	sand.u32 $0x3F00, s4;
	v37 =	vadd.f32 v26, v37;
	v35 =	vmul.f32 v44, v7;
	v27 =	vmul.f32 v44, v8;
	v41 =	vld [tilespmem:s15+$0x320];
	[tilespmem:s30+$0x10680] =	vst v32  }
0x349: {  	s20 =	sadd.s32 s25, s13;
	s13 =	sand.u32 $0x70, s17;
	s0 =	sand.u32 $0x700, s3;
	v47 =	vmul.f32 v44, v6;
	v38 =	vld [tilespmem:s15+$0x310];
	v32 =	vadd.f32 v39, v40;
	v39 =	vmul.f32 v19, v9;
	[tilespmem:s29+$0x10780] =	vst v42  }
0x34a: {  	s0 =	sor.u32 s16, s0;
	s17 =	sor.u32 s13, s18;
	s13 =	sor.u32 s12, s4;
	v22 =	vmov v30;
	v26 =	vmul.f32 v44, v4;
	[tilespmem:s19+$0x10680] =	vst v37;
	v37 =	vld.idx.msk [tilespmem:v3+s31+$0x800 ss:$0x1], $0xffff  }
0x34b: {  	s4 =	sand.u32 $0x3F0, s10;
	s10 =	sor.u32 s16, s20;
	s29 =	smov.u32 s30;
	v40 =	vld.idx.msk [tilespmem:v3+s0+$0x2000 ss:$0x1], $0xffff;
	v30 =	vadd.f32 v33, v34;
	v34 =	vmul.f32 v45, v7;
	v32 =	vadd.f32 v32, v39  }
0x34c: {  	s26 =	smov.u32 s28;
	s28 =	smov.u32 s19;
	s30 =	smov.u32 s17;
	v39 =	vld [tilespmem:s17+$0x4600];
	v42 =	vmul.f32 v36, v7;
	v33 =	vmul.f32 v36, v8  }
0x34d: {  	s19 =	smov.u32 s10;
	v43 =	vld.idx.msk [tilespmem:v3+s13+$0x800 ss:$0x1], $0xffff;
	v30 =	vadd.f32 v30, v34;
	v34 =	vmul.f32 v41, v10;
	[tilespmem:s7+$0x10700] =	vst v32  }
0x34e: {  	v44 =	vmul.f32 v38, v10;
	v32 =	vmul.f32 v38, v11;
	v46 =	vld.idx.msk [tilespmem:v3+s8+$0x800 ss:$0x1], $0xffff;
	s8 =	smov.u32 s14  }
0x34f: {  	v48 =	vmul.f32 v36, v6;
	v49 =	vmul.f32 v38, v9;
	v50 =	vadd.f32 v30, v34;
	v51 =	vld [tilespmem:s7+$0x4780]  }
0x350: {  	v34 =	vmul.f32 v36, v4;
	v30 =	vmul.f32 v38, v5;
	v31 =	vadd.f32 v37, v31;
	v52 =	vld [tilespmem:s19+$0x4600]  }
0x351: {  	v36 =	vld [tilespmem:s4+$0x4300];
	[tilespmem:s11+$0x10600] =	vst v50  }
0x352: {  	v31 =	vadd.f32 v31, v25;
	v25 =	vmov v48;
	v50 =	vld.idx.msk [tilespmem:v3+s8+$0x800 ss:$0x1], $0xffff  }
0x353: {  	v37 =	vadd.f32 v43, v39;
	v43 =	vld [tilespmem:s11+$0x4680]  }
0x354: {  	v48 =	vadd.f32 v31, v29;
	v39 =	vld [tilespmem:s30+$0x4680];
	v31 =	vadd.f32 v46, v51;
	v46 =	vmul.f32 v16, v4;
	v16 =	vmovc v45  }
0x355: {  	v29 =	vmov v49;
	v42 =	vadd.f32 v37, v42;
	v40 =	vadd.f32 v40, v52;
	v38 =	vld [tilespmem:s19+$0x4680]  }
0x356: {  	v51 =	vmul.f32 v19, v5;
	v45 =	vmul.f32 v36, v10;
	v49 =	vld.idx.msk [tilespmem:v3+s1+$0x2000 ss:$0x1], $0xffff;
	v46 =	vadd.f32 v31, v46  }
0x357: {  	v37 =	vmul.f32 v36, v11;
	v35 =	vadd.f32 v40, v35;
	v40 =	vadd.f32 v42, v44;
	v31 =	vld [tilespmem:s30+$0x4700];
	[tilespmem:s29+$0x10700] =	vst v48  }
0x358: {  	v19 =	vmovc v41;
	v48 =	vld [tilespmem:s19+$0x4700];
	v43 =	vadd.f32 v50, v43;
	v50 =	vmul.f32 v16, v8;
	v46 =	vadd.f32 v46, v51  }
0x359: {  	v44 =	vmul.f32 v36, v9;
	v35 =	vadd.f32 v35, v45;
	[tilespmem:s30+$0x10600] =	vst v40;
	v42 =	vld.idx.msk [tilespmem:v3+s6+$0x2000 ss:$0x1], $0xffff;
	s6 =	smov.u32 s1;
	s1 =	smov.u32 s0  }
.Ltmp10:
0x35a: {  	v41 =	vmul.f32 v19, v11;
	v45 =	vld.idx.msk [tilespmem:v3+s13+$0x800 ss:$0x1], $0xffff;
	v40 =	vadd.f32 v43, v50;
	[tilespmem:s7+$0x10780] =	vst v46;
	s7 =	smov.u32 s11;
	(pc) =	sbr.rel @p1 .LBB2_15-.Ltmp10, $4  }
0x35b: {  	v36 =	vmul.f32 v36, v5;
	[tilespmem:s19+$0x10600] =	vst v35;
	v43 =	vld.idx.msk [tilespmem:v3+s31+$0x800 ss:$0x1], $0xffff;
	s31 =	smov.u32 s13  }
0x35c: {  	v49 =	vadd.f32 v49, v28;
	v46 =	vld.idx.msk [tilespmem:v3+s1+$0x2000 ss:$0x1], $0xffff;
	v35 =	vadd.f32 v40, v41  }
0x35d: {  	v41 =	vld [tilespmem:s30+$0x4780];
	v28 =	vmov v48  }
0x35e: {  	s5 =	sadd.s32 $0x180, s5;
	s9 =	sadd.s32 $0x30, s9;
	s3 =	sadd.s32 $0x60, s3;
	v40 =	vld [tilespmem:s19+$0x4780];
	[tilespmem:s7+$0x10680] =	vst v35;
	v35 =	vadd.f32 v49, v24;
	v24 =	vmov v47  }
0x35f: {  	_ = 	snop  }
0x360: {  	v7 =	vadd.f32 v45, v39  }
0x361: {  	v8 =	vadd.f32 v46, v38  }
0x362: {  	v7 =	vadd.f32 v7, v33  }
0x363: {  	v10 =	vld.idx.msk [tilespmem:v3+s8+$0x800 ss:$0x1], $0xffff;
	v8 =	vadd.f32 v8, v27  }
0x364: {  	v11 =	vld [tilespmem:s7+$0x4700];
	v7 =	vadd.f32 v7, v32  }
0x365: {  	v8 =	vadd.f32 v8, v37  }
0x366: {  	[tilespmem:s30+$0x10680] =	vst v7  }
0x367: {  	v7 =	vld.idx.msk [tilespmem:v3+s31+$0x800 ss:$0x1], $0xffff;
	[tilespmem:s19+$0x10680] =	vst v8  }
0x368: {  	v8 =	vld.idx.msk [tilespmem:v3+s1+$0x2000 ss:$0x1], $0xffff  }
0x369: {  	v6 =	vmul.f32 v16, v6;
	v10 =	vadd.f32 v10, v11;
	_ =	sdelay $0x1  }
0x36a: {  	v9 =	vmul.f32 v19, v9;
	v6 =	vadd.f32 v10, v6  }
0x36b: {  	v7 =	vadd.f32 v7, v31  }
0x36c: {  	v6 =	vadd.f32 v6, v9;
	v8 =	vadd.f32 v8, v28  }
0x36d: {  	v9 =	vadd.f32 v35, v23;
	v7 =	vadd.f32 v7, v25  }
0x36e: {  	[tilespmem:s7+$0x10700] =	vst v6;
	v6 =	vadd.f32 v8, v24  }
0x36f: {  	[tilespmem:s28+$0x10700] =	vst v9;
	v9 =	vld [tilespmem:s7+$0x4780];
	v7 =	vadd.f32 v7, v29  }
0x370: {  	v8 =	vld.idx.msk [tilespmem:v3+s8+$0x800 ss:$0x1], $0xffff;
	v6 =	vadd.f32 v6, v44  }
0x371: {  	v11 =	vadd.f32 v43, v14;
	v10 =	vadd.f32 v42, v12;
	[tilespmem:s30+$0x10700] =	vst v7;
	v7 =	vld.idx.msk [tilespmem:v3+s6+$0x2000 ss:$0x1], $0xffff  }
0x372: {  	v12 =	vld.idx.msk [tilespmem:v3+s31+$0x800 ss:$0x1], $0xffff;
	[tilespmem:s19+$0x10700] =	vst v6  }
0x373: {  	v11 =	vadd.f32 v11, v20;
	v6 =	vadd.f32 v10, v13;
	v10 =	vld.idx.msk [tilespmem:v3+s1+$0x2000 ss:$0x1], $0xffff;
	_ =	sdelay $0x1  }
0x374: {  	v4 =	vmul.f32 v16, v4;
	v8 =	vadd.f32 v8, v9;
	v9 =	vadd.f32 v11, v22  }
0x375: {  	v6 =	vadd.f32 v6, v15;
	v7 =	vadd.f32 v7, v18  }
0x376: {  	v5 =	vmul.f32 v19, v5;
	v4 =	vadd.f32 v8, v4;
	v8 =	vadd.f32 v12, v41  }
0x377: {  	v7 =	vadd.f32 v7, v17;
	v10 =	vadd.f32 v10, v40  }
0x378: {  	[tilespmem:s29+$0x10780] =	vst v9;
	v4 =	vadd.f32 v4, v5;
	v5 =	vadd.f32 v8, v34  }
0x379: {  	[tilespmem:s26+$0x10780] =	vst v6;
	v6 =	vadd.f32 v7, v21;
	v7 =	vadd.f32 v10, v26  }
0x37a: {  	[tilespmem:s7+$0x10780] =	vst v4;
	v4 =	vadd.f32 v5, v30  }
0x37b: {  	[tilespmem:s28+$0x10780] =	vst v6;
	v5 =	vadd.f32 v7, v36  }
0x37c: {  	[tilespmem:s30+$0x10780] =	vst v4  }
0x37d: {  	[tilespmem:s19+$0x10780] =	vst v5  }
0x37e: {  	v6 =	vld [tilespmem:s21+$0x3D00]  }
0x37f: {  	v7 =	vld [tilespmem:s21+$0x3D20]  }
0x380: {  	v5 =	vld [tilespmem:s21+$0x3D40]  }
0x381: {  	s0 =	simm.s32 $0x4000;
	s18 =	simm.s32 $0x20;
	v4 =	vld [tilespmem:s21+$0x3D60]  }
0x382: {  	s2 =	simm.s32 $0x100;
	s3 =	simm.s32 $0xF20;
	s4 =	simm.s32 $0x1E40;
	v9 =	vld [tilespmem:s21+$0x3D10]  }
0x383: {  	s2 =	sand.u32 $0x3C00, s2;
	s3 =	sand.u32 $0x70, s3;
	s4 =	sand.u32 $0x3F00, s4;
	v11 =	vld [tilespmem:s21+$0x3D30]  }
0x384: {  	s5 =	sand.u32 $0x70, s18;
	s2 =	sadd.s32 s25, s2;
	s1 =	sor.u32 s3, s4;
	v16 =	vld [tilespmem:s0+$0x20]  }
0x385: {  	s11 =	sor.u32 s5, s2;
	v10 =	vld.idx.msk [tilespmem:v3+s1+$0x800 ss:$0x1], $0xffff  }
0x386: {  	v12 =	vld [tilespmem:s11+$0x4800]  }
0x387: {  	v8 =	vld [tilespmem:s21+$0x3D50]  }
0x388: {  	s20 =	simm.s32 $0xF10;
	s23 =	simm.s32 $0x1E20;
	s5 =	simm.s32 $0x0;
	v19 =	vld [tilespmem:s0+$0x320]  }
0x389: {  	s8 =	sand.u32 $0x70, s5;
	s3 =	sand.u32 $0x70, s20;
	s4 =	sand.u32 $0x3F00, s23;
	v13 =	vld [tilespmem:s0+$0x0]  }
0x38a: {  	s16 =	sor.u32 s3, s4;
	s7 =	sand.u32 $0x1C00, s5;
	s19 =	simm.s32 $0x80;
	v14 =	vld [tilespmem:s0+$0x10]  }
0x38b: {  	s26 =	simm.s32 $0x10;
	s3 =	sadd.s32 s25, s7;
	s2 =	sand.u32 $0x3C00, s19;
	v15 =	vld.idx.msk [tilespmem:v3+s16+$0x800 ss:$0x1], $0xffff  }
0x38c: {  	s6 =	sand.u32 $0x70, s26;
	s9 =	sor.u32 s8, s3;
	v17 =	vld [tilespmem:s0+$0x310];
	s2 =	sadd.s32 s25, s2  }
0x38d: {  	v21 =	vld [tilespmem:s9+$0x4800];
	s26 =	sor.u32 s6, s2  }
0x38e: {  	s12 =	sand.u32 $0x3F0, s5;
	v20 =	vld [tilespmem:s26+$0x4800]  }
0x38f: {  	v18 =	vld [tilespmem:s12+$0x4300];
	v10 =	vadd.f32 v10, v12;
	v12 =	vmul.f32 v16, v6  }
0x390: {  	s10 =	sand.u32 $0x700, s5;
	v27 =	vld [tilespmem:s9+$0x4880]  }
0x391: {  	v31 =	vld [tilespmem:s11+$0x4900];
	s2 =	sor.u32 s8, s10;
	v10 =	vadd.f32 v10, v12;
	v12 =	vmul.f32 v19, v9  }
0x392: {  	s0 =	simm.s32 $0x4030;
	v22 =	vld.idx.msk [tilespmem:v3+s2+$0x2600 ss:$0x1], $0xffff  }
0x393: {  	v28 =	vld [tilespmem:s0+$0x20];
	v23 =	vmul.f32 v14, v6;
	v15 =	vadd.f32 v15, v20;
	v12 =	vadd.f32 v10, v12  }
0x394: {  	v10 =	vld [tilespmem:s21+$0x3D70]  }
0x395: {  	v15 =	vadd.f32 v15, v23;
	v23 =	vld [tilespmem:s11+$0x4880];
	[tilespmem:s11+$0x10800] =	vst v12  }
0x396: {  	s13 =	simm.s32 $0x50;
	v12 =	vld.idx.msk [tilespmem:v3+s1+$0x800 ss:$0x1], $0xffff  }
0x397: {  	s14 =	simm.s32 $0x280;
	s15 =	simm.s32 $0xF50;
	s17 =	simm.s32 $0x1EA0;
	v30 =	vld [tilespmem:s0+$0x320];
	v24 =	vmul.f32 v13, v6;
	v20 =	vmul.f32 v17, v9;
	v21 =	vadd.f32 v22, v21  }
0x398: {  	s20 =	simm.s32 $0x200;
	s23 =	simm.s32 $0xF40;
	s4 =	sand.u32 $0x70, s13;
	v32 =	vld [tilespmem:s0+$0x0]  }
0x399: {  	s7 =	sand.u32 $0x70, s15;
	s12 =	simm.s32 $0x40;
	v26 =	vld [tilespmem:s0+$0x10];
	s6 =	sand.u32 $0x3C00, s14;
	v15 =	vadd.f32 v15, v20;
	v20 =	vadd.f32 v21, v24;
	v21 =	vmul.f32 v18, v9  }
0x39a: {  	v25 =	vld [tilespmem:s0+$0x310];
	s0 =	simm.s32 $0x4060;
	s10 =	simm.s32 $0x1E80;
	s6 =	sadd.s32 s25, s6  }
0x39b: {  	s8 =	sand.u32 $0x3F00, s17;
	v44 =	vld [tilespmem:s0+$0x0];
	s10 =	sand.u32 $0x3F00, s10;
	s13 =	sor.u32 s4, s6;
	v24 =	vmul.f32 v16, v7;
	[tilespmem:s26+$0x10800] =	vst v15;
	v15 =	vadd.f32 v20, v21;
	v12 =	vadd.f32 v12, v23  }
0x39c: {  	v56 =	vld [tilespmem:s13+$0x4880];
	s21 =	sor.u32 s7, s8;
	s7 =	sand.u32 $0x3C00, s20;
	s8 =	sand.u32 $0x70, s23  }
0x39d: {  	s12 =	sand.u32 $0x70, s12;
	v22 =	vld [tilespmem:s26+$0x4880];
	s7 =	sadd.s32 s25, s7;
	s29 =	sor.u32 s8, s10;
	[tilespmem:s9+$0x10800] =	vst v15;
	v15 =	vmul.f32 v19, v11;
	v12 =	vadd.f32 v12, v24  }
0x39e: {  	s28 =	sor.u32 s12, s7;
	v49 =	vld.idx.msk [tilespmem:v3+s29+$0x800 ss:$0x1], $0xffff  }
0x39f: {  	v50 =	vld [tilespmem:s28+$0x4800];
	v12 =	vadd.f32 v12, v15  }
0x3a0: {  	s18 =	simm.s32 $0x60;
	s19 =	simm.s32 $0x180;
	s14 =	simm.s32 $0x30;
	v15 =	vld.idx.msk [tilespmem:v3+s21+$0x800 ss:$0x1], $0xffff  }
0x3a1: {  	s6 =	sand.u32 $0x1C00, s19;
	s4 =	sand.u32 $0x700, s18;
	s10 =	sand.u32 $0x70, s14;
	[tilespmem:s11+$0x10880] =	vst v12;
	v12 =	vld [tilespmem:s13+$0x4800]  }
0x3a2: {  	s20 =	sadd.s32 s25, s6;
	s6 =	sor.u32 s10, s4;
	v21 =	vld.idx.msk [tilespmem:v3+s16+$0x800 ss:$0x1], $0xffff  }
0x3a3: {  	v52 =	vld.idx.msk [tilespmem:v3+s6+$0x2600 ss:$0x1], $0xffff  }
0x3a4: {  	v36 =	vld [tilespmem:s28+$0x4880]  }
0x3a5: {  	v24 =	vld.idx.msk [tilespmem:v3+s1+$0x800 ss:$0x1], $0xffff  }
0x3a6: {  	v29 =	vld.idx.msk [tilespmem:v3+s2+$0x2600 ss:$0x1], $0xffff;
	v12 =	vadd.f32 v15, v12;
	v15 =	vmul.f32 v28, v6  }
0x3a7: {  	v51 =	vmul.f32 v14, v7;
	v38 =	vld [tilespmem:s28+$0x4900];
	v21 =	vadd.f32 v21, v22  }
0x3a8: {  	v20 =	vld [tilespmem:s26+$0x4900];
	v12 =	vadd.f32 v12, v15;
	v15 =	vmul.f32 v30, v9  }
0x3a9: {  	v54 =	vmul.f32 v17, v11;
	s8 =	sor.u32 s10, s20;
	v23 =	vld [tilespmem:s9+$0x4900];
	v21 =	vadd.f32 v21, v51  }
0x3aa: {  	v22 =	vld [tilespmem:s8+$0x4800];
	v24 =	vadd.f32 v24, v31;
	v31 =	vmul.f32 v16, v5;
	v12 =	vadd.f32 v12, v15  }
0x3ab: {  	s15 =	sand.u32 $0x3F0, s14;
	v53 =	vmul.f32 v13, v7;
	v33 =	vadd.f32 v49, v50;
	v49 =	vld [tilespmem:s0+$0x10];
	v27 =	vadd.f32 v29, v27  }
0x3ac: {  	v21 =	vadd.f32 v21, v54;
	v15 =	vadd.f32 v24, v31;
	v31 =	vmul.f32 v19, v8;
	v24 =	vld [tilespmem:s15+$0x4300];
	[tilespmem:s13+$0x10800] =	vst v12  }
0x3ad: {  	s19 =	simm.s32 $0xF80;
	s23 =	simm.s32 $0x1F00;
	v29 =	vld.idx.msk [tilespmem:v3+s21+$0x800 ss:$0x1], $0xffff  }
0x3ae: {  	v55 =	vmul.f32 v26, v6;
	s7 =	sand.u32 $0x70, s19;
	s10 =	sand.u32 $0x3F00, s23;
	v27 =	vadd.f32 v27, v53;
	v53 =	vld [tilespmem:s0+$0x310];
	[tilespmem:s26+$0x10880] =	vst v21;
	v15 =	vadd.f32 v15, v31  }
0x3af: {  	v57 =	vmul.f32 v32, v6;
	v22 =	vadd.f32 v52, v22;
	v60 =	vld.idx.msk [tilespmem:v3+s16+$0x800 ss:$0x1], $0xffff;
	s15 =	sor.u32 s7, s10;
	v31 =	vmul.f32 v18, v11  }
0x3b0: {  	v33 =	vadd.f32 v33, v55;
	v63 =	vld.idx.msk [tilespmem:v3+s15+$0x800 ss:$0x1], $0xffff;
	[tilespmem:s11+$0x10900] =	vst v15;
	v15 =	vmul.f32 v25, v9  }
0x3b1: {  	v59 =	vmul.f32 v28, v7;
	v21 =	vadd.f32 v22, v57;
	v12 =	vld [tilespmem:s26+$0x4980];
	v27 =	vadd.f32 v27, v31  }
0x3b2: {  	v31 =	vld [tilespmem:s11+$0x4980];
	v22 =	vmul.f32 v24, v9;
	v15 =	vadd.f32 v33, v15;
	v29 =	vadd.f32 v29, v56  }
0x3b3: {  	s18 =	simm.s32 $0x400;
	v41 =	vmul.f32 v13, v5;
	v13 =	vmul.f32 v13, v4;
	v58 =	vld.idx.msk [tilespmem:v3+s1+$0x800 ss:$0x1], $0xffff;
	[tilespmem:s9+$0x10880] =	vst v27  }
0x3b4: {  	s17 =	simm.s32 $0x80;
	s4 =	sand.u32 $0x3C00, s18;
	v27 =	vld [tilespmem:s8+$0x4880];
	[tilespmem:s28+$0x10800] =	vst v15;
	v15 =	vadd.f32 v21, v22;
	v22 =	vmul.f32 v30, v11;
	v21 =	vadd.f32 v29, v59  }
0x3b5: {  	v42 =	vmul.f32 v14, v5;
	v43 =	vmul.f32 v17, v8;
	s4 =	sadd.s32 s25, s4;
	s1 =	sand.u32 $0x70, s17;
	v33 =	vld [tilespmem:s8+$0x4900]  }
0x3b6: {  	v45 =	vmul.f32 v18, v8;
	s7 =	sor.u32 s1, s4;
	v61 =	vld.idx.msk [tilespmem:v3+s2+$0x2600 ss:$0x1], $0xffff;
	[tilespmem:s8+$0x10800] =	vst v15;
	v15 =	vadd.f32 v21, v22  }
0x3b7: {  	v62 =	vmul.f32 v16, v4;
	v47 =	vmul.f32 v32, v7;
	s12 =	simm.s32 $0x300;
	v48 =	vld [tilespmem:s7+$0x4800]  }
0x3b8: {  	v39 =	vmul.f32 v32, v5;
	v37 =	vmul.f32 v26, v7;
	s18 =	simm.s32 $0x60;
	s19 =	simm.s32 $0xF70;
	s17 =	simm.s32 $0x380;
	v22 =	vld [tilespmem:s13+$0x4900];
	[tilespmem:s13+$0x10880] =	vst v15  }
0x3b9: {  	v50 =	vmul.f32 v28, v5;
	v51 =	vmul.f32 v25, v11;
	s1 =	simm.s32 $0xC0;
	s10 =	sand.u32 $0x3C00, s17;
	s17 =	simm.s32 $0x1EE0;
	v21 =	vld.idx.msk [tilespmem:v3+s21+$0x800 ss:$0x1], $0xffff  }
0x3ba: {  	v52 =	vmul.f32 v26, v5;
	s4 =	sand.u32 $0x1C00, s12;
	s12 =	sand.u32 $0x70, s19;
	s17 =	sand.u32 $0x3F00, s17;
	v56 =	vmul.f32 v19, v10;
	v19 =	vld [tilespmem:s0+$0x320]  }
0x3bb: {  	v16 =	vmul.f32 v32, v4;
	v57 =	vadd.f32 v60, v20;
	v20 =	vmul.f32 v26, v4;
	s31 =	sor.u32 s12, s17;
	s12 =	sadd.s32 s25, s4;
	s17 =	sand.u32 $0x70, s18;
	v40 =	vld.idx.msk [tilespmem:v3+s6+$0x2600 ss:$0x1], $0xffff  }
0x3bc: {  	s19 =	sand.u32 $0x700, s1;
	s1 =	sor.u32 s17, s12;
	v15 =	vmul.f32 v14, v4;
	v14 =	vmul.f32 v17, v10;
	v17 =	vld [tilespmem:s0+$0x20]  }
0x3bd: {  	v18 =	vmul.f32 v18, v10;
	s19 =	sor.u32 s17, s19;
	v31 =	vadd.f32 v58, v31;
	v32 =	vld [tilespmem:s1+$0x4800];
	v26 =	vadd.f32 v61, v23  }
0x3be: {  	s23 =	simm.s32 $0x70;
	v59 =	vmul.f32 v30, v8;
	v46 =	vadd.f32 v63, v48;
	v63 =	vld.idx.msk [tilespmem:v3+s19+$0x2600 ss:$0x1], $0xffff;
	v22 =	vadd.f32 v21, v22  }
0x3bf: {  	s10 =	sadd.s32 s25, s10;
	v29 =	vld.idx.msk [tilespmem:v3+s29+$0x800 ss:$0x1], $0xffff;
	v30 =	vmul.f32 v30, v10;
	v31 =	vadd.f32 v31, v62;
	s0 =	sand.u32 $0x70, s23;
	v26 =	vadd.f32 v26, v41  }
0x3c0: {  	v60 =	vld.idx.msk [tilespmem:v3+s31+$0x800 ss:$0x1], $0xffff;
	v23 =	vmul.f32 v25, v10;
	s30 =	sor.u32 s0, s10;
	v27 =	vadd.f32 v40, v27;
	v58 =	vadd.f32 v22, v50  }
0x3c1: {  	v31 =	vadd.f32 v31, v56;
	v61 =	vld [tilespmem:s30+$0x4800];
	v45 =	vadd.f32 v26, v45;
	v62 =	vmul.f32 v17, v6  }
0x3c2: {  	v56 =	vmul.f32 v24, v11;
	v40 =	vld [tilespmem:s1+$0x4880];
	v27 =	vadd.f32 v27, v47;
	v34 =	vadd.f32 v58, v59  }
0x3c3: {  	v55 =	vmul.f32 v19, v9;
	[tilespmem:s11+$0x10980] =	vst v31;
	v32 =	vadd.f32 v63, v32;
	v63 =	vld [tilespmem:s7+$0x4880];
	v54 =	vadd.f32 v46, v62  }
0x3c4: {  	v47 =	vld [tilespmem:s30+$0x4880];
	v26 =	vadd.f32 v27, v56;
	v22 =	vmul.f32 v25, v8;
	v25 =	vadd.f32 v29, v36;
	[tilespmem:s13+$0x10900] =	vst v34  }
0x3c5: {  	v31 =	vmul.f32 v49, v6;
	v29 =	vadd.f32 v57, v42;
	v58 =	vadd.f32 v54, v55;
	v57 =	vld.idx.msk [tilespmem:v3+s21+$0x800 ss:$0x1], $0xffff;
	s21 =	sand.u32 $0x3F0, s18  }
0x3c6: {  	[tilespmem:s9+$0x10900] =	vst v45;
	v27 =	vmul.f32 v44, v5;
	v35 =	vadd.f32 v60, v61;
	v37 =	vadd.f32 v25, v37;
	v50 =	vld [tilespmem:s21+$0x4300]  }
0x3c7: {  	s3 =	sor.u32 s3, s5;
	v60 =	vmul.f32 v44, v6;
	v61 =	vmul.f32 v53, v9;
	v29 =	vadd.f32 v29, v43;
	v59 =	vld [tilespmem:s13+$0x4980];
	[tilespmem:s7+$0x10800] =	vst v58  }
0x3c8: {  	s5 =	sor.u32 $0x380, s3;
	[tilespmem:s8+$0x10880] =	vst v26;
	v31 =	vadd.f32 v35, v31;
	v37 =	vadd.f32 v37, v51;
	v62 =	vld.idx.msk [tilespmem:v3+s15+$0x800 ss:$0x1], $0xffff  }
0x3c9: {  	v45 =	vld [tilespmem:s5+$0x4600];
	v26 =	vmul.f32 v44, v4;
	v36 =	vmul.f32 v49, v7;
	[tilespmem:s26+$0x10900] =	vst v29  }
0x3ca: {  	v21 =	vld [tilespmem:s28+$0x4980];
	v35 =	vmul.f32 v53, v11;
	v25 =	vmul.f32 v24, v8;
	v29 =	vadd.f32 v31, v61;
	[tilespmem:s28+$0x10880] =	vst v37  }
0x3cb: {  	v31 =	vadd.f32 v32, v60;
	v32 =	vmul.f32 v44, v7;
	v55 =	vld.idx.msk [tilespmem:v3+s29+$0x800 ss:$0x1], $0xffff;
	v54 =	vmul.f32 v50, v9  }
0x3cc: {  	v44 =	vld.idx.msk [tilespmem:v3+s6+$0x2600 ss:$0x1], $0xffff;
	[tilespmem:s30+$0x10800] =	vst v29;
	v56 =	vadd.f32 v57, v59;
	v57 =	vmul.f32 v28, v4  }
0x3cd: {  	v58 =	vld.idx.msk [tilespmem:v3+s31+$0x800 ss:$0x1], $0xffff;
	v34 =	vadd.f32 v62, v63;
	v59 =	vmul.f32 v17, v7;
	v31 =	vadd.f32 v31, v54  }
0x3ce: {  	v24 =	vmul.f32 v24, v10;
	v61 =	vmul.f32 v19, v11;
	v42 =	vld.idx.msk [tilespmem:v3+s16+$0x800 ss:$0x1], $0xffff;
	v41 =	vadd.f32 v56, v57  }
0x3cf: {  	v29 =	vld [tilespmem:s30+$0x4900];
	v37 =	vmul.f32 v53, v8;
	v28 =	vmul.f32 v49, v5;
	v60 =	vadd.f32 v34, v59;
	[tilespmem:s1+$0x10800] =	vst v31  }
0x3d0: {  	s23 =	sor.u32 s20, s14;
	v43 =	vmul.f32 v50, v8;
	v62 =	vadd.f32 v55, v38;
	v41 =	vadd.f32 v41, v30;
	v46 =	vld.idx.msk [tilespmem:v3+s19+$0x2600 ss:$0x1], $0xffff  }
0x3d1: {  	s14 =	simm.s32 $0x90;
	s3 =	sor.u32 $0x380, s23;
	v34 =	vmul.f32 v49, v4;
	v54 =	vadd.f32 v44, v33;
	v44 =	vld.idx.msk [tilespmem:v3+s2+$0x2600 ss:$0x1], $0xffff;
	v63 =	vadd.f32 v60, v61  }
0x3d2: {  	s0 =	sor.u32 s12, s18;
	s11 =	simm.s32 $0x120;
	s9 =	simm.s32 $0x6;
	v38 =	vmul.f32 v50, v11;
	v48 =	vadd.f32 v58, v47;
	v47 =	vadd.f32 v62, v52;
	v31 =	vld [tilespmem:s1+$0x4900];
	[tilespmem:s13+$0x10980] =	vst v41  }
0x3d3: {  	s16 =	simm.s32 $0x4090;
	s2 =	sor.u32 $0x380, s0;
	v33 =	vmul.f32 v50, v10;
	v30 =	vmul.f32 v53, v10;
	v39 =	vadd.f32 v54, v39;
	v41 =	vld [tilespmem:s30+$0x4980];
	[tilespmem:s7+$0x10880] =	vst v63;
	s13 =	simm.s32 $0x480  }
.LBB2_17:
0x3d4: {  	s0 =	sadd.s32 $0x20, s14;
	s4 =	sadd.s32 $0x100, s13;
	s10 =	sadd.s32 $0xF20, s14;
	v36 =	vadd.f32 v48, v36;
	v48 =	vld.idx.msk [tilespmem:v3+s15+$0x800 ss:$0x1], $0xffff;
	v47 =	vadd.f32 v47, v22;
	v22 =	vmov v37  }
0x3d5: {  	s12 =	sadd.s32 $0x1E40, s11;
	s9 =	sadd.s32 $0x3, s9;
	v37 =	vadd.f32 v46, v40;
	s4 =	sand.u32 $0x3C00, s4;
	v40 =	vld [tilespmem:s7+$0x4900];
	v39 =	vadd.f32 v39, v25;
	v25 =	vmov v43  }
0x3d6: {  	s10 =	sand.u32 $0x70, s10;
	s12 =	sand.u32 $0x3F00, s12;
	p1 =	slt.u32 s9, $0x2D;
	v43 =	vld [tilespmem:s16+$0x0];
	v35 =	vadd.f32 v36, v35;
	[tilespmem:s28+$0x10900] =	vst v47;
	v36 =	vadd.f32 v42, v12;
	v12 =	vmov v21  }
0x3d7: {  	s17 =	sand.u32 $0x70, s0;
	s4 =	sadd.s32 s25, s4;
	s0 =	sor.u32 s10, s12;
	v32 =	vadd.f32 v37, v32;
	v42 =	vld [tilespmem:s16+$0x20];
	[tilespmem:s8+$0x10900] =	vst v39;
	v37 =	vadd.f32 v44, v45  }
0x3d8: {  	s10 =	sadd.s32 $0xF10, s14;
	s8 =	sadd.s32 $0x80, s13;
	s20 =	sor.u32 s17, s4;
	v39 =	vld.idx.msk [tilespmem:v3+s0+$0x800 ss:$0x1], $0xffff;
	[tilespmem:s30+$0x10880] =	vst v35;
	v35 =	vadd.f32 v36, v15;
	v15 =	vmovc v20;
	v20 =	vmov v34;
	v21 =	vmov v41  }
0x3d9: {  	s12 =	sadd.s32 $0x1E20, s11;
	s4 =	sand.u32 $0x1C00, s13;
	s8 =	sand.u32 $0x3C00, s8;
	v36 =	vadd.f32 v32, v38;
	v34 =	vld [tilespmem:s20+$0x4800];
	v37 =	vadd.f32 v37, v13;
	v13 =	vmovc v16;
	v16 =	vmov v26  }
0x3da: {  	s17 =	sadd.s32 $0x10, s14;
	s10 =	sand.u32 $0x70, s10;
	s8 =	sadd.s32 s25, s8;
	v38 =	vld [tilespmem:s16+$0x10];
	v26 =	vadd.f32 v48, v40;
	v40 =	vmul.f32 v17, v5;
	v35 =	vadd.f32 v35, v14;
	v14 =	vmovc v23  }
0x3db: {  	s18 =	sand.u32 $0x700, s11;
	s12 =	sand.u32 $0x3F00, s12;
	s4 =	sadd.s32 s25, s4;
	v41 =	vmul.f32 v43, v6;
	v32 =	vmul.f32 v43, v7;
	v44 =	vld [tilespmem:s16+$0x320];
	[tilespmem:s1+$0x10880] =	vst v36;
	v46 =	vadd.f32 v37, v18  }
0x3dc: {  	s23 =	sand.u32 $0x70, s14;
	s17 =	sand.u32 $0x70, s17;
	s21 =	sor.u32 s10, s12;
	v49 =	vmul.f32 v43, v5;
	v37 =	vmul.f32 v19, v8;
	v45 =	vld [tilespmem:s16+$0x310];
	v36 =	vadd.f32 v26, v40;
	[tilespmem:s26+$0x10980] =	vst v35  }
0x3dd: {  	s18 =	sor.u32 s23, s18;
	s10 =	sor.u32 s23, s4;
	s12 =	sor.u32 s17, s8;
	v23 =	vmovc v30;
	v18 =	vmov v24;
	v24 =	vmov v33;
	v26 =	vmul.f32 v43, v4;
	v40 =	vld.idx.msk [tilespmem:v3+s21+$0x800 ss:$0x1], $0xffff;
	[tilespmem:s5+$0x10600] =	vst v46  }
0x3de: {  	s4 =	sor.u32 s4, s14;
	s17 =	sand.u32 $0x3F0, s14;
	s8 =	smov.u32 s1;
	v30 =	vld [tilespmem:s12+$0x4800];
	v33 =	vadd.f32 v39, v34;
	v34 =	vmul.f32 v42, v6;
	v35 =	vadd.f32 v36, v37  }
0x3df: {  	s4 =	sor.u32 $0x380, s4;
	s1 =	smov.u32 s10;
	s26 =	smov.u32 s28;
	v39 =	vld [tilespmem:s10+$0x4800];
	v43 =	vmul.f32 v38, v6;
	v36 =	vmul.f32 v38, v7  }
0x3e0: {  	s28 =	smov.u32 s30;
	s30 =	smov.u32 s12;
	s5 =	smov.u32 s3;
	v46 =	vld.idx.msk [tilespmem:v3+s18+$0x2600 ss:$0x1], $0xffff;
	v33 =	vadd.f32 v33, v34;
	v34 =	vmul.f32 v44, v9;
	[tilespmem:s7+$0x10900] =	vst v35  }
0x3e1: {  	s3 =	smov.u32 s2;
	s2 =	smov.u32 s4;
	v47 =	vmul.f32 v45, v9;
	v35 =	vmul.f32 v45, v11;
	v48 =	vld.idx.msk [tilespmem:v3+s15+$0x800 ss:$0x1], $0xffff;
	s15 =	smov.u32 s0  }
0x3e2: {  	v50 =	vmul.f32 v38, v5;
	v37 =	vmul.f32 v45, v8;
	v33 =	vadd.f32 v33, v34;
	v51 =	vld [tilespmem:s7+$0x4980]  }
0x3e3: {  	v34 =	vmul.f32 v38, v4;
	v52 =	vld [tilespmem:s17+$0x4300];
	v40 =	vadd.f32 v40, v30;
	v30 =	vmul.f32 v45, v10  }
0x3e4: {  	v45 =	vld [tilespmem:s30+$0x4880];
	[tilespmem:s20+$0x10800] =	vst v33  }
0x3e5: {  	v33 =	vadd.f32 v40, v43;
	v53 =	vld.idx.msk [tilespmem:v3+s15+$0x800 ss:$0x1], $0xffff  }
0x3e6: {  	v38 =	vadd.f32 v46, v39;
	v39 =	vld [tilespmem:s20+$0x4880]  }
0x3e7: {  	v46 =	vmul.f32 v17, v4;
	v17 =	vmovc v42;
	v40 =	vld [tilespmem:s1+$0x4880];
	v33 =	vadd.f32 v33, v47;
	v43 =	vadd.f32 v48, v51  }
0x3e8: {  	v41 =	vadd.f32 v38, v41;
	v42 =	vmul.f32 v52, v9;
	v38 =	vmul.f32 v52, v11;
	v47 =	vld.idx.msk [tilespmem:v3+s31+$0x800 ss:$0x1], $0xffff  }
0x3e9: {  	v51 =	vmul.f32 v19, v10;
	v19 =	vmov v44;
	[tilespmem:s30+$0x10800] =	vst v33;
	v48 =	vld.idx.msk [tilespmem:v3+s19+$0x2600 ss:$0x1], $0xffff;
	v46 =	vadd.f32 v43, v46  }
0x3ea: {  	v43 =	vmul.f32 v52, v8;
	v33 =	vmul.f32 v52, v10;
	v41 =	vadd.f32 v41, v42;
	v52 =	vld.idx.msk [tilespmem:v3+s21+$0x800 ss:$0x1], $0xffff  }
0x3eb: {  	v42 =	vmul.f32 v17, v7;
	v54 =	vld [tilespmem:s30+$0x4900];
	v39 =	vadd.f32 v53, v39;
	v44 =	vadd.f32 v46, v51  }
0x3ec: {  	[tilespmem:s1+$0x10800] =	vst v41;
	v51 =	vld [tilespmem:s1+$0x4900]  }
.Ltmp11:
0x3ed: {  	v41 =	vmul.f32 v19, v11;
	v46 =	vld.idx.msk [tilespmem:v3+s18+$0x2600 ss:$0x1], $0xffff;
	v39 =	vadd.f32 v39, v42;
	[tilespmem:s7+$0x10980] =	vst v44;
	s7 =	smov.u32 s20;
	(pc) =	sbr.rel @p1 .LBB2_17-.Ltmp11, $4  }
0x3ee: {  	v53 =	vadd.f32 v47, v29;
	v42 =	vld.idx.msk [tilespmem:v3+s29+$0x800 ss:$0x1], $0xffff;
	s29 =	smov.u32 s31;
	s31 =	smov.u32 s21  }
0x3ef: {  	v55 =	vadd.f32 v48, v31;
	v39 =	vadd.f32 v39, v41;
	v44 =	vld.idx.msk [tilespmem:v3+s6+$0x2600 ss:$0x1], $0xffff;
	s6 =	smov.u32 s19;
	s19 =	smov.u32 s18  }
0x3f0: {  	s11 =	sadd.s32 $0x60, s11;
	v48 =	vadd.f32 v52, v45;
	v47 =	vadd.f32 v53, v28;
	v28 =	vmovc v50;
	v45 =	vld [tilespmem:s5+$0x4600];
	v29 =	vmov v54  }
0x3f1: {  	s13 =	sadd.s32 $0x180, s13;
	s14 =	sadd.s32 $0x30, s14;
	s16 =	sadd.s32 $0x30, s16;
	v41 =	vld [tilespmem:s30+$0x4980];
	[tilespmem:s7+$0x10880] =	vst v39;
	v39 =	vadd.f32 v55, v27;
	v27 =	vmov v49;
	v31 =	vmov v51  }
0x3f2: {  	_ =	sdelay $0x3  }
0x3f3: {  	v6 =	vld.idx.msk [tilespmem:v3+s15+$0x800 ss:$0x1], $0xffff;
	v7 =	vadd.f32 v46, v40  }
0x3f4: {  	v9 =	vadd.f32 v48, v36;
	v11 =	vld [tilespmem:s7+$0x4900]  }
0x3f5: {  	v7 =	vadd.f32 v7, v32  }
0x3f6: {  	v9 =	vadd.f32 v9, v35  }
0x3f7: {  	v7 =	vadd.f32 v7, v38  }
0x3f8: {  	[tilespmem:s30+$0x10880] =	vst v9  }
0x3f9: {  	v5 =	vmul.f32 v17, v5;
	v6 =	vadd.f32 v6, v11;
	[tilespmem:s1+$0x10880] =	vst v7;
	v7 =	vld.idx.msk [tilespmem:v3+s31+$0x800 ss:$0x1], $0xffff  }
0x3fa: {  	v9 =	vld.idx.msk [tilespmem:v3+s19+$0x2600 ss:$0x1], $0xffff  }
0x3fb: {  	v5 =	vadd.f32 v6, v5;
	v6 =	vmul.f32 v19, v8;
	_ =	sdelay $0x1  }
0x3fc: {  	v5 =	vadd.f32 v5, v6  }
0x3fd: {  	v8 =	vadd.f32 v39, v25;
	v6 =	vadd.f32 v7, v29  }
0x3fe: {  	v7 =	vadd.f32 v47, v22;
	[tilespmem:s7+$0x10900] =	vst v5;
	v5 =	vadd.f32 v9, v31  }
0x3ff: {  	[tilespmem:s8+$0x10900] =	vst v8;
	v9 =	vld.idx.msk [tilespmem:v3+s15+$0x800 ss:$0x1], $0xffff;
	v6 =	vadd.f32 v6, v28  }
0x400: {  	[tilespmem:s28+$0x10900] =	vst v7;
	v7 =	vld [tilespmem:s7+$0x4980];
	v5 =	vadd.f32 v5, v27  }
0x401: {  	v11 =	vld.idx.msk [tilespmem:v3+s6+$0x2600 ss:$0x1], $0xffff;
	v6 =	vadd.f32 v6, v37  }
0x402: {  	v22 =	vld [tilespmem:s3+$0x4600];
	v5 =	vadd.f32 v5, v43  }
0x403: {  	v12 =	vadd.f32 v42, v12;
	v8 =	vld.idx.msk [tilespmem:v3+s29+$0x800 ss:$0x1], $0xffff;
	[tilespmem:s30+$0x10900] =	vst v6  }
0x404: {  	v6 =	vadd.f32 v44, v45;
	[tilespmem:s1+$0x10900] =	vst v5;
	v5 =	vld.idx.msk [tilespmem:v3+s31+$0x800 ss:$0x1], $0xffff  }
0x405: {  	v4 =	vmul.f32 v17, v4;
	v12 =	vadd.f32 v12, v15;
	v7 =	vadd.f32 v9, v7;
	v9 =	vld.idx.msk [tilespmem:v3+s19+$0x2600 ss:$0x1], $0xffff  }
0x406: {  	v6 =	vadd.f32 v6, v13;
	v13 =	vld [tilespmem:s2+$0x4600]  }
0x407: {  	v12 =	vadd.f32 v12, v14;
	v4 =	vadd.f32 v7, v4;
	v7 =	vmul.f32 v19, v10  }
0x408: {  	v8 =	vadd.f32 v8, v21;
	v6 =	vadd.f32 v6, v18  }
0x409: {  	v4 =	vadd.f32 v4, v7;
	v7 =	vadd.f32 v11, v22  }
0x40a: {  	v8 =	vadd.f32 v8, v20;
	v5 =	vadd.f32 v5, v41  }
0x40b: {  	[tilespmem:s26+$0x10980] =	vst v12;
	v7 =	vadd.f32 v7, v16;
	v9 =	vadd.f32 v9, v13  }
0x40c: {  	[tilespmem:s5+$0x10600] =	vst v6;
	v6 =	vadd.f32 v8, v23;
	v5 =	vadd.f32 v5, v34  }
0x40d: {  	[tilespmem:s7+$0x10980] =	vst v4;
	v4 =	vadd.f32 v7, v24;
	v7 =	vadd.f32 v9, v26  }
0x40e: {  	[tilespmem:s28+$0x10980] =	vst v6;
	v5 =	vadd.f32 v5, v30  }
0x40f: {  	[tilespmem:s3+$0x10600] =	vst v4;
	v4 =	vadd.f32 v7, v33  }
0x410: {  	s18 =	simm.s32 $0x1220;
	s4 =	simm.s32 $0x2440;
	[tilespmem:s30+$0x10980] =	vst v5  }
0x411: {  	s0 =	simm.s32 $0x4000;
	s4 =	sand.u32 $0x2F00, s4;
	s1 =	sand.u32 $0x70, s18;
	[tilespmem:s2+$0x10600] =	vst v4  }
0x412: {  	s7 =	sor.u32 s1, s4;
	v20 =	vld [tilespmem:s0+$0x20]  }
0x413: {  	v12 =	vld.idx.msk [tilespmem:v3+s7+$0x800 ss:$0x1], $0xffff  }
0x414: {  	v19 =	vld [tilespmem:s0+$0x320]  }
0x415: {  	v13 =	vld [tilespmem:s0+$0x0]  }
0x416: {  	v15 =	vld [tilespmem:s0+$0x10]  }
0x417: {  	s16 =	simm.s32 $0x4030;
	v16 =	vld [tilespmem:s0+$0x310]  }
0x418: {  	v28 =	vld [tilespmem:s16+$0x20]  }
0x419: {  	s17 =	rddreg [dreg:$0x16];
	v32 =	vld [tilespmem:s16+$0x0]  }
0x41a: {  	v7 =	vld [tilespmem:s17+$0x3E00]  }
0x41b: {  	v8 =	vld [tilespmem:s17+$0x3E20]  }
0x41c: {  	s20 =	simm.s32 $0x100;
	v6 =	vld [tilespmem:s17+$0x3E40]  }
0x41d: {  	s24 =	sadd.s32 $0x4800, s24;
	s19 =	simm.s32 $0x20;
	s3 =	sand.u32 $0x3C00, s20;
	v4 =	vld [tilespmem:s17+$0x3E60]  }
0x41e: {  	s3 =	sadd.s32 s24, s3;
	s2 =	sand.u32 $0x70, s19;
	v10 =	vld [tilespmem:s17+$0x3E10]  }
0x41f: {  	s5 =	sor.u32 s2, s3;
	v11 =	vld [tilespmem:s17+$0x3E30]  }
0x420: {  	s21 =	simm.s32 $0x0;
	s23 =	simm.s32 $0x80;
	s25 =	simm.s32 $0x1210;
	v14 =	vld [tilespmem:s5+$0x4600]  }
0x421: {  	s10 =	simm.s32 $0x10;
	s12 =	simm.s32 $0x1250;
	s13 =	simm.s32 $0x50;
	v9 =	vld [tilespmem:s17+$0x3E50]  }
0x422: {  	s14 =	simm.s32 $0x280;
	s10 =	sand.u32 $0x70, s10;
	s26 =	simm.s32 $0x0;
	v5 =	vld [tilespmem:s17+$0x3E70]  }
0x423: {  	s31 =	sand.u32 $0x70, s26;
	s1 =	sand.u32 $0x700, s21;
	s2 =	sand.u32 $0x3C00, s23;
	v23 =	vld [tilespmem:s5+$0x4680]  }
0x424: {  	s30 =	simm.s32 $0x2420;
	s11 =	sadd.s32 s24, s2;
	s2 =	sor.u32 s31, s1;
	v63 =	vld [tilespmem:s5+$0x4780]  }
0x425: {  	s6 =	sand.u32 $0x2F00, s30;
	s1 =	sand.u32 $0x70, s25;
	s3 =	sor.u32 s10, s11;
	v18 =	vld.idx.msk [tilespmem:v3+s2+$0x2C00 ss:$0x1], $0xffff;
	v12 =	vadd.f32 v12, v14;
	v14 =	vmul.f32 v20, v7  }
0x426: {  	s9 =	sand.u32 $0x1C00, s21;
	s15 =	simm.s32 $0x24A0;
	s1 =	sor.u32 s1, s6;
	v21 =	vld [tilespmem:s3+$0x4600]  }
0x427: {  	s8 =	sand.u32 $0x2F00, s15;
	s18 =	simm.s32 $0x180;
	s11 =	sand.u32 $0x3F0, s26;
	v22 =	vld.idx.msk [tilespmem:v3+s1+$0x800 ss:$0x1], $0xffff;
	v12 =	vadd.f32 v12, v14;
	v14 =	vmul.f32 v19, v10  }
0x428: {  	s4 =	sand.u32 $0x70, s13;
	s21 =	simm.s32 $0x2480;
	s10 =	sadd.s32 s24, s9;
	v17 =	vld [tilespmem:s11+$0x4300]  }
0x429: {  	s20 =	simm.s32 $0x1240;
	s19 =	simm.s32 $0x200;
	s23 =	sor.u32 s31, s10;
	v27 =	vld [tilespmem:s3+$0x4700];
	v12 =	vadd.f32 v12, v14  }
0x42a: {  	s30 =	sand.u32 $0x70, s20;
	s0 =	sand.u32 $0x70, s12;
	s6 =	sand.u32 $0x3C00, s14;
	v14 =	vld [tilespmem:s23+$0x4600]  }
0x42b: {  	s12 =	simm.s32 $0x30;
	s13 =	sor.u32 s0, s8;
	s6 =	sadd.s32 s24, s6;
	v26 =	vld [tilespmem:s23+$0x4680];
	[tilespmem:s5+$0x10600] =	vst v12  }
0x42c: {  	s17 =	simm.s32 $0x60;
	s31 =	sand.u32 $0x2F00, s21;
	s9 =	sor.u32 s4, s6;
	v12 =	vld.idx.msk [tilespmem:v3+s7+$0x800 ss:$0x1], $0xffff  }
0x42d: {  	s25 =	simm.s32 $0x40;
	s14 =	sand.u32 $0x70, s12;
	s11 =	sor.u32 s30, s31;
	v31 =	vld [tilespmem:s9+$0x4600];
	v24 =	vmul.f32 v15, v7;
	v21 =	vadd.f32 v22, v21  }
0x42e: {  	s0 =	sand.u32 $0x700, s17;
	s15 =	sand.u32 $0x70, s25;
	s6 =	sand.u32 $0x3C00, s19;
	v58 =	vld.idx.msk [tilespmem:v3+s11+$0x800 ss:$0x1], $0xffff  }
0x42f: {  	s4 =	sand.u32 $0x1C00, s18;
	s26 =	sadd.s32 s24, s6;
	s6 =	sor.u32 s14, s0;
	v61 =	vld [tilespmem:s9+$0x4680];
	v21 =	vadd.f32 v21, v24;
	v14 =	vadd.f32 v18, v14;
	v18 =	vmul.f32 v16, v10  }
0x430: {  	s10 =	sadd.s32 s24, s4;
	s26 =	sor.u32 s15, s26;
	v57 =	vld.idx.msk [tilespmem:v3+s6+$0x2C00 ss:$0x1], $0xffff;
	v22 =	vmul.f32 v13, v7  }
0x431: {  	s25 =	sor.u32 s14, s10;
	v52 =	vld [tilespmem:s26+$0x4680];
	v18 =	vadd.f32 v21, v18;
	v21 =	vmul.f32 v20, v8;
	v12 =	vadd.f32 v12, v23  }
0x432: {  	v37 =	vld [tilespmem:s25+$0x4680];
	v25 =	vmul.f32 v17, v10;
	v14 =	vadd.f32 v14, v22  }
0x433: {  	v24 =	vld [tilespmem:s3+$0x4680];
	[tilespmem:s3+$0x10600] =	vst v18;
	v18 =	vmul.f32 v19, v11;
	v12 =	vadd.f32 v12, v21  }
0x434: {  	v14 =	vadd.f32 v14, v25;
	v23 =	vld.idx.msk [tilespmem:v3+s1+$0x800 ss:$0x1], $0xffff  }
0x435: {  	v34 =	vld [tilespmem:s26+$0x4700];
	v18 =	vadd.f32 v12, v18  }
0x436: {  	v25 =	vld [tilespmem:s5+$0x4700];
	[tilespmem:s23+$0x10600] =	vst v14  }
0x437: {  	v14 =	vld.idx.msk [tilespmem:v3+s2+$0x2C00 ss:$0x1], $0xffff;
	[tilespmem:s5+$0x10680] =	vst v18  }
0x438: {  	v18 =	vld.idx.msk [tilespmem:v3+s7+$0x800 ss:$0x1], $0xffff  }
0x439: {  	v29 =	vmul.f32 v15, v8;
	v23 =	vadd.f32 v23, v24;
	v24 =	vld.idx.msk [tilespmem:v3+s13+$0x800 ss:$0x1], $0xffff  }
0x43a: {  	v22 =	vld [tilespmem:s23+$0x4700]  }
0x43b: {  	v30 =	vmul.f32 v16, v11;
	v21 =	vld [tilespmem:s3+$0x4780];
	v23 =	vadd.f32 v23, v29  }
0x43c: {  	v29 =	vld [tilespmem:s16+$0x320]  }
0x43d: {  	v12 =	vld [tilespmem:s23+$0x4780];
	v23 =	vadd.f32 v23, v30;
	v30 =	vmul.f32 v20, v6;
	v18 =	vadd.f32 v18, v25  }
0x43e: {  	v14 =	vadd.f32 v14, v26;
	v26 =	vld [tilespmem:s25+$0x4600];
	v24 =	vadd.f32 v24, v31  }
0x43f: {  	v25 =	vld [tilespmem:s16+$0x10];
	v31 =	vmul.f32 v28, v7;
	v18 =	vadd.f32 v18, v30;
	v30 =	vmul.f32 v19, v9  }
0x440: {  	[tilespmem:s3+$0x10680] =	vst v23;
	v23 =	vld [tilespmem:s16+$0x310]  }
0x441: {  	v24 =	vadd.f32 v24, v31;
	v31 =	vmul.f32 v29, v10;
	v18 =	vadd.f32 v18, v30;
	v30 =	vld [tilespmem:s26+$0x4600]  }
0x442: {  	s15 =	sand.u32 $0x3F0, s12;
	v56 =	vld.idx.msk [tilespmem:v3+s1+$0x800 ss:$0x1], $0xffff  }
0x443: {  	[tilespmem:s5+$0x10700] =	vst v18;
	v18 =	vadd.f32 v24, v31;
	v31 =	vmul.f32 v13, v8;
	v24 =	vld [tilespmem:s15+$0x4300]  }
0x444: {  	s15 =	simm.s32 $0x4060;
	v36 =	vld.idx.msk [tilespmem:v3+s7+$0x800 ss:$0x1], $0xffff  }
0x445: {  	v59 =	vmul.f32 v15, v6;
	v33 =	vld [tilespmem:s15+$0x0];
	[tilespmem:s9+$0x10600] =	vst v18;
	v18 =	vmul.f32 v17, v11;
	v14 =	vadd.f32 v14, v31  }
0x446: {  	v53 =	vmul.f32 v16, v9;
	v60 =	vmul.f32 v25, v7;
	v31 =	vld.idx.msk [tilespmem:v3+s13+$0x800 ss:$0x1], $0xffff;
	v30 =	vadd.f32 v58, v30  }
0x447: {  	v43 =	vmul.f32 v16, v5;
	v16 =	vld [tilespmem:s15+$0x20];
	v14 =	vadd.f32 v14, v18;
	v18 =	vadd.f32 v56, v27  }
0x448: {  	v62 =	vmul.f32 v32, v7;
	v40 =	vld [tilespmem:s15+$0x10];
	v27 =	vmul.f32 v23, v10;
	v30 =	vadd.f32 v30, v60  }
0x449: {  	s19 =	simm.s32 $0x2500;
	v54 =	vmul.f32 v28, v8;
	v49 =	vmul.f32 v19, v5;
	s16 =	simm.s32 $0x1280;
	v19 =	vld [tilespmem:s15+$0x320];
	[tilespmem:s23+$0x10680] =	vst v14;
	v14 =	vadd.f32 v18, v59  }
0x44a: {  	v42 =	vmul.f32 v15, v4;
	v26 =	vadd.f32 v57, v26;
	s0 =	sand.u32 $0x70, s16;
	s7 =	sand.u32 $0x2F00, s19;
	v51 =	vld [tilespmem:s15+$0x310];
	v27 =	vadd.f32 v30, v27  }
0x44b: {  	v47 =	vmul.f32 v32, v8;
	s8 =	sor.u32 s0, s7;
	v56 =	vld [tilespmem:s9+$0x4700];
	v14 =	vadd.f32 v14, v53;
	v31 =	vadd.f32 v31, v61  }
0x44c: {  	v26 =	vadd.f32 v26, v62;
	v18 =	vmul.f32 v24, v10;
	v59 =	vld.idx.msk [tilespmem:v3+s8+$0x800 ss:$0x1], $0xffff;
	[tilespmem:s26+$0x10600] =	vst v27  }
0x44d: {  	v38 =	vld.idx.msk [tilespmem:v3+s2+$0x2C00 ss:$0x1], $0xffff;
	v27 =	vmul.f32 v29, v11;
	[tilespmem:s3+$0x10700] =	vst v14;
	v14 =	vadd.f32 v31, v54  }
0x44e: {  	v35 =	vmul.f32 v32, v6;
	v45 =	vmul.f32 v17, v9;
	v18 =	vadd.f32 v26, v18;
	v26 =	vld.idx.msk [tilespmem:v3+s11+$0x800 ss:$0x1], $0xffff  }
0x44f: {  	s18 =	simm.s32 $0x400;
	v15 =	vmul.f32 v17, v5;
	v20 =	vmul.f32 v20, v4;
	v30 =	vld [tilespmem:s25+$0x4700];
	v27 =	vadd.f32 v14, v27  }
0x450: {  	s17 =	simm.s32 $0x80;
	s4 =	sand.u32 $0x3C00, s18;
	v62 =	vmul.f32 v28, v6;
	v60 =	vadd.f32 v36, v63;
	[tilespmem:s25+$0x10600] =	vst v18;
	v31 =	vld.idx.msk [tilespmem:v3+s1+$0x800 ss:$0x1], $0xffff  }
0x451: {  	s4 =	sadd.s32 s24, s4;
	v28 =	vmul.f32 v28, v4;
	v57 =	vmul.f32 v25, v8;
	v39 =	vld.idx.msk [tilespmem:v3+s6+$0x2C00 ss:$0x1], $0xffff;
	s1 =	sand.u32 $0x70, s17;
	[tilespmem:s9+$0x10680] =	vst v27  }
0x452: {  	v48 =	vmul.f32 v25, v6;
	v17 =	vmul.f32 v32, v4;
	v32 =	vadd.f32 v60, v20;
	s7 =	sor.u32 s1, s4;
	v55 =	vld.idx.msk [tilespmem:v3+s13+$0x800 ss:$0x1], $0xffff  }
0x453: {  	s20 =	simm.s32 $0xC0;
	s21 =	simm.s32 $0x380;
	s31 =	simm.s32 $0x60;
	v50 =	vmul.f32 v23, v9;
	v58 =	vmul.f32 v23, v11;
	v61 =	vld [tilespmem:s7+$0x4600];
	v26 =	vadd.f32 v26, v52  }
0x454: {  	s30 =	simm.s32 $0x1270;
	s18 =	sand.u32 $0x70, s31;
	s31 =	sand.u32 $0x3F0, s31;
	v63 =	vmul.f32 v29, v9;
	v20 =	vmul.f32 v25, v4;
	v60 =	vld [tilespmem:s9+$0x4780];
	v25 =	vadd.f32 v32, v49  }
0x455: {  	s14 =	simm.s32 $0x24E0;
	s16 =	simm.s32 $0x70;
	v18 =	vld [tilespmem:s25+$0x4780];
	v54 =	vmul.f32 v16, v7;
	v32 =	vmul.f32 v51, v11;
	s1 =	sand.u32 $0x3C00, s21;
	v26 =	vadd.f32 v26, v57  }
0x456: {  	s16 =	sand.u32 $0x70, s16;
	s19 =	sand.u32 $0x70, s30;
	v49 =	vld [tilespmem:s31+$0x4300];
	[tilespmem:s5+$0x10780] =	vst v25;
	v25 =	vmul.f32 v40, v6;
	s17 =	sadd.s32 s24, s1;
	v52 =	vadd.f32 v38, v22;
	v21 =	vadd.f32 v31, v21  }
0x457: {  	s0 =	sand.u32 $0x700, s20;
	s20 =	sand.u32 $0x2F00, s14;
	v14 =	vld [tilespmem:s26+$0x4780];
	v27 =	vmul.f32 v13, v6;
	s28 =	sor.u32 s16, s17;
	v26 =	vadd.f32 v26, v58;
	v41 =	vadd.f32 v55, v56  }
0x458: {  	s29 =	sor.u32 s19, s20;
	s21 =	simm.s32 $0x300;
	v22 =	vmul.f32 v23, v5;
	v31 =	vadd.f32 v39, v37;
	v36 =	vadd.f32 v59, v61;
	v55 =	vld [tilespmem:s28+$0x4600]  }
0x459: {  	s1 =	sor.u32 s18, s0;
	s30 =	sand.u32 $0x1C00, s21;
	v27 =	vadd.f32 v52, v27;
	v56 =	vld.idx.msk [tilespmem:v3+s29+$0x800 ss:$0x1], $0xffff;
	[tilespmem:s26+$0x10680] =	vst v26;
	v26 =	vadd.f32 v41, v62  }
0x45a: {  	v44 =	vld.idx.msk [tilespmem:v3+s1+$0x2C00 ss:$0x1], $0xffff;
	s0 =	sadd.s32 s24, s30;
	v57 =	vmul.f32 v19, v10;
	v31 =	vadd.f32 v31, v47;
	v36 =	vadd.f32 v36, v54  }
0x45b: {  	v23 =	vmul.f32 v24, v9;
	s19 =	sor.u32 s18, s0;
	v58 =	vadd.f32 v21, v42;
	v53 =	vld.idx.msk [tilespmem:v3+s11+$0x800 ss:$0x1], $0xffff;
	v26 =	vadd.f32 v26, v63  }
0x45c: {  	v61 =	vld [tilespmem:s19+$0x4600];
	v21 =	vmul.f32 v24, v5;
	v45 =	vadd.f32 v27, v45;
	v36 =	vadd.f32 v36, v57  }
0x45d: {  	v52 =	vld [tilespmem:s7+$0x4680];
	v27 =	vmul.f32 v33, v8;
	v43 =	vadd.f32 v58, v43;
	[tilespmem:s9+$0x10700] =	vst v26;
	v26 =	vmul.f32 v24, v11  }
0x45e: {  	[tilespmem:s7+$0x10600] =	vst v36;
	v63 =	vmul.f32 v40, v7;
	v37 =	vadd.f32 v56, v55;
	v59 =	vld.idx.msk [tilespmem:v3+s13+$0x800 ss:$0x1], $0xffff  }
0x45f: {  	v62 =	vmul.f32 v33, v7;
	v57 =	vmul.f32 v49, v10;
	v36 =	vld.idx.msk [tilespmem:v3+s8+$0x800 ss:$0x1], $0xffff;
	v31 =	vadd.f32 v31, v26  }
0x460: {  	v39 =	vld [tilespmem:s28+$0x4680];
	[tilespmem:s23+$0x10700] =	vst v45;
	v34 =	vadd.f32 v53, v34;
	v53 =	vmul.f32 v51, v10;
	v37 =	vadd.f32 v37, v63  }
0x461: {  	v42 =	vld.idx.msk [tilespmem:v3+s2+$0x2C00 ss:$0x1], $0xffff;
	v24 =	vmul.f32 v33, v6;
	[tilespmem:s25+$0x10680] =	vst v31;
	v31 =	vadd.f32 v44, v61  }
0x462: {  	v38 =	vld [tilespmem:s19+$0x4680];
	[tilespmem:s3+$0x10780] =	vst v43;
	v26 =	vmul.f32 v33, v4;
	v34 =	vadd.f32 v34, v48;
	v37 =	vadd.f32 v37, v53  }
0x463: {  	v33 =	vmul.f32 v40, v8;
	v56 =	vld.idx.msk [tilespmem:v3+s6+$0x2C00 ss:$0x1], $0xffff;
	v41 =	vadd.f32 v59, v60;
	v58 =	vadd.f32 v31, v62  }
0x464: {  	v36 =	vadd.f32 v36, v52;
	v34 =	vadd.f32 v34, v50;
	[tilespmem:s28+$0x10600] =	vst v37;
	v31 =	vld [tilespmem:s28+$0x4700];
	v59 =	vmul.f32 v16, v8  }
0x465: {  	v60 =	vmul.f32 v29, v5;
	v45 =	vld.idx.msk [tilespmem:v3+s29+$0x800 ss:$0x1], $0xffff;
	v41 =	vadd.f32 v41, v28;
	v47 =	vadd.f32 v58, v57  }
0x466: {  	v61 =	vmul.f32 v19, v11;
	[tilespmem:s26+$0x10700] =	vst v34;
	v34 =	vmul.f32 v40, v4;
	v40 =	vld [tilespmem:s19+$0x4780];
	v36 =	vadd.f32 v36, v59  }
0x467: {  	v13 =	vmul.f32 v13, v4;
	v43 =	vld.idx.msk [tilespmem:v3+s11+$0x800 ss:$0x1], $0xffff;
	v41 =	vadd.f32 v41, v60;
	[tilespmem:s19+$0x10600] =	vst v47  }
0x468: {  	v44 =	vmul.f32 v49, v9;
	v62 =	vadd.f32 v36, v61;
	v63 =	vadd.f32 v56, v30;
	v46 =	vld.idx.msk [tilespmem:v3+s1+$0x2C00 ss:$0x1], $0xffff  }
0x469: {  	s5 =	simm.s32 $0x480;
	v37 =	vmul.f32 v49, v11;
	v29 =	vmul.f32 v51, v9;
	[tilespmem:s9+$0x10780] =	vst v41;
	v41 =	vld [tilespmem:s28+$0x4780]  }
0x46a: {  	s2 =	simm.s32 $0x6;
	s3 =	simm.s32 $0x120;
	v28 =	vld [tilespmem:s19+$0x4700];
	v30 =	vmul.f32 v51, v5;
	v36 =	vmul.f32 v49, v5;
	[tilespmem:s7+$0x10680] =	vst v62;
	s9 =	simm.s32 $0x12B0;
	v35 =	vadd.f32 v63, v35  }
.LBB2_19:
0x46b: {  	s0 =	sadd.s32 $0xFFFFEE00, s9;
	s4 =	sand.u32 $0x70, s9;
	v47 =	vld.idx.msk [tilespmem:v3+s8+$0x800 ss:$0x1], $0xffff;
	s15 =	sadd.s32 $0x30, s15;
	v42 =	vadd.f32 v42, v12;
	v12 =	vmov v18  }
0x46c: {  	s10 =	sadd.s32 $0x100, s5;
	s11 =	sadd.s32 $0x2440, s3;
	s2 =	sadd.s32 $0x3, s2;
	v18 =	vadd.f32 v45, v39;
	v39 =	vld [tilespmem:s7+$0x4700];
	v35 =	vadd.f32 v35, v23;
	v23 =	vmov v44  }
0x46d: {  	s10 =	sand.u32 $0x3C00, s10;
	s11 =	sand.u32 $0x2F00, s11;
	p1 =	slt.u32 s2, $0x2D;
	v43 =	vadd.f32 v43, v14;
	v44 =	vld [tilespmem:s15+$0x0];
	v42 =	vadd.f32 v42, v13;
	v13 =	vmovc v17;
	v17 =	vmov v26  }
0x46e: {  	s0 =	sand.u32 $0x70, s0;
	s10 =	sadd.s32 s24, s10;
	s14 =	sor.u32 s4, s11;
	v26 =	vadd.f32 v46, v38;
	v46 =	vadd.f32 v18, v33;
	v45 =	vld [tilespmem:s15+$0x20];
	[tilespmem:s25+$0x10700] =	vst v35;
	v14 =	vmov v41  }
0x46f: {  	s12 =	sadd.s32 $0xFFFFFFF0, s9;
	s4 =	sadd.s32 $0x80, s5;
	s11 =	sor.u32 s0, s10;
	v35 =	vadd.f32 v43, v20;
	v20 =	vmovc v34;
	v33 =	vld.idx.msk [tilespmem:v3+s14+$0x800 ss:$0x1], $0xffff;
	v38 =	vadd.f32 v42, v15;
	v15 =	vmov v21  }
0x470: {  	s10 =	sadd.s32 $0xFFFFEDE0, s9;
	s0 =	sand.u32 $0x3C00, s4;
	s4 =	sadd.s32 $0x2420, s3;
	v26 =	vadd.f32 v26, v27;
	v32 =	vadd.f32 v46, v32;
	v21 =	vmovc v36;
	v18 =	vmov v40;
	v34 =	vld [tilespmem:s11+$0x4600]  }
0x471: {  	s13 =	sand.u32 $0x1C00, s5;
	s17 =	sadd.s32 $0xFFFFEDF0, s9;
	s16 =	sand.u32 $0x70, s10;
	v40 =	vmul.f32 v16, v6;
	v42 =	vadd.f32 v35, v22;
	v36 =	vld [tilespmem:s15+$0x10];
	v39 =	vadd.f32 v47, v39;
	[tilespmem:s23+$0x10780] =	vst v38  }
0x472: {  	s12 =	sand.u32 $0x70, s12;
	s18 =	sadd.s32 s24, s0;
	s4 =	sand.u32 $0x2F00, s4;
	v37 =	vadd.f32 v26, v37;
	v35 =	vmul.f32 v44, v7;
	v27 =	vmul.f32 v44, v8;
	v41 =	vld [tilespmem:s15+$0x320];
	[tilespmem:s28+$0x10680] =	vst v32  }
0x473: {  	s20 =	sadd.s32 s24, s13;
	s13 =	sand.u32 $0x70, s17;
	s0 =	sand.u32 $0x700, s3;
	v47 =	vmul.f32 v44, v6;
	v38 =	vld [tilespmem:s15+$0x310];
	v32 =	vadd.f32 v39, v40;
	v39 =	vmul.f32 v19, v9;
	[tilespmem:s26+$0x10780] =	vst v42  }
0x474: {  	s0 =	sor.u32 s16, s0;
	s17 =	sor.u32 s13, s18;
	s13 =	sor.u32 s12, s4;
	v22 =	vmov v30;
	v26 =	vmul.f32 v44, v4;
	[tilespmem:s19+$0x10680] =	vst v37;
	v37 =	vld.idx.msk [tilespmem:v3+s29+$0x800 ss:$0x1], $0xffff  }
0x475: {  	s4 =	sand.u32 $0x3F0, s10;
	s10 =	sor.u32 s16, s20;
	s26 =	smov.u32 s28;
	v40 =	vld.idx.msk [tilespmem:v3+s0+$0x2C00 ss:$0x1], $0xffff;
	v30 =	vadd.f32 v33, v34;
	v34 =	vmul.f32 v45, v7;
	v32 =	vadd.f32 v32, v39  }
0x476: {  	s23 =	smov.u32 s25;
	s25 =	smov.u32 s19;
	s28 =	smov.u32 s17;
	v39 =	vld [tilespmem:s17+$0x4600];
	v42 =	vmul.f32 v36, v7;
	v33 =	vmul.f32 v36, v8  }
0x477: {  	s19 =	smov.u32 s10;
	v43 =	vld.idx.msk [tilespmem:v3+s13+$0x800 ss:$0x1], $0xffff;
	v30 =	vadd.f32 v30, v34;
	v34 =	vmul.f32 v41, v10;
	[tilespmem:s7+$0x10700] =	vst v32  }
0x478: {  	v44 =	vmul.f32 v38, v10;
	v32 =	vmul.f32 v38, v11;
	v46 =	vld.idx.msk [tilespmem:v3+s8+$0x800 ss:$0x1], $0xffff;
	s8 =	smov.u32 s14  }
0x479: {  	v48 =	vmul.f32 v36, v6;
	v49 =	vmul.f32 v38, v9;
	v50 =	vadd.f32 v30, v34;
	v51 =	vld [tilespmem:s7+$0x4780]  }
0x47a: {  	v34 =	vmul.f32 v36, v4;
	v30 =	vmul.f32 v38, v5;
	v31 =	vadd.f32 v37, v31;
	v52 =	vld [tilespmem:s19+$0x4600]  }
0x47b: {  	v36 =	vld [tilespmem:s4+$0x4300];
	[tilespmem:s11+$0x10600] =	vst v50  }
0x47c: {  	v31 =	vadd.f32 v31, v25;
	v25 =	vmov v48;
	v50 =	vld.idx.msk [tilespmem:v3+s8+$0x800 ss:$0x1], $0xffff  }
0x47d: {  	v37 =	vadd.f32 v43, v39;
	v43 =	vld [tilespmem:s11+$0x4680]  }
0x47e: {  	v48 =	vadd.f32 v31, v29;
	v39 =	vld [tilespmem:s28+$0x4680];
	v31 =	vadd.f32 v46, v51;
	v46 =	vmul.f32 v16, v4;
	v16 =	vmovc v45  }
0x47f: {  	v29 =	vmov v49;
	v42 =	vadd.f32 v37, v42;
	v40 =	vadd.f32 v40, v52;
	v38 =	vld [tilespmem:s19+$0x4680]  }
0x480: {  	v51 =	vmul.f32 v19, v5;
	v45 =	vmul.f32 v36, v10;
	v49 =	vld.idx.msk [tilespmem:v3+s1+$0x2C00 ss:$0x1], $0xffff;
	v46 =	vadd.f32 v31, v46  }
0x481: {  	v37 =	vmul.f32 v36, v11;
	v35 =	vadd.f32 v40, v35;
	v40 =	vadd.f32 v42, v44;
	v31 =	vld [tilespmem:s28+$0x4700];
	[tilespmem:s26+$0x10700] =	vst v48  }
0x482: {  	v19 =	vmovc v41;
	v48 =	vld [tilespmem:s19+$0x4700];
	v43 =	vadd.f32 v50, v43;
	v50 =	vmul.f32 v16, v8;
	v46 =	vadd.f32 v46, v51  }
0x483: {  	v44 =	vmul.f32 v36, v9;
	v35 =	vadd.f32 v35, v45;
	[tilespmem:s28+$0x10600] =	vst v40;
	v42 =	vld.idx.msk [tilespmem:v3+s6+$0x2C00 ss:$0x1], $0xffff;
	s6 =	smov.u32 s1;
	s1 =	smov.u32 s0  }
.Ltmp12:
0x484: {  	v41 =	vmul.f32 v19, v11;
	v45 =	vld.idx.msk [tilespmem:v3+s13+$0x800 ss:$0x1], $0xffff;
	v40 =	vadd.f32 v43, v50;
	[tilespmem:s7+$0x10780] =	vst v46;
	s7 =	smov.u32 s11;
	(pc) =	sbr.rel @p1 .LBB2_19-.Ltmp12, $4  }
0x485: {  	v36 =	vmul.f32 v36, v5;
	[tilespmem:s19+$0x10600] =	vst v35;
	v43 =	vld.idx.msk [tilespmem:v3+s29+$0x800 ss:$0x1], $0xffff;
	s29 =	smov.u32 s13  }
0x486: {  	v49 =	vadd.f32 v49, v28;
	v46 =	vld.idx.msk [tilespmem:v3+s1+$0x2C00 ss:$0x1], $0xffff;
	v35 =	vadd.f32 v40, v41  }
0x487: {  	v41 =	vld [tilespmem:s28+$0x4780];
	v28 =	vmov v48  }
0x488: {  	s5 =	sadd.s32 $0x180, s5;
	s9 =	sadd.s32 $0x30, s9;
	s3 =	sadd.s32 $0x60, s3;
	v40 =	vld [tilespmem:s19+$0x4780];
	[tilespmem:s7+$0x10680] =	vst v35;
	v35 =	vadd.f32 v49, v24;
	v24 =	vmov v47  }
0x489: {  	_ = 	snop  }
0x48a: {  	v7 =	vadd.f32 v45, v39  }
0x48b: {  	v8 =	vadd.f32 v46, v38  }
0x48c: {  	v7 =	vadd.f32 v7, v33  }
0x48d: {  	v10 =	vld.idx.msk [tilespmem:v3+s8+$0x800 ss:$0x1], $0xffff;
	v8 =	vadd.f32 v8, v27  }
0x48e: {  	v11 =	vld [tilespmem:s7+$0x4700];
	v7 =	vadd.f32 v7, v32  }
0x48f: {  	v8 =	vadd.f32 v8, v37  }
0x490: {  	[tilespmem:s28+$0x10680] =	vst v7  }
0x491: {  	v7 =	vld.idx.msk [tilespmem:v3+s29+$0x800 ss:$0x1], $0xffff;
	[tilespmem:s19+$0x10680] =	vst v8  }
0x492: {  	v8 =	vld.idx.msk [tilespmem:v3+s1+$0x2C00 ss:$0x1], $0xffff  }
0x493: {  	v6 =	vmul.f32 v16, v6;
	v10 =	vadd.f32 v10, v11;
	_ =	sdelay $0x1  }
0x494: {  	v9 =	vmul.f32 v19, v9;
	v6 =	vadd.f32 v10, v6  }
0x495: {  	v7 =	vadd.f32 v7, v31  }
0x496: {  	v6 =	vadd.f32 v6, v9;
	v8 =	vadd.f32 v8, v28  }
0x497: {  	v9 =	vadd.f32 v35, v23;
	v7 =	vadd.f32 v7, v25  }
0x498: {  	[tilespmem:s7+$0x10700] =	vst v6;
	v6 =	vadd.f32 v8, v24  }
0x499: {  	[tilespmem:s25+$0x10700] =	vst v9;
	v9 =	vld [tilespmem:s7+$0x4780];
	v7 =	vadd.f32 v7, v29  }
0x49a: {  	v8 =	vld.idx.msk [tilespmem:v3+s8+$0x800 ss:$0x1], $0xffff;
	v6 =	vadd.f32 v6, v44  }
0x49b: {  	v11 =	vadd.f32 v43, v14;
	v10 =	vadd.f32 v42, v12;
	[tilespmem:s28+$0x10700] =	vst v7;
	v7 =	vld.idx.msk [tilespmem:v3+s6+$0x2C00 ss:$0x1], $0xffff  }
0x49c: {  	v12 =	vld.idx.msk [tilespmem:v3+s29+$0x800 ss:$0x1], $0xffff;
	[tilespmem:s19+$0x10700] =	vst v6  }
0x49d: {  	v11 =	vadd.f32 v11, v20;
	v6 =	vadd.f32 v10, v13;
	v10 =	vld.idx.msk [tilespmem:v3+s1+$0x2C00 ss:$0x1], $0xffff;
	_ =	sdelay $0x1  }
0x49e: {  	v4 =	vmul.f32 v16, v4;
	v8 =	vadd.f32 v8, v9;
	v9 =	vadd.f32 v11, v22  }
0x49f: {  	v6 =	vadd.f32 v6, v15;
	v7 =	vadd.f32 v7, v18  }
0x4a0: {  	v5 =	vmul.f32 v19, v5;
	v4 =	vadd.f32 v8, v4;
	v8 =	vadd.f32 v12, v41  }
0x4a1: {  	v7 =	vadd.f32 v7, v17;
	v10 =	vadd.f32 v10, v40  }
0x4a2: {  	[tilespmem:s26+$0x10780] =	vst v9;
	v4 =	vadd.f32 v4, v5;
	v5 =	vadd.f32 v8, v34  }
0x4a3: {  	[tilespmem:s23+$0x10780] =	vst v6;
	v6 =	vadd.f32 v7, v21;
	v7 =	vadd.f32 v10, v26  }
0x4a4: {  	[tilespmem:s7+$0x10780] =	vst v4;
	v4 =	vadd.f32 v5, v30  }
0x4a5: {  	s2 =	simm.s32 $0x4000;
	s3 =	simm.s32 $0x100;
	[tilespmem:s25+$0x10780] =	vst v6;
	v5 =	vadd.f32 v7, v36  }
0x4a6: {  	s4 =	simm.s32 $0x1520;
	s5 =	simm.s32 $0x2A40;
	s3 =	sand.u32 $0x3C00, s3;
	[tilespmem:s28+$0x10780] =	vst v4  }
0x4a7: {  	s4 =	sand.u32 $0x70, s4;
	s5 =	sand.u32 $0x3F00, s5;
	s8 =	simm.s32 $0x20;
	[tilespmem:s19+$0x10780] =	vst v5  }
0x4a8: {  	s3 =	sadd.s32 s24, s3;
	s9 =	sand.u32 $0x70, s8;
	s1 =	sor.u32 s4, s5;
	v16 =	vld [tilespmem:s2+$0x20]  }
0x4a9: {  	s11 =	sor.u32 s9, s3;
	v10 =	vld.idx.msk [tilespmem:v3+s1+$0x800 ss:$0x1], $0xffff  }
0x4aa: {  	s10 =	simm.s32 $0x80;
	s12 =	simm.s32 $0x1510;
	v12 =	vld [tilespmem:s11+$0x4800]  }
0x4ab: {  	s13 =	simm.s32 $0x2A20;
	s14 =	simm.s32 $0x10;
	s3 =	sand.u32 $0x3C00, s10;
	v19 =	vld [tilespmem:s2+$0x320]  }
0x4ac: {  	s6 =	sand.u32 $0x3F00, s13;
	s3 =	sadd.s32 s24, s3;
	s4 =	sand.u32 $0x70, s12;
	v13 =	vld [tilespmem:s2+$0x0]  }
0x4ad: {  	s5 =	simm.s32 $0x0;
	s16 =	sor.u32 s4, s6;
	s7 =	sand.u32 $0x70, s14;
	v14 =	vld [tilespmem:s2+$0x10]  }
0x4ae: {  	s15 =	sand.u32 $0x1C00, s5;
	s23 =	sor.u32 s7, s3;
	v15 =	vld.idx.msk [tilespmem:v3+s16+$0x800 ss:$0x1], $0xffff  }
0x4af: {  	s17 =	sand.u32 $0x70, s5;
	s3 =	sadd.s32 s24, s15;
	v20 =	vld [tilespmem:s23+$0x4800]  }
0x4b0: {  	s9 =	sor.u32 s17, s3;
	v17 =	vld [tilespmem:s2+$0x310]  }
0x4b1: {  	s19 =	sand.u32 $0x3F0, s5;
	v21 =	vld [tilespmem:s9+$0x4800]  }
0x4b2: {  	v18 =	vld [tilespmem:s19+$0x4300]  }
0x4b3: {  	s20 =	simm.s32 $0x4030;
	v27 =	vld [tilespmem:s9+$0x4880]  }
0x4b4: {  	s0 =	rddreg [dreg:$0x14];
	v28 =	vld [tilespmem:s20+$0x20]  }
0x4b5: {  	v30 =	vld [tilespmem:s20+$0x320];
	s0 =	sor.u32 $0x3700, s0  }
0x4b6: {  	v6 =	vld [tilespmem:s0+$0x800]  }
0x4b7: {  	v31 =	vld [tilespmem:s11+$0x4900]  }
0x4b8: {  	s18 =	sand.u32 $0x700, s5;
	v9 =	vld [tilespmem:s0+$0x810]  }
0x4b9: {  	s2 =	sor.u32 s17, s18;
	v32 =	vld [tilespmem:s20+$0x0]  }
0x4ba: {  	v22 =	vld.idx.msk [tilespmem:v3+s2+$0x3200 ss:$0x1], $0xffff  }
0x4bb: {  	v7 =	vld [tilespmem:s0+$0x820];
	v10 =	vadd.f32 v10, v12;
	v12 =	vmul.f32 v16, v6  }
0x4bc: {  	v5 =	vld [tilespmem:s0+$0x840]  }
0x4bd: {  	s21 =	simm.s32 $0x50;
	s30 =	simm.s32 $0x2AA0;
	s10 =	simm.s32 $0x2A80;
	v4 =	vld [tilespmem:s0+$0x860];
	v10 =	vadd.f32 v10, v12;
	v12 =	vmul.f32 v19, v9  }
0x4be: {  	s31 =	simm.s32 $0x60;
	s8 =	sand.u32 $0x3F00, s30;
	s10 =	sand.u32 $0x3F00, s10;
	v11 =	vld [tilespmem:s0+$0x830];
	v15 =	vadd.f32 v15, v20;
	v23 =	vmul.f32 v14, v6  }
0x4bf: {  	s4 =	sand.u32 $0x70, s21;
	s26 =	simm.s32 $0x1550;
	s25 =	simm.s32 $0x280;
	v8 =	vld [tilespmem:s0+$0x850];
	v12 =	vadd.f32 v10, v12  }
0x4c0: {  	s14 =	simm.s32 $0x30;
	s7 =	sand.u32 $0x70, s26;
	s6 =	sand.u32 $0x3C00, s25;
	v15 =	vadd.f32 v15, v23;
	v23 =	vld [tilespmem:s11+$0x4880]  }
0x4c1: {  	s15 =	simm.s32 $0x180;
	s21 =	sor.u32 s7, s8;
	s6 =	sadd.s32 s24, s6;
	v10 =	vld [tilespmem:s0+$0x870];
	[tilespmem:s11+$0x10800] =	vst v12  }
0x4c2: {  	s13 =	sor.u32 s4, s6;
	s6 =	sand.u32 $0x1C00, s15;
	s4 =	sand.u32 $0x700, s31;
	v12 =	vld.idx.msk [tilespmem:v3+s1+$0x800 ss:$0x1], $0xffff  }
0x4c3: {  	s17 =	simm.s32 $0x200;
	s18 =	simm.s32 $0x1540;
	v26 =	vld [tilespmem:s20+$0x10];
	s19 =	sand.u32 $0x70, s14;
	v21 =	vadd.f32 v22, v21;
	v20 =	vmul.f32 v17, v9;
	v24 =	vmul.f32 v13, v6  }
0x4c4: {  	v25 =	vld [tilespmem:s20+$0x310];
	s20 =	sadd.s32 s24, s6;
	s8 =	sand.u32 $0x70, s18;
	s6 =	sor.u32 s19, s4  }
0x4c5: {  	s12 =	simm.s32 $0x40;
	s7 =	sand.u32 $0x3C00, s17;
	s26 =	sor.u32 s8, s10;
	v52 =	vld.idx.msk [tilespmem:v3+s6+$0x3200 ss:$0x1], $0xffff;
	v15 =	vadd.f32 v15, v20;
	v20 =	vadd.f32 v21, v24;
	v21 =	vmul.f32 v18, v9  }
0x4c6: {  	s12 =	sand.u32 $0x70, s12;
	s7 =	sadd.s32 s24, s7;
	v49 =	vld.idx.msk [tilespmem:v3+s26+$0x800 ss:$0x1], $0xffff  }
0x4c7: {  	v56 =	vld [tilespmem:s13+$0x4880];
	s25 =	sor.u32 s12, s7;
	v24 =	vmul.f32 v16, v7;
	[tilespmem:s23+$0x10800] =	vst v15;
	v15 =	vadd.f32 v20, v21;
	v12 =	vadd.f32 v12, v23  }
0x4c8: {  	v50 =	vld [tilespmem:s25+$0x4800]  }
0x4c9: {  	v36 =	vld [tilespmem:s25+$0x4880];
	[tilespmem:s9+$0x10800] =	vst v15;
	v15 =	vmul.f32 v19, v11;
	v12 =	vadd.f32 v12, v24  }
0x4ca: {  	v22 =	vld [tilespmem:s23+$0x4880]  }
0x4cb: {  	v21 =	vld.idx.msk [tilespmem:v3+s16+$0x800 ss:$0x1], $0xffff;
	v12 =	vadd.f32 v12, v15  }
0x4cc: {  	v15 =	vld.idx.msk [tilespmem:v3+s21+$0x800 ss:$0x1], $0xffff  }
0x4cd: {  	[tilespmem:s11+$0x10880] =	vst v12;
	v12 =	vld [tilespmem:s13+$0x4800]  }
0x4ce: {  	s15 =	simm.s32 $0x2B00;
	s10 =	simm.s32 $0x400;
	s12 =	simm.s32 $0x1580;
	v38 =	vld [tilespmem:s25+$0x4900]  }
0x4cf: {  	s4 =	sand.u32 $0x3C00, s10;
	s10 =	sand.u32 $0x3F00, s15;
	s7 =	sand.u32 $0x70, s12;
	v29 =	vld.idx.msk [tilespmem:v3+s2+$0x3200 ss:$0x1], $0xffff  }
0x4d0: {  	s15 =	sor.u32 s7, s10;
	v24 =	vld.idx.msk [tilespmem:v3+s1+$0x800 ss:$0x1], $0xffff  }
0x4d1: {  	v63 =	vld.idx.msk [tilespmem:v3+s15+$0x800 ss:$0x1], $0xffff;
	v51 =	vmul.f32 v14, v7;
	s0 =	simm.s32 $0x4060  }
0x4d2: {  	v44 =	vld [tilespmem:s0+$0x0];
	v21 =	vadd.f32 v21, v22;
	v12 =	vadd.f32 v15, v12;
	v15 =	vmul.f32 v28, v6  }
0x4d3: {  	v53 =	vmul.f32 v13, v7;
	v54 =	vmul.f32 v17, v11;
	v33 =	vadd.f32 v49, v50;
	v49 =	vld [tilespmem:s0+$0x10]  }
0x4d4: {  	v20 =	vld [tilespmem:s23+$0x4900];
	v21 =	vadd.f32 v21, v51;
	v12 =	vadd.f32 v12, v15;
	v15 =	vmul.f32 v30, v9  }
0x4d5: {  	s8 =	sor.u32 s19, s20;
	v23 =	vld [tilespmem:s9+$0x4900];
	v27 =	vadd.f32 v29, v27;
	v24 =	vadd.f32 v24, v31;
	v31 =	vmul.f32 v16, v5  }
0x4d6: {  	v22 =	vld [tilespmem:s8+$0x4800];
	v21 =	vadd.f32 v21, v54;
	v12 =	vadd.f32 v12, v15  }
0x4d7: {  	s30 =	sand.u32 $0x3F0, s14;
	v27 =	vadd.f32 v27, v53;
	v53 =	vld [tilespmem:s0+$0x310];
	v15 =	vadd.f32 v24, v31;
	v31 =	vmul.f32 v19, v8  }
0x4d8: {  	v55 =	vmul.f32 v26, v6;
	v24 =	vld [tilespmem:s30+$0x4300];
	[tilespmem:s13+$0x10800] =	vst v12  }
0x4d9: {  	[tilespmem:s23+$0x10880] =	vst v21;
	v15 =	vadd.f32 v15, v31;
	v31 =	vmul.f32 v18, v11;
	v29 =	vld.idx.msk [tilespmem:v3+s21+$0x800 ss:$0x1], $0xffff  }
0x4da: {  	s31 =	simm.s32 $0x80;
	v57 =	vmul.f32 v32, v6;
	v33 =	vadd.f32 v33, v55;
	v60 =	vld.idx.msk [tilespmem:v3+s16+$0x800 ss:$0x1], $0xffff  }
0x4db: {  	s17 =	simm.s32 $0x300;
	s18 =	simm.s32 $0x60;
	s19 =	simm.s32 $0x380;
	v22 =	vadd.f32 v52, v22;
	[tilespmem:s11+$0x10900] =	vst v15;
	v15 =	vmul.f32 v25, v9;
	v27 =	vadd.f32 v27, v31;
	v31 =	vld [tilespmem:s11+$0x4980]  }
0x4dc: {  	s4 =	sadd.s32 s24, s4;
	v59 =	vmul.f32 v28, v7;
	s30 =	simm.s32 $0x1570;
	v58 =	vld.idx.msk [tilespmem:v3+s1+$0x800 ss:$0x1], $0xffff;
	s1 =	sand.u32 $0x70, s31  }
0x4dd: {  	v21 =	vadd.f32 v22, v57;
	v22 =	vmul.f32 v24, v9;
	v15 =	vadd.f32 v33, v15;
	[tilespmem:s9+$0x10880] =	vst v27;
	v27 =	vld [tilespmem:s8+$0x4880];
	s7 =	sor.u32 s1, s4;
	s4 =	sand.u32 $0x1C00, s17;
	s17 =	simm.s32 $0x2AE0  }
0x4de: {  	v41 =	vmul.f32 v13, v5;
	v13 =	vmul.f32 v13, v4;
	s12 =	sand.u32 $0x70, s30;
	s1 =	simm.s32 $0xC0;
	v61 =	vld.idx.msk [tilespmem:v3+s2+$0x3200 ss:$0x1], $0xffff;
	s17 =	sand.u32 $0x3F00, s17;
	v29 =	vadd.f32 v29, v56  }
0x4df: {  	v62 =	vmul.f32 v16, v4;
	v47 =	vmul.f32 v32, v7;
	v48 =	vld [tilespmem:s7+$0x4800];
	[tilespmem:s25+$0x10800] =	vst v15;
	v15 =	vadd.f32 v21, v22;
	s29 =	sor.u32 s12, s17;
	s12 =	sadd.s32 s24, s4;
	s17 =	sand.u32 $0x70, s18  }
0x4e0: {  	s10 =	sand.u32 $0x3C00, s19;
	s19 =	sand.u32 $0x700, s1;
	v22 =	vmul.f32 v30, v11;
	v56 =	vmul.f32 v19, v10;
	v19 =	vld [tilespmem:s0+$0x320];
	s1 =	sor.u32 s17, s12;
	v21 =	vadd.f32 v29, v59  }
0x4e1: {  	v39 =	vmul.f32 v32, v5;
	v16 =	vmul.f32 v32, v4;
	[tilespmem:s8+$0x10800] =	vst v15;
	v32 =	vld [tilespmem:s1+$0x4800]  }
0x4e2: {  	v42 =	vmul.f32 v14, v5;
	v43 =	vmul.f32 v17, v8;
	v40 =	vld.idx.msk [tilespmem:v3+s6+$0x3200 ss:$0x1], $0xffff;
	v15 =	vadd.f32 v21, v22  }
0x4e3: {  	v45 =	vmul.f32 v18, v8;
	v37 =	vmul.f32 v26, v7;
	s19 =	sor.u32 s17, s19;
	v22 =	vld [tilespmem:s13+$0x4900]  }
0x4e4: {  	v50 =	vmul.f32 v28, v5;
	v46 =	vadd.f32 v63, v48;
	v63 =	vld.idx.msk [tilespmem:v3+s19+$0x3200 ss:$0x1], $0xffff;
	[tilespmem:s13+$0x10880] =	vst v15  }
0x4e5: {  	v51 =	vmul.f32 v25, v11;
	v52 =	vmul.f32 v26, v5;
	s31 =	simm.s32 $0x70;
	v31 =	vadd.f32 v58, v31;
	v21 =	vld.idx.msk [tilespmem:v3+s21+$0x800 ss:$0x1], $0xffff  }
0x4e6: {  	s10 =	sadd.s32 s24, s10;
	v57 =	vadd.f32 v60, v20;
	v15 =	vmul.f32 v14, v4;
	v14 =	vmul.f32 v17, v10;
	v17 =	vld [tilespmem:s0+$0x20];
	s0 =	sand.u32 $0x70, s31  }
0x4e7: {  	v20 =	vmul.f32 v26, v4;
	v60 =	vld.idx.msk [tilespmem:v3+s29+$0x800 ss:$0x1], $0xffff;
	v31 =	vadd.f32 v31, v62;
	v26 =	vadd.f32 v61, v23;
	s28 =	sor.u32 s0, s10  }
0x4e8: {  	v18 =	vmul.f32 v18, v10;
	v59 =	vmul.f32 v30, v8;
	v61 =	vld [tilespmem:s28+$0x4800];
	v27 =	vadd.f32 v40, v27  }
0x4e9: {  	v29 =	vld.idx.msk [tilespmem:v3+s26+$0x800 ss:$0x1], $0xffff;
	v30 =	vmul.f32 v30, v10;
	v31 =	vadd.f32 v31, v56;
	v26 =	vadd.f32 v26, v41  }
0x4ea: {  	v12 =	vld [tilespmem:s23+$0x4980];
	v56 =	vmul.f32 v24, v11;
	v27 =	vadd.f32 v27, v47;
	v22 =	vadd.f32 v21, v22  }
0x4eb: {  	v33 =	vld [tilespmem:s8+$0x4900];
	v45 =	vadd.f32 v26, v45;
	v32 =	vadd.f32 v63, v32;
	v62 =	vmul.f32 v17, v6  }
0x4ec: {  	v23 =	vmul.f32 v25, v10;
	v40 =	vld [tilespmem:s1+$0x4880];
	v26 =	vadd.f32 v27, v56;
	v58 =	vadd.f32 v22, v50  }
0x4ed: {  	v55 =	vmul.f32 v19, v9;
	v63 =	vld [tilespmem:s7+$0x4880];
	v54 =	vadd.f32 v46, v62;
	v35 =	vadd.f32 v60, v61  }
0x4ee: {  	s30 =	sand.u32 $0x3F0, s18;
	[tilespmem:s11+$0x10980] =	vst v31;
	v47 =	vld [tilespmem:s28+$0x4880];
	v22 =	vmul.f32 v25, v8;
	v25 =	vadd.f32 v29, v36;
	v34 =	vadd.f32 v58, v59  }
0x4ef: {  	v31 =	vmul.f32 v49, v6;
	[tilespmem:s9+$0x10900] =	vst v45;
	v29 =	vadd.f32 v57, v42;
	v50 =	vld [tilespmem:s30+$0x4300];
	v58 =	vadd.f32 v54, v55  }
0x4f0: {  	v27 =	vmul.f32 v44, v5;
	v61 =	vmul.f32 v53, v9;
	v37 =	vadd.f32 v25, v37;
	v59 =	vld [tilespmem:s13+$0x4980];
	[tilespmem:s13+$0x10900] =	vst v34  }
0x4f1: {  	s3 =	sor.u32 s3, s5;
	v31 =	vadd.f32 v35, v31;
	v29 =	vadd.f32 v29, v43;
	[tilespmem:s7+$0x10800] =	vst v58;
	v57 =	vld.idx.msk [tilespmem:v3+s21+$0x800 ss:$0x1], $0xffff  }
0x4f2: {  	s5 =	sor.u32 $0x380, s3;
	v60 =	vmul.f32 v44, v6;
	[tilespmem:s8+$0x10880] =	vst v26;
	v37 =	vadd.f32 v37, v51;
	v62 =	vld.idx.msk [tilespmem:v3+s15+$0x800 ss:$0x1], $0xffff  }
0x4f3: {  	v45 =	vld [tilespmem:s5+$0x4600];
	v26 =	vmul.f32 v44, v4;
	v36 =	vmul.f32 v49, v7;
	[tilespmem:s23+$0x10900] =	vst v29;
	v29 =	vadd.f32 v31, v61  }
0x4f4: {  	v31 =	vadd.f32 v32, v60;
	v32 =	vmul.f32 v44, v7;
	v44 =	vld.idx.msk [tilespmem:v3+s6+$0x3200 ss:$0x1], $0xffff;
	[tilespmem:s25+$0x10880] =	vst v37  }
0x4f5: {  	v35 =	vmul.f32 v53, v11;
	v54 =	vmul.f32 v50, v9;
	v55 =	vld.idx.msk [tilespmem:v3+s26+$0x800 ss:$0x1], $0xffff  }
0x4f6: {  	v21 =	vld [tilespmem:s25+$0x4980];
	v25 =	vmul.f32 v24, v8;
	[tilespmem:s28+$0x10800] =	vst v29;
	v56 =	vadd.f32 v57, v59;
	v57 =	vmul.f32 v28, v4  }
0x4f7: {  	v31 =	vadd.f32 v31, v54;
	v58 =	vld.idx.msk [tilespmem:v3+s29+$0x800 ss:$0x1], $0xffff;
	v34 =	vadd.f32 v62, v63;
	v59 =	vmul.f32 v17, v7  }
0x4f8: {  	v24 =	vmul.f32 v24, v10;
	v61 =	vmul.f32 v19, v11;
	v42 =	vld.idx.msk [tilespmem:v3+s16+$0x800 ss:$0x1], $0xffff;
	v41 =	vadd.f32 v56, v57  }
0x4f9: {  	v43 =	vmul.f32 v50, v8;
	v29 =	vld [tilespmem:s28+$0x4900];
	[tilespmem:s1+$0x10800] =	vst v31;
	v54 =	vadd.f32 v44, v33;
	v60 =	vadd.f32 v34, v59  }
0x4fa: {  	s31 =	sor.u32 s20, s14;
	v37 =	vmul.f32 v53, v8;
	v46 =	vld.idx.msk [tilespmem:v3+s19+$0x3200 ss:$0x1], $0xffff;
	v62 =	vadd.f32 v55, v38;
	v41 =	vadd.f32 v41, v30  }
0x4fb: {  	s14 =	simm.s32 $0x90;
	s3 =	sor.u32 $0x380, s31;
	v44 =	vld.idx.msk [tilespmem:v3+s2+$0x3200 ss:$0x1], $0xffff;
	v33 =	vmul.f32 v50, v10;
	v28 =	vmul.f32 v49, v5;
	v63 =	vadd.f32 v60, v61  }
0x4fc: {  	s0 =	sor.u32 s12, s18;
	s11 =	simm.s32 $0x120;
	s9 =	simm.s32 $0x6;
	v31 =	vld [tilespmem:s1+$0x4900];
	v34 =	vmul.f32 v49, v4;
	v48 =	vadd.f32 v58, v47;
	v47 =	vadd.f32 v62, v52;
	[tilespmem:s13+$0x10980] =	vst v41  }
0x4fd: {  	s16 =	simm.s32 $0x4090;
	s2 =	sor.u32 $0x380, s0;
	v39 =	vadd.f32 v54, v39;
	v38 =	vmul.f32 v50, v11;
	v30 =	vmul.f32 v53, v10;
	v41 =	vld [tilespmem:s28+$0x4980];
	[tilespmem:s7+$0x10880] =	vst v63;
	s13 =	simm.s32 $0x480  }
.LBB2_21:
0x4fe: {  	s0 =	sadd.s32 $0x20, s14;
	s4 =	sadd.s32 $0x100, s13;
	s10 =	sadd.s32 $0x1520, s14;
	v36 =	vadd.f32 v48, v36;
	v48 =	vld.idx.msk [tilespmem:v3+s15+$0x800 ss:$0x1], $0xffff;
	v47 =	vadd.f32 v47, v22;
	v22 =	vmov v37  }
0x4ff: {  	s12 =	sadd.s32 $0x2A40, s11;
	s9 =	sadd.s32 $0x3, s9;
	v37 =	vadd.f32 v46, v40;
	s4 =	sand.u32 $0x3C00, s4;
	v40 =	vld [tilespmem:s7+$0x4900];
	v39 =	vadd.f32 v39, v25;
	v25 =	vmov v43  }
0x500: {  	s10 =	sand.u32 $0x70, s10;
	s12 =	sand.u32 $0x3F00, s12;
	p1 =	slt.u32 s9, $0x2D;
	v43 =	vld [tilespmem:s16+$0x0];
	v35 =	vadd.f32 v36, v35;
	[tilespmem:s25+$0x10900] =	vst v47;
	v36 =	vadd.f32 v42, v12;
	v12 =	vmov v21  }
0x501: {  	s17 =	sand.u32 $0x70, s0;
	s4 =	sadd.s32 s24, s4;
	s0 =	sor.u32 s10, s12;
	v32 =	vadd.f32 v37, v32;
	v42 =	vld [tilespmem:s16+$0x20];
	[tilespmem:s8+$0x10900] =	vst v39;
	v37 =	vadd.f32 v44, v45  }
0x502: {  	s10 =	sadd.s32 $0x1510, s14;
	s8 =	sadd.s32 $0x80, s13;
	s20 =	sor.u32 s17, s4;
	v39 =	vld.idx.msk [tilespmem:v3+s0+$0x800 ss:$0x1], $0xffff;
	[tilespmem:s28+$0x10880] =	vst v35;
	v35 =	vadd.f32 v36, v15;
	v15 =	vmovc v20;
	v20 =	vmov v34;
	v21 =	vmov v41  }
0x503: {  	s12 =	sadd.s32 $0x2A20, s11;
	s4 =	sand.u32 $0x1C00, s13;
	s8 =	sand.u32 $0x3C00, s8;
	v36 =	vadd.f32 v32, v38;
	v34 =	vld [tilespmem:s20+$0x4800];
	v37 =	vadd.f32 v37, v13;
	v13 =	vmovc v16;
	v16 =	vmov v26  }
0x504: {  	s17 =	sadd.s32 $0x10, s14;
	s10 =	sand.u32 $0x70, s10;
	s8 =	sadd.s32 s24, s8;
	v38 =	vld [tilespmem:s16+$0x10];
	v26 =	vadd.f32 v48, v40;
	v40 =	vmul.f32 v17, v5;
	v35 =	vadd.f32 v35, v14;
	v14 =	vmovc v23  }
0x505: {  	s18 =	sand.u32 $0x700, s11;
	s12 =	sand.u32 $0x3F00, s12;
	s4 =	sadd.s32 s24, s4;
	v41 =	vmul.f32 v43, v6;
	v32 =	vmul.f32 v43, v7;
	v44 =	vld [tilespmem:s16+$0x320];
	[tilespmem:s1+$0x10880] =	vst v36;
	v46 =	vadd.f32 v37, v18  }
0x506: {  	s30 =	sand.u32 $0x70, s14;
	s17 =	sand.u32 $0x70, s17;
	s21 =	sor.u32 s10, s12;
	v49 =	vmul.f32 v43, v5;
	v37 =	vmul.f32 v19, v8;
	v45 =	vld [tilespmem:s16+$0x310];
	v36 =	vadd.f32 v26, v40;
	[tilespmem:s23+$0x10980] =	vst v35  }
0x507: {  	s18 =	sor.u32 s30, s18;
	s10 =	sor.u32 s30, s4;
	s12 =	sor.u32 s17, s8;
	v23 =	vmovc v30;
	v18 =	vmov v24;
	v24 =	vmov v33;
	v26 =	vmul.f32 v43, v4;
	v40 =	vld.idx.msk [tilespmem:v3+s21+$0x800 ss:$0x1], $0xffff;
	[tilespmem:s5+$0x10600] =	vst v46  }
0x508: {  	s4 =	sor.u32 s4, s14;
	s17 =	sand.u32 $0x3F0, s14;
	s8 =	smov.u32 s1;
	v30 =	vld [tilespmem:s12+$0x4800];
	v33 =	vadd.f32 v39, v34;
	v34 =	vmul.f32 v42, v6;
	v35 =	vadd.f32 v36, v37  }
0x509: {  	s4 =	sor.u32 $0x380, s4;
	s1 =	smov.u32 s10;
	s23 =	smov.u32 s25;
	v39 =	vld [tilespmem:s10+$0x4800];
	v43 =	vmul.f32 v38, v6;
	v36 =	vmul.f32 v38, v7  }
0x50a: {  	s25 =	smov.u32 s28;
	s28 =	smov.u32 s12;
	s5 =	smov.u32 s3;
	v46 =	vld.idx.msk [tilespmem:v3+s18+$0x3200 ss:$0x1], $0xffff;
	v33 =	vadd.f32 v33, v34;
	v34 =	vmul.f32 v44, v9;
	[tilespmem:s7+$0x10900] =	vst v35  }
0x50b: {  	s3 =	smov.u32 s2;
	s2 =	smov.u32 s4;
	v47 =	vmul.f32 v45, v9;
	v35 =	vmul.f32 v45, v11;
	v48 =	vld.idx.msk [tilespmem:v3+s15+$0x800 ss:$0x1], $0xffff;
	s15 =	smov.u32 s0  }
0x50c: {  	v50 =	vmul.f32 v38, v5;
	v37 =	vmul.f32 v45, v8;
	v33 =	vadd.f32 v33, v34;
	v51 =	vld [tilespmem:s7+$0x4980]  }
0x50d: {  	v34 =	vmul.f32 v38, v4;
	v52 =	vld [tilespmem:s17+$0x4300];
	v40 =	vadd.f32 v40, v30;
	v30 =	vmul.f32 v45, v10  }
0x50e: {  	v45 =	vld [tilespmem:s28+$0x4880];
	[tilespmem:s20+$0x10800] =	vst v33  }
0x50f: {  	v33 =	vadd.f32 v40, v43;
	v53 =	vld.idx.msk [tilespmem:v3+s15+$0x800 ss:$0x1], $0xffff  }
0x510: {  	v38 =	vadd.f32 v46, v39;
	v39 =	vld [tilespmem:s20+$0x4880]  }
0x511: {  	v46 =	vmul.f32 v17, v4;
	v17 =	vmovc v42;
	v40 =	vld [tilespmem:s1+$0x4880];
	v33 =	vadd.f32 v33, v47;
	v43 =	vadd.f32 v48, v51  }
0x512: {  	v41 =	vadd.f32 v38, v41;
	v42 =	vmul.f32 v52, v9;
	v38 =	vmul.f32 v52, v11;
	v47 =	vld.idx.msk [tilespmem:v3+s29+$0x800 ss:$0x1], $0xffff  }
0x513: {  	v51 =	vmul.f32 v19, v10;
	v19 =	vmov v44;
	[tilespmem:s28+$0x10800] =	vst v33;
	v48 =	vld.idx.msk [tilespmem:v3+s19+$0x3200 ss:$0x1], $0xffff;
	v46 =	vadd.f32 v43, v46  }
0x514: {  	v43 =	vmul.f32 v52, v8;
	v33 =	vmul.f32 v52, v10;
	v41 =	vadd.f32 v41, v42;
	v52 =	vld.idx.msk [tilespmem:v3+s21+$0x800 ss:$0x1], $0xffff  }
0x515: {  	v42 =	vmul.f32 v17, v7;
	v54 =	vld [tilespmem:s28+$0x4900];
	v39 =	vadd.f32 v53, v39;
	v44 =	vadd.f32 v46, v51  }
0x516: {  	[tilespmem:s1+$0x10800] =	vst v41;
	v51 =	vld [tilespmem:s1+$0x4900]  }
.Ltmp13:
0x517: {  	v41 =	vmul.f32 v19, v11;
	v46 =	vld.idx.msk [tilespmem:v3+s18+$0x3200 ss:$0x1], $0xffff;
	v39 =	vadd.f32 v39, v42;
	[tilespmem:s7+$0x10980] =	vst v44;
	s7 =	smov.u32 s20;
	(pc) =	sbr.rel @p1 .LBB2_21-.Ltmp13, $4  }
0x518: {  	v53 =	vadd.f32 v47, v29;
	v42 =	vld.idx.msk [tilespmem:v3+s26+$0x800 ss:$0x1], $0xffff;
	s26 =	smov.u32 s29;
	s29 =	smov.u32 s21  }
0x519: {  	v55 =	vadd.f32 v48, v31;
	v39 =	vadd.f32 v39, v41;
	v44 =	vld.idx.msk [tilespmem:v3+s6+$0x3200 ss:$0x1], $0xffff;
	s6 =	smov.u32 s19;
	s19 =	smov.u32 s18  }
0x51a: {  	s11 =	sadd.s32 $0x60, s11;
	v48 =	vadd.f32 v52, v45;
	v47 =	vadd.f32 v53, v28;
	v28 =	vmovc v50;
	v45 =	vld [tilespmem:s5+$0x4600];
	v29 =	vmov v54  }
0x51b: {  	s13 =	sadd.s32 $0x180, s13;
	s14 =	sadd.s32 $0x30, s14;
	s16 =	sadd.s32 $0x30, s16;
	v41 =	vld [tilespmem:s28+$0x4980];
	[tilespmem:s7+$0x10880] =	vst v39;
	v39 =	vadd.f32 v55, v27;
	v27 =	vmov v49;
	v31 =	vmov v51  }
0x51c: {  	_ =	sdelay $0x1  }
0x51d: {  	v6 =	vadd.f32 v46, v40  }
0x51e: {  	v9 =	vadd.f32 v48, v36  }
0x51f: {  	v7 =	vld.idx.msk [tilespmem:v3+s15+$0x800 ss:$0x1], $0xffff;
	v6 =	vadd.f32 v6, v32  }
0x520: {  	v11 =	vld [tilespmem:s7+$0x4900];
	v9 =	vadd.f32 v9, v35  }
0x521: {  	v6 =	vadd.f32 v6, v38  }
0x522: {  	[tilespmem:s28+$0x10880] =	vst v9  }
0x523: {  	v38 =	vld.idx.msk [tilespmem:v3+s29+$0x800 ss:$0x1], $0xffff;
	[tilespmem:s1+$0x10880] =	vst v6  }
0x524: {  	v40 =	vld.idx.msk [tilespmem:v3+s19+$0x3200 ss:$0x1], $0xffff  }
0x525: {  	v5 =	vmul.f32 v17, v5;
	v7 =	vadd.f32 v7, v11;
	_ =	sdelay $0x1  }
0x526: {  	v46 =	vmul.f32 v19, v8;
	v47 =	vadd.f32 v47, v22;
	v5 =	vadd.f32 v7, v5  }
0x527: {  	v49 =	vadd.f32 v39, v25;
	v6 =	vadd.f32 v38, v29  }
0x528: {  	[tilespmem:s25+$0x10900] =	vst v47;
	v5 =	vadd.f32 v5, v46;
	v48 =	vadd.f32 v40, v31  }
0x529: {  	v51 =	vld [tilespmem:s7+$0x4980];
	[tilespmem:s8+$0x10900] =	vst v49;
	v6 =	vadd.f32 v6, v28  }
0x52a: {  	v52 =	vld.idx.msk [tilespmem:v3+s26+$0x800 ss:$0x1], $0xffff;
	[tilespmem:s7+$0x10900] =	vst v5;
	v5 =	vadd.f32 v48, v27  }
0x52b: {  	v53 =	vld.idx.msk [tilespmem:v3+s6+$0x3200 ss:$0x1], $0xffff;
	v6 =	vadd.f32 v6, v37  }
0x52c: {  	v12 =	vadd.f32 v42, v12;
	v54 =	vld [tilespmem:s3+$0x4600];
	v5 =	vadd.f32 v5, v43  }
0x52d: {  	v50 =	vld.idx.msk [tilespmem:v3+s15+$0x800 ss:$0x1], $0xffff;
	[tilespmem:s28+$0x10900] =	vst v6  }
0x52e: {  	v12 =	vadd.f32 v12, v15;
	v56 =	vld.idx.msk [tilespmem:v3+s29+$0x800 ss:$0x1], $0xffff;
	[tilespmem:s1+$0x10900] =	vst v5  }
0x52f: {  	v55 =	vadd.f32 v44, v45;
	v8 =	vadd.f32 v52, v21;
	v3 =	vld.idx.msk [tilespmem:v3+s19+$0x3200 ss:$0x1], $0xffff  }
0x530: {  	v12 =	vadd.f32 v12, v14;
	v57 =	vld [tilespmem:s2+$0x4600]  }
0x531: {  	v8 =	vadd.f32 v8, v20;
	v6 =	vadd.f32 v55, v13  }
0x532: {  	v4 =	vmul.f32 v17, v4;
	v59 =	vadd.f32 v53, v54;
	v7 =	vadd.f32 v50, v51  }
0x533: {  	v60 =	vadd.f32 v8, v23;
	v6 =	vadd.f32 v6, v18  }
0x534: {  	v58 =	vmul.f32 v19, v10;
	v4 =	vadd.f32 v7, v4;
	v5 =	vadd.f32 v56, v41  }
0x535: {  	[tilespmem:s23+$0x10980] =	vst v12;
	v7 =	vadd.f32 v59, v16;
	v3 =	vadd.f32 v3, v57  }
0x536: {  	[tilespmem:s25+$0x10980] =	vst v60;
	v4 =	vadd.f32 v4, v58;
	v5 =	vadd.f32 v5, v34  }
0x537: {  	[tilespmem:s5+$0x10600] =	vst v6;
	v61 =	vadd.f32 v7, v24;
	v3 =	vadd.f32 v3, v26  }
0x538: {  	[tilespmem:s7+$0x10980] =	vst v4;
	v5 =	vadd.f32 v5, v30  }
0x539: {  	[tilespmem:s3+$0x10600] =	vst v61;
	v3 =	vadd.f32 v3, v33  }
0x53a: {  	[tilespmem:s28+$0x10980] =	vst v5  }
0x53b: {  	[tilespmem:s2+$0x10600] =	vst v3  }
0x53c: {  	s7 =	rddreg [dreg:$0x14]  }
0x53d: {  	s16 =	sand.u32 $0x3FFFFF80, s7  }
0x53e: {  	v3 =	vld [tilespmem:s16+$0x400];
	_ =	sdelay $0x4  }
0x53f: {  	v62 =	vshrl.u32 v3, $0x3  }
0x540: {  	v4 =	vmul.u32 $0x30, v62  }
0x541: {  	v3 =	vand.u32 $0x7, v3  }
0x542: {  	v3 =	vor.u32 v3, v4  }
0x543: {  	v4 =	vperm.xlane v3, v0;
	_ =	sdelay $0x1  }
0x544: {  	s3 =	rddreg [dreg:$0x15];
	v4 =	vadd.s32 v1, v4  }
0x545: {  	s0 =	smul.u32 $0x18000, s3;
	_ =	sdelay $0x1  }
0x546: {  	s4 =	rddreg [dreg:$0x2];
	s0 =	sshrl.u32 s0, $0x2  }
0x547: {  	s8 =	simm.s32 $0x0;
	s3 =	sadd.s32 $0x5, s3;
	s17 =	sor.u32 $0x10600, s0;
	v3 =	vperm.xlane v3, v2  }
0x548: {  	[hbm4b:s4+s8] =	stream.indirect_vreg.scatter [tilespmem:s17], [sflag:s3], $0x80, v4, vm0, $0xb8;
	[tilespmem:$0x1C600] =	vst v63  }
0x549: {  	s5 =	rddreg [dreg:$0xc];
	s18 =	sor.u32 $0x10E00, s0;
	v3 =	vadd.s32 v1, v3  }
0x54a: {  	[hbm4b:s5+s8] =	stream.indirect_vreg.scatter [tilespmem:s18], [sflag:s3], $0x80, v4, vm0, $0xb8;
	[tilespmem:$0x1C600] =	vst v63  }
0x54b: {  	s20 =	rddreg [dreg:$0xd];
	s19 =	sor.u32 $0x11600, s0  }
0x54c: {  	[hbm4b:s20+s8] =	stream.indirect_vreg.scatter [tilespmem:s19], [sflag:s3], $0x80, v4, vm0, $0xb8;
	[tilespmem:$0x1C600] =	vst v63  }
0x54d: {  	s21 =	sor.u32 $0x11E00, s0  }
0x54e: {  	[hbm4b:s4+s8] =	stream.indirect_vreg.scatter [tilespmem:s21], [sflag:s3], $0x80, v3, vm0, $0xb8;
	[tilespmem:$0x1C600] =	vst v63  }
0x54f: {  	s23 =	sadd.s32 $0x12600, s0  }
0x550: {  	[hbm4b:s5+s8] =	stream.indirect_vreg.scatter [tilespmem:s23], [sflag:s3], $0x80, v3, vm0, $0xb8;
	[tilespmem:$0x1C600] =	vst v63  }
0x551: {  	s24 =	sadd.s32 $0x12E00, s0  }
0x552: {  	[hbm4b:s20+s8] =	stream.indirect_vreg.scatter [tilespmem:s24], [sflag:s3], $0x80, v3, vm0, $0xb8;
	[tilespmem:$0x1C600] =	vst v63  }
0x553: {  	v3 =	vld [tilespmem:s16+$0x410];
	_ =	sdelay $0x4  }
0x554: {  	v63 =	vshrl.u32 v3, $0x3  }
0x555: {  	v4 =	vmul.u32 $0x30, v63  }
0x556: {  	v3 =	vand.u32 $0x7, v3  }
0x557: {  	v3 =	vor.u32 v3, v4  }
0x558: {  	v4 =	vperm.xlane v3, v0;
	_ =	sdelay $0x1  }
0x559: {  	v4 =	vadd.s32 v1, v4;
	_ =	sdelay $0x3  }
0x55a: {  	s25 =	sadd.s32 $0x13600, s0;
	v3 =	vperm.xlane v3, v2  }
0x55b: {  	[hbm4b:s4+s8] =	stream.indirect_vreg.scatter [tilespmem:s25], [sflag:s3], $0x80, v4, vm0, $0xb8;
	[tilespmem:$0x1C600] =	vst v63  }
0x55c: {  	s26 =	sadd.s32 $0x13E00, s0;
	v3 =	vadd.s32 v1, v3  }
0x55d: {  	[hbm4b:s5+s8] =	stream.indirect_vreg.scatter [tilespmem:s26], [sflag:s3], $0x80, v4, vm0, $0xb8;
	[tilespmem:$0x1C600] =	vst v63  }
0x55e: {  	s9 =	rddreg [dreg:$0x11];
	s28 =	sadd.s32 $0x14600, s0  }
0x55f: {  	[hbm4b:s20+s8] =	stream.indirect_vreg.scatter [tilespmem:s28], [sflag:s3], $0x80, v4, vm0, $0xb8;
	[tilespmem:$0x1C600] =	vst v63  }
0x560: {  	p1 =	sgt.u32 s9, $0x5;
	s29 =	sadd.s32 $0x14E00, s0  }
0x561: {  	[hbm4b:s4+s8] =	stream.indirect_vreg.scatter [tilespmem:s29], [sflag:s3], $0x80, v3, vm0, $0xb8;
	[tilespmem:$0x1C600] =	vst v63  }
.Ltmp14:
0x562: {  	_ = 	snop;
	(pc) =	sbr.rel @p1 .LBB2_26-.Ltmp14, $4  }
0x563: {  	s30 =	sadd.s32 $0x15600, s0  }
0x564: {  	[hbm4b:s5+s8] =	stream.indirect_vreg.scatter [tilespmem:s30], [sflag:s3], $0x80, v3, vm0, $0xb8;
	[tilespmem:$0x1C600] =	vst v63  }
0x565: {  	s31 =	sadd.s32 $0x15E00, s0  }
0x566: {  	[hbm4b:s20+s8] =	stream.indirect_vreg.scatter [tilespmem:s31], [sflag:s3], $0x80, v3, vm0, $0xb8;
	[tilespmem:$0x1C600] =	vst v63  }
0x567: {  	s1 =	sadd.s32 $0x100, s7  }
0x568: {  	s2 =	sand.u32 $0x3FFFFF80, s1  }
0x569: {  	v3 =	vld [tilespmem:s2+$0x0];
	_ =	sdelay $0x4  }
0x56a: {  	v4 =	vshrl.u32 v3, $0x3  }
0x56b: {  	v4 =	vmul.u32 $0x30, v4  }
0x56c: {  	v3 =	vand.u32 $0x7, v3  }
0x56d: {  	v3 =	vor.u32 v3, v4  }
0x56e: {  	v4 =	vperm.xlane v3, v0;
	_ =	sdelay $0x1  }
0x56f: {  	v4 =	vadd.s32 v1, v4;
	_ =	sdelay $0x2  }
0x570: {  	s5 =	rddreg [dreg:$0x1]  }
0x571: {  	s3 =	sadd.s32 $0x4600, s0;
	s4 =	simm.s32 $0x0;
	s10 =	rddreg [dreg:$0x13];
	v3 =	vperm.xlane v3, v2  }
0x572: {  	[tilespmem:s3], [sflag:s10] =	stream.indirect_vreg.gather [hbm4b:s5+s4], $0x80, v4, vm0, $0xb8;
	[tilespmem:$0x1C600] =	vst v63  }
0x573: {  	s15 =	sadd.s32 $0x4E00, s0;
	s6 =	rddreg [dreg:$0x8];
	v3 =	vadd.s32 v1, v3  }
0x574: {  	[tilespmem:s15], [sflag:s10] =	stream.indirect_vreg.gather [hbm4b:s6+s4], $0x80, v4, vm0, $0xb8;
	[tilespmem:$0x1C600] =	vst v63  }
0x575: {  	s16 =	sadd.s32 $0x5600, s0;
	s17 =	rddreg [dreg:$0xa]  }
0x576: {  	[tilespmem:s16], [sflag:s10] =	stream.indirect_vreg.gather [hbm4b:s17+s4], $0x80, v4, vm0, $0xb8;
	[tilespmem:$0x1C600] =	vst v63  }
0x577: {  	s18 =	sadd.s32 $0x5E00, s0  }
0x578: {  	[tilespmem:s18], [sflag:s10] =	stream.indirect_vreg.gather [hbm4b:s5+s4], $0x80, v3, vm0, $0xb8;
	[tilespmem:$0x1C600] =	vst v63  }
0x579: {  	s19 =	sadd.s32 $0x6600, s0  }
0x57a: {  	[tilespmem:s19], [sflag:s10] =	stream.indirect_vreg.gather [hbm4b:s6+s4], $0x80, v3, vm0, $0xb8;
	[tilespmem:$0x1C600] =	vst v63  }
0x57b: {  	s20 =	sadd.s32 $0x6E00, s0  }
0x57c: {  	[tilespmem:s20], [sflag:s10] =	stream.indirect_vreg.gather [hbm4b:s17+s4], $0x80, v3, vm0, $0xb8;
	[tilespmem:$0x1C600] =	vst v63  }
0x57d: {  	v3 =	vld [tilespmem:s2+$0x10];
	_ =	sdelay $0x4  }
0x57e: {  	v63 =	vshrl.u32 v3, $0x3  }
0x57f: {  	v4 =	vmul.u32 $0x30, v63  }
0x580: {  	v3 =	vand.u32 $0x7, v3  }
0x581: {  	v3 =	vor.u32 v3, v4  }
0x582: {  	v4 =	vperm.xlane v3, v0;
	_ =	sdelay $0x1  }
0x583: {  	v4 =	vadd.s32 v1, v4;
	_ =	sdelay $0x3  }
0x584: {  	s21 =	sadd.s32 $0x7600, s0;
	v3 =	vperm.xlane v3, v2  }
0x585: {  	[tilespmem:s21], [sflag:s10] =	stream.indirect_vreg.gather [hbm4b:s5+s4], $0x80, v4, vm0, $0xb8;
	[tilespmem:$0x1C600] =	vst v63  }
0x586: {  	s23 =	sadd.s32 $0x7E00, s0;
	s24 =	sadd.s32 $0x8600, s0;
	v3 =	vadd.s32 v1, v3  }
0x587: {  	[tilespmem:s23], [sflag:s10] =	stream.indirect_vreg.gather [hbm4b:s6+s4], $0x80, v4, vm0, $0xb8;
	[tilespmem:$0x1C600] =	vst v63  }
0x588: {  	s25 =	sadd.s32 $0x8E00, s0;
	s30 =	rddreg [dreg:$0xf];
	s29 =	sand.u32 $0x380, s1  }
0x589: {  	[tilespmem:s24], [sflag:s10] =	stream.indirect_vreg.gather [hbm4b:s17+s4], $0x80, v4, vm0, $0xb8;
	[tilespmem:$0x1C600] =	vst v63  }
0x58a: {  	s26 =	sadd.s32 $0x9600, s0;
	s28 =	sadd.s32 $0x9E00, s0;
	s0 =	sor.u32 s29, s30  }
0x58b: {  	[tilespmem:s25], [sflag:s10] =	stream.indirect_vreg.gather [hbm4b:s5+s4], $0x80, v3, vm0, $0xb8;
	[tilespmem:$0x1C600] =	vst v63  }
0x58c: {  	s31 =	rddreg [dreg:$0x4];
	s0 =	sshrl.u32 s0, $0x3  }
0x58d: {  	[tilespmem:s26], [sflag:s10] =	stream.indirect_vreg.gather [hbm4b:s6+s4], $0x80, v3, vm0, $0xb8;
	[tilespmem:$0x1C600] =	vst v63  }
0x58e: {  	s1 =	simm.s32 $0x80;
	s0 =	sadd.s32 s31, s0  }
0x58f: {  	[tilespmem:s28], [sflag:s10] =	stream.indirect_vreg.gather [hbm4b:s17+s4], $0x80, v3, vm0, $0xb8;
	[tilespmem:$0x1C600] =	vst v63  }
0x590: {  	s3 =	sadd.s32 $0x0, s0;
	s2 =	sadd.s32 $0x100, s22;
	s4 =	rddreg [dreg:$0x12]  }
.LBB2_24:
0x591: {  	[tilespmem:s22], [sflag:s4] =	stream.linear.gather [hbm4b:s3+s8], $0x80, $0x38;
	[tilespmem:$0x1C600] =	vst v63  }
0x592: {  	s3 =	smov.u32 s1;
	s22 =	smov.u32 s2;
	p1 =	sne.s32 s1, $0x1B80  }
.Ltmp15:
0x593: {  	s1 =	sadd.s32 $0x80, s1;
	(pc) =	sbr.rel @p1 .LBB2_24-.Ltmp15, $2  }
0x594: {  	_ =	sdelay $0x2  }
0x595: {  	s2 =	sadd.s32 $0x100, s2;
	s3 =	sadd.s32 s3, s0  }
.Ltmp16:
0x596: {  	(pc) =	sbr.rel .LBB2_26-.Ltmp16, $2  }
0x597: {  	_ =	sdelay $0x2  }
0x598: {  	[tilespmem:s22], [sflag:s4] =	stream.linear.gather [hbm4b:s3+s8], $0x80, $0x38;
	[tilespmem:$0x1C600] =	vst v63  }
.LBB2_28:
0x599: {  	_ =	sfence.sel $0x180000  }
0x59a: {  	[bflag:$0x0] =	sbarrier.arrive $0xFFFF  }
0x59b: {  	_ =	strace $0x90000047  }
0x59c: {  	s0 =	stileid.u32;
	[bflag:$0x2] =	sbarrier.arrive $0xFFFF  }
0x59d: {  	p0 =	sne.s32 s0, $0x0;
	s0 =	rddreg [dreg:$0x3]  }
0x59e: {  	s0 =	sadd.s32 @!p0 $0x100000, s0  }
0x59f: {  	[sflag:s0] =	ssyncadd.tile.s32 @!p0 $0x1;
	_ =	shalt  }
.Lfunc_end2:
_tile_overlayer_lowered:
.L_overlay_start_2:
0x5a0: {  	(tag) =	ssettag $0x2  }
0x5a1: {  	s0 =	rddreg [dreg:$0x0];
	s2 =	stileid.u32  }
0x5a2: {  	s1 =	rddreg [dreg:$0x1];
	p0 =	sne.s32 s2, $0x0  }
0x5a3: {  	s3 =	rddreg [dreg:$0x2];
	[bflag:$0x3] =	sbarrier.arrive $0xFFFF;
	s2 =	simm.s32 @!p0 $0x1C08  }
0x5a4: {  	[timem:s3], [sflag:s2] =	dma.local @!p0 [hbm:s0], s1  }
0x5a5: {  	s0 =	simm.s32 @!p0 $0x8  }
0x5a6: {  	_ =	swait.ge @!p0 [sflag:s0], s1  }
0x5a7: {  	s1 =	ssub.s32 @!p0 $0x0, s1;
	[sflag:s0] =	ssyncset.done @!p0 $0x0  }
0x5a8: {  	[sflag:s0] =	ssyncadd.s32 @!p0 s1  }
0x5a9: {  	[bflag:$0x3] =	sbarrier.arrive $0xFFFF  }
0x5aa: {  	_ =	shalt  }

</sc_bundles>
